<compile_context>
chip_gen: v7x
topology: tpu7x:2x2x1
jax: 0.10.2.dev20260603
libtpu: 0.0.44.dev20260713+nightly
codegen_flags: <defaults>
</compile_context>

<pallas_src>
import functools

import jax
import jax.numpy as jnp
from jax import lax
from jax.experimental import pallas as pl
from jax.experimental.pallas import tpu as pltpu
from jax.experimental.pallas import tpu_sc as plsc

MAXLEN = 200
EMBED_DIM = 64
BATCH = 4096
VOCAB = 1000000
TBLK = 8192

LANES = 128
NB = BATCH // LANES
TA = MAXLEN // 8
CS = EMBED_DIM // 8
TILE = 8 * LANES


@functools.partial(
    pl.pallas_call,
    out_shape=jax.ShapeDtypeStruct((VOCAB, 128), jnp.float32),
    grid=((VOCAB + TBLK - 1) // TBLK,),
    in_specs=[pl.BlockSpec((EMBED_DIM, TBLK), lambda i: (0, i))],
    out_specs=pl.BlockSpec((TBLK, 128), lambda i: (i, 0)),
)
def _retile_kernel(tin, tout):
    tout[:, : EMBED_DIM] = tin[...].T


@functools.partial(
    pl.kernel,
    out_type=jax.ShapeDtypeStruct((MAXLEN, CS, NB, TILE), jnp.float32),
    mesh=plsc.VectorSubcoreMesh(core_axis_name="c", subcore_axis_name="s"),
    compiler_params=pltpu.CompilerParams(
        use_tc_tiling_on_sc=False, needs_layout_passes=False),
    scratch_types=[
        pltpu.VMEM((MAXLEN, LANES), jnp.int32),
        pltpu.VMEM((MAXLEN, EMBED_DIM), jnp.float32),
        pltpu.VMEM((LANES, EMBED_DIM), jnp.float32),
        pltpu.VMEM((LANES, EMBED_DIM), jnp.float32),
        pltpu.VMEM((CS, TILE), jnp.float32),
        pltpu.VMEM((CS, TILE), jnp.float32),
        pltpu.SemaphoreType.DMA,
        pltpu.SemaphoreType.DMA,
        pltpu.SemaphoreType.DMA,
        pltpu.SemaphoreType.DMA,
        pltpu.SemaphoreType.DMA,
    ],
)
def _embed_kernel(xv_hbm, tok_hbm, pos_hbm, out_hbm,
                  idx_all, pos_v, rows_0, rows_1, tile_0, tile_1,
                  sem_i, g0, g1, o0, o1):
    blk = lax.axis_index("s") * 2 + lax.axis_index("c")
    gsem = [g0, g1]
    osem = [o0, o1]
    rowsb = [rows_0, rows_1]
    tileb = [tile_0, tile_1]

    idx_cps = [
        pltpu.async_copy(xv_hbm.at[a, blk], idx_all.at[pl.ds(a * 8, 8)], sem_i)
        for a in range(TA)
    ]
    pltpu.sync_copy(pos_hbm, pos_v)
    for cp in idx_cps:
        cp.wait()

    def x2body(i, carry):
        for q in range(LANES // 16):
            v = idx_all[i, pl.ds(q * 16, 16)]
            idx_all[i, pl.ds(q * 16, 16)] = v + v
        return carry

    lax.fori_loop(0, MAXLEN, x2body, 0)

    iota = lax.iota(jnp.int32, 16)
    jvs = [J * 16 + iota for J in range(8)]

    def issue_gather(t, slot):
        return pltpu.async_copy(tok_hbm.at[idx_all.at[t]], rowsb[slot],
                                gsem[slot])

    def wait_gather(t, slot):
        pltpu.make_async_copy(tok_hbm.at[idx_all.at[t]], rowsb[slot],
                              gsem[slot]).wait()

    def issue_out(t, slot):
        pltpu.async_copy(tileb[slot], out_hbm.at[t, :, blk], osem[slot])

    def wait_out(t, slot):
        pltpu.make_async_copy(tileb[slot], out_hbm.at[t, :, blk],
                              osem[slot]).wait()

    def compute(t, slot):
        rows = rowsb[slot]
        tile = tileb[slot]

        tsplat = iota * 0 + t

        def dbody(d, carry):
            rotv = (iota + d) & 15
            for pp in range(4):
                cv = rotv + pp * 16
                posd = plsc.load_gather(pos_v, [tsplat, cv])
                sv = lax.shift_right_logical(cv, 3)
                base = (cv & 7) * LANES + iota
                for J in range(8):
                    v = plsc.load_gather(rows, [jvs[J], cv]) + posd
                    plsc.store_scatter(tile, [sv, base + J * 16], v)
            return carry

        lax.fori_loop(0, 16, dbody, 0)

    issue_gather(0, 0)

    def unit(t, slot, first):
        @pl.when(t + 1 <= MAXLEN - 1)
        def _():
            issue_gather(t + 1, 1 - slot)
        wait_gather(t, slot)
        if not first:
            wait_out(t, slot)
        compute(t, slot)
        issue_out(t, slot)

    def pair(k, carry):
        t = k * 2
        unit(t, 0, False)
        unit(t + 1, 1, False)
        return carry

    unit(0, 0, True)
    unit(1, 1, True)
    lax.fori_loop(1, MAXLEN // 2, pair, 0)
    wait_out(MAXLEN - 2, 0)
    wait_out(MAXLEN - 1, 1)


def kernel(x, token_table, pos_table):
    xv = (x.astype(jnp.int32).T
          .reshape(TA, 8, NB, LANES).transpose(0, 2, 1, 3))
    tok_lin = _retile_kernel(token_table.T).reshape(2 * VOCAB, EMBED_DIM)
    out4 = _embed_kernel(xv, tok_lin, pos_table)
    return (out4.reshape(MAXLEN, CS, NB, 8, LANES)
            .transpose(2, 4, 0, 1, 3)
            .reshape(BATCH, MAXLEN, EMBED_DIM))

# --- scband reference (transcript-rebuilt; emitter-appended) ---
"""Pipeline reference for scband-token-and-position-embedding-10196252360808 (READ-ONLY COPY).

The authoritative reference and input builder live on the scoring server;
editing this copy changes nothing except your own understanding.
"""

import jax, jax.numpy as jnp
import numpy as np

MAXLEN = 200
VOCAB_SIZE = 1000000
EMBED_DIM = 64
BATCH = 4096

def setup_inputs(seed: int = 0) -> dict:
    key = jax.random.key(seed)
    k1, k2, k3 = jax.random.split(key, 3)
    x = jax.random.randint(k1, (BATCH, MAXLEN), 0, VOCAB_SIZE, dtype=jnp.int64 if jax.config.jax_enable_x64 else jnp.int32)
    token_table = jax.random.normal(k2, (VOCAB_SIZE, EMBED_DIM), dtype=jnp.float32) * 0.02
    pos_table = jax.random.normal(k3, (MAXLEN, EMBED_DIM), dtype=jnp.float32) * 0.02
    return {"x": x, "token_table": token_table, "pos_table": pos_table}

def reference(x, token_table, pos_table):
    maxlen = x.shape[-1]
    positions = jnp.arange(maxlen)
    positions_emb = jnp.take(pos_table, positions, axis=0)  # [maxlen, d]
    words_emb = jnp.take(token_table, x, axis=0)            # [B, maxlen, d]
    return positions_emb + words_emb

if __name__ == "__main__":
    import jax
    _d = setup_inputs()
    print(jax.jit(kernel)(*tuple(_d.values())))

</pallas_src>

<mosaic_0001>
#map = affine_map<(d0, d1) -> (0, 0, 0, 0)>
#map1 = affine_map<(d0, d1) -> (0, 0)>
module attributes {stable_mosaic.version = 14 : i64} {
  func.func @_embed_kernel(%arg0: i32, %arg1: i32, %arg2: memref<25x32x8x128xi32, #tpu.memory_space<hbm>>, %arg3: memref<2000000x64xf32, #tpu.memory_space<hbm>>, %arg4: memref<200x64xf32, #tpu.memory_space<hbm>>, %arg5: memref<200x8x32x1024xf32, #tpu.memory_space<hbm>>, %arg6: memref<200x128xi32, #tpu.memory_space<vmem>>, %arg7: memref<200x64xf32, #tpu.memory_space<vmem>>, %arg8: memref<128x64xf32, #tpu.memory_space<vmem>>, %arg9: memref<128x64xf32, #tpu.memory_space<vmem>>, %arg10: memref<8x1024xf32, #tpu.memory_space<vmem>>, %arg11: memref<8x1024xf32, #tpu.memory_space<vmem>>, %arg12: memref<!tpu.dma_semaphore, #tpu.memory_space<semaphore_mem>>, %arg13: memref<!tpu.dma_semaphore, #tpu.memory_space<semaphore_mem>>, %arg14: memref<!tpu.dma_semaphore, #tpu.memory_space<semaphore_mem>>, %arg15: memref<!tpu.dma_semaphore, #tpu.memory_space<semaphore_mem>>, %arg16: memref<!tpu.dma_semaphore, #tpu.memory_space<semaphore_mem>>) attributes {dimension_semantics = [#tpu.dimension_semantics<core_parallel>, #tpu.dimension_semantics<subcore_parallel>], iteration_bounds = array<i64: 2, 16>, scalar_prefetch = 0 : i64, scratch_operands = 11 : i64, tpu.core_type = #tpu.core_type<sc_vector_subcore>, window_params = [{transform_indices = #map}, {transform_indices = #map1}, {transform_indices = #map1}, {transform_indices = #map}]} {
    %mul3A = arith.constant 2 : i32
    %mul3A_0 = arith.muli %arg1, %mul3A : i32
    %add3A = arith.addi %mul3A_0, %arg0 : i32
    %dma_start3A = arith.constant 0 : i32
    %dma_start3A_1 = arith.constant 0 : i32
    %dma_start3A_2 = arith.constant 0 : i32
    %dma_start3A_3 = tpu.memref_slice %arg6[%dma_start3A_1, %dma_start3A_2] : memref<200x128xi32, #tpu.memory_space<vmem>> -> memref<8x128xi32, #tpu.memory_space<vmem>>
    %dma_start3A_4 = arith.constant 0 : i32
    %dma_start3A_5 = arith.constant 0 : i32
    %dma_start3A_6 = tpu.memref_slice %arg2[%dma_start3A, %add3A, %dma_start3A_4, %dma_start3A_5] : memref<25x32x8x128xi32, #tpu.memory_space<hbm>> -> memref<1x1x8x128xi32, #tpu.memory_space<hbm>>
    %dma_start3A_7 = tpu.memref_squeeze %dma_start3A_6 : memref<1x1x8x128xi32, #tpu.memory_space<hbm>> -> memref<8x128xi32, #tpu.memory_space<hbm>>
    %dma_start3A_8 = arith.constant 0 : i32
    %dma_start3A_9 = arith.constant 0 : i32
    %dma_start3A_10 = tpu.memref_slice %arg6[%dma_start3A_8, %dma_start3A_9] : memref<200x128xi32, #tpu.memory_space<vmem>> -> memref<8x128xi32, #tpu.memory_space<vmem>>
    %dma_start3A_11 = arith.constant 0 : i32
    %dma_start3A_12 = arith.constant 0 : i32
    %dma_start3A_13 = tpu.memref_slice %arg2[%dma_start3A, %add3A, %dma_start3A_11, %dma_start3A_12] : memref<25x32x8x128xi32, #tpu.memory_space<hbm>> -> memref<1x1x8x128xi32, #tpu.memory_space<hbm>>
    %dma_start3A_14 = tpu.memref_squeeze %dma_start3A_13 : memref<1x1x8x128xi32, #tpu.memory_space<hbm>> -> memref<8x128xi32, #tpu.memory_space<hbm>>
    tpu.enqueue_dma source(%dma_start3A_14 : memref<8x128xi32, #tpu.memory_space<hbm>>) target(%dma_start3A_10 : memref<8x128xi32, #tpu.memory_space<vmem>>) target_semaphore(%arg12 : memref<!tpu.dma_semaphore, #tpu.memory_space<semaphore_mem>>)
    %dma_start3A_15 = arith.constant 1 : i32
    %dma_start3A_16 = arith.constant 8 : i32
    %dma_start3A_17 = arith.constant 0 : i32
    %dma_start3A_18 = tpu.memref_slice %arg6[%dma_start3A_16, %dma_start3A_17] : memref<200x128xi32, #tpu.memory_space<vmem>> -> memref<8x128xi32, #tpu.memory_space<vmem>>
    %dma_start3A_19 = arith.constant 0 : i32
    %dma_start3A_20 = arith.constant 0 : i32
    %dma_start3A_21 = tpu.memref_slice %arg2[%dma_start3A_15, %add3A, %dma_start3A_19, %dma_start3A_20] : memref<25x32x8x128xi32, #tpu.memory_space<hbm>> -> memref<1x1x8x128xi32, #tpu.memory_space<hbm>>
    %dma_start3A_22 = tpu.memref_squeeze %dma_start3A_21 : memref<1x1x8x128xi32, #tpu.memory_space<hbm>> -> memref<8x128xi32, #tpu.memory_space<hbm>>
    %dma_start3A_23 = arith.constant 8 : i32
    %dma_start3A_24 = arith.constant 0 : i32
    %dma_start3A_25 = tpu.memref_slice %arg6[%dma_start3A_23, %dma_start3A_24] : memref<200x128xi32, #tpu.memory_space<vmem>> -> memref<8x128xi32, #tpu.memory_space<vmem>>
    %dma_start3A_26 = arith.constant 0 : i32
    %dma_start3A_27 = arith.constant 0 : i32
    %dma_start3A_28 = tpu.memref_slice %arg2[%dma_start3A_15, %add3A, %dma_start3A_26, %dma_start3A_27] : memref<25x32x8x128xi32, #tpu.memory_space<hbm>> -> memref<1x1x8x128xi32, #tpu.memory_space<hbm>>
    %dma_start3A_29 = tpu.memref_squeeze %dma_start3A_28 : memref<1x1x8x128xi32, #tpu.memory_space<hbm>> -> memref<8x128xi32, #tpu.memory_space<hbm>>
    tpu.enqueue_dma source(%dma_start3A_29 : memref<8x128xi32, #tpu.memory_space<hbm>>) target(%dma_start3A_25 : memref<8x128xi32, #tpu.memory_space<vmem>>) target_semaphore(%arg12 : memref<!tpu.dma_semaphore, #tpu.memory_space<semaphore_mem>>)
    %dma_start3A_30 = arith.constant 2 : i32
    %dma_start3A_31 = arith.constant 16 : i32
    %dma_start3A_32 = arith.constant 0 : i32
    %dma_start3A_33 = tpu.memref_slice %arg6[%dma_start3A_31, %dma_start3A_32] : memref<200x128xi32, #tpu.memory_space<vmem>> -> memref<8x128xi32, #tpu.memory_space<vmem>>
    %dma_start3A_34 = arith.constant 0 : i32
    %dma_start3A_35 = arith.constant 0 : i32
    %dma_start3A_36 = tpu.memref_slice %arg2[%dma_start3A_30, %add3A, %dma_start3A_34, %dma_start3A_35] : memref<25x32x8x128xi32, #tpu.memory_space<hbm>> -> memref<1x1x8x128xi32, #tpu.memory_space<hbm>>
    %dma_start3A_37 = tpu.memref_squeeze %dma_start3A_36 : memref<1x1x8x128xi32, #tpu.memory_space<hbm>> -> memref<8x128xi32, #tpu.memory_space<hbm>>
    %dma_start3A_38 = arith.constant 16 : i32
    %dma_start3A_39 = arith.constant 0 : i32
    %dma_start3A_40 = tpu.memref_slice %arg6[%dma_start3A_38, %dma_start3A_39] : memref<200x128xi32, #tpu.memory_space<vmem>> -> memref<8x128xi32, #tpu.memory_space<vmem>>
    %dma_start3A_41 = arith.constant 0 : i32
    %dma_start3A_42 = arith.constant 0 : i32
    %dma_start3A_43 = tpu.memref_slice %arg2[%dma_start3A_30, %add3A, %dma_start3A_41, %dma_start3A_42] : memref<25x32x8x128xi32, #tpu.memory_space<hbm>> -> memref<1x1x8x128xi32, #tpu.memory_space<hbm>>
    %dma_start3A_44 = tpu.memref_squeeze %dma_start3A_43 : memref<1x1x8x128xi32, #tpu.memory_space<hbm>> -> memref<8x128xi32, #tpu.memory_space<hbm>>
    tpu.enqueue_dma source(%dma_start3A_44 : memref<8x128xi32, #tpu.memory_space<hbm>>) target(%dma_start3A_40 : memref<8x128xi32, #tpu.memory_space<vmem>>) target_semaphore(%arg12 : memref<!tpu.dma_semaphore, #tpu.memory_space<semaphore_mem>>)
    %dma_start3A_45 = arith.constant 3 : i32
    %dma_start3A_46 = arith.constant 24 : i32
    %dma_start3A_47 = arith.constant 0 : i32
    %dma_start3A_48 = tpu.memref_slice %arg6[%dma_start3A_46, %dma_start3A_47] : memref<200x128xi32, #tpu.memory_space<vmem>> -> memref<8x128xi32, #tpu.memory_space<vmem>>
    %dma_start3A_49 = arith.constant 0 : i32
    %dma_start3A_50 = arith.constant 0 : i32
    %dma_start3A_51 = tpu.memref_slice %arg2[%dma_start3A_45, %add3A, %dma_start3A_49, %dma_start3A_50] : memref<25x32x8x128xi32, #tpu.memory_space<hbm>> -> memref<1x1x8x128xi32, #tpu.memory_space<hbm>>
    %dma_start3A_52 = tpu.memref_squeeze %dma_start3A_51 : memref<1x1x8x128xi32, #tpu.memory_space<hbm>> -> memref<8x128xi32, #tpu.memory_space<hbm>>
    %dma_start3A_53 = arith.constant 24 : i32
    %dma_start3A_54 = arith.constant 0 : i32
    %dma_start3A_55 = tpu.memref_slice %arg6[%dma_start3A_53, %dma_start3A_54] : memref<200x128xi32, #tpu.memory_space<vmem>> -> memref<8x128xi32, #tpu.memory_space<vmem>>
    %dma_start3A_56 = arith.constant 0 : i32
    %dma_start3A_57 = arith.constant 0 : i32
    %dma_start3A_58 = tpu.memref_slice %arg2[%dma_start3A_45, %add3A, %dma_start3A_56, %dma_start3A_57] : memref<25x32x8x128xi32, #tpu.memory_space<hbm>> -> memref<1x1x8x128xi32, #tpu.memory_space<hbm>>
    %dma_start3A_59 = tpu.memref_squeeze %dma_start3A_58 : memref<1x1x8x128xi32, #tpu.memory_space<hbm>> -> memref<8x128xi32, #tpu.memory_space<hbm>>
    tpu.enqueue_dma source(%dma_start3A_59 : memref<8x128xi32, #tpu.memory_space<hbm>>) target(%dma_start3A_55 : memref<8x128xi32, #tpu.memory_space<vmem>>) target_semaphore(%arg12 : memref<!tpu.dma_semaphore, #tpu.memory_space<semaphore_mem>>)
    %dma_start3A_60 = arith.constant 4 : i32
    %dma_start3A_61 = arith.constant 32 : i32
    %dma_start3A_62 = arith.constant 0 : i32
    %dma_start3A_63 = tpu.memref_slice %arg6[%dma_start3A_61, %dma_start3A_62] : memref<200x128xi32, #tpu.memory_space<vmem>> -> memref<8x128xi32, #tpu.memory_space<vmem>>
    %dma_start3A_64 = arith.constant 0 : i32
    %dma_start3A_65 = arith.constant 0 : i32
    %dma_start3A_66 = tpu.memref_slice %arg2[%dma_start3A_60, %add3A, %dma_start3A_64, %dma_start3A_65] : memref<25x32x8x128xi32, #tpu.memory_space<hbm>> -> memref<1x1x8x128xi32, #tpu.memory_space<hbm>>
    %dma_start3A_67 = tpu.memref_squeeze %dma_start3A_66 : memref<1x1x8x128xi32, #tpu.memory_space<hbm>> -> memref<8x128xi32, #tpu.memory_space<hbm>>
    %dma_start3A_68 = arith.constant 32 : i32
    %dma_start3A_69 = arith.constant 0 : i32
    %dma_start3A_70 = tpu.memref_slice %arg6[%dma_start3A_68, %dma_start3A_69] : memref<200x128xi32, #tpu.memory_space<vmem>> -> memref<8x128xi32, #tpu.memory_space<vmem>>
    %dma_start3A_71 = arith.constant 0 : i32
    %dma_start3A_72 = arith.constant 0 : i32
    %dma_start3A_73 = tpu.memref_slice %arg2[%dma_start3A_60, %add3A, %dma_start3A_71, %dma_start3A_72] : memref<25x32x8x128xi32, #tpu.memory_space<hbm>> -> memref<1x1x8x128xi32, #tpu.memory_space<hbm>>
    %dma_start3A_74 = tpu.memref_squeeze %dma_start3A_73 : memref<1x1x8x128xi32, #tpu.memory_space<hbm>> -> memref<8x128xi32, #tpu.memory_space<hbm>>
    tpu.enqueue_dma source(%dma_start3A_74 : memref<8x128xi32, #tpu.memory_space<hbm>>) target(%dma_start3A_70 : memref<8x128xi32, #tpu.memory_space<vmem>>) target_semaphore(%arg12 : memref<!tpu.dma_semaphore, #tpu.memory_space<semaphore_mem>>)
    %dma_start3A_75 = arith.constant 5 : i32
    %dma_start3A_76 = arith.constant 40 : i32
    %dma_start3A_77 = arith.constant 0 : i32
    %dma_start3A_78 = tpu.memref_slice %arg6[%dma_start3A_76, %dma_start3A_77] : memref<200x128xi32, #tpu.memory_space<vmem>> -> memref<8x128xi32, #tpu.memory_space<vmem>>
    %dma_start3A_79 = arith.constant 0 : i32
    %dma_start3A_80 = arith.constant 0 : i32
    %dma_start3A_81 = tpu.memref_slice %arg2[%dma_start3A_75, %add3A, %dma_start3A_79, %dma_start3A_80] : memref<25x32x8x128xi32, #tpu.memory_space<hbm>> -> memref<1x1x8x128xi32, #tpu.memory_space<hbm>>
    %dma_start3A_82 = tpu.memref_squeeze %dma_start3A_81 : memref<1x1x8x128xi32, #tpu.memory_space<hbm>> -> memref<8x128xi32, #tpu.memory_space<hbm>>
    %dma_start3A_83 = arith.constant 40 : i32
    %dma_start3A_84 = arith.constant 0 : i32
    %dma_start3A_85 = tpu.memref_slice %arg6[%dma_start3A_83, %dma_start3A_84] : memref<200x128xi32, #tpu.memory_space<vmem>> -> memref<8x128xi32, #tpu.memory_space<vmem>>
    %dma_start3A_86 = arith.constant 0 : i32
    %dma_start3A_87 = arith.constant 0 : i32
    %dma_start3A_88 = tpu.memref_slice %arg2[%dma_start3A_75, %add3A, %dma_start3A_86, %dma_start3A_87] : memref<25x32x8x128xi32, #tpu.memory_space<hbm>> -> memref<1x1x8x128xi32, #tpu.memory_space<hbm>>
    %dma_start3A_89 = tpu.memref_squeeze %dma_start3A_88 : memref<1x1x8x128xi32, #tpu.memory_space<hbm>> -> memref<8x128xi32, #tpu.memory_space<hbm>>
    tpu.enqueue_dma source(%dma_start3A_89 : memref<8x128xi32, #tpu.memory_space<hbm>>) target(%dma_start3A_85 : memref<8x128xi32, #tpu.memory_space<vmem>>) target_semaphore(%arg12 : memref<!tpu.dma_semaphore, #tpu.memory_space<semaphore_mem>>)
    %dma_start3A_90 = arith.constant 6 : i32
    %dma_start3A_91 = arith.constant 48 : i32
    %dma_start3A_92 = arith.constant 0 : i32
    %dma_start3A_93 = tpu.memref_slice %arg6[%dma_start3A_91, %dma_start3A_92] : memref<200x128xi32, #tpu.memory_space<vmem>> -> memref<8x128xi32, #tpu.memory_space<vmem>>
    %dma_start3A_94 = arith.constant 0 : i32
    %dma_start3A_95 = arith.constant 0 : i32
    %dma_start3A_96 = tpu.memref_slice %arg2[%dma_start3A_90, %add3A, %dma_start3A_94, %dma_start3A_95] : memref<25x32x8x128xi32, #tpu.memory_space<hbm>> -> memref<1x1x8x128xi32, #tpu.memory_space<hbm>>
    %dma_start3A_97 = tpu.memref_squeeze %dma_start3A_96 : memref<1x1x8x128xi32, #tpu.memory_space<hbm>> -> memref<8x128xi32, #tpu.memory_space<hbm>>
    %dma_start3A_98 = arith.constant 48 : i32
    %dma_start3A_99 = arith.constant 0 : i32
    %dma_start3A_100 = tpu.memref_slice %arg6[%dma_start3A_98, %dma_start3A_99] : memref<200x128xi32, #tpu.memory_space<vmem>> -> memref<8x128xi32, #tpu.memory_space<vmem>>
    %dma_start3A_101 = arith.constant 0 : i32
    %dma_start3A_102 = arith.constant 0 : i32
    %dma_start3A_103 = tpu.memref_slice %arg2[%dma_start3A_90, %add3A, %dma_start3A_101, %dma_start3A_102] : memref<25x32x8x128xi32, #tpu.memory_space<hbm>> -> memref<1x1x8x128xi32, #tpu.memory_space<hbm>>
    %dma_start3A_104 = tpu.memref_squeeze %dma_start3A_103 : memref<1x1x8x128xi32, #tpu.memory_space<hbm>> -> memref<8x128xi32, #tpu.memory_space<hbm>>
    tpu.enqueue_dma source(%dma_start3A_104 : memref<8x128xi32, #tpu.memory_space<hbm>>) target(%dma_start3A_100 : memref<8x128xi32, #tpu.memory_space<vmem>>) target_semaphore(%arg12 : memref<!tpu.dma_semaphore, #tpu.memory_space<semaphore_mem>>)
    %dma_start3A_105 = arith.constant 7 : i32
    %dma_start3A_106 = arith.constant 56 : i32
    %dma_start3A_107 = arith.constant 0 : i32
    %dma_start3A_108 = tpu.memref_slice %arg6[%dma_start3A_106, %dma_start3A_107] : memref<200x128xi32, #tpu.memory_space<vmem>> -> memref<8x128xi32, #tpu.memory_space<vmem>>
    %dma_start3A_109 = arith.constant 0 : i32
    %dma_start3A_110 = arith.constant 0 : i32
    %dma_start3A_111 = tpu.memref_slice %arg2[%dma_start3A_105, %add3A, %dma_start3A_109, %dma_start3A_110] : memref<25x32x8x128xi32, #tpu.memory_space<hbm>> -> memref<1x1x8x128xi32, #tpu.memory_space<hbm>>
    %dma_start3A_112 = tpu.memref_squeeze %dma_start3A_111 : memref<1x1x8x128xi32, #tpu.memory_space<hbm>> -> memref<8x128xi32, #tpu.memory_space<hbm>>
    %dma_start3A_113 = arith.constant 56 : i32
    %dma_start3A_114 = arith.constant 0 : i32
    %dma_start3A_115 = tpu.memref_slice %arg6[%dma_start3A_113, %dma_start3A_114] : memref<200x128xi32, #tpu.memory_space<vmem>> -> memref<8x128xi32, #tpu.memory_space<vmem>>
    %dma_start3A_116 = arith.constant 0 : i32
    %dma_start3A_117 = arith.constant 0 : i32
    %dma_start3A_118 = tpu.memref_slice %arg2[%dma_start3A_105, %add3A, %dma_start3A_116, %dma_start3A_117] : memref<25x32x8x128xi32, #tpu.memory_space<hbm>> -> memref<1x1x8x128xi32, #tpu.memory_space<hbm>>
    %dma_start3A_119 = tpu.memref_squeeze %dma_start3A_118 : memref<1x1x8x128xi32, #tpu.memory_space<hbm>> -> memref<8x128xi32, #tpu.memory_space<hbm>>
    tpu.enqueue_dma source(%dma_start3A_119 : memref<8x128xi32, #tpu.memory_space<hbm>>) target(%dma_start3A_115 : memref<8x128xi32, #tpu.memory_space<vmem>>) target_semaphore(%arg12 : memref<!tpu.dma_semaphore, #tpu.memory_space<semaphore_mem>>)
    %dma_start3A_120 = arith.constant 8 : i32
    %dma_start3A_121 = arith.constant 64 : i32
    %dma_start3A_122 = arith.constant 0 : i32
    %dma_start3A_123 = tpu.memref_slice %arg6[%dma_start3A_121, %dma_start3A_122] : memref<200x128xi32, #tpu.memory_space<vmem>> -> memref<8x128xi32, #tpu.memory_space<vmem>>
    %dma_start3A_124 = arith.constant 0 : i32
    %dma_start3A_125 = arith.constant 0 : i32
    %dma_start3A_126 = tpu.memref_slice %arg2[%dma_start3A_120, %add3A, %dma_start3A_124, %dma_start3A_125] : memref<25x32x8x128xi32, #tpu.memory_space<hbm>> -> memref<1x1x8x128xi32, #tpu.memory_space<hbm>>
    %dma_start3A_127 = tpu.memref_squeeze %dma_start3A_126 : memref<1x1x8x128xi32, #tpu.memory_space<hbm>> -> memref<8x128xi32, #tpu.memory_space<hbm>>
    %dma_start3A_128 = arith.constant 64 : i32
    %dma_start3A_129 = arith.constant 0 : i32
    %dma_start3A_130 = tpu.memref_slice %arg6[%dma_start3A_128, %dma_start3A_129] : memref<200x128xi32, #tpu.memory_space<vmem>> -> memref<8x128xi32, #tpu.memory_space<vmem>>
    %dma_start3A_131 = arith.constant 0 : i32
    %dma_start3A_132 = arith.constant 0 : i32
    %dma_start3A_133 = tpu.memref_slice %arg2[%dma_start3A_120, %add3A, %dma_start3A_131, %dma_start3A_132] : memref<25x32x8x128xi32, #tpu.memory_space<hbm>> -> memref<1x1x8x128xi32, #tpu.memory_space<hbm>>
    %dma_start3A_134 = tpu.memref_squeeze %dma_start3A_133 : memref<1x1x8x128xi32, #tpu.memory_space<hbm>> -> memref<8x128xi32, #tpu.memory_space<hbm>>
    tpu.enqueue_dma source(%dma_start3A_134 : memref<8x128xi32, #tpu.memory_space<hbm>>) target(%dma_start3A_130 : memref<8x128xi32, #tpu.memory_space<vmem>>) target_semaphore(%arg12 : memref<!tpu.dma_semaphore, #tpu.memory_space<semaphore_mem>>)
    %dma_start3A_135 = arith.constant 9 : i32
    %dma_start3A_136 = arith.constant 72 : i32
    %dma_start3A_137 = arith.constant 0 : i32
    %dma_start3A_138 = tpu.memref_slice %arg6[%dma_start3A_136, %dma_start3A_137] : memref<200x128xi32, #tpu.memory_space<vmem>> -> memref<8x128xi32, #tpu.memory_space<vmem>>
    %dma_start3A_139 = arith.constant 0 : i32
    %dma_start3A_140 = arith.constant 0 : i32
    %dma_start3A_141 = tpu.memref_slice %arg2[%dma_start3A_135, %add3A, %dma_start3A_139, %dma_start3A_140] : memref<25x32x8x128xi32, #tpu.memory_space<hbm>> -> memref<1x1x8x128xi32, #tpu.memory_space<hbm>>
    %dma_start3A_142 = tpu.memref_squeeze %dma_start3A_141 : memref<1x1x8x128xi32, #tpu.memory_space<hbm>> -> memref<8x128xi32, #tpu.memory_space<hbm>>
    %dma_start3A_143 = arith.constant 72 : i32
    %dma_start3A_144 = arith.constant 0 : i32
    %dma_start3A_145 = tpu.memref_slice %arg6[%dma_start3A_143, %dma_start3A_144] : memref<200x128xi32, #tpu.memory_space<vmem>> -> memref<8x128xi32, #tpu.memory_space<vmem>>
    %dma_start3A_146 = arith.constant 0 : i32
    %dma_start3A_147 = arith.constant 0 : i32
    %dma_start3A_148 = tpu.memref_slice %arg2[%dma_start3A_135, %add3A, %dma_start3A_146, %dma_start3A_147] : memref<25x32x8x128xi32, #tpu.memory_space<hbm>> -> memref<1x1x8x128xi32, #tpu.memory_space<hbm>>
    %dma_start3A_149 = tpu.memref_squeeze %dma_start3A_148 : memref<1x1x8x128xi32, #tpu.memory_space<hbm>> -> memref<8x128xi32, #tpu.memory_space<hbm>>
    tpu.enqueue_dma source(%dma_start3A_149 : memref<8x128xi32, #tpu.memory_space<hbm>>) target(%dma_start3A_145 : memref<8x128xi32, #tpu.memory_space<vmem>>) target_semaphore(%arg12 : memref<!tpu.dma_semaphore, #tpu.memory_space<semaphore_mem>>)
    %dma_start3A_150 = arith.constant 10 : i32
    %dma_start3A_151 = arith.constant 80 : i32
    %dma_start3A_152 = arith.constant 0 : i32
    %dma_start3A_153 = tpu.memref_slice %arg6[%dma_start3A_151, %dma_start3A_152] : memref<200x128xi32, #tpu.memory_space<vmem>> -> memref<8x128xi32, #tpu.memory_space<vmem>>
    %dma_start3A_154 = arith.constant 0 : i32
    %dma_start3A_155 = arith.constant 0 : i32
    %dma_start3A_156 = tpu.memref_slice %arg2[%dma_start3A_150, %add3A, %dma_start3A_154, %dma_start3A_155] : memref<25x32x8x128xi32, #tpu.memory_space<hbm>> -> memref<1x1x8x128xi32, #tpu.memory_space<hbm>>
    %dma_start3A_157 = tpu.memref_squeeze %dma_start3A_156 : memref<1x1x8x128xi32, #tpu.memory_space<hbm>> -> memref<8x128xi32, #tpu.memory_space<hbm>>
    %dma_start3A_158 = arith.constant 80 : i32
    %dma_start3A_159 = arith.constant 0 : i32
    %dma_start3A_160 = tpu.memref_slice %arg6[%dma_start3A_158, %dma_start3A_159] : memref<200x128xi32, #tpu.memory_space<vmem>> -> memref<8x128xi32, #tpu.memory_space<vmem>>
    %dma_start3A_161 = arith.constant 0 : i32
    %dma_start3A_162 = arith.constant 0 : i32
    %dma_start3A_163 = tpu.memref_slice %arg2[%dma_start3A_150, %add3A, %dma_start3A_161, %dma_start3A_162] : memref<25x32x8x128xi32, #tpu.memory_space<hbm>> -> memref<1x1x8x128xi32, #tpu.memory_space<hbm>>
    %dma_start3A_164 = tpu.memref_squeeze %dma_start3A_163 : memref<1x1x8x128xi32, #tpu.memory_space<hbm>> -> memref<8x128xi32, #tpu.memory_space<hbm>>
    tpu.enqueue_dma source(%dma_start3A_164 : memref<8x128xi32, #tpu.memory_space<hbm>>) target(%dma_start3A_160 : memref<8x128xi32, #tpu.memory_space<vmem>>) target_semaphore(%arg12 : memref<!tpu.dma_semaphore, #tpu.memory_space<semaphore_mem>>)
    %dma_start3A_165 = arith.constant 11 : i32
    %dma_start3A_166 = arith.constant 88 : i32
    %dma_start3A_167 = arith.constant 0 : i32
    %dma_start3A_168 = tpu.memref_slice %arg6[%dma_start3A_166, %dma_start3A_167] : memref<200x128xi32, #tpu.memory_space<vmem>> -> memref<8x128xi32, #tpu.memory_space<vmem>>
    %dma_start3A_169 = arith.constant 0 : i32
    %dma_start3A_170 = arith.constant 0 : i32
    %dma_start3A_171 = tpu.memref_slice %arg2[%dma_start3A_165, %add3A, %dma_start3A_169, %dma_start3A_170] : memref<25x32x8x128xi32, #tpu.memory_space<hbm>> -> memref<1x1x8x128xi32, #tpu.memory_space<hbm>>
    %dma_start3A_172 = tpu.memref_squeeze %dma_start3A_171 : memref<1x1x8x128xi32, #tpu.memory_space<hbm>> -> memref<8x128xi32, #tpu.memory_space<hbm>>
    %dma_start3A_173 = arith.constant 88 : i32
    %dma_start3A_174 = arith.constant 0 : i32
    %dma_start3A_175 = tpu.memref_slice %arg6[%dma_start3A_173, %dma_start3A_174] : memref<200x128xi32, #tpu.memory_space<vmem>> -> memref<8x128xi32, #tpu.memory_space<vmem>>
    %dma_start3A_176 = arith.constant 0 : i32
    %dma_start3A_177 = arith.constant 0 : i32
    %dma_start3A_178 = tpu.memref_slice %arg2[%dma_start3A_165, %add3A, %dma_start3A_176, %dma_start3A_177] : memref<25x32x8x128xi32, #tpu.memory_space<hbm>> -> memref<1x1x8x128xi32, #tpu.memory_space<hbm>>
    %dma_start3A_179 = tpu.memref_squeeze %dma_start3A_178 : memref<1x1x8x128xi32, #tpu.memory_space<hbm>> -> memref<8x128xi32, #tpu.memory_space<hbm>>
    tpu.enqueue_dma source(%dma_start3A_179 : memref<8x128xi32, #tpu.memory_space<hbm>>) target(%dma_start3A_175 : memref<8x128xi32, #tpu.memory_space<vmem>>) target_semaphore(%arg12 : memref<!tpu.dma_semaphore, #tpu.memory_space<semaphore_mem>>)
    %dma_start3A_180 = arith.constant 12 : i32
    %dma_start3A_181 = arith.constant 96 : i32
    %dma_start3A_182 = arith.constant 0 : i32
    %dma_start3A_183 = tpu.memref_slice %arg6[%dma_start3A_181, %dma_start3A_182] : memref<200x128xi32, #tpu.memory_space<vmem>> -> memref<8x128xi32, #tpu.memory_space<vmem>>
    %dma_start3A_184 = arith.constant 0 : i32
    %dma_start3A_185 = arith.constant 0 : i32
    %dma_start3A_186 = tpu.memref_slice %arg2[%dma_start3A_180, %add3A, %dma_start3A_184, %dma_start3A_185] : memref<25x32x8x128xi32, #tpu.memory_space<hbm>> -> memref<1x1x8x128xi32, #tpu.memory_space<hbm>>
    %dma_start3A_187 = tpu.memref_squeeze %dma_start3A_186 : memref<1x1x8x128xi32, #tpu.memory_space<hbm>> -> memref<8x128xi32, #tpu.memory_space<hbm>>
    %dma_start3A_188 = arith.constant 96 : i32
    %dma_start3A_189 = arith.constant 0 : i32
    %dma_start3A_190 = tpu.memref_slice %arg6[%dma_start3A_188, %dma_start3A_189] : memref<200x128xi32, #tpu.memory_space<vmem>> -> memref<8x128xi32, #tpu.memory_space<vmem>>
    %dma_start3A_191 = arith.constant 0 : i32
    %dma_start3A_192 = arith.constant 0 : i32
    %dma_start3A_193 = tpu.memref_slice %arg2[%dma_start3A_180, %add3A, %dma_start3A_191, %dma_start3A_192] : memref<25x32x8x128xi32, #tpu.memory_space<hbm>> -> memref<1x1x8x128xi32, #tpu.memory_space<hbm>>
    %dma_start3A_194 = tpu.memref_squeeze %dma_start3A_193 : memref<1x1x8x128xi32, #tpu.memory_space<hbm>> -> memref<8x128xi32, #tpu.memory_space<hbm>>
    tpu.enqueue_dma source(%dma_start3A_194 : memref<8x128xi32, #tpu.memory_space<hbm>>) target(%dma_start3A_190 : memref<8x128xi32, #tpu.memory_space<vmem>>) target_semaphore(%arg12 : memref<!tpu.dma_semaphore, #tpu.memory_space<semaphore_mem>>)
    %dma_start3A_195 = arith.constant 13 : i32
    %dma_start3A_196 = arith.constant 104 : i32
    %dma_start3A_197 = arith.constant 0 : i32
    %dma_start3A_198 = tpu.memref_slice %arg6[%dma_start3A_196, %dma_start3A_197] : memref<200x128xi32, #tpu.memory_space<vmem>> -> memref<8x128xi32, #tpu.memory_space<vmem>>
    %dma_start3A_199 = arith.constant 0 : i32
    %dma_start3A_200 = arith.constant 0 : i32
    %dma_start3A_201 = tpu.memref_slice %arg2[%dma_start3A_195, %add3A, %dma_start3A_199, %dma_start3A_200] : memref<25x32x8x128xi32, #tpu.memory_space<hbm>> -> memref<1x1x8x128xi32, #tpu.memory_space<hbm>>
    %dma_start3A_202 = tpu.memref_squeeze %dma_start3A_201 : memref<1x1x8x128xi32, #tpu.memory_space<hbm>> -> memref<8x128xi32, #tpu.memory_space<hbm>>
    %dma_start3A_203 = arith.constant 104 : i32
    %dma_start3A_204 = arith.constant 0 : i32
    %dma_start3A_205 = tpu.memref_slice %arg6[%dma_start3A_203, %dma_start3A_204] : memref<200x128xi32, #tpu.memory_space<vmem>> -> memref<8x128xi32, #tpu.memory_space<vmem>>
    %dma_start3A_206 = arith.constant 0 : i32
    %dma_start3A_207 = arith.constant 0 : i32
    %dma_start3A_208 = tpu.memref_slice %arg2[%dma_start3A_195, %add3A, %dma_start3A_206, %dma_start3A_207] : memref<25x32x8x128xi32, #tpu.memory_space<hbm>> -> memref<1x1x8x128xi32, #tpu.memory_space<hbm>>
    %dma_start3A_209 = tpu.memref_squeeze %dma_start3A_208 : memref<1x1x8x128xi32, #tpu.memory_space<hbm>> -> memref<8x128xi32, #tpu.memory_space<hbm>>
    tpu.enqueue_dma source(%dma_start3A_209 : memref<8x128xi32, #tpu.memory_space<hbm>>) target(%dma_start3A_205 : memref<8x128xi32, #tpu.memory_space<vmem>>) target_semaphore(%arg12 : memref<!tpu.dma_semaphore, #tpu.memory_space<semaphore_mem>>)
    %dma_start3A_210 = arith.constant 14 : i32
    %dma_start3A_211 = arith.constant 112 : i32
    %dma_start3A_212 = arith.constant 0 : i32
    %dma_start3A_213 = tpu.memref_slice %arg6[%dma_start3A_211, %dma_start3A_212] : memref<200x128xi32, #tpu.memory_space<vmem>> -> memref<8x128xi32, #tpu.memory_space<vmem>>
    %dma_start3A_214 = arith.constant 0 : i32
    %dma_start3A_215 = arith.constant 0 : i32
    %dma_start3A_216 = tpu.memref_slice %arg2[%dma_start3A_210, %add3A, %dma_start3A_214, %dma_start3A_215] : memref<25x32x8x128xi32, #tpu.memory_space<hbm>> -> memref<1x1x8x128xi32, #tpu.memory_space<hbm>>
    %dma_start3A_217 = tpu.memref_squeeze %dma_start3A_216 : memref<1x1x8x128xi32, #tpu.memory_space<hbm>> -> memref<8x128xi32, #tpu.memory_space<hbm>>
    %dma_start3A_218 = arith.constant 112 : i32
    %dma_start3A_219 = arith.constant 0 : i32
    %dma_start3A_220 = tpu.memref_slice %arg6[%dma_start3A_218, %dma_start3A_219] : memref<200x128xi32, #tpu.memory_space<vmem>> -> memref<8x128xi32, #tpu.memory_space<vmem>>
    %dma_start3A_221 = arith.constant 0 : i32
    %dma_start3A_222 = arith.constant 0 : i32
    %dma_start3A_223 = tpu.memref_slice %arg2[%dma_start3A_210, %add3A, %dma_start3A_221, %dma_start3A_222] : memref<25x32x8x128xi32, #tpu.memory_space<hbm>> -> memref<1x1x8x128xi32, #tpu.memory_space<hbm>>
    %dma_start3A_224 = tpu.memref_squeeze %dma_start3A_223 : memref<1x1x8x128xi32, #tpu.memory_space<hbm>> -> memref<8x128xi32, #tpu.memory_space<hbm>>
    tpu.enqueue_dma source(%dma_start3A_224 : memref<8x128xi32, #tpu.memory_space<hbm>>) target(%dma_start3A_220 : memref<8x128xi32, #tpu.memory_space<vmem>>) target_semaphore(%arg12 : memref<!tpu.dma_semaphore, #tpu.memory_space<semaphore_mem>>)
    %dma_start3A_225 = arith.constant 15 : i32
    %dma_start3A_226 = arith.constant 120 : i32
    %dma_start3A_227 = arith.constant 0 : i32
    %dma_start3A_228 = tpu.memref_slice %arg6[%dma_start3A_226, %dma_start3A_227] : memref<200x128xi32, #tpu.memory_space<vmem>> -> memref<8x128xi32, #tpu.memory_space<vmem>>
    %dma_start3A_229 = arith.constant 0 : i32
    %dma_start3A_230 = arith.constant 0 : i32
    %dma_start3A_231 = tpu.memref_slice %arg2[%dma_start3A_225, %add3A, %dma_start3A_229, %dma_start3A_230] : memref<25x32x8x128xi32, #tpu.memory_space<hbm>> -> memref<1x1x8x128xi32, #tpu.memory_space<hbm>>
    %dma_start3A_232 = tpu.memref_squeeze %dma_start3A_231 : memref<1x1x8x128xi32, #tpu.memory_space<hbm>> -> memref<8x128xi32, #tpu.memory_space<hbm>>
    %dma_start3A_233 = arith.constant 120 : i32
    %dma_start3A_234 = arith.constant 0 : i32
    %dma_start3A_235 = tpu.memref_slice %arg6[%dma_start3A_233, %dma_start3A_234] : memref<200x128xi32, #tpu.memory_space<vmem>> -> memref<8x128xi32, #tpu.memory_space<vmem>>
    %dma_start3A_236 = arith.constant 0 : i32
    %dma_start3A_237 = arith.constant 0 : i32
    %dma_start3A_238 = tpu.memref_slice %arg2[%dma_start3A_225, %add3A, %dma_start3A_236, %dma_start3A_237] : memref<25x32x8x128xi32, #tpu.memory_space<hbm>> -> memref<1x1x8x128xi32, #tpu.memory_space<hbm>>
    %dma_start3A_239 = tpu.memref_squeeze %dma_start3A_238 : memref<1x1x8x128xi32, #tpu.memory_space<hbm>> -> memref<8x128xi32, #tpu.memory_space<hbm>>
    tpu.enqueue_dma source(%dma_start3A_239 : memref<8x128xi32, #tpu.memory_space<hbm>>) target(%dma_start3A_235 : memref<8x128xi32, #tpu.memory_space<vmem>>) target_semaphore(%arg12 : memref<!tpu.dma_semaphore, #tpu.memory_space<semaphore_mem>>)
    %dma_start3A_240 = arith.constant 16 : i32
    %dma_start3A_241 = arith.constant 128 : i32
    %dma_start3A_242 = arith.constant 0 : i32
    %dma_start3A_243 = tpu.memref_slice %arg6[%dma_start3A_241, %dma_start3A_242] : memref<200x128xi32, #tpu.memory_space<vmem>> -> memref<8x128xi32, #tpu.memory_space<vmem>>
    %dma_start3A_244 = arith.constant 0 : i32
    %dma_start3A_245 = arith.constant 0 : i32
    %dma_start3A_246 = tpu.memref_slice %arg2[%dma_start3A_240, %add3A, %dma_start3A_244, %dma_start3A_245] : memref<25x32x8x128xi32, #tpu.memory_space<hbm>> -> memref<1x1x8x128xi32, #tpu.memory_space<hbm>>
    %dma_start3A_247 = tpu.memref_squeeze %dma_start3A_246 : memref<1x1x8x128xi32, #tpu.memory_space<hbm>> -> memref<8x128xi32, #tpu.memory_space<hbm>>
    %dma_start3A_248 = arith.constant 128 : i32
    %dma_start3A_249 = arith.constant 0 : i32
    %dma_start3A_250 = tpu.memref_slice %arg6[%dma_start3A_248, %dma_start3A_249] : memref<200x128xi32, #tpu.memory_space<vmem>> -> memref<8x128xi32, #tpu.memory_space<vmem>>
    %dma_start3A_251 = arith.constant 0 : i32
    %dma_start3A_252 = arith.constant 0 : i32
    %dma_start3A_253 = tpu.memref_slice %arg2[%dma_start3A_240, %add3A, %dma_start3A_251, %dma_start3A_252] : memref<25x32x8x128xi32, #tpu.memory_space<hbm>> -> memref<1x1x8x128xi32, #tpu.memory_space<hbm>>
    %dma_start3A_254 = tpu.memref_squeeze %dma_start3A_253 : memref<1x1x8x128xi32, #tpu.memory_space<hbm>> -> memref<8x128xi32, #tpu.memory_space<hbm>>
    tpu.enqueue_dma source(%dma_start3A_254 : memref<8x128xi32, #tpu.memory_space<hbm>>) target(%dma_start3A_250 : memref<8x128xi32, #tpu.memory_space<vmem>>) target_semaphore(%arg12 : memref<!tpu.dma_semaphore, #tpu.memory_space<semaphore_mem>>)
    %dma_start3A_255 = arith.constant 17 : i32
    %dma_start3A_256 = arith.constant 136 : i32
    %dma_start3A_257 = arith.constant 0 : i32
    %dma_start3A_258 = tpu.memref_slice %arg6[%dma_start3A_256, %dma_start3A_257] : memref<200x128xi32, #tpu.memory_space<vmem>> -> memref<8x128xi32, #tpu.memory_space<vmem>>
    %dma_start3A_259 = arith.constant 0 : i32
    %dma_start3A_260 = arith.constant 0 : i32
    %dma_start3A_261 = tpu.memref_slice %arg2[%dma_start3A_255, %add3A, %dma_start3A_259, %dma_start3A_260] : memref<25x32x8x128xi32, #tpu.memory_space<hbm>> -> memref<1x1x8x128xi32, #tpu.memory_space<hbm>>
    %dma_start3A_262 = tpu.memref_squeeze %dma_start3A_261 : memref<1x1x8x128xi32, #tpu.memory_space<hbm>> -> memref<8x128xi32, #tpu.memory_space<hbm>>
    %dma_start3A_263 = arith.constant 136 : i32
    %dma_start3A_264 = arith.constant 0 : i32
    %dma_start3A_265 = tpu.memref_slice %arg6[%dma_start3A_263, %dma_start3A_264] : memref<200x128xi32, #tpu.memory_space<vmem>> -> memref<8x128xi32, #tpu.memory_space<vmem>>
    %dma_start3A_266 = arith.constant 0 : i32
    %dma_start3A_267 = arith.constant 0 : i32
    %dma_start3A_268 = tpu.memref_slice %arg2[%dma_start3A_255, %add3A, %dma_start3A_266, %dma_start3A_267] : memref<25x32x8x128xi32, #tpu.memory_space<hbm>> -> memref<1x1x8x128xi32, #tpu.memory_space<hbm>>
    %dma_start3A_269 = tpu.memref_squeeze %dma_start3A_268 : memref<1x1x8x128xi32, #tpu.memory_space<hbm>> -> memref<8x128xi32, #tpu.memory_space<hbm>>
    tpu.enqueue_dma source(%dma_start3A_269 : memref<8x128xi32, #tpu.memory_space<hbm>>) target(%dma_start3A_265 : memref<8x128xi32, #tpu.memory_space<vmem>>) target_semaphore(%arg12 : memref<!tpu.dma_semaphore, #tpu.memory_space<semaphore_mem>>)
    %dma_start3A_270 = arith.constant 18 : i32
    %dma_start3A_271 = arith.constant 144 : i32
    %dma_start3A_272 = arith.constant 0 : i32
    %dma_start3A_273 = tpu.memref_slice %arg6[%dma_start3A_271, %dma_start3A_272] : memref<200x128xi32, #tpu.memory_space<vmem>> -> memref<8x128xi32, #tpu.memory_space<vmem>>
    %dma_start3A_274 = arith.constant 0 : i32
    %dma_start3A_275 = arith.constant 0 : i32
    %dma_start3A_276 = tpu.memref_slice %arg2[%dma_start3A_270, %add3A, %dma_start3A_274, %dma_start3A_275] : memref<25x32x8x128xi32, #tpu.memory_space<hbm>> -> memref<1x1x8x128xi32, #tpu.memory_space<hbm>>
    %dma_start3A_277 = tpu.memref_squeeze %dma_start3A_276 : memref<1x1x8x128xi32, #tpu.memory_space<hbm>> -> memref<8x128xi32, #tpu.memory_space<hbm>>
    %dma_start3A_278 = arith.constant 144 : i32
    %dma_start3A_279 = arith.constant 0 : i32
    %dma_start3A_280 = tpu.memref_slice %arg6[%dma_start3A_278, %dma_start3A_279] : memref<200x128xi32, #tpu.memory_space<vmem>> -> memref<8x128xi32, #tpu.memory_space<vmem>>
    %dma_start3A_281 = arith.constant 0 : i32
    %dma_start3A_282 = arith.constant 0 : i32
    %dma_start3A_283 = tpu.memref_slice %arg2[%dma_start3A_270, %add3A, %dma_start3A_281, %dma_start3A_282] : memref<25x32x8x128xi32, #tpu.memory_space<hbm>> -> memref<1x1x8x128xi32, #tpu.memory_space<hbm>>
    %dma_start3A_284 = tpu.memref_squeeze %dma_start3A_283 : memref<1x1x8x128xi32, #tpu.memory_space<hbm>> -> memref<8x128xi32, #tpu.memory_space<hbm>>
    tpu.enqueue_dma source(%dma_start3A_284 : memref<8x128xi32, #tpu.memory_space<hbm>>) target(%dma_start3A_280 : memref<8x128xi32, #tpu.memory_space<vmem>>) target_semaphore(%arg12 : memref<!tpu.dma_semaphore, #tpu.memory_space<semaphore_mem>>)
    %dma_start3A_285 = arith.constant 19 : i32
    %dma_start3A_286 = arith.constant 152 : i32
    %dma_start3A_287 = arith.constant 0 : i32
    %dma_start3A_288 = tpu.memref_slice %arg6[%dma_start3A_286, %dma_start3A_287] : memref<200x128xi32, #tpu.memory_space<vmem>> -> memref<8x128xi32, #tpu.memory_space<vmem>>
    %dma_start3A_289 = arith.constant 0 : i32
    %dma_start3A_290 = arith.constant 0 : i32
    %dma_start3A_291 = tpu.memref_slice %arg2[%dma_start3A_285, %add3A, %dma_start3A_289, %dma_start3A_290] : memref<25x32x8x128xi32, #tpu.memory_space<hbm>> -> memref<1x1x8x128xi32, #tpu.memory_space<hbm>>
    %dma_start3A_292 = tpu.memref_squeeze %dma_start3A_291 : memref<1x1x8x128xi32, #tpu.memory_space<hbm>> -> memref<8x128xi32, #tpu.memory_space<hbm>>
    %dma_start3A_293 = arith.constant 152 : i32
    %dma_start3A_294 = arith.constant 0 : i32
    %dma_start3A_295 = tpu.memref_slice %arg6[%dma_start3A_293, %dma_start3A_294] : memref<200x128xi32, #tpu.memory_space<vmem>> -> memref<8x128xi32, #tpu.memory_space<vmem>>
    %dma_start3A_296 = arith.constant 0 : i32
    %dma_start3A_297 = arith.constant 0 : i32
    %dma_start3A_298 = tpu.memref_slice %arg2[%dma_start3A_285, %add3A, %dma_start3A_296, %dma_start3A_297] : memref<25x32x8x128xi32, #tpu.memory_space<hbm>> -> memref<1x1x8x128xi32, #tpu.memory_space<hbm>>
    %dma_start3A_299 = tpu.memref_squeeze %dma_start3A_298 : memref<1x1x8x128xi32, #tpu.memory_space<hbm>> -> memref<8x128xi32, #tpu.memory_space<hbm>>
    tpu.enqueue_dma source(%dma_start3A_299 : memref<8x128xi32, #tpu.memory_space<hbm>>) target(%dma_start3A_295 : memref<8x128xi32, #tpu.memory_space<vmem>>) target_semaphore(%arg12 : memref<!tpu.dma_semaphore, #tpu.memory_space<semaphore_mem>>)
    %dma_start3A_300 = arith.constant 20 : i32
    %dma_start3A_301 = arith.constant 160 : i32
    %dma_start3A_302 = arith.constant 0 : i32
    %dma_start3A_303 = tpu.memref_slice %arg6[%dma_start3A_301, %dma_start3A_302] : memref<200x128xi32, #tpu.memory_space<vmem>> -> memref<8x128xi32, #tpu.memory_space<vmem>>
    %dma_start3A_304 = arith.constant 0 : i32
    %dma_start3A_305 = arith.constant 0 : i32
    %dma_start3A_306 = tpu.memref_slice %arg2[%dma_start3A_300, %add3A, %dma_start3A_304, %dma_start3A_305] : memref<25x32x8x128xi32, #tpu.memory_space<hbm>> -> memref<1x1x8x128xi32, #tpu.memory_space<hbm>>
    %dma_start3A_307 = tpu.memref_squeeze %dma_start3A_306 : memref<1x1x8x128xi32, #tpu.memory_space<hbm>> -> memref<8x128xi32, #tpu.memory_space<hbm>>
    %dma_start3A_308 = arith.constant 160 : i32
    %dma_start3A_309 = arith.constant 0 : i32
    %dma_start3A_310 = tpu.memref_slice %arg6[%dma_start3A_308, %dma_start3A_309] : memref<200x128xi32, #tpu.memory_space<vmem>> -> memref<8x128xi32, #tpu.memory_space<vmem>>
    %dma_start3A_311 = arith.constant 0 : i32
    %dma_start3A_312 = arith.constant 0 : i32
    %dma_start3A_313 = tpu.memref_slice %arg2[%dma_start3A_300, %add3A, %dma_start3A_311, %dma_start3A_312] : memref<25x32x8x128xi32, #tpu.memory_space<hbm>> -> memref<1x1x8x128xi32, #tpu.memory_space<hbm>>
    %dma_start3A_314 = tpu.memref_squeeze %dma_start3A_313 : memref<1x1x8x128xi32, #tpu.memory_space<hbm>> -> memref<8x128xi32, #tpu.memory_space<hbm>>
    tpu.enqueue_dma source(%dma_start3A_314 : memref<8x128xi32, #tpu.memory_space<hbm>>) target(%dma_start3A_310 : memref<8x128xi32, #tpu.memory_space<vmem>>) target_semaphore(%arg12 : memref<!tpu.dma_semaphore, #tpu.memory_space<semaphore_mem>>)
    %dma_start3A_315 = arith.constant 21 : i32
    %dma_start3A_316 = arith.constant 168 : i32
    %dma_start3A_317 = arith.constant 0 : i32
    %dma_start3A_318 = tpu.memref_slice %arg6[%dma_start3A_316, %dma_start3A_317] : memref<200x128xi32, #tpu.memory_space<vmem>> -> memref<8x128xi32, #tpu.memory_space<vmem>>
    %dma_start3A_319 = arith.constant 0 : i32
    %dma_start3A_320 = arith.constant 0 : i32
    %dma_start3A_321 = tpu.memref_slice %arg2[%dma_start3A_315, %add3A, %dma_start3A_319, %dma_start3A_320] : memref<25x32x8x128xi32, #tpu.memory_space<hbm>> -> memref<1x1x8x128xi32, #tpu.memory_space<hbm>>
    %dma_start3A_322 = tpu.memref_squeeze %dma_start3A_321 : memref<1x1x8x128xi32, #tpu.memory_space<hbm>> -> memref<8x128xi32, #tpu.memory_space<hbm>>
    %dma_start3A_323 = arith.constant 168 : i32
    %dma_start3A_324 = arith.constant 0 : i32
    %dma_start3A_325 = tpu.memref_slice %arg6[%dma_start3A_323, %dma_start3A_324] : memref<200x128xi32, #tpu.memory_space<vmem>> -> memref<8x128xi32, #tpu.memory_space<vmem>>
    %dma_start3A_326 = arith.constant 0 : i32
    %dma_start3A_327 = arith.constant 0 : i32
    %dma_start3A_328 = tpu.memref_slice %arg2[%dma_start3A_315, %add3A, %dma_start3A_326, %dma_start3A_327] : memref<25x32x8x128xi32, #tpu.memory_space<hbm>> -> memref<1x1x8x128xi32, #tpu.memory_space<hbm>>
    %dma_start3A_329 = tpu.memref_squeeze %dma_start3A_328 : memref<1x1x8x128xi32, #tpu.memory_space<hbm>> -> memref<8x128xi32, #tpu.memory_space<hbm>>
    tpu.enqueue_dma source(%dma_start3A_329 : memref<8x128xi32, #tpu.memory_space<hbm>>) target(%dma_start3A_325 : memref<8x128xi32, #tpu.memory_space<vmem>>) target_semaphore(%arg12 : memref<!tpu.dma_semaphore, #tpu.memory_space<semaphore_mem>>)
    %dma_start3A_330 = arith.constant 22 : i32
    %dma_start3A_331 = arith.constant 176 : i32
    %dma_start3A_332 = arith.constant 0 : i32
    %dma_start3A_333 = tpu.memref_slice %arg6[%dma_start3A_331, %dma_start3A_332] : memref<200x128xi32, #tpu.memory_space<vmem>> -> memref<8x128xi32, #tpu.memory_space<vmem>>
    %dma_start3A_334 = arith.constant 0 : i32
    %dma_start3A_335 = arith.constant 0 : i32
    %dma_start3A_336 = tpu.memref_slice %arg2[%dma_start3A_330, %add3A, %dma_start3A_334, %dma_start3A_335] : memref<25x32x8x128xi32, #tpu.memory_space<hbm>> -> memref<1x1x8x128xi32, #tpu.memory_space<hbm>>
    %dma_start3A_337 = tpu.memref_squeeze %dma_start3A_336 : memref<1x1x8x128xi32, #tpu.memory_space<hbm>> -> memref<8x128xi32, #tpu.memory_space<hbm>>
    %dma_start3A_338 = arith.constant 176 : i32
    %dma_start3A_339 = arith.constant 0 : i32
    %dma_start3A_340 = tpu.memref_slice %arg6[%dma_start3A_338, %dma_start3A_339] : memref<200x128xi32, #tpu.memory_space<vmem>> -> memref<8x128xi32, #tpu.memory_space<vmem>>
    %dma_start3A_341 = arith.constant 0 : i32
    %dma_start3A_342 = arith.constant 0 : i32
    %dma_start3A_343 = tpu.memref_slice %arg2[%dma_start3A_330, %add3A, %dma_start3A_341, %dma_start3A_342] : memref<25x32x8x128xi32, #tpu.memory_space<hbm>> -> memref<1x1x8x128xi32, #tpu.memory_space<hbm>>
    %dma_start3A_344 = tpu.memref_squeeze %dma_start3A_343 : memref<1x1x8x128xi32, #tpu.memory_space<hbm>> -> memref<8x128xi32, #tpu.memory_space<hbm>>
    tpu.enqueue_dma source(%dma_start3A_344 : memref<8x128xi32, #tpu.memory_space<hbm>>) target(%dma_start3A_340 : memref<8x128xi32, #tpu.memory_space<vmem>>) target_semaphore(%arg12 : memref<!tpu.dma_semaphore, #tpu.memory_space<semaphore_mem>>)
    %dma_start3A_345 = arith.constant 23 : i32
    %dma_start3A_346 = arith.constant 184 : i32
    %dma_start3A_347 = arith.constant 0 : i32
    %dma_start3A_348 = tpu.memref_slice %arg6[%dma_start3A_346, %dma_start3A_347] : memref<200x128xi32, #tpu.memory_space<vmem>> -> memref<8x128xi32, #tpu.memory_space<vmem>>
    %dma_start3A_349 = arith.constant 0 : i32
    %dma_start3A_350 = arith.constant 0 : i32
    %dma_start3A_351 = tpu.memref_slice %arg2[%dma_start3A_345, %add3A, %dma_start3A_349, %dma_start3A_350] : memref<25x32x8x128xi32, #tpu.memory_space<hbm>> -> memref<1x1x8x128xi32, #tpu.memory_space<hbm>>
    %dma_start3A_352 = tpu.memref_squeeze %dma_start3A_351 : memref<1x1x8x128xi32, #tpu.memory_space<hbm>> -> memref<8x128xi32, #tpu.memory_space<hbm>>
    %dma_start3A_353 = arith.constant 184 : i32
    %dma_start3A_354 = arith.constant 0 : i32
    %dma_start3A_355 = tpu.memref_slice %arg6[%dma_start3A_353, %dma_start3A_354] : memref<200x128xi32, #tpu.memory_space<vmem>> -> memref<8x128xi32, #tpu.memory_space<vmem>>
    %dma_start3A_356 = arith.constant 0 : i32
    %dma_start3A_357 = arith.constant 0 : i32
    %dma_start3A_358 = tpu.memref_slice %arg2[%dma_start3A_345, %add3A, %dma_start3A_356, %dma_start3A_357] : memref<25x32x8x128xi32, #tpu.memory_space<hbm>> -> memref<1x1x8x128xi32, #tpu.memory_space<hbm>>
    %dma_start3A_359 = tpu.memref_squeeze %dma_start3A_358 : memref<1x1x8x128xi32, #tpu.memory_space<hbm>> -> memref<8x128xi32, #tpu.memory_space<hbm>>
    tpu.enqueue_dma source(%dma_start3A_359 : memref<8x128xi32, #tpu.memory_space<hbm>>) target(%dma_start3A_355 : memref<8x128xi32, #tpu.memory_space<vmem>>) target_semaphore(%arg12 : memref<!tpu.dma_semaphore, #tpu.memory_space<semaphore_mem>>)
    %dma_start3A_360 = arith.constant 24 : i32
    %dma_start3A_361 = arith.constant 192 : i32
    %dma_start3A_362 = arith.constant 0 : i32
    %dma_start3A_363 = tpu.memref_slice %arg6[%dma_start3A_361, %dma_start3A_362] : memref<200x128xi32, #tpu.memory_space<vmem>> -> memref<8x128xi32, #tpu.memory_space<vmem>>
    %dma_start3A_364 = arith.constant 0 : i32
    %dma_start3A_365 = arith.constant 0 : i32
    %dma_start3A_366 = tpu.memref_slice %arg2[%dma_start3A_360, %add3A, %dma_start3A_364, %dma_start3A_365] : memref<25x32x8x128xi32, #tpu.memory_space<hbm>> -> memref<1x1x8x128xi32, #tpu.memory_space<hbm>>
    %dma_start3A_367 = tpu.memref_squeeze %dma_start3A_366 : memref<1x1x8x128xi32, #tpu.memory_space<hbm>> -> memref<8x128xi32, #tpu.memory_space<hbm>>
    %dma_start3A_368 = arith.constant 192 : i32
    %dma_start3A_369 = arith.constant 0 : i32
    %dma_start3A_370 = tpu.memref_slice %arg6[%dma_start3A_368, %dma_start3A_369] : memref<200x128xi32, #tpu.memory_space<vmem>> -> memref<8x128xi32, #tpu.memory_space<vmem>>
    %dma_start3A_371 = arith.constant 0 : i32
    %dma_start3A_372 = arith.constant 0 : i32
    %dma_start3A_373 = tpu.memref_slice %arg2[%dma_start3A_360, %add3A, %dma_start3A_371, %dma_start3A_372] : memref<25x32x8x128xi32, #tpu.memory_space<hbm>> -> memref<1x1x8x128xi32, #tpu.memory_space<hbm>>
    %dma_start3A_374 = tpu.memref_squeeze %dma_start3A_373 : memref<1x1x8x128xi32, #tpu.memory_space<hbm>> -> memref<8x128xi32, #tpu.memory_space<hbm>>
    tpu.enqueue_dma source(%dma_start3A_374 : memref<8x128xi32, #tpu.memory_space<hbm>>) target(%dma_start3A_370 : memref<8x128xi32, #tpu.memory_space<vmem>>) target_semaphore(%arg12 : memref<!tpu.dma_semaphore, #tpu.memory_space<semaphore_mem>>)
    "tpu.region"() ({
      %run_scoped3A = tpu.sem_alloc : memref<!tpu.dma_semaphore, #tpu.memory_space<semaphore_mem>>
      tpu.enqueue_dma source(%arg4 : memref<200x64xf32, #tpu.memory_space<hbm>>) target(%arg7 : memref<200x64xf32, #tpu.memory_space<vmem>>) target_semaphore(%run_scoped3A : memref<!tpu.dma_semaphore, #tpu.memory_space<semaphore_mem>>)
      tpu.wait_dma2 semaphore(%run_scoped3A : memref<!tpu.dma_semaphore, #tpu.memory_space<semaphore_mem>>) src(%arg4 : memref<200x64xf32, #tpu.memory_space<hbm>>) dst(%arg7 : memref<200x64xf32, #tpu.memory_space<vmem>>)
      tpu.yield
    }) : () -> ()
    %dma_wait3A = arith.constant 0 : i32
    %dma_wait3A_375 = arith.constant 0 : i32
    %dma_wait3A_376 = arith.constant 0 : i32
    %dma_wait3A_377 = tpu.memref_slice %arg6[%dma_wait3A_375, %dma_wait3A_376] : memref<200x128xi32, #tpu.memory_space<vmem>> -> memref<8x128xi32, #tpu.memory_space<vmem>>
    %dma_wait3A_378 = arith.constant 0 : i32
    %dma_wait3A_379 = arith.constant 0 : i32
    %dma_wait3A_380 = tpu.memref_slice %arg2[%dma_wait3A, %add3A, %dma_wait3A_378, %dma_wait3A_379] : memref<25x32x8x128xi32, #tpu.memory_space<hbm>> -> memref<1x1x8x128xi32, #tpu.memory_space<hbm>>
    %dma_wait3A_381 = tpu.memref_squeeze %dma_wait3A_380 : memref<1x1x8x128xi32, #tpu.memory_space<hbm>> -> memref<8x128xi32, #tpu.memory_space<hbm>>
    %dma_wait3A_382 = arith.constant 0 : i32
    %dma_wait3A_383 = arith.constant 0 : i32
    %dma_wait3A_384 = tpu.memref_slice %arg6[%dma_wait3A_382, %dma_wait3A_383] : memref<200x128xi32, #tpu.memory_space<vmem>> -> memref<8x128xi32, #tpu.memory_space<vmem>>
    %dma_wait3A_385 = arith.constant 0 : i32
    %dma_wait3A_386 = arith.constant 0 : i32
    %dma_wait3A_387 = tpu.memref_slice %arg2[%dma_wait3A, %add3A, %dma_wait3A_385, %dma_wait3A_386] : memref<25x32x8x128xi32, #tpu.memory_space<hbm>> -> memref<1x1x8x128xi32, #tpu.memory_space<hbm>>
    %dma_wait3A_388 = tpu.memref_squeeze %dma_wait3A_387 : memref<1x1x8x128xi32, #tpu.memory_space<hbm>> -> memref<8x128xi32, #tpu.memory_space<hbm>>
    tpu.wait_dma2 semaphore(%arg12 : memref<!tpu.dma_semaphore, #tpu.memory_space<semaphore_mem>>) src(%dma_wait3A_388 : memref<8x128xi32, #tpu.memory_space<hbm>>) dst(%dma_wait3A_384 : memref<8x128xi32, #tpu.memory_space<vmem>>)
    %dma_wait3A_389 = arith.constant 1 : i32
    %dma_wait3A_390 = arith.constant 8 : i32
    %dma_wait3A_391 = arith.constant 0 : i32
    %dma_wait3A_392 = tpu.memref_slice %arg6[%dma_wait3A_390, %dma_wait3A_391] : memref<200x128xi32, #tpu.memory_space<vmem>> -> memref<8x128xi32, #tpu.memory_space<vmem>>
    %dma_wait3A_393 = arith.constant 0 : i32
    %dma_wait3A_394 = arith.constant 0 : i32
    %dma_wait3A_395 = tpu.memref_slice %arg2[%dma_wait3A_389, %add3A, %dma_wait3A_393, %dma_wait3A_394] : memref<25x32x8x128xi32, #tpu.memory_space<hbm>> -> memref<1x1x8x128xi32, #tpu.memory_space<hbm>>
    %dma_wait3A_396 = tpu.memref_squeeze %dma_wait3A_395 : memref<1x1x8x128xi32, #tpu.memory_space<hbm>> -> memref<8x128xi32, #tpu.memory_space<hbm>>
    %dma_wait3A_397 = arith.constant 8 : i32
    %dma_wait3A_398 = arith.constant 0 : i32
    %dma_wait3A_399 = tpu.memref_slice %arg6[%dma_wait3A_397, %dma_wait3A_398] : memref<200x128xi32, #tpu.memory_space<vmem>> -> memref<8x128xi32, #tpu.memory_space<vmem>>
    %dma_wait3A_400 = arith.constant 0 : i32
    %dma_wait3A_401 = arith.constant 0 : i32
    %dma_wait3A_402 = tpu.memref_slice %arg2[%dma_wait3A_389, %add3A, %dma_wait3A_400, %dma_wait3A_401] : memref<25x32x8x128xi32, #tpu.memory_space<hbm>> -> memref<1x1x8x128xi32, #tpu.memory_space<hbm>>
    %dma_wait3A_403 = tpu.memref_squeeze %dma_wait3A_402 : memref<1x1x8x128xi32, #tpu.memory_space<hbm>> -> memref<8x128xi32, #tpu.memory_space<hbm>>
    tpu.wait_dma2 semaphore(%arg12 : memref<!tpu.dma_semaphore, #tpu.memory_space<semaphore_mem>>) src(%dma_wait3A_403 : memref<8x128xi32, #tpu.memory_space<hbm>>) dst(%dma_wait3A_399 : memref<8x128xi32, #tpu.memory_space<vmem>>)
    %dma_wait3A_404 = arith.constant 2 : i32
    %dma_wait3A_405 = arith.constant 16 : i32
    %dma_wait3A_406 = arith.constant 0 : i32
    %dma_wait3A_407 = tpu.memref_slice %arg6[%dma_wait3A_405, %dma_wait3A_406] : memref<200x128xi32, #tpu.memory_space<vmem>> -> memref<8x128xi32, #tpu.memory_space<vmem>>
    %dma_wait3A_408 = arith.constant 0 : i32
    %dma_wait3A_409 = arith.constant 0 : i32
    %dma_wait3A_410 = tpu.memref_slice %arg2[%dma_wait3A_404, %add3A, %dma_wait3A_408, %dma_wait3A_409] : memref<25x32x8x128xi32, #tpu.memory_space<hbm>> -> memref<1x1x8x128xi32, #tpu.memory_space<hbm>>
    %dma_wait3A_411 = tpu.memref_squeeze %dma_wait3A_410 : memref<1x1x8x128xi32, #tpu.memory_space<hbm>> -> memref<8x128xi32, #tpu.memory_space<hbm>>
    %dma_wait3A_412 = arith.constant 16 : i32
    %dma_wait3A_413 = arith.constant 0 : i32
    %dma_wait3A_414 = tpu.memref_slice %arg6[%dma_wait3A_412, %dma_wait3A_413] : memref<200x128xi32, #tpu.memory_space<vmem>> -> memref<8x128xi32, #tpu.memory_space<vmem>>
    %dma_wait3A_415 = arith.constant 0 : i32
    %dma_wait3A_416 = arith.constant 0 : i32
    %dma_wait3A_417 = tpu.memref_slice %arg2[%dma_wait3A_404, %add3A, %dma_wait3A_415, %dma_wait3A_416] : memref<25x32x8x128xi32, #tpu.memory_space<hbm>> -> memref<1x1x8x128xi32, #tpu.memory_space<hbm>>
    %dma_wait3A_418 = tpu.memref_squeeze %dma_wait3A_417 : memref<1x1x8x128xi32, #tpu.memory_space<hbm>> -> memref<8x128xi32, #tpu.memory_space<hbm>>
    tpu.wait_dma2 semaphore(%arg12 : memref<!tpu.dma_semaphore, #tpu.memory_space<semaphore_mem>>) src(%dma_wait3A_418 : memref<8x128xi32, #tpu.memory_space<hbm>>) dst(%dma_wait3A_414 : memref<8x128xi32, #tpu.memory_space<vmem>>)
    %dma_wait3A_419 = arith.constant 3 : i32
    %dma_wait3A_420 = arith.constant 24 : i32
    %dma_wait3A_421 = arith.constant 0 : i32
    %dma_wait3A_422 = tpu.memref_slice %arg6[%dma_wait3A_420, %dma_wait3A_421] : memref<200x128xi32, #tpu.memory_space<vmem>> -> memref<8x128xi32, #tpu.memory_space<vmem>>
    %dma_wait3A_423 = arith.constant 0 : i32
    %dma_wait3A_424 = arith.constant 0 : i32
    %dma_wait3A_425 = tpu.memref_slice %arg2[%dma_wait3A_419, %add3A, %dma_wait3A_423, %dma_wait3A_424] : memref<25x32x8x128xi32, #tpu.memory_space<hbm>> -> memref<1x1x8x128xi32, #tpu.memory_space<hbm>>
    %dma_wait3A_426 = tpu.memref_squeeze %dma_wait3A_425 : memref<1x1x8x128xi32, #tpu.memory_space<hbm>> -> memref<8x128xi32, #tpu.memory_space<hbm>>
    %dma_wait3A_427 = arith.constant 24 : i32
    %dma_wait3A_428 = arith.constant 0 : i32
    %dma_wait3A_429 = tpu.memref_slice %arg6[%dma_wait3A_427, %dma_wait3A_428] : memref<200x128xi32, #tpu.memory_space<vmem>> -> memref<8x128xi32, #tpu.memory_space<vmem>>
    %dma_wait3A_430 = arith.constant 0 : i32
    %dma_wait3A_431 = arith.constant 0 : i32
    %dma_wait3A_432 = tpu.memref_slice %arg2[%dma_wait3A_419, %add3A, %dma_wait3A_430, %dma_wait3A_431] : memref<25x32x8x128xi32, #tpu.memory_space<hbm>> -> memref<1x1x8x128xi32, #tpu.memory_space<hbm>>
    %dma_wait3A_433 = tpu.memref_squeeze %dma_wait3A_432 : memref<1x1x8x128xi32, #tpu.memory_space<hbm>> -> memref<8x128xi32, #tpu.memory_space<hbm>>
    tpu.wait_dma2 semaphore(%arg12 : memref<!tpu.dma_semaphore, #tpu.memory_space<semaphore_mem>>) src(%dma_wait3A_433 : memref<8x128xi32, #tpu.memory_space<hbm>>) dst(%dma_wait3A_429 : memref<8x128xi32, #tpu.memory_space<vmem>>)
    %dma_wait3A_434 = arith.constant 4 : i32
    %dma_wait3A_435 = arith.constant 32 : i32
    %dma_wait3A_436 = arith.constant 0 : i32
    %dma_wait3A_437 = tpu.memref_slice %arg6[%dma_wait3A_435, %dma_wait3A_436] : memref<200x128xi32, #tpu.memory_space<vmem>> -> memref<8x128xi32, #tpu.memory_space<vmem>>
    %dma_wait3A_438 = arith.constant 0 : i32
    %dma_wait3A_439 = arith.constant 0 : i32
    %dma_wait3A_440 = tpu.memref_slice %arg2[%dma_wait3A_434, %add3A, %dma_wait3A_438, %dma_wait3A_439] : memref<25x32x8x128xi32, #tpu.memory_space<hbm>> -> memref<1x1x8x128xi32, #tpu.memory_space<hbm>>
    %dma_wait3A_441 = tpu.memref_squeeze %dma_wait3A_440 : memref<1x1x8x128xi32, #tpu.memory_space<hbm>> -> memref<8x128xi32, #tpu.memory_space<hbm>>
    %dma_wait3A_442 = arith.constant 32 : i32
    %dma_wait3A_443 = arith.constant 0 : i32
    %dma_wait3A_444 = tpu.memref_slice %arg6[%dma_wait3A_442, %dma_wait3A_443] : memref<200x128xi32, #tpu.memory_space<vmem>> -> memref<8x128xi32, #tpu.memory_space<vmem>>
    %dma_wait3A_445 = arith.constant 0 : i32
    %dma_wait3A_446 = arith.constant 0 : i32
    %dma_wait3A_447 = tpu.memref_slice %arg2[%dma_wait3A_434, %add3A, %dma_wait3A_445, %dma_wait3A_446] : memref<25x32x8x128xi32, #tpu.memory_space<hbm>> -> memref<1x1x8x128xi32, #tpu.memory_space<hbm>>
    %dma_wait3A_448 = tpu.memref_squeeze %dma_wait3A_447 : memref<1x1x8x128xi32, #tpu.memory_space<hbm>> -> memref<8x128xi32, #tpu.memory_space<hbm>>
    tpu.wait_dma2 semaphore(%arg12 : memref<!tpu.dma_semaphore, #tpu.memory_space<semaphore_mem>>) src(%dma_wait3A_448 : memref<8x128xi32, #tpu.memory_space<hbm>>) dst(%dma_wait3A_444 : memref<8x128xi32, #tpu.memory_space<vmem>>)
    %dma_wait3A_449 = arith.constant 5 : i32
    %dma_wait3A_450 = arith.constant 40 : i32
    %dma_wait3A_451 = arith.constant 0 : i32
    %dma_wait3A_452 = tpu.memref_slice %arg6[%dma_wait3A_450, %dma_wait3A_451] : memref<200x128xi32, #tpu.memory_space<vmem>> -> memref<8x128xi32, #tpu.memory_space<vmem>>
    %dma_wait3A_453 = arith.constant 0 : i32
    %dma_wait3A_454 = arith.constant 0 : i32
    %dma_wait3A_455 = tpu.memref_slice %arg2[%dma_wait3A_449, %add3A, %dma_wait3A_453, %dma_wait3A_454] : memref<25x32x8x128xi32, #tpu.memory_space<hbm>> -> memref<1x1x8x128xi32, #tpu.memory_space<hbm>>
    %dma_wait3A_456 = tpu.memref_squeeze %dma_wait3A_455 : memref<1x1x8x128xi32, #tpu.memory_space<hbm>> -> memref<8x128xi32, #tpu.memory_space<hbm>>
    %dma_wait3A_457 = arith.constant 40 : i32
    %dma_wait3A_458 = arith.constant 0 : i32
    %dma_wait3A_459 = tpu.memref_slice %arg6[%dma_wait3A_457, %dma_wait3A_458] : memref<200x128xi32, #tpu.memory_space<vmem>> -> memref<8x128xi32, #tpu.memory_space<vmem>>
    %dma_wait3A_460 = arith.constant 0 : i32
    %dma_wait3A_461 = arith.constant 0 : i32
    %dma_wait3A_462 = tpu.memref_slice %arg2[%dma_wait3A_449, %add3A, %dma_wait3A_460, %dma_wait3A_461] : memref<25x32x8x128xi32, #tpu.memory_space<hbm>> -> memref<1x1x8x128xi32, #tpu.memory_space<hbm>>
    %dma_wait3A_463 = tpu.memref_squeeze %dma_wait3A_462 : memref<1x1x8x128xi32, #tpu.memory_space<hbm>> -> memref<8x128xi32, #tpu.memory_space<hbm>>
    tpu.wait_dma2 semaphore(%arg12 : memref<!tpu.dma_semaphore, #tpu.memory_space<semaphore_mem>>) src(%dma_wait3A_463 : memref<8x128xi32, #tpu.memory_space<hbm>>) dst(%dma_wait3A_459 : memref<8x128xi32, #tpu.memory_space<vmem>>)
    %dma_wait3A_464 = arith.constant 6 : i32
    %dma_wait3A_465 = arith.constant 48 : i32
    %dma_wait3A_466 = arith.constant 0 : i32
    %dma_wait3A_467 = tpu.memref_slice %arg6[%dma_wait3A_465, %dma_wait3A_466] : memref<200x128xi32, #tpu.memory_space<vmem>> -> memref<8x128xi32, #tpu.memory_space<vmem>>
    %dma_wait3A_468 = arith.constant 0 : i32
    %dma_wait3A_469 = arith.constant 0 : i32
    %dma_wait3A_470 = tpu.memref_slice %arg2[%dma_wait3A_464, %add3A, %dma_wait3A_468, %dma_wait3A_469] : memref<25x32x8x128xi32, #tpu.memory_space<hbm>> -> memref<1x1x8x128xi32, #tpu.memory_space<hbm>>
    %dma_wait3A_471 = tpu.memref_squeeze %dma_wait3A_470 : memref<1x1x8x128xi32, #tpu.memory_space<hbm>> -> memref<8x128xi32, #tpu.memory_space<hbm>>
    %dma_wait3A_472 = arith.constant 48 : i32
    %dma_wait3A_473 = arith.constant 0 : i32
    %dma_wait3A_474 = tpu.memref_slice %arg6[%dma_wait3A_472, %dma_wait3A_473] : memref<200x128xi32, #tpu.memory_space<vmem>> -> memref<8x128xi32, #tpu.memory_space<vmem>>
    %dma_wait3A_475 = arith.constant 0 : i32
    %dma_wait3A_476 = arith.constant 0 : i32
    %dma_wait3A_477 = tpu.memref_slice %arg2[%dma_wait3A_464, %add3A, %dma_wait3A_475, %dma_wait3A_476] : memref<25x32x8x128xi32, #tpu.memory_space<hbm>> -> memref<1x1x8x128xi32, #tpu.memory_space<hbm>>
    %dma_wait3A_478 = tpu.memref_squeeze %dma_wait3A_477 : memref<1x1x8x128xi32, #tpu.memory_space<hbm>> -> memref<8x128xi32, #tpu.memory_space<hbm>>
    tpu.wait_dma2 semaphore(%arg12 : memref<!tpu.dma_semaphore, #tpu.memory_space<semaphore_mem>>) src(%dma_wait3A_478 : memref<8x128xi32, #tpu.memory_space<hbm>>) dst(%dma_wait3A_474 : memref<8x128xi32, #tpu.memory_space<vmem>>)
    %dma_wait3A_479 = arith.constant 7 : i32
    %dma_wait3A_480 = arith.constant 56 : i32
    %dma_wait3A_481 = arith.constant 0 : i32
    %dma_wait3A_482 = tpu.memref_slice %arg6[%dma_wait3A_480, %dma_wait3A_481] : memref<200x128xi32, #tpu.memory_space<vmem>> -> memref<8x128xi32, #tpu.memory_space<vmem>>
    %dma_wait3A_483 = arith.constant 0 : i32
    %dma_wait3A_484 = arith.constant 0 : i32
    %dma_wait3A_485 = tpu.memref_slice %arg2[%dma_wait3A_479, %add3A, %dma_wait3A_483, %dma_wait3A_484] : memref<25x32x8x128xi32, #tpu.memory_space<hbm>> -> memref<1x1x8x128xi32, #tpu.memory_space<hbm>>
    %dma_wait3A_486 = tpu.memref_squeeze %dma_wait3A_485 : memref<1x1x8x128xi32, #tpu.memory_space<hbm>> -> memref<8x128xi32, #tpu.memory_space<hbm>>
    %dma_wait3A_487 = arith.constant 56 : i32
    %dma_wait3A_488 = arith.constant 0 : i32
    %dma_wait3A_489 = tpu.memref_slice %arg6[%dma_wait3A_487, %dma_wait3A_488] : memref<200x128xi32, #tpu.memory_space<vmem>> -> memref<8x128xi32, #tpu.memory_space<vmem>>
    %dma_wait3A_490 = arith.constant 0 : i32
    %dma_wait3A_491 = arith.constant 0 : i32
    %dma_wait3A_492 = tpu.memref_slice %arg2[%dma_wait3A_479, %add3A, %dma_wait3A_490, %dma_wait3A_491] : memref<25x32x8x128xi32, #tpu.memory_space<hbm>> -> memref<1x1x8x128xi32, #tpu.memory_space<hbm>>
    %dma_wait3A_493 = tpu.memref_squeeze %dma_wait3A_492 : memref<1x1x8x128xi32, #tpu.memory_space<hbm>> -> memref<8x128xi32, #tpu.memory_space<hbm>>
    tpu.wait_dma2 semaphore(%arg12 : memref<!tpu.dma_semaphore, #tpu.memory_space<semaphore_mem>>) src(%dma_wait3A_493 : memref<8x128xi32, #tpu.memory_space<hbm>>) dst(%dma_wait3A_489 : memref<8x128xi32, #tpu.memory_space<vmem>>)
    %dma_wait3A_494 = arith.constant 8 : i32
    %dma_wait3A_495 = arith.constant 64 : i32
    %dma_wait3A_496 = arith.constant 0 : i32
    %dma_wait3A_497 = tpu.memref_slice %arg6[%dma_wait3A_495, %dma_wait3A_496] : memref<200x128xi32, #tpu.memory_space<vmem>> -> memref<8x128xi32, #tpu.memory_space<vmem>>
    %dma_wait3A_498 = arith.constant 0 : i32
    %dma_wait3A_499 = arith.constant 0 : i32
    %dma_wait3A_500 = tpu.memref_slice %arg2[%dma_wait3A_494, %add3A, %dma_wait3A_498, %dma_wait3A_499] : memref<25x32x8x128xi32, #tpu.memory_space<hbm>> -> memref<1x1x8x128xi32, #tpu.memory_space<hbm>>
    %dma_wait3A_501 = tpu.memref_squeeze %dma_wait3A_500 : memref<1x1x8x128xi32, #tpu.memory_space<hbm>> -> memref<8x128xi32, #tpu.memory_space<hbm>>
    %dma_wait3A_502 = arith.constant 64 : i32
    %dma_wait3A_503 = arith.constant 0 : i32
    %dma_wait3A_504 = tpu.memref_slice %arg6[%dma_wait3A_502, %dma_wait3A_503] : memref<200x128xi32, #tpu.memory_space<vmem>> -> memref<8x128xi32, #tpu.memory_space<vmem>>
    %dma_wait3A_505 = arith.constant 0 : i32
    %dma_wait3A_506 = arith.constant 0 : i32
    %dma_wait3A_507 = tpu.memref_slice %arg2[%dma_wait3A_494, %add3A, %dma_wait3A_505, %dma_wait3A_506] : memref<25x32x8x128xi32, #tpu.memory_space<hbm>> -> memref<1x1x8x128xi32, #tpu.memory_space<hbm>>
    %dma_wait3A_508 = tpu.memref_squeeze %dma_wait3A_507 : memref<1x1x8x128xi32, #tpu.memory_space<hbm>> -> memref<8x128xi32, #tpu.memory_space<hbm>>
    tpu.wait_dma2 semaphore(%arg12 : memref<!tpu.dma_semaphore, #tpu.memory_space<semaphore_mem>>) src(%dma_wait3A_508 : memref<8x128xi32, #tpu.memory_space<hbm>>) dst(%dma_wait3A_504 : memref<8x128xi32, #tpu.memory_space<vmem>>)
    %dma_wait3A_509 = arith.constant 9 : i32
    %dma_wait3A_510 = arith.constant 72 : i32
    %dma_wait3A_511 = arith.constant 0 : i32
    %dma_wait3A_512 = tpu.memref_slice %arg6[%dma_wait3A_510, %dma_wait3A_511] : memref<200x128xi32, #tpu.memory_space<vmem>> -> memref<8x128xi32, #tpu.memory_space<vmem>>
    %dma_wait3A_513 = arith.constant 0 : i32
    %dma_wait3A_514 = arith.constant 0 : i32
    %dma_wait3A_515 = tpu.memref_slice %arg2[%dma_wait3A_509, %add3A, %dma_wait3A_513, %dma_wait3A_514] : memref<25x32x8x128xi32, #tpu.memory_space<hbm>> -> memref<1x1x8x128xi32, #tpu.memory_space<hbm>>
    %dma_wait3A_516 = tpu.memref_squeeze %dma_wait3A_515 : memref<1x1x8x128xi32, #tpu.memory_space<hbm>> -> memref<8x128xi32, #tpu.memory_space<hbm>>
    %dma_wait3A_517 = arith.constant 72 : i32
    %dma_wait3A_518 = arith.constant 0 : i32
    %dma_wait3A_519 = tpu.memref_slice %arg6[%dma_wait3A_517, %dma_wait3A_518] : memref<200x128xi32, #tpu.memory_space<vmem>> -> memref<8x128xi32, #tpu.memory_space<vmem>>
    %dma_wait3A_520 = arith.constant 0 : i32
    %dma_wait3A_521 = arith.constant 0 : i32
    %dma_wait3A_522 = tpu.memref_slice %arg2[%dma_wait3A_509, %add3A, %dma_wait3A_520, %dma_wait3A_521] : memref<25x32x8x128xi32, #tpu.memory_space<hbm>> -> memref<1x1x8x128xi32, #tpu.memory_space<hbm>>
    %dma_wait3A_523 = tpu.memref_squeeze %dma_wait3A_522 : memref<1x1x8x128xi32, #tpu.memory_space<hbm>> -> memref<8x128xi32, #tpu.memory_space<hbm>>
    tpu.wait_dma2 semaphore(%arg12 : memref<!tpu.dma_semaphore, #tpu.memory_space<semaphore_mem>>) src(%dma_wait3A_523 : memref<8x128xi32, #tpu.memory_space<hbm>>) dst(%dma_wait3A_519 : memref<8x128xi32, #tpu.memory_space<vmem>>)
    %dma_wait3A_524 = arith.constant 10 : i32
    %dma_wait3A_525 = arith.constant 80 : i32
    %dma_wait3A_526 = arith.constant 0 : i32
    %dma_wait3A_527 = tpu.memref_slice %arg6[%dma_wait3A_525, %dma_wait3A_526] : memref<200x128xi32, #tpu.memory_space<vmem>> -> memref<8x128xi32, #tpu.memory_space<vmem>>
    %dma_wait3A_528 = arith.constant 0 : i32
    %dma_wait3A_529 = arith.constant 0 : i32
    %dma_wait3A_530 = tpu.memref_slice %arg2[%dma_wait3A_524, %add3A, %dma_wait3A_528, %dma_wait3A_529] : memref<25x32x8x128xi32, #tpu.memory_space<hbm>> -> memref<1x1x8x128xi32, #tpu.memory_space<hbm>>
    %dma_wait3A_531 = tpu.memref_squeeze %dma_wait3A_530 : memref<1x1x8x128xi32, #tpu.memory_space<hbm>> -> memref<8x128xi32, #tpu.memory_space<hbm>>
    %dma_wait3A_532 = arith.constant 80 : i32
    %dma_wait3A_533 = arith.constant 0 : i32
    %dma_wait3A_534 = tpu.memref_slice %arg6[%dma_wait3A_532, %dma_wait3A_533] : memref<200x128xi32, #tpu.memory_space<vmem>> -> memref<8x128xi32, #tpu.memory_space<vmem>>
    %dma_wait3A_535 = arith.constant 0 : i32
    %dma_wait3A_536 = arith.constant 0 : i32
    %dma_wait3A_537 = tpu.memref_slice %arg2[%dma_wait3A_524, %add3A, %dma_wait3A_535, %dma_wait3A_536] : memref<25x32x8x128xi32, #tpu.memory_space<hbm>> -> memref<1x1x8x128xi32, #tpu.memory_space<hbm>>
    %dma_wait3A_538 = tpu.memref_squeeze %dma_wait3A_537 : memref<1x1x8x128xi32, #tpu.memory_space<hbm>> -> memref<8x128xi32, #tpu.memory_space<hbm>>
    tpu.wait_dma2 semaphore(%arg12 : memref<!tpu.dma_semaphore, #tpu.memory_space<semaphore_mem>>) src(%dma_wait3A_538 : memref<8x128xi32, #tpu.memory_space<hbm>>) dst(%dma_wait3A_534 : memref<8x128xi32, #tpu.memory_space<vmem>>)
    %dma_wait3A_539 = arith.constant 11 : i32
    %dma_wait3A_540 = arith.constant 88 : i32
    %dma_wait3A_541 = arith.constant 0 : i32
    %dma_wait3A_542 = tpu.memref_slice %arg6[%dma_wait3A_540, %dma_wait3A_541] : memref<200x128xi32, #tpu.memory_space<vmem>> -> memref<8x128xi32, #tpu.memory_space<vmem>>
    %dma_wait3A_543 = arith.constant 0 : i32
    %dma_wait3A_544 = arith.constant 0 : i32
    %dma_wait3A_545 = tpu.memref_slice %arg2[%dma_wait3A_539, %add3A, %dma_wait3A_543, %dma_wait3A_544] : memref<25x32x8x128xi32, #tpu.memory_space<hbm>> -> memref<1x1x8x128xi32, #tpu.memory_space<hbm>>
    %dma_wait3A_546 = tpu.memref_squeeze %dma_wait3A_545 : memref<1x1x8x128xi32, #tpu.memory_space<hbm>> -> memref<8x128xi32, #tpu.memory_space<hbm>>
    %dma_wait3A_547 = arith.constant 88 : i32
    %dma_wait3A_548 = arith.constant 0 : i32
    %dma_wait3A_549 = tpu.memref_slice %arg6[%dma_wait3A_547, %dma_wait3A_548] : memref<200x128xi32, #tpu.memory_space<vmem>> -> memref<8x128xi32, #tpu.memory_space<vmem>>
    %dma_wait3A_550 = arith.constant 0 : i32
    %dma_wait3A_551 = arith.constant 0 : i32
    %dma_wait3A_552 = tpu.memref_slice %arg2[%dma_wait3A_539, %add3A, %dma_wait3A_550, %dma_wait3A_551] : memref<25x32x8x128xi32, #tpu.memory_space<hbm>> -> memref<1x1x8x128xi32, #tpu.memory_space<hbm>>
    %dma_wait3A_553 = tpu.memref_squeeze %dma_wait3A_552 : memref<1x1x8x128xi32, #tpu.memory_space<hbm>> -> memref<8x128xi32, #tpu.memory_space<hbm>>
    tpu.wait_dma2 semaphore(%arg12 : memref<!tpu.dma_semaphore, #tpu.memory_space<semaphore_mem>>) src(%dma_wait3A_553 : memref<8x128xi32, #tpu.memory_space<hbm>>) dst(%dma_wait3A_549 : memref<8x128xi32, #tpu.memory_space<vmem>>)
    %dma_wait3A_554 = arith.constant 12 : i32
    %dma_wait3A_555 = arith.constant 96 : i32
    %dma_wait3A_556 = arith.constant 0 : i32
    %dma_wait3A_557 = tpu.memref_slice %arg6[%dma_wait3A_555, %dma_wait3A_556] : memref<200x128xi32, #tpu.memory_space<vmem>> -> memref<8x128xi32, #tpu.memory_space<vmem>>
    %dma_wait3A_558 = arith.constant 0 : i32
    %dma_wait3A_559 = arith.constant 0 : i32
    %dma_wait3A_560 = tpu.memref_slice %arg2[%dma_wait3A_554, %add3A, %dma_wait3A_558, %dma_wait3A_559] : memref<25x32x8x128xi32, #tpu.memory_space<hbm>> -> memref<1x1x8x128xi32, #tpu.memory_space<hbm>>
    %dma_wait3A_561 = tpu.memref_squeeze %dma_wait3A_560 : memref<1x1x8x128xi32, #tpu.memory_space<hbm>> -> memref<8x128xi32, #tpu.memory_space<hbm>>
    %dma_wait3A_562 = arith.constant 96 : i32
    %dma_wait3A_563 = arith.constant 0 : i32
    %dma_wait3A_564 = tpu.memref_slice %arg6[%dma_wait3A_562, %dma_wait3A_563] : memref<200x128xi32, #tpu.memory_space<vmem>> -> memref<8x128xi32, #tpu.memory_space<vmem>>
    %dma_wait3A_565 = arith.constant 0 : i32
    %dma_wait3A_566 = arith.constant 0 : i32
    %dma_wait3A_567 = tpu.memref_slice %arg2[%dma_wait3A_554, %add3A, %dma_wait3A_565, %dma_wait3A_566] : memref<25x32x8x128xi32, #tpu.memory_space<hbm>> -> memref<1x1x8x128xi32, #tpu.memory_space<hbm>>
    %dma_wait3A_568 = tpu.memref_squeeze %dma_wait3A_567 : memref<1x1x8x128xi32, #tpu.memory_space<hbm>> -> memref<8x128xi32, #tpu.memory_space<hbm>>
    tpu.wait_dma2 semaphore(%arg12 : memref<!tpu.dma_semaphore, #tpu.memory_space<semaphore_mem>>) src(%dma_wait3A_568 : memref<8x128xi32, #tpu.memory_space<hbm>>) dst(%dma_wait3A_564 : memref<8x128xi32, #tpu.memory_space<vmem>>)
    %dma_wait3A_569 = arith.constant 13 : i32
    %dma_wait3A_570 = arith.constant 104 : i32
    %dma_wait3A_571 = arith.constant 0 : i32
    %dma_wait3A_572 = tpu.memref_slice %arg6[%dma_wait3A_570, %dma_wait3A_571] : memref<200x128xi32, #tpu.memory_space<vmem>> -> memref<8x128xi32, #tpu.memory_space<vmem>>
    %dma_wait3A_573 = arith.constant 0 : i32
    %dma_wait3A_574 = arith.constant 0 : i32
    %dma_wait3A_575 = tpu.memref_slice %arg2[%dma_wait3A_569, %add3A, %dma_wait3A_573, %dma_wait3A_574] : memref<25x32x8x128xi32, #tpu.memory_space<hbm>> -> memref<1x1x8x128xi32, #tpu.memory_space<hbm>>
    %dma_wait3A_576 = tpu.memref_squeeze %dma_wait3A_575 : memref<1x1x8x128xi32, #tpu.memory_space<hbm>> -> memref<8x128xi32, #tpu.memory_space<hbm>>
    %dma_wait3A_577 = arith.constant 104 : i32
    %dma_wait3A_578 = arith.constant 0 : i32
    %dma_wait3A_579 = tpu.memref_slice %arg6[%dma_wait3A_577, %dma_wait3A_578] : memref<200x128xi32, #tpu.memory_space<vmem>> -> memref<8x128xi32, #tpu.memory_space<vmem>>
    %dma_wait3A_580 = arith.constant 0 : i32
    %dma_wait3A_581 = arith.constant 0 : i32
    %dma_wait3A_582 = tpu.memref_slice %arg2[%dma_wait3A_569, %add3A, %dma_wait3A_580, %dma_wait3A_581] : memref<25x32x8x128xi32, #tpu.memory_space<hbm>> -> memref<1x1x8x128xi32, #tpu.memory_space<hbm>>
    %dma_wait3A_583 = tpu.memref_squeeze %dma_wait3A_582 : memref<1x1x8x128xi32, #tpu.memory_space<hbm>> -> memref<8x128xi32, #tpu.memory_space<hbm>>
    tpu.wait_dma2 semaphore(%arg12 : memref<!tpu.dma_semaphore, #tpu.memory_space<semaphore_mem>>) src(%dma_wait3A_583 : memref<8x128xi32, #tpu.memory_space<hbm>>) dst(%dma_wait3A_579 : memref<8x128xi32, #tpu.memory_space<vmem>>)
    %dma_wait3A_584 = arith.constant 14 : i32
    %dma_wait3A_585 = arith.constant 112 : i32
    %dma_wait3A_586 = arith.constant 0 : i32
    %dma_wait3A_587 = tpu.memref_slice %arg6[%dma_wait3A_585, %dma_wait3A_586] : memref<200x128xi32, #tpu.memory_space<vmem>> -> memref<8x128xi32, #tpu.memory_space<vmem>>
    %dma_wait3A_588 = arith.constant 0 : i32
    %dma_wait3A_589 = arith.constant 0 : i32
    %dma_wait3A_590 = tpu.memref_slice %arg2[%dma_wait3A_584, %add3A, %dma_wait3A_588, %dma_wait3A_589] : memref<25x32x8x128xi32, #tpu.memory_space<hbm>> -> memref<1x1x8x128xi32, #tpu.memory_space<hbm>>
    %dma_wait3A_591 = tpu.memref_squeeze %dma_wait3A_590 : memref<1x1x8x128xi32, #tpu.memory_space<hbm>> -> memref<8x128xi32, #tpu.memory_space<hbm>>
    %dma_wait3A_592 = arith.constant 112 : i32
    %dma_wait3A_593 = arith.constant 0 : i32
    %dma_wait3A_594 = tpu.memref_slice %arg6[%dma_wait3A_592, %dma_wait3A_593] : memref<200x128xi32, #tpu.memory_space<vmem>> -> memref<8x128xi32, #tpu.memory_space<vmem>>
    %dma_wait3A_595 = arith.constant 0 : i32
    %dma_wait3A_596 = arith.constant 0 : i32
    %dma_wait3A_597 = tpu.memref_slice %arg2[%dma_wait3A_584, %add3A, %dma_wait3A_595, %dma_wait3A_596] : memref<25x32x8x128xi32, #tpu.memory_space<hbm>> -> memref<1x1x8x128xi32, #tpu.memory_space<hbm>>
    %dma_wait3A_598 = tpu.memref_squeeze %dma_wait3A_597 : memref<1x1x8x128xi32, #tpu.memory_space<hbm>> -> memref<8x128xi32, #tpu.memory_space<hbm>>
    tpu.wait_dma2 semaphore(%arg12 : memref<!tpu.dma_semaphore, #tpu.memory_space<semaphore_mem>>) src(%dma_wait3A_598 : memref<8x128xi32, #tpu.memory_space<hbm>>) dst(%dma_wait3A_594 : memref<8x128xi32, #tpu.memory_space<vmem>>)
    %dma_wait3A_599 = arith.constant 15 : i32
    %dma_wait3A_600 = arith.constant 120 : i32
    %dma_wait3A_601 = arith.constant 0 : i32
    %dma_wait3A_602 = tpu.memref_slice %arg6[%dma_wait3A_600, %dma_wait3A_601] : memref<200x128xi32, #tpu.memory_space<vmem>> -> memref<8x128xi32, #tpu.memory_space<vmem>>
    %dma_wait3A_603 = arith.constant 0 : i32
    %dma_wait3A_604 = arith.constant 0 : i32
    %dma_wait3A_605 = tpu.memref_slice %arg2[%dma_wait3A_599, %add3A, %dma_wait3A_603, %dma_wait3A_604] : memref<25x32x8x128xi32, #tpu.memory_space<hbm>> -> memref<1x1x8x128xi32, #tpu.memory_space<hbm>>
    %dma_wait3A_606 = tpu.memref_squeeze %dma_wait3A_605 : memref<1x1x8x128xi32, #tpu.memory_space<hbm>> -> memref<8x128xi32, #tpu.memory_space<hbm>>
    %dma_wait3A_607 = arith.constant 120 : i32
    %dma_wait3A_608 = arith.constant 0 : i32
    %dma_wait3A_609 = tpu.memref_slice %arg6[%dma_wait3A_607, %dma_wait3A_608] : memref<200x128xi32, #tpu.memory_space<vmem>> -> memref<8x128xi32, #tpu.memory_space<vmem>>
    %dma_wait3A_610 = arith.constant 0 : i32
    %dma_wait3A_611 = arith.constant 0 : i32
    %dma_wait3A_612 = tpu.memref_slice %arg2[%dma_wait3A_599, %add3A, %dma_wait3A_610, %dma_wait3A_611] : memref<25x32x8x128xi32, #tpu.memory_space<hbm>> -> memref<1x1x8x128xi32, #tpu.memory_space<hbm>>
    %dma_wait3A_613 = tpu.memref_squeeze %dma_wait3A_612 : memref<1x1x8x128xi32, #tpu.memory_space<hbm>> -> memref<8x128xi32, #tpu.memory_space<hbm>>
    tpu.wait_dma2 semaphore(%arg12 : memref<!tpu.dma_semaphore, #tpu.memory_space<semaphore_mem>>) src(%dma_wait3A_613 : memref<8x128xi32, #tpu.memory_space<hbm>>) dst(%dma_wait3A_609 : memref<8x128xi32, #tpu.memory_space<vmem>>)
    %dma_wait3A_614 = arith.constant 16 : i32
    %dma_wait3A_615 = arith.constant 128 : i32
    %dma_wait3A_616 = arith.constant 0 : i32
    %dma_wait3A_617 = tpu.memref_slice %arg6[%dma_wait3A_615, %dma_wait3A_616] : memref<200x128xi32, #tpu.memory_space<vmem>> -> memref<8x128xi32, #tpu.memory_space<vmem>>
    %dma_wait3A_618 = arith.constant 0 : i32
    %dma_wait3A_619 = arith.constant 0 : i32
    %dma_wait3A_620 = tpu.memref_slice %arg2[%dma_wait3A_614, %add3A, %dma_wait3A_618, %dma_wait3A_619] : memref<25x32x8x128xi32, #tpu.memory_space<hbm>> -> memref<1x1x8x128xi32, #tpu.memory_space<hbm>>
    %dma_wait3A_621 = tpu.memref_squeeze %dma_wait3A_620 : memref<1x1x8x128xi32, #tpu.memory_space<hbm>> -> memref<8x128xi32, #tpu.memory_space<hbm>>
    %dma_wait3A_622 = arith.constant 128 : i32
    %dma_wait3A_623 = arith.constant 0 : i32
    %dma_wait3A_624 = tpu.memref_slice %arg6[%dma_wait3A_622, %dma_wait3A_623] : memref<200x128xi32, #tpu.memory_space<vmem>> -> memref<8x128xi32, #tpu.memory_space<vmem>>
    %dma_wait3A_625 = arith.constant 0 : i32
    %dma_wait3A_626 = arith.constant 0 : i32
    %dma_wait3A_627 = tpu.memref_slice %arg2[%dma_wait3A_614, %add3A, %dma_wait3A_625, %dma_wait3A_626] : memref<25x32x8x128xi32, #tpu.memory_space<hbm>> -> memref<1x1x8x128xi32, #tpu.memory_space<hbm>>
    %dma_wait3A_628 = tpu.memref_squeeze %dma_wait3A_627 : memref<1x1x8x128xi32, #tpu.memory_space<hbm>> -> memref<8x128xi32, #tpu.memory_space<hbm>>
    tpu.wait_dma2 semaphore(%arg12 : memref<!tpu.dma_semaphore, #tpu.memory_space<semaphore_mem>>) src(%dma_wait3A_628 : memref<8x128xi32, #tpu.memory_space<hbm>>) dst(%dma_wait3A_624 : memref<8x128xi32, #tpu.memory_space<vmem>>)
    %dma_wait3A_629 = arith.constant 17 : i32
    %dma_wait3A_630 = arith.constant 136 : i32
    %dma_wait3A_631 = arith.constant 0 : i32
    %dma_wait3A_632 = tpu.memref_slice %arg6[%dma_wait3A_630, %dma_wait3A_631] : memref<200x128xi32, #tpu.memory_space<vmem>> -> memref<8x128xi32, #tpu.memory_space<vmem>>
    %dma_wait3A_633 = arith.constant 0 : i32
    %dma_wait3A_634 = arith.constant 0 : i32
    %dma_wait3A_635 = tpu.memref_slice %arg2[%dma_wait3A_629, %add3A, %dma_wait3A_633, %dma_wait3A_634] : memref<25x32x8x128xi32, #tpu.memory_space<hbm>> -> memref<1x1x8x128xi32, #tpu.memory_space<hbm>>
    %dma_wait3A_636 = tpu.memref_squeeze %dma_wait3A_635 : memref<1x1x8x128xi32, #tpu.memory_space<hbm>> -> memref<8x128xi32, #tpu.memory_space<hbm>>
    %dma_wait3A_637 = arith.constant 136 : i32
    %dma_wait3A_638 = arith.constant 0 : i32
    %dma_wait3A_639 = tpu.memref_slice %arg6[%dma_wait3A_637, %dma_wait3A_638] : memref<200x128xi32, #tpu.memory_space<vmem>> -> memref<8x128xi32, #tpu.memory_space<vmem>>
    %dma_wait3A_640 = arith.constant 0 : i32
    %dma_wait3A_641 = arith.constant 0 : i32
    %dma_wait3A_642 = tpu.memref_slice %arg2[%dma_wait3A_629, %add3A, %dma_wait3A_640, %dma_wait3A_641] : memref<25x32x8x128xi32, #tpu.memory_space<hbm>> -> memref<1x1x8x128xi32, #tpu.memory_space<hbm>>
    %dma_wait3A_643 = tpu.memref_squeeze %dma_wait3A_642 : memref<1x1x8x128xi32, #tpu.memory_space<hbm>> -> memref<8x128xi32, #tpu.memory_space<hbm>>
    tpu.wait_dma2 semaphore(%arg12 : memref<!tpu.dma_semaphore, #tpu.memory_space<semaphore_mem>>) src(%dma_wait3A_643 : memref<8x128xi32, #tpu.memory_space<hbm>>) dst(%dma_wait3A_639 : memref<8x128xi32, #tpu.memory_space<vmem>>)
    %dma_wait3A_644 = arith.constant 18 : i32
    %dma_wait3A_645 = arith.constant 144 : i32
    %dma_wait3A_646 = arith.constant 0 : i32
    %dma_wait3A_647 = tpu.memref_slice %arg6[%dma_wait3A_645, %dma_wait3A_646] : memref<200x128xi32, #tpu.memory_space<vmem>> -> memref<8x128xi32, #tpu.memory_space<vmem>>
    %dma_wait3A_648 = arith.constant 0 : i32
    %dma_wait3A_649 = arith.constant 0 : i32
    %dma_wait3A_650 = tpu.memref_slice %arg2[%dma_wait3A_644, %add3A, %dma_wait3A_648, %dma_wait3A_649] : memref<25x32x8x128xi32, #tpu.memory_space<hbm>> -> memref<1x1x8x128xi32, #tpu.memory_space<hbm>>
    %dma_wait3A_651 = tpu.memref_squeeze %dma_wait3A_650 : memref<1x1x8x128xi32, #tpu.memory_space<hbm>> -> memref<8x128xi32, #tpu.memory_space<hbm>>
    %dma_wait3A_652 = arith.constant 144 : i32
    %dma_wait3A_653 = arith.constant 0 : i32
    %dma_wait3A_654 = tpu.memref_slice %arg6[%dma_wait3A_652, %dma_wait3A_653] : memref<200x128xi32, #tpu.memory_space<vmem>> -> memref<8x128xi32, #tpu.memory_space<vmem>>
    %dma_wait3A_655 = arith.constant 0 : i32
    %dma_wait3A_656 = arith.constant 0 : i32
    %dma_wait3A_657 = tpu.memref_slice %arg2[%dma_wait3A_644, %add3A, %dma_wait3A_655, %dma_wait3A_656] : memref<25x32x8x128xi32, #tpu.memory_space<hbm>> -> memref<1x1x8x128xi32, #tpu.memory_space<hbm>>
    %dma_wait3A_658 = tpu.memref_squeeze %dma_wait3A_657 : memref<1x1x8x128xi32, #tpu.memory_space<hbm>> -> memref<8x128xi32, #tpu.memory_space<hbm>>
    tpu.wait_dma2 semaphore(%arg12 : memref<!tpu.dma_semaphore, #tpu.memory_space<semaphore_mem>>) src(%dma_wait3A_658 : memref<8x128xi32, #tpu.memory_space<hbm>>) dst(%dma_wait3A_654 : memref<8x128xi32, #tpu.memory_space<vmem>>)
    %dma_wait3A_659 = arith.constant 19 : i32
    %dma_wait3A_660 = arith.constant 152 : i32
    %dma_wait3A_661 = arith.constant 0 : i32
    %dma_wait3A_662 = tpu.memref_slice %arg6[%dma_wait3A_660, %dma_wait3A_661] : memref<200x128xi32, #tpu.memory_space<vmem>> -> memref<8x128xi32, #tpu.memory_space<vmem>>
    %dma_wait3A_663 = arith.constant 0 : i32
    %dma_wait3A_664 = arith.constant 0 : i32
    %dma_wait3A_665 = tpu.memref_slice %arg2[%dma_wait3A_659, %add3A, %dma_wait3A_663, %dma_wait3A_664] : memref<25x32x8x128xi32, #tpu.memory_space<hbm>> -> memref<1x1x8x128xi32, #tpu.memory_space<hbm>>
    %dma_wait3A_666 = tpu.memref_squeeze %dma_wait3A_665 : memref<1x1x8x128xi32, #tpu.memory_space<hbm>> -> memref<8x128xi32, #tpu.memory_space<hbm>>
    %dma_wait3A_667 = arith.constant 152 : i32
    %dma_wait3A_668 = arith.constant 0 : i32
    %dma_wait3A_669 = tpu.memref_slice %arg6[%dma_wait3A_667, %dma_wait3A_668] : memref<200x128xi32, #tpu.memory_space<vmem>> -> memref<8x128xi32, #tpu.memory_space<vmem>>
    %dma_wait3A_670 = arith.constant 0 : i32
    %dma_wait3A_671 = arith.constant 0 : i32
    %dma_wait3A_672 = tpu.memref_slice %arg2[%dma_wait3A_659, %add3A, %dma_wait3A_670, %dma_wait3A_671] : memref<25x32x8x128xi32, #tpu.memory_space<hbm>> -> memref<1x1x8x128xi32, #tpu.memory_space<hbm>>
    %dma_wait3A_673 = tpu.memref_squeeze %dma_wait3A_672 : memref<1x1x8x128xi32, #tpu.memory_space<hbm>> -> memref<8x128xi32, #tpu.memory_space<hbm>>
    tpu.wait_dma2 semaphore(%arg12 : memref<!tpu.dma_semaphore, #tpu.memory_space<semaphore_mem>>) src(%dma_wait3A_673 : memref<8x128xi32, #tpu.memory_space<hbm>>) dst(%dma_wait3A_669 : memref<8x128xi32, #tpu.memory_space<vmem>>)
    %dma_wait3A_674 = arith.constant 20 : i32
    %dma_wait3A_675 = arith.constant 160 : i32
    %dma_wait3A_676 = arith.constant 0 : i32
    %dma_wait3A_677 = tpu.memref_slice %arg6[%dma_wait3A_675, %dma_wait3A_676] : memref<200x128xi32, #tpu.memory_space<vmem>> -> memref<8x128xi32, #tpu.memory_space<vmem>>
    %dma_wait3A_678 = arith.constant 0 : i32
    %dma_wait3A_679 = arith.constant 0 : i32
    %dma_wait3A_680 = tpu.memref_slice %arg2[%dma_wait3A_674, %add3A, %dma_wait3A_678, %dma_wait3A_679] : memref<25x32x8x128xi32, #tpu.memory_space<hbm>> -> memref<1x1x8x128xi32, #tpu.memory_space<hbm>>
    %dma_wait3A_681 = tpu.memref_squeeze %dma_wait3A_680 : memref<1x1x8x128xi32, #tpu.memory_space<hbm>> -> memref<8x128xi32, #tpu.memory_space<hbm>>
    %dma_wait3A_682 = arith.constant 160 : i32
    %dma_wait3A_683 = arith.constant 0 : i32
    %dma_wait3A_684 = tpu.memref_slice %arg6[%dma_wait3A_682, %dma_wait3A_683] : memref<200x128xi32, #tpu.memory_space<vmem>> -> memref<8x128xi32, #tpu.memory_space<vmem>>
    %dma_wait3A_685 = arith.constant 0 : i32
    %dma_wait3A_686 = arith.constant 0 : i32
    %dma_wait3A_687 = tpu.memref_slice %arg2[%dma_wait3A_674, %add3A, %dma_wait3A_685, %dma_wait3A_686] : memref<25x32x8x128xi32, #tpu.memory_space<hbm>> -> memref<1x1x8x128xi32, #tpu.memory_space<hbm>>
    %dma_wait3A_688 = tpu.memref_squeeze %dma_wait3A_687 : memref<1x1x8x128xi32, #tpu.memory_space<hbm>> -> memref<8x128xi32, #tpu.memory_space<hbm>>
    tpu.wait_dma2 semaphore(%arg12 : memref<!tpu.dma_semaphore, #tpu.memory_space<semaphore_mem>>) src(%dma_wait3A_688 : memref<8x128xi32, #tpu.memory_space<hbm>>) dst(%dma_wait3A_684 : memref<8x128xi32, #tpu.memory_space<vmem>>)
    %dma_wait3A_689 = arith.constant 21 : i32
    %dma_wait3A_690 = arith.constant 168 : i32
    %dma_wait3A_691 = arith.constant 0 : i32
    %dma_wait3A_692 = tpu.memref_slice %arg6[%dma_wait3A_690, %dma_wait3A_691] : memref<200x128xi32, #tpu.memory_space<vmem>> -> memref<8x128xi32, #tpu.memory_space<vmem>>
    %dma_wait3A_693 = arith.constant 0 : i32
    %dma_wait3A_694 = arith.constant 0 : i32
    %dma_wait3A_695 = tpu.memref_slice %arg2[%dma_wait3A_689, %add3A, %dma_wait3A_693, %dma_wait3A_694] : memref<25x32x8x128xi32, #tpu.memory_space<hbm>> -> memref<1x1x8x128xi32, #tpu.memory_space<hbm>>
    %dma_wait3A_696 = tpu.memref_squeeze %dma_wait3A_695 : memref<1x1x8x128xi32, #tpu.memory_space<hbm>> -> memref<8x128xi32, #tpu.memory_space<hbm>>
    %dma_wait3A_697 = arith.constant 168 : i32
    %dma_wait3A_698 = arith.constant 0 : i32
    %dma_wait3A_699 = tpu.memref_slice %arg6[%dma_wait3A_697, %dma_wait3A_698] : memref<200x128xi32, #tpu.memory_space<vmem>> -> memref<8x128xi32, #tpu.memory_space<vmem>>
    %dma_wait3A_700 = arith.constant 0 : i32
    %dma_wait3A_701 = arith.constant 0 : i32
    %dma_wait3A_702 = tpu.memref_slice %arg2[%dma_wait3A_689, %add3A, %dma_wait3A_700, %dma_wait3A_701] : memref<25x32x8x128xi32, #tpu.memory_space<hbm>> -> memref<1x1x8x128xi32, #tpu.memory_space<hbm>>
    %dma_wait3A_703 = tpu.memref_squeeze %dma_wait3A_702 : memref<1x1x8x128xi32, #tpu.memory_space<hbm>> -> memref<8x128xi32, #tpu.memory_space<hbm>>
    tpu.wait_dma2 semaphore(%arg12 : memref<!tpu.dma_semaphore, #tpu.memory_space<semaphore_mem>>) src(%dma_wait3A_703 : memref<8x128xi32, #tpu.memory_space<hbm>>) dst(%dma_wait3A_699 : memref<8x128xi32, #tpu.memory_space<vmem>>)
    %dma_wait3A_704 = arith.constant 22 : i32
    %dma_wait3A_705 = arith.constant 176 : i32
    %dma_wait3A_706 = arith.constant 0 : i32
    %dma_wait3A_707 = tpu.memref_slice %arg6[%dma_wait3A_705, %dma_wait3A_706] : memref<200x128xi32, #tpu.memory_space<vmem>> -> memref<8x128xi32, #tpu.memory_space<vmem>>
    %dma_wait3A_708 = arith.constant 0 : i32
    %dma_wait3A_709 = arith.constant 0 : i32
    %dma_wait3A_710 = tpu.memref_slice %arg2[%dma_wait3A_704, %add3A, %dma_wait3A_708, %dma_wait3A_709] : memref<25x32x8x128xi32, #tpu.memory_space<hbm>> -> memref<1x1x8x128xi32, #tpu.memory_space<hbm>>
    %dma_wait3A_711 = tpu.memref_squeeze %dma_wait3A_710 : memref<1x1x8x128xi32, #tpu.memory_space<hbm>> -> memref<8x128xi32, #tpu.memory_space<hbm>>
    %dma_wait3A_712 = arith.constant 176 : i32
    %dma_wait3A_713 = arith.constant 0 : i32
    %dma_wait3A_714 = tpu.memref_slice %arg6[%dma_wait3A_712, %dma_wait3A_713] : memref<200x128xi32, #tpu.memory_space<vmem>> -> memref<8x128xi32, #tpu.memory_space<vmem>>
    %dma_wait3A_715 = arith.constant 0 : i32
    %dma_wait3A_716 = arith.constant 0 : i32
    %dma_wait3A_717 = tpu.memref_slice %arg2[%dma_wait3A_704, %add3A, %dma_wait3A_715, %dma_wait3A_716] : memref<25x32x8x128xi32, #tpu.memory_space<hbm>> -> memref<1x1x8x128xi32, #tpu.memory_space<hbm>>
    %dma_wait3A_718 = tpu.memref_squeeze %dma_wait3A_717 : memref<1x1x8x128xi32, #tpu.memory_space<hbm>> -> memref<8x128xi32, #tpu.memory_space<hbm>>
    tpu.wait_dma2 semaphore(%arg12 : memref<!tpu.dma_semaphore, #tpu.memory_space<semaphore_mem>>) src(%dma_wait3A_718 : memref<8x128xi32, #tpu.memory_space<hbm>>) dst(%dma_wait3A_714 : memref<8x128xi32, #tpu.memory_space<vmem>>)
    %dma_wait3A_719 = arith.constant 23 : i32
    %dma_wait3A_720 = arith.constant 184 : i32
    %dma_wait3A_721 = arith.constant 0 : i32
    %dma_wait3A_722 = tpu.memref_slice %arg6[%dma_wait3A_720, %dma_wait3A_721] : memref<200x128xi32, #tpu.memory_space<vmem>> -> memref<8x128xi32, #tpu.memory_space<vmem>>
    %dma_wait3A_723 = arith.constant 0 : i32
    %dma_wait3A_724 = arith.constant 0 : i32
    %dma_wait3A_725 = tpu.memref_slice %arg2[%dma_wait3A_719, %add3A, %dma_wait3A_723, %dma_wait3A_724] : memref<25x32x8x128xi32, #tpu.memory_space<hbm>> -> memref<1x1x8x128xi32, #tpu.memory_space<hbm>>
    %dma_wait3A_726 = tpu.memref_squeeze %dma_wait3A_725 : memref<1x1x8x128xi32, #tpu.memory_space<hbm>> -> memref<8x128xi32, #tpu.memory_space<hbm>>
    %dma_wait3A_727 = arith.constant 184 : i32
    %dma_wait3A_728 = arith.constant 0 : i32
    %dma_wait3A_729 = tpu.memref_slice %arg6[%dma_wait3A_727, %dma_wait3A_728] : memref<200x128xi32, #tpu.memory_space<vmem>> -> memref<8x128xi32, #tpu.memory_space<vmem>>
    %dma_wait3A_730 = arith.constant 0 : i32
    %dma_wait3A_731 = arith.constant 0 : i32
    %dma_wait3A_732 = tpu.memref_slice %arg2[%dma_wait3A_719, %add3A, %dma_wait3A_730, %dma_wait3A_731] : memref<25x32x8x128xi32, #tpu.memory_space<hbm>> -> memref<1x1x8x128xi32, #tpu.memory_space<hbm>>
    %dma_wait3A_733 = tpu.memref_squeeze %dma_wait3A_732 : memref<1x1x8x128xi32, #tpu.memory_space<hbm>> -> memref<8x128xi32, #tpu.memory_space<hbm>>
    tpu.wait_dma2 semaphore(%arg12 : memref<!tpu.dma_semaphore, #tpu.memory_space<semaphore_mem>>) src(%dma_wait3A_733 : memref<8x128xi32, #tpu.memory_space<hbm>>) dst(%dma_wait3A_729 : memref<8x128xi32, #tpu.memory_space<vmem>>)
    %dma_wait3A_734 = arith.constant 24 : i32
    %dma_wait3A_735 = arith.constant 192 : i32
    %dma_wait3A_736 = arith.constant 0 : i32
    %dma_wait3A_737 = tpu.memref_slice %arg6[%dma_wait3A_735, %dma_wait3A_736] : memref<200x128xi32, #tpu.memory_space<vmem>> -> memref<8x128xi32, #tpu.memory_space<vmem>>
    %dma_wait3A_738 = arith.constant 0 : i32
    %dma_wait3A_739 = arith.constant 0 : i32
    %dma_wait3A_740 = tpu.memref_slice %arg2[%dma_wait3A_734, %add3A, %dma_wait3A_738, %dma_wait3A_739] : memref<25x32x8x128xi32, #tpu.memory_space<hbm>> -> memref<1x1x8x128xi32, #tpu.memory_space<hbm>>
    %dma_wait3A_741 = tpu.memref_squeeze %dma_wait3A_740 : memref<1x1x8x128xi32, #tpu.memory_space<hbm>> -> memref<8x128xi32, #tpu.memory_space<hbm>>
    %dma_wait3A_742 = arith.constant 192 : i32
    %dma_wait3A_743 = arith.constant 0 : i32
    %dma_wait3A_744 = tpu.memref_slice %arg6[%dma_wait3A_742, %dma_wait3A_743] : memref<200x128xi32, #tpu.memory_space<vmem>> -> memref<8x128xi32, #tpu.memory_space<vmem>>
    %dma_wait3A_745 = arith.constant 0 : i32
    %dma_wait3A_746 = arith.constant 0 : i32
    %dma_wait3A_747 = tpu.memref_slice %arg2[%dma_wait3A_734, %add3A, %dma_wait3A_745, %dma_wait3A_746] : memref<25x32x8x128xi32, #tpu.memory_space<hbm>> -> memref<1x1x8x128xi32, #tpu.memory_space<hbm>>
    %dma_wait3A_748 = tpu.memref_squeeze %dma_wait3A_747 : memref<1x1x8x128xi32, #tpu.memory_space<hbm>> -> memref<8x128xi32, #tpu.memory_space<hbm>>
    tpu.wait_dma2 semaphore(%arg12 : memref<!tpu.dma_semaphore, #tpu.memory_space<semaphore_mem>>) src(%dma_wait3A_748 : memref<8x128xi32, #tpu.memory_space<hbm>>) dst(%dma_wait3A_744 : memref<8x128xi32, #tpu.memory_space<vmem>>)
    %scan3A = arith.constant 0 : i32
    %scan3A_749 = arith.constant 0 : i32
    %scan3A_750 = arith.constant 200 : i32
    %scan3A_751 = arith.addi %scan3A_749, %scan3A_750 : i32
    %scan3A_752 = arith.constant 1 : i32
    scf.for %scan3A_879 = %scan3A_749 to %scan3A_751 step %scan3A_752  : i32 {
      %get3A = arith.index_cast %scan3A_879 : i32 to index
      %get3A_880 = arith.constant 0 : index
      %get3A_881 = tpu.vector_load %arg6[%get3A, %get3A_880] {strides = array<i32>} : memref<200x128xi32, #tpu.memory_space<vmem>>, vector<16xi32>,
      %add3A_882 = arith.addi %get3A_881, %get3A_881 : vector<16xi32>
      %swap3A = arith.index_cast %scan3A_879 : i32 to index
      %swap3A_883 = arith.constant 0 : index
      %swap3A_884 = tpu.vector_load %arg6[%swap3A, %swap3A_883] {strides = array<i32>} : memref<200x128xi32, #tpu.memory_space<vmem>>, vector<16xi32>,
      tpu.vector_store %arg6[%swap3A, %swap3A_883], %add3A_882 {strides = array<i32>} : memref<200x128xi32, #tpu.memory_space<vmem>>, vector<16xi32>,
      %get3A_885 = arith.index_cast %scan3A_879 : i32 to index
      %get3A_886 = arith.constant 16 : index
      %get3A_887 = tpu.vector_load %arg6[%get3A_885, %get3A_886] {strides = array<i32>} : memref<200x128xi32, #tpu.memory_space<vmem>>, vector<16xi32>,
      %add3A_888 = arith.addi %get3A_887, %get3A_887 : vector<16xi32>
      %swap3A_889 = arith.index_cast %scan3A_879 : i32 to index
      %swap3A_890 = arith.constant 16 : index
      %swap3A_891 = tpu.vector_load %arg6[%swap3A_889, %swap3A_890] {strides = array<i32>} : memref<200x128xi32, #tpu.memory_space<vmem>>, vector<16xi32>,
      tpu.vector_store %arg6[%swap3A_889, %swap3A_890], %add3A_888 {strides = array<i32>} : memref<200x128xi32, #tpu.memory_space<vmem>>, vector<16xi32>,
      %get3A_892 = arith.index_cast %scan3A_879 : i32 to index
      %get3A_893 = arith.constant 32 : index
      %get3A_894 = tpu.vector_load %arg6[%get3A_892, %get3A_893] {strides = array<i32>} : memref<200x128xi32, #tpu.memory_space<vmem>>, vector<16xi32>,
      %add3A_895 = arith.addi %get3A_894, %get3A_894 : vector<16xi32>
      %swap3A_896 = arith.index_cast %scan3A_879 : i32 to index
      %swap3A_897 = arith.constant 32 : index
      %swap3A_898 = tpu.vector_load %arg6[%swap3A_896, %swap3A_897] {strides = array<i32>} : memref<200x128xi32, #tpu.memory_space<vmem>>, vector<16xi32>,
      tpu.vector_store %arg6[%swap3A_896, %swap3A_897], %add3A_895 {strides = array<i32>} : memref<200x128xi32, #tpu.memory_space<vmem>>, vector<16xi32>,
      %get3A_899 = arith.index_cast %scan3A_879 : i32 to index
      %get3A_900 = arith.constant 48 : index
      %get3A_901 = tpu.vector_load %arg6[%get3A_899, %get3A_900] {strides = array<i32>} : memref<200x128xi32, #tpu.memory_space<vmem>>, vector<16xi32>,
      %add3A_902 = arith.addi %get3A_901, %get3A_901 : vector<16xi32>
      %swap3A_903 = arith.index_cast %scan3A_879 : i32 to index
      %swap3A_904 = arith.constant 48 : index
      %swap3A_905 = tpu.vector_load %arg6[%swap3A_903, %swap3A_904] {strides = array<i32>} : memref<200x128xi32, #tpu.memory_space<vmem>>, vector<16xi32>,
      tpu.vector_store %arg6[%swap3A_903, %swap3A_904], %add3A_902 {strides = array<i32>} : memref<200x128xi32, #tpu.memory_space<vmem>>, vector<16xi32>,
      %get3A_906 = arith.index_cast %scan3A_879 : i32 to index
      %get3A_907 = arith.constant 64 : index
      %get3A_908 = tpu.vector_load %arg6[%get3A_906, %get3A_907] {strides = array<i32>} : memref<200x128xi32, #tpu.memory_space<vmem>>, vector<16xi32>,
      %add3A_909 = arith.addi %get3A_908, %get3A_908 : vector<16xi32>
      %swap3A_910 = arith.index_cast %scan3A_879 : i32 to index
      %swap3A_911 = arith.constant 64 : index
      %swap3A_912 = tpu.vector_load %arg6[%swap3A_910, %swap3A_911] {strides = array<i32>} : memref<200x128xi32, #tpu.memory_space<vmem>>, vector<16xi32>,
      tpu.vector_store %arg6[%swap3A_910, %swap3A_911], %add3A_909 {strides = array<i32>} : memref<200x128xi32, #tpu.memory_space<vmem>>, vector<16xi32>,
      %get3A_913 = arith.index_cast %scan3A_879 : i32 to index
      %get3A_914 = arith.constant 80 : index
      %get3A_915 = tpu.vector_load %arg6[%get3A_913, %get3A_914] {strides = array<i32>} : memref<200x128xi32, #tpu.memory_space<vmem>>, vector<16xi32>,
      %add3A_916 = arith.addi %get3A_915, %get3A_915 : vector<16xi32>
      %swap3A_917 = arith.index_cast %scan3A_879 : i32 to index
      %swap3A_918 = arith.constant 80 : index
      %swap3A_919 = tpu.vector_load %arg6[%swap3A_917, %swap3A_918] {strides = array<i32>} : memref<200x128xi32, #tpu.memory_space<vmem>>, vector<16xi32>,
      tpu.vector_store %arg6[%swap3A_917, %swap3A_918], %add3A_916 {strides = array<i32>} : memref<200x128xi32, #tpu.memory_space<vmem>>, vector<16xi32>,
      %get3A_920 = arith.index_cast %scan3A_879 : i32 to index
      %get3A_921 = arith.constant 96 : index
      %get3A_922 = tpu.vector_load %arg6[%get3A_920, %get3A_921] {strides = array<i32>} : memref<200x128xi32, #tpu.memory_space<vmem>>, vector<16xi32>,
      %add3A_923 = arith.addi %get3A_922, %get3A_922 : vector<16xi32>
      %swap3A_924 = arith.index_cast %scan3A_879 : i32 to index
      %swap3A_925 = arith.constant 96 : index
      %swap3A_926 = tpu.vector_load %arg6[%swap3A_924, %swap3A_925] {strides = array<i32>} : memref<200x128xi32, #tpu.memory_space<vmem>>, vector<16xi32>,
      tpu.vector_store %arg6[%swap3A_924, %swap3A_925], %add3A_923 {strides = array<i32>} : memref<200x128xi32, #tpu.memory_space<vmem>>, vector<16xi32>,
      %get3A_927 = arith.index_cast %scan3A_879 : i32 to index
      %get3A_928 = arith.constant 112 : index
      %get3A_929 = tpu.vector_load %arg6[%get3A_927, %get3A_928] {strides = array<i32>} : memref<200x128xi32, #tpu.memory_space<vmem>>, vector<16xi32>,
      %add3A_930 = arith.addi %get3A_929, %get3A_929 : vector<16xi32>
      %swap3A_931 = arith.index_cast %scan3A_879 : i32 to index
      %swap3A_932 = arith.constant 112 : index
      %swap3A_933 = tpu.vector_load %arg6[%swap3A_931, %swap3A_932] {strides = array<i32>} : memref<200x128xi32, #tpu.memory_space<vmem>>, vector<16xi32>,
      tpu.vector_store %arg6[%swap3A_931, %swap3A_932], %add3A_930 {strides = array<i32>} : memref<200x128xi32, #tpu.memory_space<vmem>>, vector<16xi32>,
    }
    %scan3A_753 = arith.constant 200 : i32
    %iota3A = tpu.iota {dimensions = array<i32: 0>} : vector<16xi32>
    %add3A_754 = arith.constant 0 : i32
    %add3A_755 = vector.broadcast %add3A_754 : i32 to vector<16xi32>
    %add3A_756 = arith.addi %add3A_755, %iota3A : vector<16xi32>
    %add3A_757 = arith.constant 16 : i32
    %add3A_758 = vector.broadcast %add3A_757 : i32 to vector<16xi32>
    %add3A_759 = arith.addi %add3A_758, %iota3A : vector<16xi32>
    %add3A_760 = arith.constant 32 : i32
    %add3A_761 = vector.broadcast %add3A_760 : i32 to vector<16xi32>
    %add3A_762 = arith.addi %add3A_761, %iota3A : vector<16xi32>
    %add3A_763 = arith.constant 48 : i32
    %add3A_764 = vector.broadcast %add3A_763 : i32 to vector<16xi32>
    %add3A_765 = arith.addi %add3A_764, %iota3A : vector<16xi32>
    %add3A_766 = arith.constant 64 : i32
    %add3A_767 = vector.broadcast %add3A_766 : i32 to vector<16xi32>
    %add3A_768 = arith.addi %add3A_767, %iota3A : vector<16xi32>
    %add3A_769 = arith.constant 80 : i32
    %add3A_770 = vector.broadcast %add3A_769 : i32 to vector<16xi32>
    %add3A_771 = arith.addi %add3A_770, %iota3A : vector<16xi32>
    %add3A_772 = arith.constant 96 : i32
    %add3A_773 = vector.broadcast %add3A_772 : i32 to vector<16xi32>
    %add3A_774 = arith.addi %add3A_773, %iota3A : vector<16xi32>
    %add3A_775 = arith.constant 112 : i32
    %add3A_776 = vector.broadcast %add3A_775 : i32 to vector<16xi32>
    %add3A_777 = arith.addi %add3A_776, %iota3A : vector<16xi32>
    %dma_start3A_778 = arith.constant 0 : i32
    %dma_start3A_779 = arith.constant 0 : i32
    %dma_start3A_780 = tpu.memref_slice %arg6[%dma_start3A_778, %dma_start3A_779] : memref<200x128xi32, #tpu.memory_space<vmem>> -> memref<1x128xi32, #tpu.memory_space<vmem>>
    %dma_start3A_781 = tpu.memref_squeeze %dma_start3A_780 : memref<1x128xi32, #tpu.memory_space<vmem>> -> memref<128xi32, #tpu.memory_space<vmem>>
    %dma_start3A_782 = arith.constant 0 : i32
    %dma_start3A_783 = arith.constant 0 : i32
    %dma_start3A_784 = tpu.memref_slice %arg3[%dma_start3A_782, %dma_start3A_783] : memref<2000000x64xf32, #tpu.memory_space<hbm>> -> memref<2000000x64xf32, #tpu.memory_space<hbm>>
    tpu.enqueue_indirect_dma source(%dma_start3A_784 : memref<2000000x64xf32, #tpu.memory_space<hbm>>) target(%arg8 : memref<128x64xf32, #tpu.memory_space<vmem>>) offsets(%dma_start3A_781 : memref<128xi32, #tpu.memory_space<vmem>>) semaphore(%arg13 : memref<!tpu.dma_semaphore, #tpu.memory_space<semaphore_mem>>)
    %dma_start3A_785 = arith.constant 1 : i32
    %dma_start3A_786 = arith.constant 0 : i32
    %dma_start3A_787 = tpu.memref_slice %arg6[%dma_start3A_785, %dma_start3A_786] : memref<200x128xi32, #tpu.memory_space<vmem>> -> memref<1x128xi32, #tpu.memory_space<vmem>>
    %dma_start3A_788 = tpu.memref_squeeze %dma_start3A_787 : memref<1x128xi32, #tpu.memory_space<vmem>> -> memref<128xi32, #tpu.memory_space<vmem>>
    %dma_start3A_789 = arith.constant 0 : i32
    %dma_start3A_790 = arith.constant 0 : i32
    %dma_start3A_791 = tpu.memref_slice %arg3[%dma_start3A_789, %dma_start3A_790] : memref<2000000x64xf32, #tpu.memory_space<hbm>> -> memref<2000000x64xf32, #tpu.memory_space<hbm>>
    tpu.enqueue_indirect_dma source(%dma_start3A_791 : memref<2000000x64xf32, #tpu.memory_space<hbm>>) target(%arg9 : memref<128x64xf32, #tpu.memory_space<vmem>>) offsets(%dma_start3A_788 : memref<128xi32, #tpu.memory_space<vmem>>) semaphore(%arg14 : memref<!tpu.dma_semaphore, #tpu.memory_space<semaphore_mem>>)
    %dma_wait3A_792 = arith.constant 0 : i32
    %dma_wait3A_793 = arith.constant 0 : i32
    %dma_wait3A_794 = tpu.memref_slice %arg6[%dma_wait3A_792, %dma_wait3A_793] : memref<200x128xi32, #tpu.memory_space<vmem>> -> memref<1x128xi32, #tpu.memory_space<vmem>>
    %dma_wait3A_795 = tpu.memref_squeeze %dma_wait3A_794 : memref<1x128xi32, #tpu.memory_space<vmem>> -> memref<128xi32, #tpu.memory_space<vmem>>
    %dma_wait3A_796 = arith.constant 0 : i32
    %dma_wait3A_797 = arith.constant 0 : i32
    %dma_wait3A_798 = tpu.memref_slice %arg3[%dma_wait3A_796, %dma_wait3A_797] : memref<2000000x64xf32, #tpu.memory_space<hbm>> -> memref<2000000x64xf32, #tpu.memory_space<hbm>>
    tpu.wait_indirect_dma semaphore(%arg13 : memref<!tpu.dma_semaphore, #tpu.memory_space<semaphore_mem>>) src(%dma_wait3A_798 : memref<2000000x64xf32, #tpu.memory_space<hbm>>) dst(%arg8 : memref<128x64xf32, #tpu.memory_space<vmem>>)
    %mul3A_799 = arith.constant 0 : i32
    %mul3A_800 = vector.broadcast %mul3A_799 : i32 to vector<16xi32>
    %mul3A_801 = arith.muli %iota3A, %mul3A_800 : vector<16xi32>
    %add3A_802 = arith.constant 0 : i32
    %add3A_803 = vector.broadcast %add3A_802 : i32 to vector<16xi32>
    %add3A_804 = arith.addi %mul3A_801, %add3A_803 : vector<16xi32>
    %scan3A_805 = arith.constant 0 : i32
    %scan3A_806 = arith.constant 0 : i32
    %scan3A_807 = arith.constant 16 : i32
    %scan3A_808 = arith.addi %scan3A_806, %scan3A_807 : i32
    %scan3A_809 = arith.constant 1 : i32
    scf.for %scan3A_879 = %scan3A_806 to %scan3A_808 step %scan3A_809  : i32 {
      %add3A_880 = vector.broadcast %scan3A_879 : i32 to vector<16xi32>
      %add3A_881 = arith.addi %iota3A, %add3A_880 : vector<16xi32>
      %and3A = arith.constant 15 : i32
      %and3A_882 = vector.broadcast %and3A : i32 to vector<16xi32>
      %and3A_883 = arith.andi %add3A_881, %and3A_882 : vector<16xi32>
      %add3A_884 = arith.constant 0 : i32
      %add3A_885 = vector.broadcast %add3A_884 : i32 to vector<16xi32>
      %add3A_886 = arith.addi %and3A_883, %add3A_885 : vector<16xi32>
      %gather3A = tpu.vector_load_idx %arg7[%add3A_804, %add3A_886] : memref<200x64xf32, #tpu.memory_space<vmem>>[vector<16xi32>, vector<16xi32>], vector<16xf32>,
      %shift_right_logical3A = arith.constant 3 : i32
      %shift_right_logical3A_887 = vector.broadcast %shift_right_logical3A : i32 to vector<16xi32>
      %shift_right_logical3A_888 = arith.shrui %add3A_886, %shift_right_logical3A_887 : vector<16xi32>
      %and3A_889 = arith.constant 7 : i32
      %and3A_890 = vector.broadcast %and3A_889 : i32 to vector<16xi32>
      %and3A_891 = arith.andi %add3A_886, %and3A_890 : vector<16xi32>
      %mul3A_892 = arith.constant 128 : i32
      %mul3A_893 = vector.broadcast %mul3A_892 : i32 to vector<16xi32>
      %mul3A_894 = arith.muli %and3A_891, %mul3A_893 : vector<16xi32>
      %add3A_895 = arith.addi %mul3A_894, %iota3A : vector<16xi32>
      %gather3A_896 = tpu.vector_load_idx %arg8[%add3A_756, %add3A_886] : memref<128x64xf32, #tpu.memory_space<vmem>>[vector<16xi32>, vector<16xi32>], vector<16xf32>,
      %add3A_897 = arith.addf %gather3A_896, %gather3A : vector<16xf32>
      %add3A_898 = arith.constant 0 : i32
      %add3A_899 = vector.broadcast %add3A_898 : i32 to vector<16xi32>
      %add3A_900 = arith.addi %add3A_895, %add3A_899 : vector<16xi32>
      tpu.vector_store_idx %arg10[%shift_right_logical3A_888, %add3A_900], %add3A_897 : memref<8x1024xf32, #tpu.memory_space<vmem>>[vector<16xi32>, vector<16xi32>], vector<16xf32>,
      %gather3A_901 = tpu.vector_load_idx %arg8[%add3A_759, %add3A_886] : memref<128x64xf32, #tpu.memory_space<vmem>>[vector<16xi32>, vector<16xi32>], vector<16xf32>,
      %add3A_902 = arith.addf %gather3A_901, %gather3A : vector<16xf32>
      %add3A_903 = arith.constant 16 : i32
      %add3A_904 = vector.broadcast %add3A_903 : i32 to vector<16xi32>
      %add3A_905 = arith.addi %add3A_895, %add3A_904 : vector<16xi32>
      tpu.vector_store_idx %arg10[%shift_right_logical3A_888, %add3A_905], %add3A_902 : memref<8x1024xf32, #tpu.memory_space<vmem>>[vector<16xi32>, vector<16xi32>], vector<16xf32>,
      %gather3A_906 = tpu.vector_load_idx %arg8[%add3A_762, %add3A_886] : memref<128x64xf32, #tpu.memory_space<vmem>>[vector<16xi32>, vector<16xi32>], vector<16xf32>,
      %add3A_907 = arith.addf %gather3A_906, %gather3A : vector<16xf32>
      %add3A_908 = arith.constant 32 : i32
      %add3A_909 = vector.broadcast %add3A_908 : i32 to vector<16xi32>
      %add3A_910 = arith.addi %add3A_895, %add3A_909 : vector<16xi32>
      tpu.vector_store_idx %arg10[%shift_right_logical3A_888, %add3A_910], %add3A_907 : memref<8x1024xf32, #tpu.memory_space<vmem>>[vector<16xi32>, vector<16xi32>], vector<16xf32>,
      %gather3A_911 = tpu.vector_load_idx %arg8[%add3A_765, %add3A_886] : memref<128x64xf32, #tpu.memory_space<vmem>>[vector<16xi32>, vector<16xi32>], vector<16xf32>,
      %add3A_912 = arith.addf %gather3A_911, %gather3A : vector<16xf32>
      %add3A_913 = arith.constant 48 : i32
      %add3A_914 = vector.broadcast %add3A_913 : i32 to vector<16xi32>
      %add3A_915 = arith.addi %add3A_895, %add3A_914 : vector<16xi32>
      tpu.vector_store_idx %arg10[%shift_right_logical3A_888, %add3A_915], %add3A_912 : memref<8x1024xf32, #tpu.memory_space<vmem>>[vector<16xi32>, vector<16xi32>], vector<16xf32>,
      %gather3A_916 = tpu.vector_load_idx %arg8[%add3A_768, %add3A_886] : memref<128x64xf32, #tpu.memory_space<vmem>>[vector<16xi32>, vector<16xi32>], vector<16xf32>,
      %add3A_917 = arith.addf %gather3A_916, %gather3A : vector<16xf32>
      %add3A_918 = arith.constant 64 : i32
      %add3A_919 = vector.broadcast %add3A_918 : i32 to vector<16xi32>
      %add3A_920 = arith.addi %add3A_895, %add3A_919 : vector<16xi32>
      tpu.vector_store_idx %arg10[%shift_right_logical3A_888, %add3A_920], %add3A_917 : memref<8x1024xf32, #tpu.memory_space<vmem>>[vector<16xi32>, vector<16xi32>], vector<16xf32>,
      %gather3A_921 = tpu.vector_load_idx %arg8[%add3A_771, %add3A_886] : memref<128x64xf32, #tpu.memory_space<vmem>>[vector<16xi32>, vector<16xi32>], vector<16xf32>,
      %add3A_922 = arith.addf %gather3A_921, %gather3A : vector<16xf32>
      %add3A_923 = arith.constant 80 : i32
      %add3A_924 = vector.broadcast %add3A_923 : i32 to vector<16xi32>
      %add3A_925 = arith.addi %add3A_895, %add3A_924 : vector<16xi32>
      tpu.vector_store_idx %arg10[%shift_right_logical3A_888, %add3A_925], %add3A_922 : memref<8x1024xf32, #tpu.memory_space<vmem>>[vector<16xi32>, vector<16xi32>], vector<16xf32>,
      %gather3A_926 = tpu.vector_load_idx %arg8[%add3A_774, %add3A_886] : memref<128x64xf32, #tpu.memory_space<vmem>>[vector<16xi32>, vector<16xi32>], vector<16xf32>,
      %add3A_927 = arith.addf %gather3A_926, %gather3A : vector<16xf32>
      %add3A_928 = arith.constant 96 : i32
      %add3A_929 = vector.broadcast %add3A_928 : i32 to vector<16xi32>
      %add3A_930 = arith.addi %add3A_895, %add3A_929 : vector<16xi32>
      tpu.vector_store_idx %arg10[%shift_right_logical3A_888, %add3A_930], %add3A_927 : memref<8x1024xf32, #tpu.memory_space<vmem>>[vector<16xi32>, vector<16xi32>], vector<16xf32>,
      %gather3A_931 = tpu.vector_load_idx %arg8[%add3A_777, %add3A_886] : memref<128x64xf32, #tpu.memory_space<vmem>>[vector<16xi32>, vector<16xi32>], vector<16xf32>,
      %add3A_932 = arith.addf %gather3A_931, %gather3A : vector<16xf32>
      %add3A_933 = arith.constant 112 : i32
      %add3A_934 = vector.broadcast %add3A_933 : i32 to vector<16xi32>
      %add3A_935 = arith.addi %add3A_895, %add3A_934 : vector<16xi32>
      tpu.vector_store_idx %arg10[%shift_right_logical3A_888, %add3A_935], %add3A_932 : memref<8x1024xf32, #tpu.memory_space<vmem>>[vector<16xi32>, vector<16xi32>], vector<16xf32>,
      %add3A_936 = arith.constant 16 : i32
      %add3A_937 = vector.broadcast %add3A_936 : i32 to vector<16xi32>
      %add3A_938 = arith.addi %and3A_883, %add3A_937 : vector<16xi32>
      %gather3A_939 = tpu.vector_load_idx %arg7[%add3A_804, %add3A_938] : memref<200x64xf32, #tpu.memory_space<vmem>>[vector<16xi32>, vector<16xi32>], vector<16xf32>,
      %shift_right_logical3A_940 = arith.constant 3 : i32
      %shift_right_logical3A_941 = vector.broadcast %shift_right_logical3A_940 : i32 to vector<16xi32>
      %shift_right_logical3A_942 = arith.shrui %add3A_938, %shift_right_logical3A_941 : vector<16xi32>
      %and3A_943 = arith.constant 7 : i32
      %and3A_944 = vector.broadcast %and3A_943 : i32 to vector<16xi32>
      %and3A_945 = arith.andi %add3A_938, %and3A_944 : vector<16xi32>
      %mul3A_946 = arith.constant 128 : i32
      %mul3A_947 = vector.broadcast %mul3A_946 : i32 to vector<16xi32>
      %mul3A_948 = arith.muli %and3A_945, %mul3A_947 : vector<16xi32>
      %add3A_949 = arith.addi %mul3A_948, %iota3A : vector<16xi32>
      %gather3A_950 = tpu.vector_load_idx %arg8[%add3A_756, %add3A_938] : memref<128x64xf32, #tpu.memory_space<vmem>>[vector<16xi32>, vector<16xi32>], vector<16xf32>,
      %add3A_951 = arith.addf %gather3A_950, %gather3A_939 : vector<16xf32>
      %add3A_952 = arith.constant 0 : i32
      %add3A_953 = vector.broadcast %add3A_952 : i32 to vector<16xi32>
      %add3A_954 = arith.addi %add3A_949, %add3A_953 : vector<16xi32>
      tpu.vector_store_idx %arg10[%shift_right_logical3A_942, %add3A_954], %add3A_951 : memref<8x1024xf32, #tpu.memory_space<vmem>>[vector<16xi32>, vector<16xi32>], vector<16xf32>,
      %gather3A_955 = tpu.vector_load_idx %arg8[%add3A_759, %add3A_938] : memref<128x64xf32, #tpu.memory_space<vmem>>[vector<16xi32>, vector<16xi32>], vector<16xf32>,
      %add3A_956 = arith.addf %gather3A_955, %gather3A_939 : vector<16xf32>
      %add3A_957 = arith.constant 16 : i32
      %add3A_958 = vector.broadcast %add3A_957 : i32 to vector<16xi32>
      %add3A_959 = arith.addi %add3A_949, %add3A_958 : vector<16xi32>
      tpu.vector_store_idx %arg10[%shift_right_logical3A_942, %add3A_959], %add3A_956 : memref<8x1024xf32, #tpu.memory_space<vmem>>[vector<16xi32>, vector<16xi32>], vector<16xf32>,
      %gather3A_960 = tpu.vector_load_idx %arg8[%add3A_762, %add3A_938] : memref<128x64xf32, #tpu.memory_space<vmem>>[vector<16xi32>, vector<16xi32>], vector<16xf32>,
      %add3A_961 = arith.addf %gather3A_960, %gather3A_939 : vector<16xf32>
      %add3A_962 = arith.constant 32 : i32
      %add3A_963 = vector.broadcast %add3A_962 : i32 to vector<16xi32>
      %add3A_964 = arith.addi %add3A_949, %add3A_963 : vector<16xi32>
      tpu.vector_store_idx %arg10[%shift_right_logical3A_942, %add3A_964], %add3A_961 : memref<8x1024xf32, #tpu.memory_space<vmem>>[vector<16xi32>, vector<16xi32>], vector<16xf32>,
      %gather3A_965 = tpu.vector_load_idx %arg8[%add3A_765, %add3A_938] : memref<128x64xf32, #tpu.memory_space<vmem>>[vector<16xi32>, vector<16xi32>], vector<16xf32>,
      %add3A_966 = arith.addf %gather3A_965, %gather3A_939 : vector<16xf32>
      %add3A_967 = arith.constant 48 : i32
      %add3A_968 = vector.broadcast %add3A_967 : i32 to vector<16xi32>
      %add3A_969 = arith.addi %add3A_949, %add3A_968 : vector<16xi32>
      tpu.vector_store_idx %arg10[%shift_right_logical3A_942, %add3A_969], %add3A_966 : memref<8x1024xf32, #tpu.memory_space<vmem>>[vector<16xi32>, vector<16xi32>], vector<16xf32>,
      %gather3A_970 = tpu.vector_load_idx %arg8[%add3A_768, %add3A_938] : memref<128x64xf32, #tpu.memory_space<vmem>>[vector<16xi32>, vector<16xi32>], vector<16xf32>,
      %add3A_971 = arith.addf %gather3A_970, %gather3A_939 : vector<16xf32>
      %add3A_972 = arith.constant 64 : i32
      %add3A_973 = vector.broadcast %add3A_972 : i32 to vector<16xi32>
      %add3A_974 = arith.addi %add3A_949, %add3A_973 : vector<16xi32>
      tpu.vector_store_idx %arg10[%shift_right_logical3A_942, %add3A_974], %add3A_971 : memref<8x1024xf32, #tpu.memory_space<vmem>>[vector<16xi32>, vector<16xi32>], vector<16xf32>,
      %gather3A_975 = tpu.vector_load_idx %arg8[%add3A_771, %add3A_938] : memref<128x64xf32, #tpu.memory_space<vmem>>[vector<16xi32>, vector<16xi32>], vector<16xf32>,
      %add3A_976 = arith.addf %gather3A_975, %gather3A_939 : vector<16xf32>
      %add3A_977 = arith.constant 80 : i32
      %add3A_978 = vector.broadcast %add3A_977 : i32 to vector<16xi32>
      %add3A_979 = arith.addi %add3A_949, %add3A_978 : vector<16xi32>
      tpu.vector_store_idx %arg10[%shift_right_logical3A_942, %add3A_979], %add3A_976 : memref<8x1024xf32, #tpu.memory_space<vmem>>[vector<16xi32>, vector<16xi32>], vector<16xf32>,
      %gather3A_980 = tpu.vector_load_idx %arg8[%add3A_774, %add3A_938] : memref<128x64xf32, #tpu.memory_space<vmem>>[vector<16xi32>, vector<16xi32>], vector<16xf32>,
      %add3A_981 = arith.addf %gather3A_980, %gather3A_939 : vector<16xf32>
      %add3A_982 = arith.constant 96 : i32
      %add3A_983 = vector.broadcast %add3A_982 : i32 to vector<16xi32>
      %add3A_984 = arith.addi %add3A_949, %add3A_983 : vector<16xi32>
      tpu.vector_store_idx %arg10[%shift_right_logical3A_942, %add3A_984], %add3A_981 : memref<8x1024xf32, #tpu.memory_space<vmem>>[vector<16xi32>, vector<16xi32>], vector<16xf32>,
      %gather3A_985 = tpu.vector_load_idx %arg8[%add3A_777, %add3A_938] : memref<128x64xf32, #tpu.memory_space<vmem>>[vector<16xi32>, vector<16xi32>], vector<16xf32>,
      %add3A_986 = arith.addf %gather3A_985, %gather3A_939 : vector<16xf32>
      %add3A_987 = arith.constant 112 : i32
      %add3A_988 = vector.broadcast %add3A_987 : i32 to vector<16xi32>
      %add3A_989 = arith.addi %add3A_949, %add3A_988 : vector<16xi32>
      tpu.vector_store_idx %arg10[%shift_right_logical3A_942, %add3A_989], %add3A_986 : memref<8x1024xf32, #tpu.memory_space<vmem>>[vector<16xi32>, vector<16xi32>], vector<16xf32>,
      %add3A_990 = arith.constant 32 : i32
      %add3A_991 = vector.broadcast %add3A_990 : i32 to vector<16xi32>
      %add3A_992 = arith.addi %and3A_883, %add3A_991 : vector<16xi32>
      %gather3A_993 = tpu.vector_load_idx %arg7[%add3A_804, %add3A_992] : memref<200x64xf32, #tpu.memory_space<vmem>>[vector<16xi32>, vector<16xi32>], vector<16xf32>,
      %shift_right_logical3A_994 = arith.constant 3 : i32
      %shift_right_logical3A_995 = vector.broadcast %shift_right_logical3A_994 : i32 to vector<16xi32>
      %shift_right_logical3A_996 = arith.shrui %add3A_992, %shift_right_logical3A_995 : vector<16xi32>
      %and3A_997 = arith.constant 7 : i32
      %and3A_998 = vector.broadcast %and3A_997 : i32 to vector<16xi32>
      %and3A_999 = arith.andi %add3A_992, %and3A_998 : vector<16xi32>
      %mul3A_1000 = arith.constant 128 : i32
      %mul3A_1001 = vector.broadcast %mul3A_1000 : i32 to vector<16xi32>
      %mul3A_1002 = arith.muli %and3A_999, %mul3A_1001 : vector<16xi32>
      %add3A_1003 = arith.addi %mul3A_1002, %iota3A : vector<16xi32>
      %gather3A_1004 = tpu.vector_load_idx %arg8[%add3A_756, %add3A_992] : memref<128x64xf32, #tpu.memory_space<vmem>>[vector<16xi32>, vector<16xi32>], vector<16xf32>,
      %add3A_1005 = arith.addf %gather3A_1004, %gather3A_993 : vector<16xf32>
      %add3A_1006 = arith.constant 0 : i32
      %add3A_1007 = vector.broadcast %add3A_1006 : i32 to vector<16xi32>
      %add3A_1008 = arith.addi %add3A_1003, %add3A_1007 : vector<16xi32>
      tpu.vector_store_idx %arg10[%shift_right_logical3A_996, %add3A_1008], %add3A_1005 : memref<8x1024xf32, #tpu.memory_space<vmem>>[vector<16xi32>, vector<16xi32>], vector<16xf32>,
      %gather3A_1009 = tpu.vector_load_idx %arg8[%add3A_759, %add3A_992] : memref<128x64xf32, #tpu.memory_space<vmem>>[vector<16xi32>, vector<16xi32>], vector<16xf32>,
      %add3A_1010 = arith.addf %gather3A_1009, %gather3A_993 : vector<16xf32>
      %add3A_1011 = arith.constant 16 : i32
      %add3A_1012 = vector.broadcast %add3A_1011 : i32 to vector<16xi32>
      %add3A_1013 = arith.addi %add3A_1003, %add3A_1012 : vector<16xi32>
      tpu.vector_store_idx %arg10[%shift_right_logical3A_996, %add3A_1013], %add3A_1010 : memref<8x1024xf32, #tpu.memory_space<vmem>>[vector<16xi32>, vector<16xi32>], vector<16xf32>,
      %gather3A_1014 = tpu.vector_load_idx %arg8[%add3A_762, %add3A_992] : memref<128x64xf32, #tpu.memory_space<vmem>>[vector<16xi32>, vector<16xi32>], vector<16xf32>,
      %add3A_1015 = arith.addf %gather3A_1014, %gather3A_993 : vector<16xf32>
      %add3A_1016 = arith.constant 32 : i32
      %add3A_1017 = vector.broadcast %add3A_1016 : i32 to vector<16xi32>
      %add3A_1018 = arith.addi %add3A_1003, %add3A_1017 : vector<16xi32>
      tpu.vector_store_idx %arg10[%shift_right_logical3A_996, %add3A_1018], %add3A_1015 : memref<8x1024xf32, #tpu.memory_space<vmem>>[vector<16xi32>, vector<16xi32>], vector<16xf32>,
      %gather3A_1019 = tpu.vector_load_idx %arg8[%add3A_765, %add3A_992] : memref<128x64xf32, #tpu.memory_space<vmem>>[vector<16xi32>, vector<16xi32>], vector<16xf32>,
      %add3A_1020 = arith.addf %gather3A_1019, %gather3A_993 : vector<16xf32>
      %add3A_1021 = arith.constant 48 : i32
      %add3A_1022 = vector.broadcast %add3A_1021 : i32 to vector<16xi32>
      %add3A_1023 = arith.addi %add3A_1003, %add3A_1022 : vector<16xi32>
      tpu.vector_store_idx %arg10[%shift_right_logical3A_996, %add3A_1023], %add3A_1020 : memref<8x1024xf32, #tpu.memory_space<vmem>>[vector<16xi32>, vector<16xi32>], vector<16xf32>,
      %gather3A_1024 = tpu.vector_load_idx %arg8[%add3A_768, %add3A_992] : memref<128x64xf32, #tpu.memory_space<vmem>>[vector<16xi32>, vector<16xi32>], vector<16xf32>,
      %add3A_1025 = arith.addf %gather3A_1024, %gather3A_993 : vector<16xf32>
      %add3A_1026 = arith.constant 64 : i32
      %add3A_1027 = vector.broadcast %add3A_1026 : i32 to vector<16xi32>
      %add3A_1028 = arith.addi %add3A_1003, %add3A_1027 : vector<16xi32>
      tpu.vector_store_idx %arg10[%shift_right_logical3A_996, %add3A_1028], %add3A_1025 : memref<8x1024xf32, #tpu.memory_space<vmem>>[vector<16xi32>, vector<16xi32>], vector<16xf32>,
      %gather3A_1029 = tpu.vector_load_idx %arg8[%add3A_771, %add3A_992] : memref<128x64xf32, #tpu.memory_space<vmem>>[vector<16xi32>, vector<16xi32>], vector<16xf32>,
      %add3A_1030 = arith.addf %gather3A_1029, %gather3A_993 : vector<16xf32>
      %add3A_1031 = arith.constant 80 : i32
      %add3A_1032 = vector.broadcast %add3A_1031 : i32 to vector<16xi32>
      %add3A_1033 = arith.addi %add3A_1003, %add3A_1032 : vector<16xi32>
      tpu.vector_store_idx %arg10[%shift_right_logical3A_996, %add3A_1033], %add3A_1030 : memref<8x1024xf32, #tpu.memory_space<vmem>>[vector<16xi32>, vector<16xi32>], vector<16xf32>,
      %gather3A_1034 = tpu.vector_load_idx %arg8[%add3A_774, %add3A_992] : memref<128x64xf32, #tpu.memory_space<vmem>>[vector<16xi32>, vector<16xi32>], vector<16xf32>,
      %add3A_1035 = arith.addf %gather3A_1034, %gather3A_993 : vector<16xf32>
      %add3A_1036 = arith.constant 96 : i32
      %add3A_1037 = vector.broadcast %add3A_1036 : i32 to vector<16xi32>
      %add3A_1038 = arith.addi %add3A_1003, %add3A_1037 : vector<16xi32>
      tpu.vector_store_idx %arg10[%shift_right_logical3A_996, %add3A_1038], %add3A_1035 : memref<8x1024xf32, #tpu.memory_space<vmem>>[vector<16xi32>, vector<16xi32>], vector<16xf32>,
      %gather3A_1039 = tpu.vector_load_idx %arg8[%add3A_777, %add3A_992] : memref<128x64xf32, #tpu.memory_space<vmem>>[vector<16xi32>, vector<16xi32>], vector<16xf32>,
      %add3A_1040 = arith.addf %gather3A_1039, %gather3A_993 : vector<16xf32>
      %add3A_1041 = arith.constant 112 : i32
      %add3A_1042 = vector.broadcast %add3A_1041 : i32 to vector<16xi32>
      %add3A_1043 = arith.addi %add3A_1003, %add3A_1042 : vector<16xi32>
      tpu.vector_store_idx %arg10[%shift_right_logical3A_996, %add3A_1043], %add3A_1040 : memref<8x1024xf32, #tpu.memory_space<vmem>>[vector<16xi32>, vector<16xi32>], vector<16xf32>,
      %add3A_1044 = arith.constant 48 : i32
      %add3A_1045 = vector.broadcast %add3A_1044 : i32 to vector<16xi32>
      %add3A_1046 = arith.addi %and3A_883, %add3A_1045 : vector<16xi32>
      %gather3A_1047 = tpu.vector_load_idx %arg7[%add3A_804, %add3A_1046] : memref<200x64xf32, #tpu.memory_space<vmem>>[vector<16xi32>, vector<16xi32>], vector<16xf32>,
      %shift_right_logical3A_1048 = arith.constant 3 : i32
      %shift_right_logical3A_1049 = vector.broadcast %shift_right_logical3A_1048 : i32 to vector<16xi32>
      %shift_right_logical3A_1050 = arith.shrui %add3A_1046, %shift_right_logical3A_1049 : vector<16xi32>
      %and3A_1051 = arith.constant 7 : i32
      %and3A_1052 = vector.broadcast %and3A_1051 : i32 to vector<16xi32>
      %and3A_1053 = arith.andi %add3A_1046, %and3A_1052 : vector<16xi32>
      %mul3A_1054 = arith.constant 128 : i32
      %mul3A_1055 = vector.broadcast %mul3A_1054 : i32 to vector<16xi32>
      %mul3A_1056 = arith.muli %and3A_1053, %mul3A_1055 : vector<16xi32>
      %add3A_1057 = arith.addi %mul3A_1056, %iota3A : vector<16xi32>
      %gather3A_1058 = tpu.vector_load_idx %arg8[%add3A_756, %add3A_1046] : memref<128x64xf32, #tpu.memory_space<vmem>>[vector<16xi32>, vector<16xi32>], vector<16xf32>,
      %add3A_1059 = arith.addf %gather3A_1058, %gather3A_1047 : vector<16xf32>
      %add3A_1060 = arith.constant 0 : i32
      %add3A_1061 = vector.broadcast %add3A_1060 : i32 to vector<16xi32>
      %add3A_1062 = arith.addi %add3A_1057, %add3A_1061 : vector<16xi32>
      tpu.vector_store_idx %arg10[%shift_right_logical3A_1050, %add3A_1062], %add3A_1059 : memref<8x1024xf32, #tpu.memory_space<vmem>>[vector<16xi32>, vector<16xi32>], vector<16xf32>,
      %gather3A_1063 = tpu.vector_load_idx %arg8[%add3A_759, %add3A_1046] : memref<128x64xf32, #tpu.memory_space<vmem>>[vector<16xi32>, vector<16xi32>], vector<16xf32>,
      %add3A_1064 = arith.addf %gather3A_1063, %gather3A_1047 : vector<16xf32>
      %add3A_1065 = arith.constant 16 : i32
      %add3A_1066 = vector.broadcast %add3A_1065 : i32 to vector<16xi32>
      %add3A_1067 = arith.addi %add3A_1057, %add3A_1066 : vector<16xi32>
      tpu.vector_store_idx %arg10[%shift_right_logical3A_1050, %add3A_1067], %add3A_1064 : memref<8x1024xf32, #tpu.memory_space<vmem>>[vector<16xi32>, vector<16xi32>], vector<16xf32>,
      %gather3A_1068 = tpu.vector_load_idx %arg8[%add3A_762, %add3A_1046] : memref<128x64xf32, #tpu.memory_space<vmem>>[vector<16xi32>, vector<16xi32>], vector<16xf32>,
      %add3A_1069 = arith.addf %gather3A_1068, %gather3A_1047 : vector<16xf32>
      %add3A_1070 = arith.constant 32 : i32
      %add3A_1071 = vector.broadcast %add3A_1070 : i32 to vector<16xi32>
      %add3A_1072 = arith.addi %add3A_1057, %add3A_1071 : vector<16xi32>
      tpu.vector_store_idx %arg10[%shift_right_logical3A_1050, %add3A_1072], %add3A_1069 : memref<8x1024xf32, #tpu.memory_space<vmem>>[vector<16xi32>, vector<16xi32>], vector<16xf32>,
      %gather3A_1073 = tpu.vector_load_idx %arg8[%add3A_765, %add3A_1046] : memref<128x64xf32, #tpu.memory_space<vmem>>[vector<16xi32>, vector<16xi32>], vector<16xf32>,
      %add3A_1074 = arith.addf %gather3A_1073, %gather3A_1047 : vector<16xf32>
      %add3A_1075 = arith.constant 48 : i32
      %add3A_1076 = vector.broadcast %add3A_1075 : i32 to vector<16xi32>
      %add3A_1077 = arith.addi %add3A_1057, %add3A_1076 : vector<16xi32>
      tpu.vector_store_idx %arg10[%shift_right_logical3A_1050, %add3A_1077], %add3A_1074 : memref<8x1024xf32, #tpu.memory_space<vmem>>[vector<16xi32>, vector<16xi32>], vector<16xf32>,
      %gather3A_1078 = tpu.vector_load_idx %arg8[%add3A_768, %add3A_1046] : memref<128x64xf32, #tpu.memory_space<vmem>>[vector<16xi32>, vector<16xi32>], vector<16xf32>,
      %add3A_1079 = arith.addf %gather3A_1078, %gather3A_1047 : vector<16xf32>
      %add3A_1080 = arith.constant 64 : i32
      %add3A_1081 = vector.broadcast %add3A_1080 : i32 to vector<16xi32>
      %add3A_1082 = arith.addi %add3A_1057, %add3A_1081 : vector<16xi32>
      tpu.vector_store_idx %arg10[%shift_right_logical3A_1050, %add3A_1082], %add3A_1079 : memref<8x1024xf32, #tpu.memory_space<vmem>>[vector<16xi32>, vector<16xi32>], vector<16xf32>,
      %gather3A_1083 = tpu.vector_load_idx %arg8[%add3A_771, %add3A_1046] : memref<128x64xf32, #tpu.memory_space<vmem>>[vector<16xi32>, vector<16xi32>], vector<16xf32>,
      %add3A_1084 = arith.addf %gather3A_1083, %gather3A_1047 : vector<16xf32>
      %add3A_1085 = arith.constant 80 : i32
      %add3A_1086 = vector.broadcast %add3A_1085 : i32 to vector<16xi32>
      %add3A_1087 = arith.addi %add3A_1057, %add3A_1086 : vector<16xi32>
      tpu.vector_store_idx %arg10[%shift_right_logical3A_1050, %add3A_1087], %add3A_1084 : memref<8x1024xf32, #tpu.memory_space<vmem>>[vector<16xi32>, vector<16xi32>], vector<16xf32>,
      %gather3A_1088 = tpu.vector_load_idx %arg8[%add3A_774, %add3A_1046] : memref<128x64xf32, #tpu.memory_space<vmem>>[vector<16xi32>, vector<16xi32>], vector<16xf32>,
      %add3A_1089 = arith.addf %gather3A_1088, %gather3A_1047 : vector<16xf32>
      %add3A_1090 = arith.constant 96 : i32
      %add3A_1091 = vector.broadcast %add3A_1090 : i32 to vector<16xi32>
      %add3A_1092 = arith.addi %add3A_1057, %add3A_1091 : vector<16xi32>
      tpu.vector_store_idx %arg10[%shift_right_logical3A_1050, %add3A_1092], %add3A_1089 : memref<8x1024xf32, #tpu.memory_space<vmem>>[vector<16xi32>, vector<16xi32>], vector<16xf32>,
      %gather3A_1093 = tpu.vector_load_idx %arg8[%add3A_777, %add3A_1046] : memref<128x64xf32, #tpu.memory_space<vmem>>[vector<16xi32>, vector<16xi32>], vector<16xf32>,
      %add3A_1094 = arith.addf %gather3A_1093, %gather3A_1047 : vector<16xf32>
      %add3A_1095 = arith.constant 112 : i32
      %add3A_1096 = vector.broadcast %add3A_1095 : i32 to vector<16xi32>
      %add3A_1097 = arith.addi %add3A_1057, %add3A_1096 : vector<16xi32>
      tpu.vector_store_idx %arg10[%shift_right_logical3A_1050, %add3A_1097], %add3A_1094 : memref<8x1024xf32, #tpu.memory_space<vmem>>[vector<16xi32>, vector<16xi32>], vector<16xf32>,
    }
    %scan3A_810 = arith.constant 16 : i32
    %dma_start3A_811 = arith.constant 0 : i32
    %dma_start3A_812 = arith.constant 0 : i32
    %dma_start3A_813 = arith.constant 0 : i32
    %dma_start3A_814 = tpu.memref_slice %arg5[%dma_start3A_811, %dma_start3A_812, %add3A, %dma_start3A_813] : memref<200x8x32x1024xf32, #tpu.memory_space<hbm>> -> memref<1x8x1x1024xf32, #tpu.memory_space<hbm>>
    %dma_start3A_815 = tpu.memref_squeeze %dma_start3A_814 : memref<1x8x1x1024xf32, #tpu.memory_space<hbm>> -> memref<8x1024xf32, #tpu.memory_space<hbm>>
    %dma_start3A_816 = arith.constant 0 : i32
    %dma_start3A_817 = arith.constant 0 : i32
    %dma_start3A_818 = tpu.memref_slice %arg5[%dma_start3A_811, %dma_start3A_816, %add3A, %dma_start3A_817] : memref<200x8x32x1024xf32, #tpu.memory_space<hbm>> -> memref<1x8x1x1024xf32, #tpu.memory_space<hbm>>
    %dma_start3A_819 = tpu.memref_squeeze %dma_start3A_818 : memref<1x8x1x1024xf32, #tpu.memory_space<hbm>> -> memref<8x1024xf32, #tpu.memory_space<hbm>>
    tpu.enqueue_dma source(%arg10 : memref<8x1024xf32, #tpu.memory_space<vmem>>) target(%dma_start3A_819 : memref<8x1024xf32, #tpu.memory_space<hbm>>) target_semaphore(%arg15 : memref<!tpu.dma_semaphore, #tpu.memory_space<semaphore_mem>>)
    %dma_start3A_820 = arith.constant 2 : i32
    %dma_start3A_821 = arith.constant 0 : i32
    %dma_start3A_822 = tpu.memref_slice %arg6[%dma_start3A_820, %dma_start3A_821] : memref<200x128xi32, #tpu.memory_space<vmem>> -> memref<1x128xi32, #tpu.memory_space<vmem>>
    %dma_start3A_823 = tpu.memref_squeeze %dma_start3A_822 : memref<1x128xi32, #tpu.memory_space<vmem>> -> memref<128xi32, #tpu.memory_space<vmem>>
    %dma_start3A_824 = arith.constant 0 : i32
    %dma_start3A_825 = arith.constant 0 : i32
    %dma_start3A_826 = tpu.memref_slice %arg3[%dma_start3A_824, %dma_start3A_825] : memref<2000000x64xf32, #tpu.memory_space<hbm>> -> memref<2000000x64xf32, #tpu.memory_space<hbm>>
    tpu.enqueue_indirect_dma source(%dma_start3A_826 : memref<2000000x64xf32, #tpu.memory_space<hbm>>) target(%arg8 : memref<128x64xf32, #tpu.memory_space<vmem>>) offsets(%dma_start3A_823 : memref<128xi32, #tpu.memory_space<vmem>>) semaphore(%arg13 : memref<!tpu.dma_semaphore, #tpu.memory_space<semaphore_mem>>)
    %dma_wait3A_827 = arith.constant 1 : i32
    %dma_wait3A_828 = arith.constant 0 : i32
    %dma_wait3A_829 = tpu.memref_slice %arg6[%dma_wait3A_827, %dma_wait3A_828] : memref<200x128xi32, #tpu.memory_space<vmem>> -> memref<1x128xi32, #tpu.memory_space<vmem>>
    %dma_wait3A_830 = tpu.memref_squeeze %dma_wait3A_829 : memref<1x128xi32, #tpu.memory_space<vmem>> -> memref<128xi32, #tpu.memory_space<vmem>>
    %dma_wait3A_831 = arith.constant 0 : i32
    %dma_wait3A_832 = arith.constant 0 : i32
    %dma_wait3A_833 = tpu.memref_slice %arg3[%dma_wait3A_831, %dma_wait3A_832] : memref<2000000x64xf32, #tpu.memory_space<hbm>> -> memref<2000000x64xf32, #tpu.memory_space<hbm>>
    tpu.wait_indirect_dma semaphore(%arg14 : memref<!tpu.dma_semaphore, #tpu.memory_space<semaphore_mem>>) src(%dma_wait3A_833 : memref<2000000x64xf32, #tpu.memory_space<hbm>>) dst(%arg9 : memref<128x64xf32, #tpu.memory_space<vmem>>)
    %mul3A_834 = arith.constant 0 : i32
    %mul3A_835 = vector.broadcast %mul3A_834 : i32 to vector<16xi32>
    %mul3A_836 = arith.muli %iota3A, %mul3A_835 : vector<16xi32>
    %add3A_837 = arith.constant 1 : i32
    %add3A_838 = vector.broadcast %add3A_837 : i32 to vector<16xi32>
    %add3A_839 = arith.addi %mul3A_836, %add3A_838 : vector<16xi32>
    %scan3A_840 = arith.constant 0 : i32
    %scan3A_841 = arith.constant 0 : i32
    %scan3A_842 = arith.constant 16 : i32
    %scan3A_843 = arith.addi %scan3A_841, %scan3A_842 : i32
    %scan3A_844 = arith.constant 1 : i32
    scf.for %scan3A_879 = %scan3A_841 to %scan3A_843 step %scan3A_844  : i32 {
      %add3A_880 = vector.broadcast %scan3A_879 : i32 to vector<16xi32>
      %add3A_881 = arith.addi %iota3A, %add3A_880 : vector<16xi32>
      %and3A = arith.constant 15 : i32
      %and3A_882 = vector.broadcast %and3A : i32 to vector<16xi32>
      %and3A_883 = arith.andi %add3A_881, %and3A_882 : vector<16xi32>
      %add3A_884 = arith.constant 0 : i32
      %add3A_885 = vector.broadcast %add3A_884 : i32 to vector<16xi32>
      %add3A_886 = arith.addi %and3A_883, %add3A_885 : vector<16xi32>
      %gather3A = tpu.vector_load_idx %arg7[%add3A_839, %add3A_886] : memref<200x64xf32, #tpu.memory_space<vmem>>[vector<16xi32>, vector<16xi32>], vector<16xf32>,
      %shift_right_logical3A = arith.constant 3 : i32
      %shift_right_logical3A_887 = vector.broadcast %shift_right_logical3A : i32 to vector<16xi32>
      %shift_right_logical3A_888 = arith.shrui %add3A_886, %shift_right_logical3A_887 : vector<16xi32>
      %and3A_889 = arith.constant 7 : i32
      %and3A_890 = vector.broadcast %and3A_889 : i32 to vector<16xi32>
      %and3A_891 = arith.andi %add3A_886, %and3A_890 : vector<16xi32>
      %mul3A_892 = arith.constant 128 : i32
      %mul3A_893 = vector.broadcast %mul3A_892 : i32 to vector<16xi32>
      %mul3A_894 = arith.muli %and3A_891, %mul3A_893 : vector<16xi32>
      %add3A_895 = arith.addi %mul3A_894, %iota3A : vector<16xi32>
      %gather3A_896 = tpu.vector_load_idx %arg9[%add3A_756, %add3A_886] : memref<128x64xf32, #tpu.memory_space<vmem>>[vector<16xi32>, vector<16xi32>], vector<16xf32>,
      %add3A_897 = arith.addf %gather3A_896, %gather3A : vector<16xf32>
      %add3A_898 = arith.constant 0 : i32
      %add3A_899 = vector.broadcast %add3A_898 : i32 to vector<16xi32>
      %add3A_900 = arith.addi %add3A_895, %add3A_899 : vector<16xi32>
      tpu.vector_store_idx %arg11[%shift_right_logical3A_888, %add3A_900], %add3A_897 : memref<8x1024xf32, #tpu.memory_space<vmem>>[vector<16xi32>, vector<16xi32>], vector<16xf32>,
      %gather3A_901 = tpu.vector_load_idx %arg9[%add3A_759, %add3A_886] : memref<128x64xf32, #tpu.memory_space<vmem>>[vector<16xi32>, vector<16xi32>], vector<16xf32>,
      %add3A_902 = arith.addf %gather3A_901, %gather3A : vector<16xf32>
      %add3A_903 = arith.constant 16 : i32
      %add3A_904 = vector.broadcast %add3A_903 : i32 to vector<16xi32>
      %add3A_905 = arith.addi %add3A_895, %add3A_904 : vector<16xi32>
      tpu.vector_store_idx %arg11[%shift_right_logical3A_888, %add3A_905], %add3A_902 : memref<8x1024xf32, #tpu.memory_space<vmem>>[vector<16xi32>, vector<16xi32>], vector<16xf32>,
      %gather3A_906 = tpu.vector_load_idx %arg9[%add3A_762, %add3A_886] : memref<128x64xf32, #tpu.memory_space<vmem>>[vector<16xi32>, vector<16xi32>], vector<16xf32>,
      %add3A_907 = arith.addf %gather3A_906, %gather3A : vector<16xf32>
      %add3A_908 = arith.constant 32 : i32
      %add3A_909 = vector.broadcast %add3A_908 : i32 to vector<16xi32>
      %add3A_910 = arith.addi %add3A_895, %add3A_909 : vector<16xi32>
      tpu.vector_store_idx %arg11[%shift_right_logical3A_888, %add3A_910], %add3A_907 : memref<8x1024xf32, #tpu.memory_space<vmem>>[vector<16xi32>, vector<16xi32>], vector<16xf32>,
      %gather3A_911 = tpu.vector_load_idx %arg9[%add3A_765, %add3A_886] : memref<128x64xf32, #tpu.memory_space<vmem>>[vector<16xi32>, vector<16xi32>], vector<16xf32>,
      %add3A_912 = arith.addf %gather3A_911, %gather3A : vector<16xf32>
      %add3A_913 = arith.constant 48 : i32
      %add3A_914 = vector.broadcast %add3A_913 : i32 to vector<16xi32>
      %add3A_915 = arith.addi %add3A_895, %add3A_914 : vector<16xi32>
      tpu.vector_store_idx %arg11[%shift_right_logical3A_888, %add3A_915], %add3A_912 : memref<8x1024xf32, #tpu.memory_space<vmem>>[vector<16xi32>, vector<16xi32>], vector<16xf32>,
      %gather3A_916 = tpu.vector_load_idx %arg9[%add3A_768, %add3A_886] : memref<128x64xf32, #tpu.memory_space<vmem>>[vector<16xi32>, vector<16xi32>], vector<16xf32>,
      %add3A_917 = arith.addf %gather3A_916, %gather3A : vector<16xf32>
      %add3A_918 = arith.constant 64 : i32
      %add3A_919 = vector.broadcast %add3A_918 : i32 to vector<16xi32>
      %add3A_920 = arith.addi %add3A_895, %add3A_919 : vector<16xi32>
      tpu.vector_store_idx %arg11[%shift_right_logical3A_888, %add3A_920], %add3A_917 : memref<8x1024xf32, #tpu.memory_space<vmem>>[vector<16xi32>, vector<16xi32>], vector<16xf32>,
      %gather3A_921 = tpu.vector_load_idx %arg9[%add3A_771, %add3A_886] : memref<128x64xf32, #tpu.memory_space<vmem>>[vector<16xi32>, vector<16xi32>], vector<16xf32>,
      %add3A_922 = arith.addf %gather3A_921, %gather3A : vector<16xf32>
      %add3A_923 = arith.constant 80 : i32
      %add3A_924 = vector.broadcast %add3A_923 : i32 to vector<16xi32>
      %add3A_925 = arith.addi %add3A_895, %add3A_924 : vector<16xi32>
      tpu.vector_store_idx %arg11[%shift_right_logical3A_888, %add3A_925], %add3A_922 : memref<8x1024xf32, #tpu.memory_space<vmem>>[vector<16xi32>, vector<16xi32>], vector<16xf32>,
      %gather3A_926 = tpu.vector_load_idx %arg9[%add3A_774, %add3A_886] : memref<128x64xf32, #tpu.memory_space<vmem>>[vector<16xi32>, vector<16xi32>], vector<16xf32>,
      %add3A_927 = arith.addf %gather3A_926, %gather3A : vector<16xf32>
      %add3A_928 = arith.constant 96 : i32
      %add3A_929 = vector.broadcast %add3A_928 : i32 to vector<16xi32>
      %add3A_930 = arith.addi %add3A_895, %add3A_929 : vector<16xi32>
      tpu.vector_store_idx %arg11[%shift_right_logical3A_888, %add3A_930], %add3A_927 : memref<8x1024xf32, #tpu.memory_space<vmem>>[vector<16xi32>, vector<16xi32>], vector<16xf32>,
      %gather3A_931 = tpu.vector_load_idx %arg9[%add3A_777, %add3A_886] : memref<128x64xf32, #tpu.memory_space<vmem>>[vector<16xi32>, vector<16xi32>], vector<16xf32>,
      %add3A_932 = arith.addf %gather3A_931, %gather3A : vector<16xf32>
      %add3A_933 = arith.constant 112 : i32
      %add3A_934 = vector.broadcast %add3A_933 : i32 to vector<16xi32>
      %add3A_935 = arith.addi %add3A_895, %add3A_934 : vector<16xi32>
      tpu.vector_store_idx %arg11[%shift_right_logical3A_888, %add3A_935], %add3A_932 : memref<8x1024xf32, #tpu.memory_space<vmem>>[vector<16xi32>, vector<16xi32>], vector<16xf32>,
      %add3A_936 = arith.constant 16 : i32
      %add3A_937 = vector.broadcast %add3A_936 : i32 to vector<16xi32>
      %add3A_938 = arith.addi %and3A_883, %add3A_937 : vector<16xi32>
      %gather3A_939 = tpu.vector_load_idx %arg7[%add3A_839, %add3A_938] : memref<200x64xf32, #tpu.memory_space<vmem>>[vector<16xi32>, vector<16xi32>], vector<16xf32>,
      %shift_right_logical3A_940 = arith.constant 3 : i32
      %shift_right_logical3A_941 = vector.broadcast %shift_right_logical3A_940 : i32 to vector<16xi32>
      %shift_right_logical3A_942 = arith.shrui %add3A_938, %shift_right_logical3A_941 : vector<16xi32>
      %and3A_943 = arith.constant 7 : i32
      %and3A_944 = vector.broadcast %and3A_943 : i32 to vector<16xi32>
      %and3A_945 = arith.andi %add3A_938, %and3A_944 : vector<16xi32>
      %mul3A_946 = arith.constant 128 : i32
      %mul3A_947 = vector.broadcast %mul3A_946 : i32 to vector<16xi32>
      %mul3A_948 = arith.muli %and3A_945, %mul3A_947 : vector<16xi32>
      %add3A_949 = arith.addi %mul3A_948, %iota3A : vector<16xi32>
      %gather3A_950 = tpu.vector_load_idx %arg9[%add3A_756, %add3A_938] : memref<128x64xf32, #tpu.memory_space<vmem>>[vector<16xi32>, vector<16xi32>], vector<16xf32>,
      %add3A_951 = arith.addf %gather3A_950, %gather3A_939 : vector<16xf32>
      %add3A_952 = arith.constant 0 : i32
      %add3A_953 = vector.broadcast %add3A_952 : i32 to vector<16xi32>
      %add3A_954 = arith.addi %add3A_949, %add3A_953 : vector<16xi32>
      tpu.vector_store_idx %arg11[%shift_right_logical3A_942, %add3A_954], %add3A_951 : memref<8x1024xf32, #tpu.memory_space<vmem>>[vector<16xi32>, vector<16xi32>], vector<16xf32>,
      %gather3A_955 = tpu.vector_load_idx %arg9[%add3A_759, %add3A_938] : memref<128x64xf32, #tpu.memory_space<vmem>>[vector<16xi32>, vector<16xi32>], vector<16xf32>,
      %add3A_956 = arith.addf %gather3A_955, %gather3A_939 : vector<16xf32>
      %add3A_957 = arith.constant 16 : i32
      %add3A_958 = vector.broadcast %add3A_957 : i32 to vector<16xi32>
      %add3A_959 = arith.addi %add3A_949, %add3A_958 : vector<16xi32>
      tpu.vector_store_idx %arg11[%shift_right_logical3A_942, %add3A_959], %add3A_956 : memref<8x1024xf32, #tpu.memory_space<vmem>>[vector<16xi32>, vector<16xi32>], vector<16xf32>,
      %gather3A_960 = tpu.vector_load_idx %arg9[%add3A_762, %add3A_938] : memref<128x64xf32, #tpu.memory_space<vmem>>[vector<16xi32>, vector<16xi32>], vector<16xf32>,
      %add3A_961 = arith.addf %gather3A_960, %gather3A_939 : vector<16xf32>
      %add3A_962 = arith.constant 32 : i32
      %add3A_963 = vector.broadcast %add3A_962 : i32 to vector<16xi32>
      %add3A_964 = arith.addi %add3A_949, %add3A_963 : vector<16xi32>
      tpu.vector_store_idx %arg11[%shift_right_logical3A_942, %add3A_964], %add3A_961 : memref<8x1024xf32, #tpu.memory_space<vmem>>[vector<16xi32>, vector<16xi32>], vector<16xf32>,
      %gather3A_965 = tpu.vector_load_idx %arg9[%add3A_765, %add3A_938] : memref<128x64xf32, #tpu.memory_space<vmem>>[vector<16xi32>, vector<16xi32>], vector<16xf32>,
      %add3A_966 = arith.addf %gather3A_965, %gather3A_939 : vector<16xf32>
      %add3A_967 = arith.constant 48 : i32
      %add3A_968 = vector.broadcast %add3A_967 : i32 to vector<16xi32>
      %add3A_969 = arith.addi %add3A_949, %add3A_968 : vector<16xi32>
      tpu.vector_store_idx %arg11[%shift_right_logical3A_942, %add3A_969], %add3A_966 : memref<8x1024xf32, #tpu.memory_space<vmem>>[vector<16xi32>, vector<16xi32>], vector<16xf32>,
      %gather3A_970 = tpu.vector_load_idx %arg9[%add3A_768, %add3A_938] : memref<128x64xf32, #tpu.memory_space<vmem>>[vector<16xi32>, vector<16xi32>], vector<16xf32>,
      %add3A_971 = arith.addf %gather3A_970, %gather3A_939 : vector<16xf32>
      %add3A_972 = arith.constant 64 : i32
      %add3A_973 = vector.broadcast %add3A_972 : i32 to vector<16xi32>
      %add3A_974 = arith.addi %add3A_949, %add3A_973 : vector<16xi32>
      tpu.vector_store_idx %arg11[%shift_right_logical3A_942, %add3A_974], %add3A_971 : memref<8x1024xf32, #tpu.memory_space<vmem>>[vector<16xi32>, vector<16xi32>], vector<16xf32>,
      %gather3A_975 = tpu.vector_load_idx %arg9[%add3A_771, %add3A_938] : memref<128x64xf32, #tpu.memory_space<vmem>>[vector<16xi32>, vector<16xi32>], vector<16xf32>,
      %add3A_976 = arith.addf %gather3A_975, %gather3A_939 : vector<16xf32>
      %add3A_977 = arith.constant 80 : i32
      %add3A_978 = vector.broadcast %add3A_977 : i32 to vector<16xi32>
      %add3A_979 = arith.addi %add3A_949, %add3A_978 : vector<16xi32>
      tpu.vector_store_idx %arg11[%shift_right_logical3A_942, %add3A_979], %add3A_976 : memref<8x1024xf32, #tpu.memory_space<vmem>>[vector<16xi32>, vector<16xi32>], vector<16xf32>,
      %gather3A_980 = tpu.vector_load_idx %arg9[%add3A_774, %add3A_938] : memref<128x64xf32, #tpu.memory_space<vmem>>[vector<16xi32>, vector<16xi32>], vector<16xf32>,
      %add3A_981 = arith.addf %gather3A_980, %gather3A_939 : vector<16xf32>
      %add3A_982 = arith.constant 96 : i32
      %add3A_983 = vector.broadcast %add3A_982 : i32 to vector<16xi32>
      %add3A_984 = arith.addi %add3A_949, %add3A_983 : vector<16xi32>
      tpu.vector_store_idx %arg11[%shift_right_logical3A_942, %add3A_984], %add3A_981 : memref<8x1024xf32, #tpu.memory_space<vmem>>[vector<16xi32>, vector<16xi32>], vector<16xf32>,
      %gather3A_985 = tpu.vector_load_idx %arg9[%add3A_777, %add3A_938] : memref<128x64xf32, #tpu.memory_space<vmem>>[vector<16xi32>, vector<16xi32>], vector<16xf32>,
      %add3A_986 = arith.addf %gather3A_985, %gather3A_939 : vector<16xf32>
      %add3A_987 = arith.constant 112 : i32
      %add3A_988 = vector.broadcast %add3A_987 : i32 to vector<16xi32>
      %add3A_989 = arith.addi %add3A_949, %add3A_988 : vector<16xi32>
      tpu.vector_store_idx %arg11[%shift_right_logical3A_942, %add3A_989], %add3A_986 : memref<8x1024xf32, #tpu.memory_space<vmem>>[vector<16xi32>, vector<16xi32>], vector<16xf32>,
      %add3A_990 = arith.constant 32 : i32
      %add3A_991 = vector.broadcast %add3A_990 : i32 to vector<16xi32>
      %add3A_992 = arith.addi %and3A_883, %add3A_991 : vector<16xi32>
      %gather3A_993 = tpu.vector_load_idx %arg7[%add3A_839, %add3A_992] : memref<200x64xf32, #tpu.memory_space<vmem>>[vector<16xi32>, vector<16xi32>], vector<16xf32>,
      %shift_right_logical3A_994 = arith.constant 3 : i32
      %shift_right_logical3A_995 = vector.broadcast %shift_right_logical3A_994 : i32 to vector<16xi32>
      %shift_right_logical3A_996 = arith.shrui %add3A_992, %shift_right_logical3A_995 : vector<16xi32>
      %and3A_997 = arith.constant 7 : i32
      %and3A_998 = vector.broadcast %and3A_997 : i32 to vector<16xi32>
      %and3A_999 = arith.andi %add3A_992, %and3A_998 : vector<16xi32>
      %mul3A_1000 = arith.constant 128 : i32
      %mul3A_1001 = vector.broadcast %mul3A_1000 : i32 to vector<16xi32>
      %mul3A_1002 = arith.muli %and3A_999, %mul3A_1001 : vector<16xi32>
      %add3A_1003 = arith.addi %mul3A_1002, %iota3A : vector<16xi32>
      %gather3A_1004 = tpu.vector_load_idx %arg9[%add3A_756, %add3A_992] : memref<128x64xf32, #tpu.memory_space<vmem>>[vector<16xi32>, vector<16xi32>], vector<16xf32>,
      %add3A_1005 = arith.addf %gather3A_1004, %gather3A_993 : vector<16xf32>
      %add3A_1006 = arith.constant 0 : i32
      %add3A_1007 = vector.broadcast %add3A_1006 : i32 to vector<16xi32>
      %add3A_1008 = arith.addi %add3A_1003, %add3A_1007 : vector<16xi32>
      tpu.vector_store_idx %arg11[%shift_right_logical3A_996, %add3A_1008], %add3A_1005 : memref<8x1024xf32, #tpu.memory_space<vmem>>[vector<16xi32>, vector<16xi32>], vector<16xf32>,
      %gather3A_1009 = tpu.vector_load_idx %arg9[%add3A_759, %add3A_992] : memref<128x64xf32, #tpu.memory_space<vmem>>[vector<16xi32>, vector<16xi32>], vector<16xf32>,
      %add3A_1010 = arith.addf %gather3A_1009, %gather3A_993 : vector<16xf32>
      %add3A_1011 = arith.constant 16 : i32
      %add3A_1012 = vector.broadcast %add3A_1011 : i32 to vector<16xi32>
      %add3A_1013 = arith.addi %add3A_1003, %add3A_1012 : vector<16xi32>
      tpu.vector_store_idx %arg11[%shift_right_logical3A_996, %add3A_1013], %add3A_1010 : memref<8x1024xf32, #tpu.memory_space<vmem>>[vector<16xi32>, vector<16xi32>], vector<16xf32>,
      %gather3A_1014 = tpu.vector_load_idx %arg9[%add3A_762, %add3A_992] : memref<128x64xf32, #tpu.memory_space<vmem>>[vector<16xi32>, vector<16xi32>], vector<16xf32>,
      %add3A_1015 = arith.addf %gather3A_1014, %gather3A_993 : vector<16xf32>
      %add3A_1016 = arith.constant 32 : i32
      %add3A_1017 = vector.broadcast %add3A_1016 : i32 to vector<16xi32>
      %add3A_1018 = arith.addi %add3A_1003, %add3A_1017 : vector<16xi32>
      tpu.vector_store_idx %arg11[%shift_right_logical3A_996, %add3A_1018], %add3A_1015 : memref<8x1024xf32, #tpu.memory_space<vmem>>[vector<16xi32>, vector<16xi32>], vector<16xf32>,
      %gather3A_1019 = tpu.vector_load_idx %arg9[%add3A_765, %add3A_992] : memref<128x64xf32, #tpu.memory_space<vmem>>[vector<16xi32>, vector<16xi32>], vector<16xf32>,
      %add3A_1020 = arith.addf %gather3A_1019, %gather3A_993 : vector<16xf32>
      %add3A_1021 = arith.constant 48 : i32
      %add3A_1022 = vector.broadcast %add3A_1021 : i32 to vector<16xi32>
      %add3A_1023 = arith.addi %add3A_1003, %add3A_1022 : vector<16xi32>
      tpu.vector_store_idx %arg11[%shift_right_logical3A_996, %add3A_1023], %add3A_1020 : memref<8x1024xf32, #tpu.memory_space<vmem>>[vector<16xi32>, vector<16xi32>], vector<16xf32>,
      %gather3A_1024 = tpu.vector_load_idx %arg9[%add3A_768, %add3A_992] : memref<128x64xf32, #tpu.memory_space<vmem>>[vector<16xi32>, vector<16xi32>], vector<16xf32>,
      %add3A_1025 = arith.addf %gather3A_1024, %gather3A_993 : vector<16xf32>
      %add3A_1026 = arith.constant 64 : i32
      %add3A_1027 = vector.broadcast %add3A_1026 : i32 to vector<16xi32>
      %add3A_1028 = arith.addi %add3A_1003, %add3A_1027 : vector<16xi32>
      tpu.vector_store_idx %arg11[%shift_right_logical3A_996, %add3A_1028], %add3A_1025 : memref<8x1024xf32, #tpu.memory_space<vmem>>[vector<16xi32>, vector<16xi32>], vector<16xf32>,
      %gather3A_1029 = tpu.vector_load_idx %arg9[%add3A_771, %add3A_992] : memref<128x64xf32, #tpu.memory_space<vmem>>[vector<16xi32>, vector<16xi32>], vector<16xf32>,
      %add3A_1030 = arith.addf %gather3A_1029, %gather3A_993 : vector<16xf32>
      %add3A_1031 = arith.constant 80 : i32
      %add3A_1032 = vector.broadcast %add3A_1031 : i32 to vector<16xi32>
      %add3A_1033 = arith.addi %add3A_1003, %add3A_1032 : vector<16xi32>
      tpu.vector_store_idx %arg11[%shift_right_logical3A_996, %add3A_1033], %add3A_1030 : memref<8x1024xf32, #tpu.memory_space<vmem>>[vector<16xi32>, vector<16xi32>], vector<16xf32>,
      %gather3A_1034 = tpu.vector_load_idx %arg9[%add3A_774, %add3A_992] : memref<128x64xf32, #tpu.memory_space<vmem>>[vector<16xi32>, vector<16xi32>], vector<16xf32>,
      %add3A_1035 = arith.addf %gather3A_1034, %gather3A_993 : vector<16xf32>
      %add3A_1036 = arith.constant 96 : i32
      %add3A_1037 = vector.broadcast %add3A_1036 : i32 to vector<16xi32>
      %add3A_1038 = arith.addi %add3A_1003, %add3A_1037 : vector<16xi32>
      tpu.vector_store_idx %arg11[%shift_right_logical3A_996, %add3A_1038], %add3A_1035 : memref<8x1024xf32, #tpu.memory_space<vmem>>[vector<16xi32>, vector<16xi32>], vector<16xf32>,
      %gather3A_1039 = tpu.vector_load_idx %arg9[%add3A_777, %add3A_992] : memref<128x64xf32, #tpu.memory_space<vmem>>[vector<16xi32>, vector<16xi32>], vector<16xf32>,
      %add3A_1040 = arith.addf %gather3A_1039, %gather3A_993 : vector<16xf32>
      %add3A_1041 = arith.constant 112 : i32
      %add3A_1042 = vector.broadcast %add3A_1041 : i32 to vector<16xi32>
      %add3A_1043 = arith.addi %add3A_1003, %add3A_1042 : vector<16xi32>
      tpu.vector_store_idx %arg11[%shift_right_logical3A_996, %add3A_1043], %add3A_1040 : memref<8x1024xf32, #tpu.memory_space<vmem>>[vector<16xi32>, vector<16xi32>], vector<16xf32>,
      %add3A_1044 = arith.constant 48 : i32
      %add3A_1045 = vector.broadcast %add3A_1044 : i32 to vector<16xi32>
      %add3A_1046 = arith.addi %and3A_883, %add3A_1045 : vector<16xi32>
      %gather3A_1047 = tpu.vector_load_idx %arg7[%add3A_839, %add3A_1046] : memref<200x64xf32, #tpu.memory_space<vmem>>[vector<16xi32>, vector<16xi32>], vector<16xf32>,
      %shift_right_logical3A_1048 = arith.constant 3 : i32
      %shift_right_logical3A_1049 = vector.broadcast %shift_right_logical3A_1048 : i32 to vector<16xi32>
      %shift_right_logical3A_1050 = arith.shrui %add3A_1046, %shift_right_logical3A_1049 : vector<16xi32>
      %and3A_1051 = arith.constant 7 : i32
      %and3A_1052 = vector.broadcast %and3A_1051 : i32 to vector<16xi32>
      %and3A_1053 = arith.andi %add3A_1046, %and3A_1052 : vector<16xi32>
      %mul3A_1054 = arith.constant 128 : i32
      %mul3A_1055 = vector.broadcast %mul3A_1054 : i32 to vector<16xi32>
      %mul3A_1056 = arith.muli %and3A_1053, %mul3A_1055 : vector<16xi32>
      %add3A_1057 = arith.addi %mul3A_1056, %iota3A : vector<16xi32>
      %gather3A_1058 = tpu.vector_load_idx %arg9[%add3A_756, %add3A_1046] : memref<128x64xf32, #tpu.memory_space<vmem>>[vector<16xi32>, vector<16xi32>], vector<16xf32>,
      %add3A_1059 = arith.addf %gather3A_1058, %gather3A_1047 : vector<16xf32>
      %add3A_1060 = arith.constant 0 : i32
      %add3A_1061 = vector.broadcast %add3A_1060 : i32 to vector<16xi32>
      %add3A_1062 = arith.addi %add3A_1057, %add3A_1061 : vector<16xi32>
      tpu.vector_store_idx %arg11[%shift_right_logical3A_1050, %add3A_1062], %add3A_1059 : memref<8x1024xf32, #tpu.memory_space<vmem>>[vector<16xi32>, vector<16xi32>], vector<16xf32>,
      %gather3A_1063 = tpu.vector_load_idx %arg9[%add3A_759, %add3A_1046] : memref<128x64xf32, #tpu.memory_space<vmem>>[vector<16xi32>, vector<16xi32>], vector<16xf32>,
      %add3A_1064 = arith.addf %gather3A_1063, %gather3A_1047 : vector<16xf32>
      %add3A_1065 = arith.constant 16 : i32
      %add3A_1066 = vector.broadcast %add3A_1065 : i32 to vector<16xi32>
      %add3A_1067 = arith.addi %add3A_1057, %add3A_1066 : vector<16xi32>
      tpu.vector_store_idx %arg11[%shift_right_logical3A_1050, %add3A_1067], %add3A_1064 : memref<8x1024xf32, #tpu.memory_space<vmem>>[vector<16xi32>, vector<16xi32>], vector<16xf32>,
      %gather3A_1068 = tpu.vector_load_idx %arg9[%add3A_762, %add3A_1046] : memref<128x64xf32, #tpu.memory_space<vmem>>[vector<16xi32>, vector<16xi32>], vector<16xf32>,
      %add3A_1069 = arith.addf %gather3A_1068, %gather3A_1047 : vector<16xf32>
      %add3A_1070 = arith.constant 32 : i32
      %add3A_1071 = vector.broadcast %add3A_1070 : i32 to vector<16xi32>
      %add3A_1072 = arith.addi %add3A_1057, %add3A_1071 : vector<16xi32>
      tpu.vector_store_idx %arg11[%shift_right_logical3A_1050, %add3A_1072], %add3A_1069 : memref<8x1024xf32, #tpu.memory_space<vmem>>[vector<16xi32>, vector<16xi32>], vector<16xf32>,
      %gather3A_1073 = tpu.vector_load_idx %arg9[%add3A_765, %add3A_1046] : memref<128x64xf32, #tpu.memory_space<vmem>>[vector<16xi32>, vector<16xi32>], vector<16xf32>,
      %add3A_1074 = arith.addf %gather3A_1073, %gather3A_1047 : vector<16xf32>
      %add3A_1075 = arith.constant 48 : i32
      %add3A_1076 = vector.broadcast %add3A_1075 : i32 to vector<16xi32>
      %add3A_1077 = arith.addi %add3A_1057, %add3A_1076 : vector<16xi32>
      tpu.vector_store_idx %arg11[%shift_right_logical3A_1050, %add3A_1077], %add3A_1074 : memref<8x1024xf32, #tpu.memory_space<vmem>>[vector<16xi32>, vector<16xi32>], vector<16xf32>,
      %gather3A_1078 = tpu.vector_load_idx %arg9[%add3A_768, %add3A_1046] : memref<128x64xf32, #tpu.memory_space<vmem>>[vector<16xi32>, vector<16xi32>], vector<16xf32>,
      %add3A_1079 = arith.addf %gather3A_1078, %gather3A_1047 : vector<16xf32>
      %add3A_1080 = arith.constant 64 : i32
      %add3A_1081 = vector.broadcast %add3A_1080 : i32 to vector<16xi32>
      %add3A_1082 = arith.addi %add3A_1057, %add3A_1081 : vector<16xi32>
      tpu.vector_store_idx %arg11[%shift_right_logical3A_1050, %add3A_1082], %add3A_1079 : memref<8x1024xf32, #tpu.memory_space<vmem>>[vector<16xi32>, vector<16xi32>], vector<16xf32>,
      %gather3A_1083 = tpu.vector_load_idx %arg9[%add3A_771, %add3A_1046] : memref<128x64xf32, #tpu.memory_space<vmem>>[vector<16xi32>, vector<16xi32>], vector<16xf32>,
      %add3A_1084 = arith.addf %gather3A_1083, %gather3A_1047 : vector<16xf32>
      %add3A_1085 = arith.constant 80 : i32
      %add3A_1086 = vector.broadcast %add3A_1085 : i32 to vector<16xi32>
      %add3A_1087 = arith.addi %add3A_1057, %add3A_1086 : vector<16xi32>
      tpu.vector_store_idx %arg11[%shift_right_logical3A_1050, %add3A_1087], %add3A_1084 : memref<8x1024xf32, #tpu.memory_space<vmem>>[vector<16xi32>, vector<16xi32>], vector<16xf32>,
      %gather3A_1088 = tpu.vector_load_idx %arg9[%add3A_774, %add3A_1046] : memref<128x64xf32, #tpu.memory_space<vmem>>[vector<16xi32>, vector<16xi32>], vector<16xf32>,
      %add3A_1089 = arith.addf %gather3A_1088, %gather3A_1047 : vector<16xf32>
      %add3A_1090 = arith.constant 96 : i32
      %add3A_1091 = vector.broadcast %add3A_1090 : i32 to vector<16xi32>
      %add3A_1092 = arith.addi %add3A_1057, %add3A_1091 : vector<16xi32>
      tpu.vector_store_idx %arg11[%shift_right_logical3A_1050, %add3A_1092], %add3A_1089 : memref<8x1024xf32, #tpu.memory_space<vmem>>[vector<16xi32>, vector<16xi32>], vector<16xf32>,
      %gather3A_1093 = tpu.vector_load_idx %arg9[%add3A_777, %add3A_1046] : memref<128x64xf32, #tpu.memory_space<vmem>>[vector<16xi32>, vector<16xi32>], vector<16xf32>,
      %add3A_1094 = arith.addf %gather3A_1093, %gather3A_1047 : vector<16xf32>
      %add3A_1095 = arith.constant 112 : i32
      %add3A_1096 = vector.broadcast %add3A_1095 : i32 to vector<16xi32>
      %add3A_1097 = arith.addi %add3A_1057, %add3A_1096 : vector<16xi32>
      tpu.vector_store_idx %arg11[%shift_right_logical3A_1050, %add3A_1097], %add3A_1094 : memref<8x1024xf32, #tpu.memory_space<vmem>>[vector<16xi32>, vector<16xi32>], vector<16xf32>,
    }
    %scan3A_845 = arith.constant 16 : i32
    %dma_start3A_846 = arith.constant 1 : i32
    %dma_start3A_847 = arith.constant 0 : i32
    %dma_start3A_848 = arith.constant 0 : i32
    %dma_start3A_849 = tpu.memref_slice %arg5[%dma_start3A_846, %dma_start3A_847, %add3A, %dma_start3A_848] : memref<200x8x32x1024xf32, #tpu.memory_space<hbm>> -> memref<1x8x1x1024xf32, #tpu.memory_space<hbm>>
    %dma_start3A_850 = tpu.memref_squeeze %dma_start3A_849 : memref<1x8x1x1024xf32, #tpu.memory_space<hbm>> -> memref<8x1024xf32, #tpu.memory_space<hbm>>
    %dma_start3A_851 = arith.constant 0 : i32
    %dma_start3A_852 = arith.constant 0 : i32
    %dma_start3A_853 = tpu.memref_slice %arg5[%dma_start3A_846, %dma_start3A_851, %add3A, %dma_start3A_852] : memref<200x8x32x1024xf32, #tpu.memory_space<hbm>> -> memref<1x8x1x1024xf32, #tpu.memory_space<hbm>>
    %dma_start3A_854 = tpu.memref_squeeze %dma_start3A_853 : memref<1x8x1x1024xf32, #tpu.memory_space<hbm>> -> memref<8x1024xf32, #tpu.memory_space<hbm>>
    tpu.enqueue_dma source(%arg11 : memref<8x1024xf32, #tpu.memory_space<vmem>>) target(%dma_start3A_854 : memref<8x1024xf32, #tpu.memory_space<hbm>>) target_semaphore(%arg16 : memref<!tpu.dma_semaphore, #tpu.memory_space<semaphore_mem>>)
    %scan3A_855 = arith.constant 0 : i32
    %scan3A_856 = arith.constant 1 : i32
    %scan3A_857 = arith.constant 99 : i32
    %scan3A_858 = arith.addi %scan3A_856, %scan3A_857 : i32
    %scan3A_859 = arith.constant 1 : i32
    scf.for %scan3A_879 = %scan3A_856 to %scan3A_858 step %scan3A_859  : i32 {
      %mul3A_880 = arith.constant 2 : i32
      %mul3A_881 = arith.muli %scan3A_879, %mul3A_880 : i32
      %add3A_882 = arith.constant 1 : i32
      %add3A_883 = arith.addi %mul3A_881, %add3A_882 : i32
      %le3A = arith.constant 199 : i32
      %le3A_884 = arith.cmpi sle, %add3A_883, %le3A : i32
      %convert_element_type3A = arith.extui %le3A_884 : i1 to i32
      %cond3A = arith.constant 0 : i32
      %cond3A_885 = arith.cmpi ne, %convert_element_type3A, %cond3A : i32
      scf.if %cond3A_885 {
        %add3A_961 = arith.constant 1 : i32
        %add3A_962 = arith.addi %mul3A_881, %add3A_961 : i32
        %dma_start3A_963 = arith.constant 0 : i32
        %dma_start3A_964 = tpu.memref_slice %arg6[%add3A_962, %dma_start3A_963] : memref<200x128xi32, #tpu.memory_space<vmem>> -> memref<1x128xi32, #tpu.memory_space<vmem>>
        %dma_start3A_965 = tpu.memref_squeeze %dma_start3A_964 : memref<1x128xi32, #tpu.memory_space<vmem>> -> memref<128xi32, #tpu.memory_space<vmem>>
        %dma_start3A_966 = arith.constant 0 : i32
        %dma_start3A_967 = arith.constant 0 : i32
        %dma_start3A_968 = tpu.memref_slice %arg3[%dma_start3A_966, %dma_start3A_967] : memref<2000000x64xf32, #tpu.memory_space<hbm>> -> memref<2000000x64xf32, #tpu.memory_space<hbm>>
        tpu.enqueue_indirect_dma source(%dma_start3A_968 : memref<2000000x64xf32, #tpu.memory_space<hbm>>) target(%arg9 : memref<128x64xf32, #tpu.memory_space<vmem>>) offsets(%dma_start3A_965 : memref<128xi32, #tpu.memory_space<vmem>>) semaphore(%arg14 : memref<!tpu.dma_semaphore, #tpu.memory_space<semaphore_mem>>)
      } else {
      }
      %dma_wait3A_886 = arith.constant 0 : i32
      %dma_wait3A_887 = tpu.memref_slice %arg6[%mul3A_881, %dma_wait3A_886] : memref<200x128xi32, #tpu.memory_space<vmem>> -> memref<1x128xi32, #tpu.memory_space<vmem>>
      %dma_wait3A_888 = tpu.memref_squeeze %dma_wait3A_887 : memref<1x128xi32, #tpu.memory_space<vmem>> -> memref<128xi32, #tpu.memory_space<vmem>>
      %dma_wait3A_889 = arith.constant 0 : i32
      %dma_wait3A_890 = arith.constant 0 : i32
      %dma_wait3A_891 = tpu.memref_slice %arg3[%dma_wait3A_889, %dma_wait3A_890] : memref<2000000x64xf32, #tpu.memory_space<hbm>> -> memref<2000000x64xf32, #tpu.memory_space<hbm>>
      tpu.wait_indirect_dma semaphore(%arg13 : memref<!tpu.dma_semaphore, #tpu.memory_space<semaphore_mem>>) src(%dma_wait3A_891 : memref<2000000x64xf32, #tpu.memory_space<hbm>>) dst(%arg8 : memref<128x64xf32, #tpu.memory_space<vmem>>)
      %dma_wait3A_892 = arith.constant 0 : i32
      %dma_wait3A_893 = arith.constant 0 : i32
      %dma_wait3A_894 = tpu.memref_slice %arg5[%mul3A_881, %dma_wait3A_892, %add3A, %dma_wait3A_893] : memref<200x8x32x1024xf32, #tpu.memory_space<hbm>> -> memref<1x8x1x1024xf32, #tpu.memory_space<hbm>>
      %dma_wait3A_895 = tpu.memref_squeeze %dma_wait3A_894 : memref<1x8x1x1024xf32, #tpu.memory_space<hbm>> -> memref<8x1024xf32, #tpu.memory_space<hbm>>
      %dma_wait3A_896 = arith.constant 0 : i32
      %dma_wait3A_897 = arith.constant 0 : i32
      %dma_wait3A_898 = tpu.memref_slice %arg5[%mul3A_881, %dma_wait3A_896, %add3A, %dma_wait3A_897] : memref<200x8x32x1024xf32, #tpu.memory_space<hbm>> -> memref<1x8x1x1024xf32, #tpu.memory_space<hbm>>
      %dma_wait3A_899 = tpu.memref_squeeze %dma_wait3A_898 : memref<1x8x1x1024xf32, #tpu.memory_space<hbm>> -> memref<8x1024xf32, #tpu.memory_space<hbm>>
      tpu.wait_dma2 semaphore(%arg15 : memref<!tpu.dma_semaphore, #tpu.memory_space<semaphore_mem>>) src(%arg10 : memref<8x1024xf32, #tpu.memory_space<vmem>>) dst(%dma_wait3A_899 : memref<8x1024xf32, #tpu.memory_space<hbm>>)
      %mul3A_900 = arith.constant 0 : i32
      %mul3A_901 = vector.broadcast %mul3A_900 : i32 to vector<16xi32>
      %mul3A_902 = arith.muli %iota3A, %mul3A_901 : vector<16xi32>
      %add3A_903 = vector.broadcast %mul3A_881 : i32 to vector<16xi32>
      %add3A_904 = arith.addi %mul3A_902, %add3A_903 : vector<16xi32>
      %scan3A_905 = arith.constant 0 : i32
      %scan3A_906 = arith.constant 0 : i32
      %scan3A_907 = arith.constant 16 : i32
      %scan3A_908 = arith.addi %scan3A_906, %scan3A_907 : i32
      %scan3A_909 = arith.constant 1 : i32
      scf.for %scan3A_961 = %scan3A_906 to %scan3A_908 step %scan3A_909  : i32 {
        %add3A_962 = vector.broadcast %scan3A_961 : i32 to vector<16xi32>
        %add3A_963 = arith.addi %iota3A, %add3A_962 : vector<16xi32>
        %and3A = arith.constant 15 : i32
        %and3A_964 = vector.broadcast %and3A : i32 to vector<16xi32>
        %and3A_965 = arith.andi %add3A_963, %and3A_964 : vector<16xi32>
        %add3A_966 = arith.constant 0 : i32
        %add3A_967 = vector.broadcast %add3A_966 : i32 to vector<16xi32>
        %add3A_968 = arith.addi %and3A_965, %add3A_967 : vector<16xi32>
        %gather3A = tpu.vector_load_idx %arg7[%add3A_904, %add3A_968] : memref<200x64xf32, #tpu.memory_space<vmem>>[vector<16xi32>, vector<16xi32>], vector<16xf32>,
        %shift_right_logical3A = arith.constant 3 : i32
        %shift_right_logical3A_969 = vector.broadcast %shift_right_logical3A : i32 to vector<16xi32>
        %shift_right_logical3A_970 = arith.shrui %add3A_968, %shift_right_logical3A_969 : vector<16xi32>
        %and3A_971 = arith.constant 7 : i32
        %and3A_972 = vector.broadcast %and3A_971 : i32 to vector<16xi32>
        %and3A_973 = arith.andi %add3A_968, %and3A_972 : vector<16xi32>
        %mul3A_974 = arith.constant 128 : i32
        %mul3A_975 = vector.broadcast %mul3A_974 : i32 to vector<16xi32>
        %mul3A_976 = arith.muli %and3A_973, %mul3A_975 : vector<16xi32>
        %add3A_977 = arith.addi %mul3A_976, %iota3A : vector<16xi32>
        %gather3A_978 = tpu.vector_load_idx %arg8[%add3A_756, %add3A_968] : memref<128x64xf32, #tpu.memory_space<vmem>>[vector<16xi32>, vector<16xi32>], vector<16xf32>,
        %add3A_979 = arith.addf %gather3A_978, %gather3A : vector<16xf32>
        %add3A_980 = arith.constant 0 : i32
        %add3A_981 = vector.broadcast %add3A_980 : i32 to vector<16xi32>
        %add3A_982 = arith.addi %add3A_977, %add3A_981 : vector<16xi32>
        tpu.vector_store_idx %arg10[%shift_right_logical3A_970, %add3A_982], %add3A_979 : memref<8x1024xf32, #tpu.memory_space<vmem>>[vector<16xi32>, vector<16xi32>], vector<16xf32>,
        %gather3A_983 = tpu.vector_load_idx %arg8[%add3A_759, %add3A_968] : memref<128x64xf32, #tpu.memory_space<vmem>>[vector<16xi32>, vector<16xi32>], vector<16xf32>,
        %add3A_984 = arith.addf %gather3A_983, %gather3A : vector<16xf32>
        %add3A_985 = arith.constant 16 : i32
        %add3A_986 = vector.broadcast %add3A_985 : i32 to vector<16xi32>
        %add3A_987 = arith.addi %add3A_977, %add3A_986 : vector<16xi32>
        tpu.vector_store_idx %arg10[%shift_right_logical3A_970, %add3A_987], %add3A_984 : memref<8x1024xf32, #tpu.memory_space<vmem>>[vector<16xi32>, vector<16xi32>], vector<16xf32>,
        %gather3A_988 = tpu.vector_load_idx %arg8[%add3A_762, %add3A_968] : memref<128x64xf32, #tpu.memory_space<vmem>>[vector<16xi32>, vector<16xi32>], vector<16xf32>,
        %add3A_989 = arith.addf %gather3A_988, %gather3A : vector<16xf32>
        %add3A_990 = arith.constant 32 : i32
        %add3A_991 = vector.broadcast %add3A_990 : i32 to vector<16xi32>
        %add3A_992 = arith.addi %add3A_977, %add3A_991 : vector<16xi32>
        tpu.vector_store_idx %arg10[%shift_right_logical3A_970, %add3A_992], %add3A_989 : memref<8x1024xf32, #tpu.memory_space<vmem>>[vector<16xi32>, vector<16xi32>], vector<16xf32>,
        %gather3A_993 = tpu.vector_load_idx %arg8[%add3A_765, %add3A_968] : memref<128x64xf32, #tpu.memory_space<vmem>>[vector<16xi32>, vector<16xi32>], vector<16xf32>,
        %add3A_994 = arith.addf %gather3A_993, %gather3A : vector<16xf32>
        %add3A_995 = arith.constant 48 : i32
        %add3A_996 = vector.broadcast %add3A_995 : i32 to vector<16xi32>
        %add3A_997 = arith.addi %add3A_977, %add3A_996 : vector<16xi32>
        tpu.vector_store_idx %arg10[%shift_right_logical3A_970, %add3A_997], %add3A_994 : memref<8x1024xf32, #tpu.memory_space<vmem>>[vector<16xi32>, vector<16xi32>], vector<16xf32>,
        %gather3A_998 = tpu.vector_load_idx %arg8[%add3A_768, %add3A_968] : memref<128x64xf32, #tpu.memory_space<vmem>>[vector<16xi32>, vector<16xi32>], vector<16xf32>,
        %add3A_999 = arith.addf %gather3A_998, %gather3A : vector<16xf32>
        %add3A_1000 = arith.constant 64 : i32
        %add3A_1001 = vector.broadcast %add3A_1000 : i32 to vector<16xi32>
        %add3A_1002 = arith.addi %add3A_977, %add3A_1001 : vector<16xi32>
        tpu.vector_store_idx %arg10[%shift_right_logical3A_970, %add3A_1002], %add3A_999 : memref<8x1024xf32, #tpu.memory_space<vmem>>[vector<16xi32>, vector<16xi32>], vector<16xf32>,
        %gather3A_1003 = tpu.vector_load_idx %arg8[%add3A_771, %add3A_968] : memref<128x64xf32, #tpu.memory_space<vmem>>[vector<16xi32>, vector<16xi32>], vector<16xf32>,
        %add3A_1004 = arith.addf %gather3A_1003, %gather3A : vector<16xf32>
        %add3A_1005 = arith.constant 80 : i32
        %add3A_1006 = vector.broadcast %add3A_1005 : i32 to vector<16xi32>
        %add3A_1007 = arith.addi %add3A_977, %add3A_1006 : vector<16xi32>
        tpu.vector_store_idx %arg10[%shift_right_logical3A_970, %add3A_1007], %add3A_1004 : memref<8x1024xf32, #tpu.memory_space<vmem>>[vector<16xi32>, vector<16xi32>], vector<16xf32>,
        %gather3A_1008 = tpu.vector_load_idx %arg8[%add3A_774, %add3A_968] : memref<128x64xf32, #tpu.memory_space<vmem>>[vector<16xi32>, vector<16xi32>], vector<16xf32>,
        %add3A_1009 = arith.addf %gather3A_1008, %gather3A : vector<16xf32>
        %add3A_1010 = arith.constant 96 : i32
        %add3A_1011 = vector.broadcast %add3A_1010 : i32 to vector<16xi32>
        %add3A_1012 = arith.addi %add3A_977, %add3A_1011 : vector<16xi32>
        tpu.vector_store_idx %arg10[%shift_right_logical3A_970, %add3A_1012], %add3A_1009 : memref<8x1024xf32, #tpu.memory_space<vmem>>[vector<16xi32>, vector<16xi32>], vector<16xf32>,
        %gather3A_1013 = tpu.vector_load_idx %arg8[%add3A_777, %add3A_968] : memref<128x64xf32, #tpu.memory_space<vmem>>[vector<16xi32>, vector<16xi32>], vector<16xf32>,
        %add3A_1014 = arith.addf %gather3A_1013, %gather3A : vector<16xf32>
        %add3A_1015 = arith.constant 112 : i32
        %add3A_1016 = vector.broadcast %add3A_1015 : i32 to vector<16xi32>
        %add3A_1017 = arith.addi %add3A_977, %add3A_1016 : vector<16xi32>
        tpu.vector_store_idx %arg10[%shift_right_logical3A_970, %add3A_1017], %add3A_1014 : memref<8x1024xf32, #tpu.memory_space<vmem>>[vector<16xi32>, vector<16xi32>], vector<16xf32>,
        %add3A_1018 = arith.constant 16 : i32
        %add3A_1019 = vector.broadcast %add3A_1018 : i32 to vector<16xi32>
        %add3A_1020 = arith.addi %and3A_965, %add3A_1019 : vector<16xi32>
        %gather3A_1021 = tpu.vector_load_idx %arg7[%add3A_904, %add3A_1020] : memref<200x64xf32, #tpu.memory_space<vmem>>[vector<16xi32>, vector<16xi32>], vector<16xf32>,
        %shift_right_logical3A_1022 = arith.constant 3 : i32
        %shift_right_logical3A_1023 = vector.broadcast %shift_right_logical3A_1022 : i32 to vector<16xi32>
        %shift_right_logical3A_1024 = arith.shrui %add3A_1020, %shift_right_logical3A_1023 : vector<16xi32>
        %and3A_1025 = arith.constant 7 : i32
        %and3A_1026 = vector.broadcast %and3A_1025 : i32 to vector<16xi32>
        %and3A_1027 = arith.andi %add3A_1020, %and3A_1026 : vector<16xi32>
        %mul3A_1028 = arith.constant 128 : i32
        %mul3A_1029 = vector.broadcast %mul3A_1028 : i32 to vector<16xi32>
        %mul3A_1030 = arith.muli %and3A_1027, %mul3A_1029 : vector<16xi32>
        %add3A_1031 = arith.addi %mul3A_1030, %iota3A : vector<16xi32>
        %gather3A_1032 = tpu.vector_load_idx %arg8[%add3A_756, %add3A_1020] : memref<128x64xf32, #tpu.memory_space<vmem>>[vector<16xi32>, vector<16xi32>], vector<16xf32>,
        %add3A_1033 = arith.addf %gather3A_1032, %gather3A_1021 : vector<16xf32>
        %add3A_1034 = arith.constant 0 : i32
        %add3A_1035 = vector.broadcast %add3A_1034 : i32 to vector<16xi32>
        %add3A_1036 = arith.addi %add3A_1031, %add3A_1035 : vector<16xi32>
        tpu.vector_store_idx %arg10[%shift_right_logical3A_1024, %add3A_1036], %add3A_1033 : memref<8x1024xf32, #tpu.memory_space<vmem>>[vector<16xi32>, vector<16xi32>], vector<16xf32>,
        %gather3A_1037 = tpu.vector_load_idx %arg8[%add3A_759, %add3A_1020] : memref<128x64xf32, #tpu.memory_space<vmem>>[vector<16xi32>, vector<16xi32>], vector<16xf32>,
        %add3A_1038 = arith.addf %gather3A_1037, %gather3A_1021 : vector<16xf32>
        %add3A_1039 = arith.constant 16 : i32
        %add3A_1040 = vector.broadcast %add3A_1039 : i32 to vector<16xi32>
        %add3A_1041 = arith.addi %add3A_1031, %add3A_1040 : vector<16xi32>
        tpu.vector_store_idx %arg10[%shift_right_logical3A_1024, %add3A_1041], %add3A_1038 : memref<8x1024xf32, #tpu.memory_space<vmem>>[vector<16xi32>, vector<16xi32>], vector<16xf32>,
        %gather3A_1042 = tpu.vector_load_idx %arg8[%add3A_762, %add3A_1020] : memref<128x64xf32, #tpu.memory_space<vmem>>[vector<16xi32>, vector<16xi32>], vector<16xf32>,
        %add3A_1043 = arith.addf %gather3A_1042, %gather3A_1021 : vector<16xf32>
        %add3A_1044 = arith.constant 32 : i32
        %add3A_1045 = vector.broadcast %add3A_1044 : i32 to vector<16xi32>
        %add3A_1046 = arith.addi %add3A_1031, %add3A_1045 : vector<16xi32>
        tpu.vector_store_idx %arg10[%shift_right_logical3A_1024, %add3A_1046], %add3A_1043 : memref<8x1024xf32, #tpu.memory_space<vmem>>[vector<16xi32>, vector<16xi32>], vector<16xf32>,
        %gather3A_1047 = tpu.vector_load_idx %arg8[%add3A_765, %add3A_1020] : memref<128x64xf32, #tpu.memory_space<vmem>>[vector<16xi32>, vector<16xi32>], vector<16xf32>,
        %add3A_1048 = arith.addf %gather3A_1047, %gather3A_1021 : vector<16xf32>
        %add3A_1049 = arith.constant 48 : i32
        %add3A_1050 = vector.broadcast %add3A_1049 : i32 to vector<16xi32>
        %add3A_1051 = arith.addi %add3A_1031, %add3A_1050 : vector<16xi32>
        tpu.vector_store_idx %arg10[%shift_right_logical3A_1024, %add3A_1051], %add3A_1048 : memref<8x1024xf32, #tpu.memory_space<vmem>>[vector<16xi32>, vector<16xi32>], vector<16xf32>,
        %gather3A_1052 = tpu.vector_load_idx %arg8[%add3A_768, %add3A_1020] : memref<128x64xf32, #tpu.memory_space<vmem>>[vector<16xi32>, vector<16xi32>], vector<16xf32>,
        %add3A_1053 = arith.addf %gather3A_1052, %gather3A_1021 : vector<16xf32>
        %add3A_1054 = arith.constant 64 : i32
        %add3A_1055 = vector.broadcast %add3A_1054 : i32 to vector<16xi32>
        %add3A_1056 = arith.addi %add3A_1031, %add3A_1055 : vector<16xi32>
        tpu.vector_store_idx %arg10[%shift_right_logical3A_1024, %add3A_1056], %add3A_1053 : memref<8x1024xf32, #tpu.memory_space<vmem>>[vector<16xi32>, vector<16xi32>], vector<16xf32>,
        %gather3A_1057 = tpu.vector_load_idx %arg8[%add3A_771, %add3A_1020] : memref<128x64xf32, #tpu.memory_space<vmem>>[vector<16xi32>, vector<16xi32>], vector<16xf32>,
        %add3A_1058 = arith.addf %gather3A_1057, %gather3A_1021 : vector<16xf32>
        %add3A_1059 = arith.constant 80 : i32
        %add3A_1060 = vector.broadcast %add3A_1059 : i32 to vector<16xi32>
        %add3A_1061 = arith.addi %add3A_1031, %add3A_1060 : vector<16xi32>
        tpu.vector_store_idx %arg10[%shift_right_logical3A_1024, %add3A_1061], %add3A_1058 : memref<8x1024xf32, #tpu.memory_space<vmem>>[vector<16xi32>, vector<16xi32>], vector<16xf32>,
        %gather3A_1062 = tpu.vector_load_idx %arg8[%add3A_774, %add3A_1020] : memref<128x64xf32, #tpu.memory_space<vmem>>[vector<16xi32>, vector<16xi32>], vector<16xf32>,
        %add3A_1063 = arith.addf %gather3A_1062, %gather3A_1021 : vector<16xf32>
        %add3A_1064 = arith.constant 96 : i32
        %add3A_1065 = vector.broadcast %add3A_1064 : i32 to vector<16xi32>
        %add3A_1066 = arith.addi %add3A_1031, %add3A_1065 : vector<16xi32>
        tpu.vector_store_idx %arg10[%shift_right_logical3A_1024, %add3A_1066], %add3A_1063 : memref<8x1024xf32, #tpu.memory_space<vmem>>[vector<16xi32>, vector<16xi32>], vector<16xf32>,
        %gather3A_1067 = tpu.vector_load_idx %arg8[%add3A_777, %add3A_1020] : memref<128x64xf32, #tpu.memory_space<vmem>>[vector<16xi32>, vector<16xi32>], vector<16xf32>,
        %add3A_1068 = arith.addf %gather3A_1067, %gather3A_1021 : vector<16xf32>
        %add3A_1069 = arith.constant 112 : i32
        %add3A_1070 = vector.broadcast %add3A_1069 : i32 to vector<16xi32>
        %add3A_1071 = arith.addi %add3A_1031, %add3A_1070 : vector<16xi32>
        tpu.vector_store_idx %arg10[%shift_right_logical3A_1024, %add3A_1071], %add3A_1068 : memref<8x1024xf32, #tpu.memory_space<vmem>>[vector<16xi32>, vector<16xi32>], vector<16xf32>,
        %add3A_1072 = arith.constant 32 : i32
        %add3A_1073 = vector.broadcast %add3A_1072 : i32 to vector<16xi32>
        %add3A_1074 = arith.addi %and3A_965, %add3A_1073 : vector<16xi32>
        %gather3A_1075 = tpu.vector_load_idx %arg7[%add3A_904, %add3A_1074] : memref<200x64xf32, #tpu.memory_space<vmem>>[vector<16xi32>, vector<16xi32>], vector<16xf32>,
        %shift_right_logical3A_1076 = arith.constant 3 : i32
        %shift_right_logical3A_1077 = vector.broadcast %shift_right_logical3A_1076 : i32 to vector<16xi32>
        %shift_right_logical3A_1078 = arith.shrui %add3A_1074, %shift_right_logical3A_1077 : vector<16xi32>
        %and3A_1079 = arith.constant 7 : i32
        %and3A_1080 = vector.broadcast %and3A_1079 : i32 to vector<16xi32>
        %and3A_1081 = arith.andi %add3A_1074, %and3A_1080 : vector<16xi32>
        %mul3A_1082 = arith.constant 128 : i32
        %mul3A_1083 = vector.broadcast %mul3A_1082 : i32 to vector<16xi32>
        %mul3A_1084 = arith.muli %and3A_1081, %mul3A_1083 : vector<16xi32>
        %add3A_1085 = arith.addi %mul3A_1084, %iota3A : vector<16xi32>
        %gather3A_1086 = tpu.vector_load_idx %arg8[%add3A_756, %add3A_1074] : memref<128x64xf32, #tpu.memory_space<vmem>>[vector<16xi32>, vector<16xi32>], vector<16xf32>,
        %add3A_1087 = arith.addf %gather3A_1086, %gather3A_1075 : vector<16xf32>
        %add3A_1088 = arith.constant 0 : i32
        %add3A_1089 = vector.broadcast %add3A_1088 : i32 to vector<16xi32>
        %add3A_1090 = arith.addi %add3A_1085, %add3A_1089 : vector<16xi32>
        tpu.vector_store_idx %arg10[%shift_right_logical3A_1078, %add3A_1090], %add3A_1087 : memref<8x1024xf32, #tpu.memory_space<vmem>>[vector<16xi32>, vector<16xi32>], vector<16xf32>,
        %gather3A_1091 = tpu.vector_load_idx %arg8[%add3A_759, %add3A_1074] : memref<128x64xf32, #tpu.memory_space<vmem>>[vector<16xi32>, vector<16xi32>], vector<16xf32>,
        %add3A_1092 = arith.addf %gather3A_1091, %gather3A_1075 : vector<16xf32>
        %add3A_1093 = arith.constant 16 : i32
        %add3A_1094 = vector.broadcast %add3A_1093 : i32 to vector<16xi32>
        %add3A_1095 = arith.addi %add3A_1085, %add3A_1094 : vector<16xi32>
        tpu.vector_store_idx %arg10[%shift_right_logical3A_1078, %add3A_1095], %add3A_1092 : memref<8x1024xf32, #tpu.memory_space<vmem>>[vector<16xi32>, vector<16xi32>], vector<16xf32>,
        %gather3A_1096 = tpu.vector_load_idx %arg8[%add3A_762, %add3A_1074] : memref<128x64xf32, #tpu.memory_space<vmem>>[vector<16xi32>, vector<16xi32>], vector<16xf32>,
        %add3A_1097 = arith.addf %gather3A_1096, %gather3A_1075 : vector<16xf32>
        %add3A_1098 = arith.constant 32 : i32
        %add3A_1099 = vector.broadcast %add3A_1098 : i32 to vector<16xi32>
        %add3A_1100 = arith.addi %add3A_1085, %add3A_1099 : vector<16xi32>
        tpu.vector_store_idx %arg10[%shift_right_logical3A_1078, %add3A_1100], %add3A_1097 : memref<8x1024xf32, #tpu.memory_space<vmem>>[vector<16xi32>, vector<16xi32>], vector<16xf32>,
        %gather3A_1101 = tpu.vector_load_idx %arg8[%add3A_765, %add3A_1074] : memref<128x64xf32, #tpu.memory_space<vmem>>[vector<16xi32>, vector<16xi32>], vector<16xf32>,
        %add3A_1102 = arith.addf %gather3A_1101, %gather3A_1075 : vector<16xf32>
        %add3A_1103 = arith.constant 48 : i32
        %add3A_1104 = vector.broadcast %add3A_1103 : i32 to vector<16xi32>
        %add3A_1105 = arith.addi %add3A_1085, %add3A_1104 : vector<16xi32>
        tpu.vector_store_idx %arg10[%shift_right_logical3A_1078, %add3A_1105], %add3A_1102 : memref<8x1024xf32, #tpu.memory_space<vmem>>[vector<16xi32>, vector<16xi32>], vector<16xf32>,
        %gather3A_1106 = tpu.vector_load_idx %arg8[%add3A_768, %add3A_1074] : memref<128x64xf32, #tpu.memory_space<vmem>>[vector<16xi32>, vector<16xi32>], vector<16xf32>,
        %add3A_1107 = arith.addf %gather3A_1106, %gather3A_1075 : vector<16xf32>
        %add3A_1108 = arith.constant 64 : i32
        %add3A_1109 = vector.broadcast %add3A_1108 : i32 to vector<16xi32>
        %add3A_1110 = arith.addi %add3A_1085, %add3A_1109 : vector<16xi32>
        tpu.vector_store_idx %arg10[%shift_right_logical3A_1078, %add3A_1110], %add3A_1107 : memref<8x1024xf32, #tpu.memory_space<vmem>>[vector<16xi32>, vector<16xi32>], vector<16xf32>,
        %gather3A_1111 = tpu.vector_load_idx %arg8[%add3A_771, %add3A_1074] : memref<128x64xf32, #tpu.memory_space<vmem>>[vector<16xi32>, vector<16xi32>], vector<16xf32>,
        %add3A_1112 = arith.addf %gather3A_1111, %gather3A_1075 : vector<16xf32>
        %add3A_1113 = arith.constant 80 : i32
        %add3A_1114 = vector.broadcast %add3A_1113 : i32 to vector<16xi32>
        %add3A_1115 = arith.addi %add3A_1085, %add3A_1114 : vector<16xi32>
        tpu.vector_store_idx %arg10[%shift_right_logical3A_1078, %add3A_1115], %add3A_1112 : memref<8x1024xf32, #tpu.memory_space<vmem>>[vector<16xi32>, vector<16xi32>], vector<16xf32>,
        %gather3A_1116 = tpu.vector_load_idx %arg8[%add3A_774, %add3A_1074] : memref<128x64xf32, #tpu.memory_space<vmem>>[vector<16xi32>, vector<16xi32>], vector<16xf32>,
        %add3A_1117 = arith.addf %gather3A_1116, %gather3A_1075 : vector<16xf32>
        %add3A_1118 = arith.constant 96 : i32
        %add3A_1119 = vector.broadcast %add3A_1118 : i32 to vector<16xi32>
        %add3A_1120 = arith.addi %add3A_1085, %add3A_1119 : vector<16xi32>
        tpu.vector_store_idx %arg10[%shift_right_logical3A_1078, %add3A_1120], %add3A_1117 : memref<8x1024xf32, #tpu.memory_space<vmem>>[vector<16xi32>, vector<16xi32>], vector<16xf32>,
        %gather3A_1121 = tpu.vector_load_idx %arg8[%add3A_777, %add3A_1074] : memref<128x64xf32, #tpu.memory_space<vmem>>[vector<16xi32>, vector<16xi32>], vector<16xf32>,
        %add3A_1122 = arith.addf %gather3A_1121, %gather3A_1075 : vector<16xf32>
        %add3A_1123 = arith.constant 112 : i32
        %add3A_1124 = vector.broadcast %add3A_1123 : i32 to vector<16xi32>
        %add3A_1125 = arith.addi %add3A_1085, %add3A_1124 : vector<16xi32>
        tpu.vector_store_idx %arg10[%shift_right_logical3A_1078, %add3A_1125], %add3A_1122 : memref<8x1024xf32, #tpu.memory_space<vmem>>[vector<16xi32>, vector<16xi32>], vector<16xf32>,
        %add3A_1126 = arith.constant 48 : i32
        %add3A_1127 = vector.broadcast %add3A_1126 : i32 to vector<16xi32>
        %add3A_1128 = arith.addi %and3A_965, %add3A_1127 : vector<16xi32>
        %gather3A_1129 = tpu.vector_load_idx %arg7[%add3A_904, %add3A_1128] : memref<200x64xf32, #tpu.memory_space<vmem>>[vector<16xi32>, vector<16xi32>], vector<16xf32>,
        %shift_right_logical3A_1130 = arith.constant 3 : i32
        %shift_right_logical3A_1131 = vector.broadcast %shift_right_logical3A_1130 : i32 to vector<16xi32>
        %shift_right_logical3A_1132 = arith.shrui %add3A_1128, %shift_right_logical3A_1131 : vector<16xi32>
        %and3A_1133 = arith.constant 7 : i32
        %and3A_1134 = vector.broadcast %and3A_1133 : i32 to vector<16xi32>
        %and3A_1135 = arith.andi %add3A_1128, %and3A_1134 : vector<16xi32>
        %mul3A_1136 = arith.constant 128 : i32
        %mul3A_1137 = vector.broadcast %mul3A_1136 : i32 to vector<16xi32>
        %mul3A_1138 = arith.muli %and3A_1135, %mul3A_1137 : vector<16xi32>
        %add3A_1139 = arith.addi %mul3A_1138, %iota3A : vector<16xi32>
        %gather3A_1140 = tpu.vector_load_idx %arg8[%add3A_756, %add3A_1128] : memref<128x64xf32, #tpu.memory_space<vmem>>[vector<16xi32>, vector<16xi32>], vector<16xf32>,
        %add3A_1141 = arith.addf %gather3A_1140, %gather3A_1129 : vector<16xf32>
        %add3A_1142 = arith.constant 0 : i32
        %add3A_1143 = vector.broadcast %add3A_1142 : i32 to vector<16xi32>
        %add3A_1144 = arith.addi %add3A_1139, %add3A_1143 : vector<16xi32>
        tpu.vector_store_idx %arg10[%shift_right_logical3A_1132, %add3A_1144], %add3A_1141 : memref<8x1024xf32, #tpu.memory_space<vmem>>[vector<16xi32>, vector<16xi32>], vector<16xf32>,
        %gather3A_1145 = tpu.vector_load_idx %arg8[%add3A_759, %add3A_1128] : memref<128x64xf32, #tpu.memory_space<vmem>>[vector<16xi32>, vector<16xi32>], vector<16xf32>,
        %add3A_1146 = arith.addf %gather3A_1145, %gather3A_1129 : vector<16xf32>
        %add3A_1147 = arith.constant 16 : i32
        %add3A_1148 = vector.broadcast %add3A_1147 : i32 to vector<16xi32>
        %add3A_1149 = arith.addi %add3A_1139, %add3A_1148 : vector<16xi32>
        tpu.vector_store_idx %arg10[%shift_right_logical3A_1132, %add3A_1149], %add3A_1146 : memref<8x1024xf32, #tpu.memory_space<vmem>>[vector<16xi32>, vector<16xi32>], vector<16xf32>,
        %gather3A_1150 = tpu.vector_load_idx %arg8[%add3A_762, %add3A_1128] : memref<128x64xf32, #tpu.memory_space<vmem>>[vector<16xi32>, vector<16xi32>], vector<16xf32>,
        %add3A_1151 = arith.addf %gather3A_1150, %gather3A_1129 : vector<16xf32>
        %add3A_1152 = arith.constant 32 : i32
        %add3A_1153 = vector.broadcast %add3A_1152 : i32 to vector<16xi32>
        %add3A_1154 = arith.addi %add3A_1139, %add3A_1153 : vector<16xi32>
        tpu.vector_store_idx %arg10[%shift_right_logical3A_1132, %add3A_1154], %add3A_1151 : memref<8x1024xf32, #tpu.memory_space<vmem>>[vector<16xi32>, vector<16xi32>], vector<16xf32>,
        %gather3A_1155 = tpu.vector_load_idx %arg8[%add3A_765, %add3A_1128] : memref<128x64xf32, #tpu.memory_space<vmem>>[vector<16xi32>, vector<16xi32>], vector<16xf32>,
        %add3A_1156 = arith.addf %gather3A_1155, %gather3A_1129 : vector<16xf32>
        %add3A_1157 = arith.constant 48 : i32
        %add3A_1158 = vector.broadcast %add3A_1157 : i32 to vector<16xi32>
        %add3A_1159 = arith.addi %add3A_1139, %add3A_1158 : vector<16xi32>
        tpu.vector_store_idx %arg10[%shift_right_logical3A_1132, %add3A_1159], %add3A_1156 : memref<8x1024xf32, #tpu.memory_space<vmem>>[vector<16xi32>, vector<16xi32>], vector<16xf32>,
        %gather3A_1160 = tpu.vector_load_idx %arg8[%add3A_768, %add3A_1128] : memref<128x64xf32, #tpu.memory_space<vmem>>[vector<16xi32>, vector<16xi32>], vector<16xf32>,
        %add3A_1161 = arith.addf %gather3A_1160, %gather3A_1129 : vector<16xf32>
        %add3A_1162 = arith.constant 64 : i32
        %add3A_1163 = vector.broadcast %add3A_1162 : i32 to vector<16xi32>
        %add3A_1164 = arith.addi %add3A_1139, %add3A_1163 : vector<16xi32>
        tpu.vector_store_idx %arg10[%shift_right_logical3A_1132, %add3A_1164], %add3A_1161 : memref<8x1024xf32, #tpu.memory_space<vmem>>[vector<16xi32>, vector<16xi32>], vector<16xf32>,
        %gather3A_1165 = tpu.vector_load_idx %arg8[%add3A_771, %add3A_1128] : memref<128x64xf32, #tpu.memory_space<vmem>>[vector<16xi32>, vector<16xi32>], vector<16xf32>,
        %add3A_1166 = arith.addf %gather3A_1165, %gather3A_1129 : vector<16xf32>
        %add3A_1167 = arith.constant 80 : i32
        %add3A_1168 = vector.broadcast %add3A_1167 : i32 to vector<16xi32>
        %add3A_1169 = arith.addi %add3A_1139, %add3A_1168 : vector<16xi32>
        tpu.vector_store_idx %arg10[%shift_right_logical3A_1132, %add3A_1169], %add3A_1166 : memref<8x1024xf32, #tpu.memory_space<vmem>>[vector<16xi32>, vector<16xi32>], vector<16xf32>,
        %gather3A_1170 = tpu.vector_load_idx %arg8[%add3A_774, %add3A_1128] : memref<128x64xf32, #tpu.memory_space<vmem>>[vector<16xi32>, vector<16xi32>], vector<16xf32>,
        %add3A_1171 = arith.addf %gather3A_1170, %gather3A_1129 : vector<16xf32>
        %add3A_1172 = arith.constant 96 : i32
        %add3A_1173 = vector.broadcast %add3A_1172 : i32 to vector<16xi32>
        %add3A_1174 = arith.addi %add3A_1139, %add3A_1173 : vector<16xi32>
        tpu.vector_store_idx %arg10[%shift_right_logical3A_1132, %add3A_1174], %add3A_1171 : memref<8x1024xf32, #tpu.memory_space<vmem>>[vector<16xi32>, vector<16xi32>], vector<16xf32>,
        %gather3A_1175 = tpu.vector_load_idx %arg8[%add3A_777, %add3A_1128] : memref<128x64xf32, #tpu.memory_space<vmem>>[vector<16xi32>, vector<16xi32>], vector<16xf32>,
        %add3A_1176 = arith.addf %gather3A_1175, %gather3A_1129 : vector<16xf32>
        %add3A_1177 = arith.constant 112 : i32
        %add3A_1178 = vector.broadcast %add3A_1177 : i32 to vector<16xi32>
        %add3A_1179 = arith.addi %add3A_1139, %add3A_1178 : vector<16xi32>
        tpu.vector_store_idx %arg10[%shift_right_logical3A_1132, %add3A_1179], %add3A_1176 : memref<8x1024xf32, #tpu.memory_space<vmem>>[vector<16xi32>, vector<16xi32>], vector<16xf32>,
      }
      %scan3A_910 = arith.constant 16 : i32
      %dma_start3A_911 = arith.constant 0 : i32
      %dma_start3A_912 = arith.constant 0 : i32
      %dma_start3A_913 = tpu.memref_slice %arg5[%mul3A_881, %dma_start3A_911, %add3A, %dma_start3A_912] : memref<200x8x32x1024xf32, #tpu.memory_space<hbm>> -> memref<1x8x1x1024xf32, #tpu.memory_space<hbm>>
      %dma_start3A_914 = tpu.memref_squeeze %dma_start3A_913 : memref<1x8x1x1024xf32, #tpu.memory_space<hbm>> -> memref<8x1024xf32, #tpu.memory_space<hbm>>
      %dma_start3A_915 = arith.constant 0 : i32
      %dma_start3A_916 = arith.constant 0 : i32
      %dma_start3A_917 = tpu.memref_slice %arg5[%mul3A_881, %dma_start3A_915, %add3A, %dma_start3A_916] : memref<200x8x32x1024xf32, #tpu.memory_space<hbm>> -> memref<1x8x1x1024xf32, #tpu.memory_space<hbm>>
      %dma_start3A_918 = tpu.memref_squeeze %dma_start3A_917 : memref<1x8x1x1024xf32, #tpu.memory_space<hbm>> -> memref<8x1024xf32, #tpu.memory_space<hbm>>
      tpu.enqueue_dma source(%arg10 : memref<8x1024xf32, #tpu.memory_space<vmem>>) target(%dma_start3A_918 : memref<8x1024xf32, #tpu.memory_space<hbm>>) target_semaphore(%arg15 : memref<!tpu.dma_semaphore, #tpu.memory_space<semaphore_mem>>)
      %add3A_919 = arith.constant 1 : i32
      %add3A_920 = arith.addi %mul3A_881, %add3A_919 : i32
      %add3A_921 = arith.constant 1 : i32
      %add3A_922 = arith.addi %add3A_920, %add3A_921 : i32
      %le3A_923 = arith.constant 199 : i32
      %le3A_924 = arith.cmpi sle, %add3A_922, %le3A_923 : i32
      %convert_element_type3A_925 = arith.extui %le3A_924 : i1 to i32
      %cond3A_926 = arith.constant 0 : i32
      %cond3A_927 = arith.cmpi ne, %convert_element_type3A_925, %cond3A_926 : i32
      scf.if %cond3A_927 {
        %add3A_961 = arith.constant 1 : i32
        %add3A_962 = arith.addi %add3A_920, %add3A_961 : i32
        %dma_start3A_963 = arith.constant 0 : i32
        %dma_start3A_964 = tpu.memref_slice %arg6[%add3A_962, %dma_start3A_963] : memref<200x128xi32, #tpu.memory_space<vmem>> -> memref<1x128xi32, #tpu.memory_space<vmem>>
        %dma_start3A_965 = tpu.memref_squeeze %dma_start3A_964 : memref<1x128xi32, #tpu.memory_space<vmem>> -> memref<128xi32, #tpu.memory_space<vmem>>
        %dma_start3A_966 = arith.constant 0 : i32
        %dma_start3A_967 = arith.constant 0 : i32
        %dma_start3A_968 = tpu.memref_slice %arg3[%dma_start3A_966, %dma_start3A_967] : memref<2000000x64xf32, #tpu.memory_space<hbm>> -> memref<2000000x64xf32, #tpu.memory_space<hbm>>
        tpu.enqueue_indirect_dma source(%dma_start3A_968 : memref<2000000x64xf32, #tpu.memory_space<hbm>>) target(%arg8 : memref<128x64xf32, #tpu.memory_space<vmem>>) offsets(%dma_start3A_965 : memref<128xi32, #tpu.memory_space<vmem>>) semaphore(%arg13 : memref<!tpu.dma_semaphore, #tpu.memory_space<semaphore_mem>>)
      } else {
      }
      %dma_wait3A_928 = arith.constant 0 : i32
      %dma_wait3A_929 = tpu.memref_slice %arg6[%add3A_920, %dma_wait3A_928] : memref<200x128xi32, #tpu.memory_space<vmem>> -> memref<1x128xi32, #tpu.memory_space<vmem>>
      %dma_wait3A_930 = tpu.memref_squeeze %dma_wait3A_929 : memref<1x128xi32, #tpu.memory_space<vmem>> -> memref<128xi32, #tpu.memory_space<vmem>>
      %dma_wait3A_931 = arith.constant 0 : i32
      %dma_wait3A_932 = arith.constant 0 : i32
      %dma_wait3A_933 = tpu.memref_slice %arg3[%dma_wait3A_931, %dma_wait3A_932] : memref<2000000x64xf32, #tpu.memory_space<hbm>> -> memref<2000000x64xf32, #tpu.memory_space<hbm>>
      tpu.wait_indirect_dma semaphore(%arg14 : memref<!tpu.dma_semaphore, #tpu.memory_space<semaphore_mem>>) src(%dma_wait3A_933 : memref<2000000x64xf32, #tpu.memory_space<hbm>>) dst(%arg9 : memref<128x64xf32, #tpu.memory_space<vmem>>)
      %dma_wait3A_934 = arith.constant 0 : i32
      %dma_wait3A_935 = arith.constant 0 : i32
      %dma_wait3A_936 = tpu.memref_slice %arg5[%add3A_920, %dma_wait3A_934, %add3A, %dma_wait3A_935] : memref<200x8x32x1024xf32, #tpu.memory_space<hbm>> -> memref<1x8x1x1024xf32, #tpu.memory_space<hbm>>
      %dma_wait3A_937 = tpu.memref_squeeze %dma_wait3A_936 : memref<1x8x1x1024xf32, #tpu.memory_space<hbm>> -> memref<8x1024xf32, #tpu.memory_space<hbm>>
      %dma_wait3A_938 = arith.constant 0 : i32
      %dma_wait3A_939 = arith.constant 0 : i32
      %dma_wait3A_940 = tpu.memref_slice %arg5[%add3A_920, %dma_wait3A_938, %add3A, %dma_wait3A_939] : memref<200x8x32x1024xf32, #tpu.memory_space<hbm>> -> memref<1x8x1x1024xf32, #tpu.memory_space<hbm>>
      %dma_wait3A_941 = tpu.memref_squeeze %dma_wait3A_940 : memref<1x8x1x1024xf32, #tpu.memory_space<hbm>> -> memref<8x1024xf32, #tpu.memory_space<hbm>>
      tpu.wait_dma2 semaphore(%arg16 : memref<!tpu.dma_semaphore, #tpu.memory_space<semaphore_mem>>) src(%arg11 : memref<8x1024xf32, #tpu.memory_space<vmem>>) dst(%dma_wait3A_941 : memref<8x1024xf32, #tpu.memory_space<hbm>>)
      %mul3A_942 = arith.constant 0 : i32
      %mul3A_943 = vector.broadcast %mul3A_942 : i32 to vector<16xi32>
      %mul3A_944 = arith.muli %iota3A, %mul3A_943 : vector<16xi32>
      %add3A_945 = vector.broadcast %add3A_920 : i32 to vector<16xi32>
      %add3A_946 = arith.addi %mul3A_944, %add3A_945 : vector<16xi32>
      %scan3A_947 = arith.constant 0 : i32
      %scan3A_948 = arith.constant 0 : i32
      %scan3A_949 = arith.constant 16 : i32
      %scan3A_950 = arith.addi %scan3A_948, %scan3A_949 : i32
      %scan3A_951 = arith.constant 1 : i32
      scf.for %scan3A_961 = %scan3A_948 to %scan3A_950 step %scan3A_951  : i32 {
        %add3A_962 = vector.broadcast %scan3A_961 : i32 to vector<16xi32>
        %add3A_963 = arith.addi %iota3A, %add3A_962 : vector<16xi32>
        %and3A = arith.constant 15 : i32
        %and3A_964 = vector.broadcast %and3A : i32 to vector<16xi32>
        %and3A_965 = arith.andi %add3A_963, %and3A_964 : vector<16xi32>
        %add3A_966 = arith.constant 0 : i32
        %add3A_967 = vector.broadcast %add3A_966 : i32 to vector<16xi32>
        %add3A_968 = arith.addi %and3A_965, %add3A_967 : vector<16xi32>
        %gather3A = tpu.vector_load_idx %arg7[%add3A_946, %add3A_968] : memref<200x64xf32, #tpu.memory_space<vmem>>[vector<16xi32>, vector<16xi32>], vector<16xf32>,
        %shift_right_logical3A = arith.constant 3 : i32
        %shift_right_logical3A_969 = vector.broadcast %shift_right_logical3A : i32 to vector<16xi32>
        %shift_right_logical3A_970 = arith.shrui %add3A_968, %shift_right_logical3A_969 : vector<16xi32>
        %and3A_971 = arith.constant 7 : i32
        %and3A_972 = vector.broadcast %and3A_971 : i32 to vector<16xi32>
        %and3A_973 = arith.andi %add3A_968, %and3A_972 : vector<16xi32>
        %mul3A_974 = arith.constant 128 : i32
        %mul3A_975 = vector.broadcast %mul3A_974 : i32 to vector<16xi32>
        %mul3A_976 = arith.muli %and3A_973, %mul3A_975 : vector<16xi32>
        %add3A_977 = arith.addi %mul3A_976, %iota3A : vector<16xi32>
        %gather3A_978 = tpu.vector_load_idx %arg9[%add3A_756, %add3A_968] : memref<128x64xf32, #tpu.memory_space<vmem>>[vector<16xi32>, vector<16xi32>], vector<16xf32>,
        %add3A_979 = arith.addf %gather3A_978, %gather3A : vector<16xf32>
        %add3A_980 = arith.constant 0 : i32
        %add3A_981 = vector.broadcast %add3A_980 : i32 to vector<16xi32>
        %add3A_982 = arith.addi %add3A_977, %add3A_981 : vector<16xi32>
        tpu.vector_store_idx %arg11[%shift_right_logical3A_970, %add3A_982], %add3A_979 : memref<8x1024xf32, #tpu.memory_space<vmem>>[vector<16xi32>, vector<16xi32>], vector<16xf32>,
        %gather3A_983 = tpu.vector_load_idx %arg9[%add3A_759, %add3A_968] : memref<128x64xf32, #tpu.memory_space<vmem>>[vector<16xi32>, vector<16xi32>], vector<16xf32>,
        %add3A_984 = arith.addf %gather3A_983, %gather3A : vector<16xf32>
        %add3A_985 = arith.constant 16 : i32
        %add3A_986 = vector.broadcast %add3A_985 : i32 to vector<16xi32>
        %add3A_987 = arith.addi %add3A_977, %add3A_986 : vector<16xi32>
        tpu.vector_store_idx %arg11[%shift_right_logical3A_970, %add3A_987], %add3A_984 : memref<8x1024xf32, #tpu.memory_space<vmem>>[vector<16xi32>, vector<16xi32>], vector<16xf32>,
        %gather3A_988 = tpu.vector_load_idx %arg9[%add3A_762, %add3A_968] : memref<128x64xf32, #tpu.memory_space<vmem>>[vector<16xi32>, vector<16xi32>], vector<16xf32>,
        %add3A_989 = arith.addf %gather3A_988, %gather3A : vector<16xf32>
        %add3A_990 = arith.constant 32 : i32
        %add3A_991 = vector.broadcast %add3A_990 : i32 to vector<16xi32>
        %add3A_992 = arith.addi %add3A_977, %add3A_991 : vector<16xi32>
        tpu.vector_store_idx %arg11[%shift_right_logical3A_970, %add3A_992], %add3A_989 : memref<8x1024xf32, #tpu.memory_space<vmem>>[vector<16xi32>, vector<16xi32>], vector<16xf32>,
        %gather3A_993 = tpu.vector_load_idx %arg9[%add3A_765, %add3A_968] : memref<128x64xf32, #tpu.memory_space<vmem>>[vector<16xi32>, vector<16xi32>], vector<16xf32>,
        %add3A_994 = arith.addf %gather3A_993, %gather3A : vector<16xf32>
        %add3A_995 = arith.constant 48 : i32
        %add3A_996 = vector.broadcast %add3A_995 : i32 to vector<16xi32>
        %add3A_997 = arith.addi %add3A_977, %add3A_996 : vector<16xi32>
        tpu.vector_store_idx %arg11[%shift_right_logical3A_970, %add3A_997], %add3A_994 : memref<8x1024xf32, #tpu.memory_space<vmem>>[vector<16xi32>, vector<16xi32>], vector<16xf32>,
        %gather3A_998 = tpu.vector_load_idx %arg9[%add3A_768, %add3A_968] : memref<128x64xf32, #tpu.memory_space<vmem>>[vector<16xi32>, vector<16xi32>], vector<16xf32>,
        %add3A_999 = arith.addf %gather3A_998, %gather3A : vector<16xf32>
        %add3A_1000 = arith.constant 64 : i32
        %add3A_1001 = vector.broadcast %add3A_1000 : i32 to vector<16xi32>
        %add3A_1002 = arith.addi %add3A_977, %add3A_1001 : vector<16xi32>
        tpu.vector_store_idx %arg11[%shift_right_logical3A_970, %add3A_1002], %add3A_999 : memref<8x1024xf32, #tpu.memory_space<vmem>>[vector<16xi32>, vector<16xi32>], vector<16xf32>,
        %gather3A_1003 = tpu.vector_load_idx %arg9[%add3A_771, %add3A_968] : memref<128x64xf32, #tpu.memory_space<vmem>>[vector<16xi32>, vector<16xi32>], vector<16xf32>,
        %add3A_1004 = arith.addf %gather3A_1003, %gather3A : vector<16xf32>
        %add3A_1005 = arith.constant 80 : i32
        %add3A_1006 = vector.broadcast %add3A_1005 : i32 to vector<16xi32>
        %add3A_1007 = arith.addi %add3A_977, %add3A_1006 : vector<16xi32>
        tpu.vector_store_idx %arg11[%shift_right_logical3A_970, %add3A_1007], %add3A_1004 : memref<8x1024xf32, #tpu.memory_space<vmem>>[vector<16xi32>, vector<16xi32>], vector<16xf32>,
        %gather3A_1008 = tpu.vector_load_idx %arg9[%add3A_774, %add3A_968] : memref<128x64xf32, #tpu.memory_space<vmem>>[vector<16xi32>, vector<16xi32>], vector<16xf32>,
        %add3A_1009 = arith.addf %gather3A_1008, %gather3A : vector<16xf32>
        %add3A_1010 = arith.constant 96 : i32
        %add3A_1011 = vector.broadcast %add3A_1010 : i32 to vector<16xi32>
        %add3A_1012 = arith.addi %add3A_977, %add3A_1011 : vector<16xi32>
        tpu.vector_store_idx %arg11[%shift_right_logical3A_970, %add3A_1012], %add3A_1009 : memref<8x1024xf32, #tpu.memory_space<vmem>>[vector<16xi32>, vector<16xi32>], vector<16xf32>,
        %gather3A_1013 = tpu.vector_load_idx %arg9[%add3A_777, %add3A_968] : memref<128x64xf32, #tpu.memory_space<vmem>>[vector<16xi32>, vector<16xi32>], vector<16xf32>,
        %add3A_1014 = arith.addf %gather3A_1013, %gather3A : vector<16xf32>
        %add3A_1015 = arith.constant 112 : i32
        %add3A_1016 = vector.broadcast %add3A_1015 : i32 to vector<16xi32>
        %add3A_1017 = arith.addi %add3A_977, %add3A_1016 : vector<16xi32>
        tpu.vector_store_idx %arg11[%shift_right_logical3A_970, %add3A_1017], %add3A_1014 : memref<8x1024xf32, #tpu.memory_space<vmem>>[vector<16xi32>, vector<16xi32>], vector<16xf32>,
        %add3A_1018 = arith.constant 16 : i32
        %add3A_1019 = vector.broadcast %add3A_1018 : i32 to vector<16xi32>
        %add3A_1020 = arith.addi %and3A_965, %add3A_1019 : vector<16xi32>
        %gather3A_1021 = tpu.vector_load_idx %arg7[%add3A_946, %add3A_1020] : memref<200x64xf32, #tpu.memory_space<vmem>>[vector<16xi32>, vector<16xi32>], vector<16xf32>,
        %shift_right_logical3A_1022 = arith.constant 3 : i32
        %shift_right_logical3A_1023 = vector.broadcast %shift_right_logical3A_1022 : i32 to vector<16xi32>
        %shift_right_logical3A_1024 = arith.shrui %add3A_1020, %shift_right_logical3A_1023 : vector<16xi32>
        %and3A_1025 = arith.constant 7 : i32
        %and3A_1026 = vector.broadcast %and3A_1025 : i32 to vector<16xi32>
        %and3A_1027 = arith.andi %add3A_1020, %and3A_1026 : vector<16xi32>
        %mul3A_1028 = arith.constant 128 : i32
        %mul3A_1029 = vector.broadcast %mul3A_1028 : i32 to vector<16xi32>
        %mul3A_1030 = arith.muli %and3A_1027, %mul3A_1029 : vector<16xi32>
        %add3A_1031 = arith.addi %mul3A_1030, %iota3A : vector<16xi32>
        %gather3A_1032 = tpu.vector_load_idx %arg9[%add3A_756, %add3A_1020] : memref<128x64xf32, #tpu.memory_space<vmem>>[vector<16xi32>, vector<16xi32>], vector<16xf32>,
        %add3A_1033 = arith.addf %gather3A_1032, %gather3A_1021 : vector<16xf32>
        %add3A_1034 = arith.constant 0 : i32
        %add3A_1035 = vector.broadcast %add3A_1034 : i32 to vector<16xi32>
        %add3A_1036 = arith.addi %add3A_1031, %add3A_1035 : vector<16xi32>
        tpu.vector_store_idx %arg11[%shift_right_logical3A_1024, %add3A_1036], %add3A_1033 : memref<8x1024xf32, #tpu.memory_space<vmem>>[vector<16xi32>, vector<16xi32>], vector<16xf32>,
        %gather3A_1037 = tpu.vector_load_idx %arg9[%add3A_759, %add3A_1020] : memref<128x64xf32, #tpu.memory_space<vmem>>[vector<16xi32>, vector<16xi32>], vector<16xf32>,
        %add3A_1038 = arith.addf %gather3A_1037, %gather3A_1021 : vector<16xf32>
        %add3A_1039 = arith.constant 16 : i32
        %add3A_1040 = vector.broadcast %add3A_1039 : i32 to vector<16xi32>
        %add3A_1041 = arith.addi %add3A_1031, %add3A_1040 : vector<16xi32>
        tpu.vector_store_idx %arg11[%shift_right_logical3A_1024, %add3A_1041], %add3A_1038 : memref<8x1024xf32, #tpu.memory_space<vmem>>[vector<16xi32>, vector<16xi32>], vector<16xf32>,
        %gather3A_1042 = tpu.vector_load_idx %arg9[%add3A_762, %add3A_1020] : memref<128x64xf32, #tpu.memory_space<vmem>>[vector<16xi32>, vector<16xi32>], vector<16xf32>,
        %add3A_1043 = arith.addf %gather3A_1042, %gather3A_1021 : vector<16xf32>
        %add3A_1044 = arith.constant 32 : i32
        %add3A_1045 = vector.broadcast %add3A_1044 : i32 to vector<16xi32>
        %add3A_1046 = arith.addi %add3A_1031, %add3A_1045 : vector<16xi32>
        tpu.vector_store_idx %arg11[%shift_right_logical3A_1024, %add3A_1046], %add3A_1043 : memref<8x1024xf32, #tpu.memory_space<vmem>>[vector<16xi32>, vector<16xi32>], vector<16xf32>,
        %gather3A_1047 = tpu.vector_load_idx %arg9[%add3A_765, %add3A_1020] : memref<128x64xf32, #tpu.memory_space<vmem>>[vector<16xi32>, vector<16xi32>], vector<16xf32>,
        %add3A_1048 = arith.addf %gather3A_1047, %gather3A_1021 : vector<16xf32>
        %add3A_1049 = arith.constant 48 : i32
        %add3A_1050 = vector.broadcast %add3A_1049 : i32 to vector<16xi32>
        %add3A_1051 = arith.addi %add3A_1031, %add3A_1050 : vector<16xi32>
        tpu.vector_store_idx %arg11[%shift_right_logical3A_1024, %add3A_1051], %add3A_1048 : memref<8x1024xf32, #tpu.memory_space<vmem>>[vector<16xi32>, vector<16xi32>], vector<16xf32>,
        %gather3A_1052 = tpu.vector_load_idx %arg9[%add3A_768, %add3A_1020] : memref<128x64xf32, #tpu.memory_space<vmem>>[vector<16xi32>, vector<16xi32>], vector<16xf32>,
        %add3A_1053 = arith.addf %gather3A_1052, %gather3A_1021 : vector<16xf32>
        %add3A_1054 = arith.constant 64 : i32
        %add3A_1055 = vector.broadcast %add3A_1054 : i32 to vector<16xi32>
        %add3A_1056 = arith.addi %add3A_1031, %add3A_1055 : vector<16xi32>
        tpu.vector_store_idx %arg11[%shift_right_logical3A_1024, %add3A_1056], %add3A_1053 : memref<8x1024xf32, #tpu.memory_space<vmem>>[vector<16xi32>, vector<16xi32>], vector<16xf32>,
        %gather3A_1057 = tpu.vector_load_idx %arg9[%add3A_771, %add3A_1020] : memref<128x64xf32, #tpu.memory_space<vmem>>[vector<16xi32>, vector<16xi32>], vector<16xf32>,
        %add3A_1058 = arith.addf %gather3A_1057, %gather3A_1021 : vector<16xf32>
        %add3A_1059 = arith.constant 80 : i32
        %add3A_1060 = vector.broadcast %add3A_1059 : i32 to vector<16xi32>
        %add3A_1061 = arith.addi %add3A_1031, %add3A_1060 : vector<16xi32>
        tpu.vector_store_idx %arg11[%shift_right_logical3A_1024, %add3A_1061], %add3A_1058 : memref<8x1024xf32, #tpu.memory_space<vmem>>[vector<16xi32>, vector<16xi32>], vector<16xf32>,
        %gather3A_1062 = tpu.vector_load_idx %arg9[%add3A_774, %add3A_1020] : memref<128x64xf32, #tpu.memory_space<vmem>>[vector<16xi32>, vector<16xi32>], vector<16xf32>,
        %add3A_1063 = arith.addf %gather3A_1062, %gather3A_1021 : vector<16xf32>
        %add3A_1064 = arith.constant 96 : i32
        %add3A_1065 = vector.broadcast %add3A_1064 : i32 to vector<16xi32>
        %add3A_1066 = arith.addi %add3A_1031, %add3A_1065 : vector<16xi32>
        tpu.vector_store_idx %arg11[%shift_right_logical3A_1024, %add3A_1066], %add3A_1063 : memref<8x1024xf32, #tpu.memory_space<vmem>>[vector<16xi32>, vector<16xi32>], vector<16xf32>,
        %gather3A_1067 = tpu.vector_load_idx %arg9[%add3A_777, %add3A_1020] : memref<128x64xf32, #tpu.memory_space<vmem>>[vector<16xi32>, vector<16xi32>], vector<16xf32>,
        %add3A_1068 = arith.addf %gather3A_1067, %gather3A_1021 : vector<16xf32>
        %add3A_1069 = arith.constant 112 : i32
        %add3A_1070 = vector.broadcast %add3A_1069 : i32 to vector<16xi32>
        %add3A_1071 = arith.addi %add3A_1031, %add3A_1070 : vector<16xi32>
        tpu.vector_store_idx %arg11[%shift_right_logical3A_1024, %add3A_1071], %add3A_1068 : memref<8x1024xf32, #tpu.memory_space<vmem>>[vector<16xi32>, vector<16xi32>], vector<16xf32>,
        %add3A_1072 = arith.constant 32 : i32
        %add3A_1073 = vector.broadcast %add3A_1072 : i32 to vector<16xi32>
        %add3A_1074 = arith.addi %and3A_965, %add3A_1073 : vector<16xi32>
        %gather3A_1075 = tpu.vector_load_idx %arg7[%add3A_946, %add3A_1074] : memref<200x64xf32, #tpu.memory_space<vmem>>[vector<16xi32>, vector<16xi32>], vector<16xf32>,
        %shift_right_logical3A_1076 = arith.constant 3 : i32
        %shift_right_logical3A_1077 = vector.broadcast %shift_right_logical3A_1076 : i32 to vector<16xi32>
        %shift_right_logical3A_1078 = arith.shrui %add3A_1074, %shift_right_logical3A_1077 : vector<16xi32>
        %and3A_1079 = arith.constant 7 : i32
        %and3A_1080 = vector.broadcast %and3A_1079 : i32 to vector<16xi32>
        %and3A_1081 = arith.andi %add3A_1074, %and3A_1080 : vector<16xi32>
        %mul3A_1082 = arith.constant 128 : i32
        %mul3A_1083 = vector.broadcast %mul3A_1082 : i32 to vector<16xi32>
        %mul3A_1084 = arith.muli %and3A_1081, %mul3A_1083 : vector<16xi32>
        %add3A_1085 = arith.addi %mul3A_1084, %iota3A : vector<16xi32>
        %gather3A_1086 = tpu.vector_load_idx %arg9[%add3A_756, %add3A_1074] : memref<128x64xf32, #tpu.memory_space<vmem>>[vector<16xi32>, vector<16xi32>], vector<16xf32>,
        %add3A_1087 = arith.addf %gather3A_1086, %gather3A_1075 : vector<16xf32>
        %add3A_1088 = arith.constant 0 : i32
        %add3A_1089 = vector.broadcast %add3A_1088 : i32 to vector<16xi32>
        %add3A_1090 = arith.addi %add3A_1085, %add3A_1089 : vector<16xi32>
        tpu.vector_store_idx %arg11[%shift_right_logical3A_1078, %add3A_1090], %add3A_1087 : memref<8x1024xf32, #tpu.memory_space<vmem>>[vector<16xi32>, vector<16xi32>], vector<16xf32>,
        %gather3A_1091 = tpu.vector_load_idx %arg9[%add3A_759, %add3A_1074] : memref<128x64xf32, #tpu.memory_space<vmem>>[vector<16xi32>, vector<16xi32>], vector<16xf32>,
        %add3A_1092 = arith.addf %gather3A_1091, %gather3A_1075 : vector<16xf32>
        %add3A_1093 = arith.constant 16 : i32
        %add3A_1094 = vector.broadcast %add3A_1093 : i32 to vector<16xi32>
        %add3A_1095 = arith.addi %add3A_1085, %add3A_1094 : vector<16xi32>
        tpu.vector_store_idx %arg11[%shift_right_logical3A_1078, %add3A_1095], %add3A_1092 : memref<8x1024xf32, #tpu.memory_space<vmem>>[vector<16xi32>, vector<16xi32>], vector<16xf32>,
        %gather3A_1096 = tpu.vector_load_idx %arg9[%add3A_762, %add3A_1074] : memref<128x64xf32, #tpu.memory_space<vmem>>[vector<16xi32>, vector<16xi32>], vector<16xf32>,
        %add3A_1097 = arith.addf %gather3A_1096, %gather3A_1075 : vector<16xf32>
        %add3A_1098 = arith.constant 32 : i32
        %add3A_1099 = vector.broadcast %add3A_1098 : i32 to vector<16xi32>
        %add3A_1100 = arith.addi %add3A_1085, %add3A_1099 : vector<16xi32>
        tpu.vector_store_idx %arg11[%shift_right_logical3A_1078, %add3A_1100], %add3A_1097 : memref<8x1024xf32, #tpu.memory_space<vmem>>[vector<16xi32>, vector<16xi32>], vector<16xf32>,
        %gather3A_1101 = tpu.vector_load_idx %arg9[%add3A_765, %add3A_1074] : memref<128x64xf32, #tpu.memory_space<vmem>>[vector<16xi32>, vector<16xi32>], vector<16xf32>,
        %add3A_1102 = arith.addf %gather3A_1101, %gather3A_1075 : vector<16xf32>
        %add3A_1103 = arith.constant 48 : i32
        %add3A_1104 = vector.broadcast %add3A_1103 : i32 to vector<16xi32>
        %add3A_1105 = arith.addi %add3A_1085, %add3A_1104 : vector<16xi32>
        tpu.vector_store_idx %arg11[%shift_right_logical3A_1078, %add3A_1105], %add3A_1102 : memref<8x1024xf32, #tpu.memory_space<vmem>>[vector<16xi32>, vector<16xi32>], vector<16xf32>,
        %gather3A_1106 = tpu.vector_load_idx %arg9[%add3A_768, %add3A_1074] : memref<128x64xf32, #tpu.memory_space<vmem>>[vector<16xi32>, vector<16xi32>], vector<16xf32>,
        %add3A_1107 = arith.addf %gather3A_1106, %gather3A_1075 : vector<16xf32>
        %add3A_1108 = arith.constant 64 : i32
        %add3A_1109 = vector.broadcast %add3A_1108 : i32 to vector<16xi32>
        %add3A_1110 = arith.addi %add3A_1085, %add3A_1109 : vector<16xi32>
        tpu.vector_store_idx %arg11[%shift_right_logical3A_1078, %add3A_1110], %add3A_1107 : memref<8x1024xf32, #tpu.memory_space<vmem>>[vector<16xi32>, vector<16xi32>], vector<16xf32>,
        %gather3A_1111 = tpu.vector_load_idx %arg9[%add3A_771, %add3A_1074] : memref<128x64xf32, #tpu.memory_space<vmem>>[vector<16xi32>, vector<16xi32>], vector<16xf32>,
        %add3A_1112 = arith.addf %gather3A_1111, %gather3A_1075 : vector<16xf32>
        %add3A_1113 = arith.constant 80 : i32
        %add3A_1114 = vector.broadcast %add3A_1113 : i32 to vector<16xi32>
        %add3A_1115 = arith.addi %add3A_1085, %add3A_1114 : vector<16xi32>
        tpu.vector_store_idx %arg11[%shift_right_logical3A_1078, %add3A_1115], %add3A_1112 : memref<8x1024xf32, #tpu.memory_space<vmem>>[vector<16xi32>, vector<16xi32>], vector<16xf32>,
        %gather3A_1116 = tpu.vector_load_idx %arg9[%add3A_774, %add3A_1074] : memref<128x64xf32, #tpu.memory_space<vmem>>[vector<16xi32>, vector<16xi32>], vector<16xf32>,
        %add3A_1117 = arith.addf %gather3A_1116, %gather3A_1075 : vector<16xf32>
        %add3A_1118 = arith.constant 96 : i32
        %add3A_1119 = vector.broadcast %add3A_1118 : i32 to vector<16xi32>
        %add3A_1120 = arith.addi %add3A_1085, %add3A_1119 : vector<16xi32>
        tpu.vector_store_idx %arg11[%shift_right_logical3A_1078, %add3A_1120], %add3A_1117 : memref<8x1024xf32, #tpu.memory_space<vmem>>[vector<16xi32>, vector<16xi32>], vector<16xf32>,
        %gather3A_1121 = tpu.vector_load_idx %arg9[%add3A_777, %add3A_1074] : memref<128x64xf32, #tpu.memory_space<vmem>>[vector<16xi32>, vector<16xi32>], vector<16xf32>,
        %add3A_1122 = arith.addf %gather3A_1121, %gather3A_1075 : vector<16xf32>
        %add3A_1123 = arith.constant 112 : i32
        %add3A_1124 = vector.broadcast %add3A_1123 : i32 to vector<16xi32>
        %add3A_1125 = arith.addi %add3A_1085, %add3A_1124 : vector<16xi32>
        tpu.vector_store_idx %arg11[%shift_right_logical3A_1078, %add3A_1125], %add3A_1122 : memref<8x1024xf32, #tpu.memory_space<vmem>>[vector<16xi32>, vector<16xi32>], vector<16xf32>,
        %add3A_1126 = arith.constant 48 : i32
        %add3A_1127 = vector.broadcast %add3A_1126 : i32 to vector<16xi32>
        %add3A_1128 = arith.addi %and3A_965, %add3A_1127 : vector<16xi32>
        %gather3A_1129 = tpu.vector_load_idx %arg7[%add3A_946, %add3A_1128] : memref<200x64xf32, #tpu.memory_space<vmem>>[vector<16xi32>, vector<16xi32>], vector<16xf32>,
        %shift_right_logical3A_1130 = arith.constant 3 : i32
        %shift_right_logical3A_1131 = vector.broadcast %shift_right_logical3A_1130 : i32 to vector<16xi32>
        %shift_right_logical3A_1132 = arith.shrui %add3A_1128, %shift_right_logical3A_1131 : vector<16xi32>
        %and3A_1133 = arith.constant 7 : i32
        %and3A_1134 = vector.broadcast %and3A_1133 : i32 to vector<16xi32>
        %and3A_1135 = arith.andi %add3A_1128, %and3A_1134 : vector<16xi32>
        %mul3A_1136 = arith.constant 128 : i32
        %mul3A_1137 = vector.broadcast %mul3A_1136 : i32 to vector<16xi32>
        %mul3A_1138 = arith.muli %and3A_1135, %mul3A_1137 : vector<16xi32>
        %add3A_1139 = arith.addi %mul3A_1138, %iota3A : vector<16xi32>
        %gather3A_1140 = tpu.vector_load_idx %arg9[%add3A_756, %add3A_1128] : memref<128x64xf32, #tpu.memory_space<vmem>>[vector<16xi32>, vector<16xi32>], vector<16xf32>,
        %add3A_1141 = arith.addf %gather3A_1140, %gather3A_1129 : vector<16xf32>
        %add3A_1142 = arith.constant 0 : i32
        %add3A_1143 = vector.broadcast %add3A_1142 : i32 to vector<16xi32>
        %add3A_1144 = arith.addi %add3A_1139, %add3A_1143 : vector<16xi32>
        tpu.vector_store_idx %arg11[%shift_right_logical3A_1132, %add3A_1144], %add3A_1141 : memref<8x1024xf32, #tpu.memory_space<vmem>>[vector<16xi32>, vector<16xi32>], vector<16xf32>,
        %gather3A_1145 = tpu.vector_load_idx %arg9[%add3A_759, %add3A_1128] : memref<128x64xf32, #tpu.memory_space<vmem>>[vector<16xi32>, vector<16xi32>], vector<16xf32>,
        %add3A_1146 = arith.addf %gather3A_1145, %gather3A_1129 : vector<16xf32>
        %add3A_1147 = arith.constant 16 : i32
        %add3A_1148 = vector.broadcast %add3A_1147 : i32 to vector<16xi32>
        %add3A_1149 = arith.addi %add3A_1139, %add3A_1148 : vector<16xi32>
        tpu.vector_store_idx %arg11[%shift_right_logical3A_1132, %add3A_1149], %add3A_1146 : memref<8x1024xf32, #tpu.memory_space<vmem>>[vector<16xi32>, vector<16xi32>], vector<16xf32>,
        %gather3A_1150 = tpu.vector_load_idx %arg9[%add3A_762, %add3A_1128] : memref<128x64xf32, #tpu.memory_space<vmem>>[vector<16xi32>, vector<16xi32>], vector<16xf32>,
        %add3A_1151 = arith.addf %gather3A_1150, %gather3A_1129 : vector<16xf32>
        %add3A_1152 = arith.constant 32 : i32
        %add3A_1153 = vector.broadcast %add3A_1152 : i32 to vector<16xi32>
        %add3A_1154 = arith.addi %add3A_1139, %add3A_1153 : vector<16xi32>
        tpu.vector_store_idx %arg11[%shift_right_logical3A_1132, %add3A_1154], %add3A_1151 : memref<8x1024xf32, #tpu.memory_space<vmem>>[vector<16xi32>, vector<16xi32>], vector<16xf32>,
        %gather3A_1155 = tpu.vector_load_idx %arg9[%add3A_765, %add3A_1128] : memref<128x64xf32, #tpu.memory_space<vmem>>[vector<16xi32>, vector<16xi32>], vector<16xf32>,
        %add3A_1156 = arith.addf %gather3A_1155, %gather3A_1129 : vector<16xf32>
        %add3A_1157 = arith.constant 48 : i32
        %add3A_1158 = vector.broadcast %add3A_1157 : i32 to vector<16xi32>
        %add3A_1159 = arith.addi %add3A_1139, %add3A_1158 : vector<16xi32>
        tpu.vector_store_idx %arg11[%shift_right_logical3A_1132, %add3A_1159], %add3A_1156 : memref<8x1024xf32, #tpu.memory_space<vmem>>[vector<16xi32>, vector<16xi32>], vector<16xf32>,
        %gather3A_1160 = tpu.vector_load_idx %arg9[%add3A_768, %add3A_1128] : memref<128x64xf32, #tpu.memory_space<vmem>>[vector<16xi32>, vector<16xi32>], vector<16xf32>,
        %add3A_1161 = arith.addf %gather3A_1160, %gather3A_1129 : vector<16xf32>
        %add3A_1162 = arith.constant 64 : i32
        %add3A_1163 = vector.broadcast %add3A_1162 : i32 to vector<16xi32>
        %add3A_1164 = arith.addi %add3A_1139, %add3A_1163 : vector<16xi32>
        tpu.vector_store_idx %arg11[%shift_right_logical3A_1132, %add3A_1164], %add3A_1161 : memref<8x1024xf32, #tpu.memory_space<vmem>>[vector<16xi32>, vector<16xi32>], vector<16xf32>,
        %gather3A_1165 = tpu.vector_load_idx %arg9[%add3A_771, %add3A_1128] : memref<128x64xf32, #tpu.memory_space<vmem>>[vector<16xi32>, vector<16xi32>], vector<16xf32>,
        %add3A_1166 = arith.addf %gather3A_1165, %gather3A_1129 : vector<16xf32>
        %add3A_1167 = arith.constant 80 : i32
        %add3A_1168 = vector.broadcast %add3A_1167 : i32 to vector<16xi32>
        %add3A_1169 = arith.addi %add3A_1139, %add3A_1168 : vector<16xi32>
        tpu.vector_store_idx %arg11[%shift_right_logical3A_1132, %add3A_1169], %add3A_1166 : memref<8x1024xf32, #tpu.memory_space<vmem>>[vector<16xi32>, vector<16xi32>], vector<16xf32>,
        %gather3A_1170 = tpu.vector_load_idx %arg9[%add3A_774, %add3A_1128] : memref<128x64xf32, #tpu.memory_space<vmem>>[vector<16xi32>, vector<16xi32>], vector<16xf32>,
        %add3A_1171 = arith.addf %gather3A_1170, %gather3A_1129 : vector<16xf32>
        %add3A_1172 = arith.constant 96 : i32
        %add3A_1173 = vector.broadcast %add3A_1172 : i32 to vector<16xi32>
        %add3A_1174 = arith.addi %add3A_1139, %add3A_1173 : vector<16xi32>
        tpu.vector_store_idx %arg11[%shift_right_logical3A_1132, %add3A_1174], %add3A_1171 : memref<8x1024xf32, #tpu.memory_space<vmem>>[vector<16xi32>, vector<16xi32>], vector<16xf32>,
        %gather3A_1175 = tpu.vector_load_idx %arg9[%add3A_777, %add3A_1128] : memref<128x64xf32, #tpu.memory_space<vmem>>[vector<16xi32>, vector<16xi32>], vector<16xf32>,
        %add3A_1176 = arith.addf %gather3A_1175, %gather3A_1129 : vector<16xf32>
        %add3A_1177 = arith.constant 112 : i32
        %add3A_1178 = vector.broadcast %add3A_1177 : i32 to vector<16xi32>
        %add3A_1179 = arith.addi %add3A_1139, %add3A_1178 : vector<16xi32>
        tpu.vector_store_idx %arg11[%shift_right_logical3A_1132, %add3A_1179], %add3A_1176 : memref<8x1024xf32, #tpu.memory_space<vmem>>[vector<16xi32>, vector<16xi32>], vector<16xf32>,
      }
      %scan3A_952 = arith.constant 16 : i32
      %dma_start3A_953 = arith.constant 0 : i32
      %dma_start3A_954 = arith.constant 0 : i32
      %dma_start3A_955 = tpu.memref_slice %arg5[%add3A_920, %dma_start3A_953, %add3A, %dma_start3A_954] : memref<200x8x32x1024xf32, #tpu.memory_space<hbm>> -> memref<1x8x1x1024xf32, #tpu.memory_space<hbm>>
      %dma_start3A_956 = tpu.memref_squeeze %dma_start3A_955 : memref<1x8x1x1024xf32, #tpu.memory_space<hbm>> -> memref<8x1024xf32, #tpu.memory_space<hbm>>
      %dma_start3A_957 = arith.constant 0 : i32
      %dma_start3A_958 = arith.constant 0 : i32
      %dma_start3A_959 = tpu.memref_slice %arg5[%add3A_920, %dma_start3A_957, %add3A, %dma_start3A_958] : memref<200x8x32x1024xf32, #tpu.memory_space<hbm>> -> memref<1x8x1x1024xf32, #tpu.memory_space<hbm>>
      %dma_start3A_960 = tpu.memref_squeeze %dma_start3A_959 : memref<1x8x1x1024xf32, #tpu.memory_space<hbm>> -> memref<8x1024xf32, #tpu.memory_space<hbm>>
      tpu.enqueue_dma source(%arg11 : memref<8x1024xf32, #tpu.memory_space<vmem>>) target(%dma_start3A_960 : memref<8x1024xf32, #tpu.memory_space<hbm>>) target_semaphore(%arg16 : memref<!tpu.dma_semaphore, #tpu.memory_space<semaphore_mem>>)
    }
    %scan3A_860 = arith.constant 99 : i32
    %dma_wait3A_861 = arith.constant 198 : i32
    %dma_wait3A_862 = arith.constant 0 : i32
    %dma_wait3A_863 = arith.constant 0 : i32
    %dma_wait3A_864 = tpu.memref_slice %arg5[%dma_wait3A_861, %dma_wait3A_862, %add3A, %dma_wait3A_863] : memref<200x8x32x1024xf32, #tpu.memory_space<hbm>> -> memref<1x8x1x1024xf32, #tpu.memory_space<hbm>>
    %dma_wait3A_865 = tpu.memref_squeeze %dma_wait3A_864 : memref<1x8x1x1024xf32, #tpu.memory_space<hbm>> -> memref<8x1024xf32, #tpu.memory_space<hbm>>
    %dma_wait3A_866 = arith.constant 0 : i32
    %dma_wait3A_867 = arith.constant 0 : i32
    %dma_wait3A_868 = tpu.memref_slice %arg5[%dma_wait3A_861, %dma_wait3A_866, %add3A, %dma_wait3A_867] : memref<200x8x32x1024xf32, #tpu.memory_space<hbm>> -> memref<1x8x1x1024xf32, #tpu.memory_space<hbm>>
    %dma_wait3A_869 = tpu.memref_squeeze %dma_wait3A_868 : memref<1x8x1x1024xf32, #tpu.memory_space<hbm>> -> memref<8x1024xf32, #tpu.memory_space<hbm>>
    tpu.wait_dma2 semaphore(%arg15 : memref<!tpu.dma_semaphore, #tpu.memory_space<semaphore_mem>>) src(%arg10 : memref<8x1024xf32, #tpu.memory_space<vmem>>) dst(%dma_wait3A_869 : memref<8x1024xf32, #tpu.memory_space<hbm>>)
    %dma_wait3A_870 = arith.constant 199 : i32
    %dma_wait3A_871 = arith.constant 0 : i32
    %dma_wait3A_872 = arith.constant 0 : i32
    %dma_wait3A_873 = tpu.memref_slice %arg5[%dma_wait3A_870, %dma_wait3A_871, %add3A, %dma_wait3A_872] : memref<200x8x32x1024xf32, #tpu.memory_space<hbm>> -> memref<1x8x1x1024xf32, #tpu.memory_space<hbm>>
    %dma_wait3A_874 = tpu.memref_squeeze %dma_wait3A_873 : memref<1x8x1x1024xf32, #tpu.memory_space<hbm>> -> memref<8x1024xf32, #tpu.memory_space<hbm>>
    %dma_wait3A_875 = arith.constant 0 : i32
    %dma_wait3A_876 = arith.constant 0 : i32
    %dma_wait3A_877 = tpu.memref_slice %arg5[%dma_wait3A_870, %dma_wait3A_875, %add3A, %dma_wait3A_876] : memref<200x8x32x1024xf32, #tpu.memory_space<hbm>> -> memref<1x8x1x1024xf32, #tpu.memory_space<hbm>>
    %dma_wait3A_878 = tpu.memref_squeeze %dma_wait3A_877 : memref<1x8x1x1024xf32, #tpu.memory_space<hbm>> -> memref<8x1024xf32, #tpu.memory_space<hbm>>
    tpu.wait_dma2 semaphore(%arg16 : memref<!tpu.dma_semaphore, #tpu.memory_space<semaphore_mem>>) src(%arg11 : memref<8x1024xf32, #tpu.memory_space<vmem>>) dst(%dma_wait3A_878 : memref<8x1024xf32, #tpu.memory_space<hbm>>)
    return
  }
}

module attributes {stable_mosaic.version = 14 : i64} {
  func.func @_retile_kernel(%arg0: i32, %arg1: memref<64x8192xf32, #tpu.memory_space<vmem>>, %arg2: memref<8192x128xf32, #tpu.memory_space<vmem>>) attributes {dimension_semantics = [#tpu.dimension_semantics<arbitrary>], iteration_bounds = array<i64: 123>, scalar_prefetch = 0 : i64, scratch_operands = 0 : i64, tpu.core_type = #tpu.core_type<tc>, window_params = [{transform_indices = @transform_0, window_bounds = array<i64: 64, 8192>}, {transform_indices = @transform_1, window_bounds = array<i64: 8192, 128>}]} {
    %get3A = arith.constant 0 : index
    %get3A_0 = arith.constant 0 : index
    %get3A_1 = vector.load %arg1[%get3A, %get3A_0] : memref<64x8192xf32, #tpu.memory_space<vmem>>, vector<64x8192xf32>
    %transpose3A = tpu.transpose %get3A_1, [1, 0] : vector<64x8192xf32> -> vector<8192x64xf32>
    %swap3A = arith.constant 0 : index
    %swap3A_2 = arith.constant 0 : index
    %swap3A_3 = vector.load %arg2[%swap3A, %swap3A_2] : memref<8192x128xf32, #tpu.memory_space<vmem>>, vector<8192x64xf32>
    tpu.vector_store %arg2[%swap3A, %swap3A_2], %transpose3A {strides = array<i32>} : memref<8192x128xf32, #tpu.memory_space<vmem>>, vector<8192x64xf32>,
    return
  }
  func.func @transform_0(%arg0: i32) -> (i32, i32) {
    %c0_i32 = arith.constant 0 : i32
    %c0_i32_0 = arith.constant 0 : i32
    return %c0_i32, %arg0 : i32, i32
  }
  func.func @transform_1(%arg0: i32) -> (i32, i32) {
    %c0_i32 = arith.constant 0 : i32
    %c0_i32_0 = arith.constant 0 : i32
    return %arg0, %c0_i32 : i32, i32
  }
}

</mosaic_0001>

<sc_bundles>
// kernel: kernel.4.cloned.1.call-start
scs
__scs_entry_jumppad:
0x0: {  	(pc) =	sbr.rel $0x88, $3  }
0x1: {  	(tag) =	ssettag $0x0;
	lr =	simm.s32 $0x1  }
0x2: {  	[smem:$0x3F9E] =	sst lr;
	_ =	strace $0xD0000000  }
0x3: {  	_ = 	snop  }
0x4: {  	_ = 	snop  }
0x5: {  	_ = 	snop  }
0x6: {  	_ = 	snop  }
0x7: {  	_ = 	snop  }
__scs_overlays_trampoline_lowered:
0x8: {  	[smem:$0x3FAD] =	sst s0  }
0x9: {  	[smem:$0x3FAE] =	sst s1  }
0xa: {  	[smem:$0x3FAF] =	sst s2  }
0xb: {  	[smem:$0x3FB0] =	sst s3  }
0xc: {  	[smem:$0x3FB1] =	sst s4  }
0xd: {  	[smem:$0x3FB2] =	sst s5  }
0xe: {  	[smem:$0x3FB3] =	sst s6  }
0xf: {  	[smem:$0x3FB4] =	sst s7  }
0x10: {  	[smem:$0x3FB5] =	sst s8  }
0x11: {  	[smem:$0x3FB6] =	sst s9;
	s0 =	simm.s32 @!p0 $0x0  }
0x12: {  	s1 =	sld [smem:$0x3F9C];
	s0 =	simm.s32 @p0 $0x1  }
0x13: {  	[smem:$0x3FB7] =	sst s0;
	s0 =	simm.s32 @!p1 $0x0  }
0x14: {  	s2 =	sld [smem:$0x3F9B];
	s0 =	simm.s32 @p1 $0x1  }
0x15: {  	[smem:$0x3FB8] =	sst s0;
	s0 =	simm.s32 @!p2 $0x0  }
0x16: {  	s3 =	sld [smem:$0x3FDB];
	s0 =	simm.s32 @p2 $0x1  }
0x17: {  	s4 =	simm.s32 $0x1BF5;
	[smem:$0x3FBA] =	sst s0  }
0x18: {  	s0 =	sld [smem:$0x3F9D];
	_ =	swait.ge [sflag:s4], $0x0  }
0x19: {  	s7 =	sld [smem:$0x3F9E]  }
0x1a: {  	s8 =	sadd.s32 $0xFFFFE003, lr  }
0x1b: {  	s9 =	sadd.s32 $0xFFFFFEF7, lr;
	s5 =	simm.s32 $0xFFFFFFFF;
	p2 =	slt.u32 s8, $0xFFFFF086  }
0x1c: {  	p1 =	slt.u32 s9, $0xF7A;
	s5 =	simm.s32 @!p2 $0x0  }
0x1d: {  	s5 =	simm.s32 @p1 $0x1;
	p0 =	seq.s32 s7, s2  }
0x1e: {  	s7 =	smul.u32 @!p0 $0xF7A, s2;
	p2 =	seq.s32 @!p0 s5, $0x0  }
0x1f: {  	s9 =	smul.u32 $0xF7A, s1;
	s8 =	simm.s32 @!p0 $0x1BF5;
	p2 =	por !p2, p0  }
0x20: {  	[sflag:s8] =	ssyncset.s32 @!p0 $0xFFFFF086;
	s6 =	sadd.s32 @!p0 s3, s7;
	s7 =	simm.s32 @!p0 $0x108  }
0x21: {  	s3 =	sadd.s32 s3, s9;
	s6 =	sadd.s32 @!p0 $0x88, s6;
	s7 =	simm.s32 @p2 $0x1082  }
0x22: {  	[simem:s7], [sflag:s8] =	dma.local @!p0 [hbm:s6], $0xF7A  }
0x23: {  	s9 =	sor.u32 $0xD0000000, s2;
	s6 =	simm.s32 $0x108;
	_ =	swait.ge @!p0 [sflag:s8], $0x0  }
0x24: {  	s3 =	sadd.s32 $0x88, s3;
	s6 =	simm.s32 @!p1 $0x1082;
	[sflag:s4] =	ssyncset.s32 $0xFFFFF086  }
0x25: {  	[simem:s6], [sflag:s4] =	dma.local [hbm:s3], $0xF7A  }
0x26: {  	[smem:$0x3F9E] =	sst s1;
	(tag) =	ssettag s2;
	_ =	strace s9  }
0x27: {  	s1 =	sld [smem:$0x3FAE]  }
0x28: {  	s2 =	sld [smem:$0x3FAF]  }
0x29: {  	s4 =	sld [smem:$0x3FB1]  }
0x2a: {  	p0 =	seq.s32 s5, $0x0;
	s5 =	sld [smem:$0x3FB2]  }
0x2b: {  	s6 =	sld [smem:$0x3FB3]  }
0x2c: {  	s7 =	sld [smem:$0x3FB4]  }
0x2d: {  	s3 =	simm.s32 $0x108;
	s8 =	sld [smem:$0x3FB5]  }
0x2e: {  	s3 =	simm.s32 @!p0 $0x1082;
	s9 =	sld [smem:$0x3FB6]  }
0x2f: {  	lr =	sadd.s32 s0, s3;
	s0 =	sld [smem:$0x3FAD]  }
0x30: {  	s3 =	sld [smem:$0x3FB0]  }
0x31: {  	[smem:$0x3FB9] =	sst s10  }
0x32: {  	s10 =	sld [smem:$0x3FB7];
	_ =	sdelay $0x3  }
0x33: {  	p0 =	seq.s32 s10, $0x1;
	s10 =	sld [smem:$0x3FB9];
	_ =	sdelay $0x3  }
0x34: {  	[smem:$0x3FB9] =	sst s10  }
0x35: {  	s10 =	sld [smem:$0x3FB8];
	_ =	sdelay $0x3  }
0x36: {  	p1 =	seq.s32 s10, $0x1;
	s10 =	sld [smem:$0x3FB9];
	_ =	sdelay $0x3  }
0x37: {  	[smem:$0x3FB9] =	sst s10  }
0x38: {  	s10 =	sld [smem:$0x3FBA]  }
0x39: {  	_ = 	snop;
	(pc) =	sbr.ind lr, $3  }
0x3a: {  	_ = 	snop  }
0x3b: {  	_ = 	snop  }
0x3c: {  	p2 =	seq.s32 s10, $0x1;
	s10 =	sld [smem:$0x3FB9]  }
0x3d: {  	_ =	shalt  }
0x3e: {  	_ =	shalt  }
0x3f: {  	_ =	shalt  }
0x40: {  	_ =	shalt  }
0x41: {  	_ =	shalt  }
0x42: {  	_ =	shalt  }
0x43: {  	_ =	shalt  }
0x44: {  	_ =	shalt  }
0x45: {  	_ =	shalt  }
0x46: {  	_ =	shalt  }
0x47: {  	_ =	shalt  }
0x48: {  	_ =	shalt  }
0x49: {  	_ =	shalt  }
0x4a: {  	_ =	shalt  }
0x4b: {  	_ =	shalt  }
0x4c: {  	_ =	shalt  }
0x4d: {  	_ =	shalt  }
0x4e: {  	_ =	shalt  }
0x4f: {  	_ =	shalt  }
0x50: {  	_ =	shalt  }
0x51: {  	_ =	shalt  }
0x52: {  	_ =	shalt  }
0x53: {  	_ =	shalt  }
0x54: {  	_ =	shalt  }
0x55: {  	_ =	shalt  }
0x56: {  	_ =	shalt  }
0x57: {  	_ =	shalt  }
0x58: {  	_ =	shalt  }
0x59: {  	_ =	shalt  }
0x5a: {  	_ =	shalt  }
0x5b: {  	_ =	shalt  }
0x5c: {  	_ =	shalt  }
0x5d: {  	_ =	shalt  }
0x5e: {  	_ =	shalt  }
0x5f: {  	_ =	shalt  }
0x60: {  	_ =	shalt  }
0x61: {  	_ =	shalt  }
0x62: {  	_ =	shalt  }
0x63: {  	_ =	shalt  }
0x64: {  	_ =	shalt  }
0x65: {  	_ =	shalt  }
0x66: {  	_ =	shalt  }
0x67: {  	_ =	shalt  }
0x68: {  	_ =	shalt  }
0x69: {  	_ =	shalt  }
0x6a: {  	_ =	shalt  }
0x6b: {  	_ =	shalt  }
0x6c: {  	_ =	shalt  }
0x6d: {  	_ =	shalt  }
0x6e: {  	_ =	shalt  }
0x6f: {  	_ =	shalt  }
0x70: {  	_ =	shalt  }
0x71: {  	_ =	shalt  }
0x72: {  	_ =	shalt  }
0x73: {  	_ =	shalt  }
0x74: {  	_ =	shalt  }
0x75: {  	_ =	shalt  }
0x76: {  	_ =	shalt  }
0x77: {  	_ =	shalt  }
0x78: {  	_ =	shalt  }
0x79: {  	_ =	shalt  }
0x7a: {  	_ =	shalt  }
0x7b: {  	_ =	shalt  }
0x7c: {  	_ =	shalt  }
0x7d: {  	_ =	shalt  }
0x7e: {  	_ =	shalt  }
0x7f: {  	_ =	shalt  }
0x80: {  	_ =	shalt  }
0x81: {  	_ =	shalt  }
0x82: {  	_ =	shalt  }
0x83: {  	_ =	shalt  }
0x84: {  	_ =	shalt  }
0x85: {  	_ =	shalt  }
0x86: {  	_ =	shalt  }
0x87: {  	_ =	shalt  }
.Lfunc_end0:
.L_simem_size_0:
called_computation_lowered:
.L_overlay_start_0:
0x88: {  	s2 =	sld [smem:$0x3FD9]  }
0x89: {  	s3 =	sld [smem:$0x3FFE];
	_ =	sdelay $0x1  }
0x8a: {  	s1 =	srdreg.scid  }
0x8b: {  	s0 =	sand.u32 $0x1, s1  }
0x8c: {  	s17 =	sshll.u32 s0, $0xA;
	s2 =	sadd.s32 s3, s2  }
0x8d: {  	s2 =	sadd.s32 s2, s17  }
0x8e: {  	[smem:$0x3FC5] =	sst s2  }
0x8f: {  	_ = 	snop  }
0x90: {  	s2 =	sld [smem:$0x3FC9]  }
0x91: {  	s18 =	sld [smem:$0x3FD0];
	(tm) =	ssettm $0x1  }
0x92: {  	s4 =	sld [smem:$0x3FFB];
	_ =	sdelay $0x3  }
0x93: {  	_ =	strace s4  }
0x94: {  	s4 =	sld [smem:$0x3FFC];
	_ =	sdelay $0x3  }
0x95: {  	_ =	strace s4  }
0x96: {  	s4 =	sld [smem:$0x3FFD];
	_ =	sdelay $0x3  }
0x97: {  	_ =	strace s4  }
0x98: {  	_ =	strace $0x8FFFFFFF  }
0x99: {  	s19 =	sld [smem:$0x3FDB];
	_ =	sdelay $0x1  }
0x9a: {  	s5 =	simm.s32 $_scs_section_size  }
0x9b: {  	s6 =	simm.s32 $_size__tile_overlayer_lowered;
	s7 =	simm.s32 $_tile_overlayer_lowered  }
0x9c: {  	s22 =	simm.s32 $0x1BFF;
	s21 =	sshll.u32 s7, $0x1;
	s4 =	sadd.s32 s5, s19  }
0x9d: {  	s8 =	simm.s32 $0x0;
	s20 =	sshll.u32 s6, $0x1;
	s6 =	sadd.s32 s21, s4  }
0x9e: {  	[timem:s8], [sflag:s22] =	dma.local [hbm:s6], s20  }
0x9f: {  	_ =	swait.ge [sflag:s22], s20  }
0xa0: {  	s5 =	ssub.s32 $0x0, s20;
	[sflag:s22] =	ssyncset.done $0x0  }
0xa1: {  	[sflag:s22] =	ssyncadd.s32 s5;
	_ =	sdelay $0x1  }
0xa2: {  	s23 =	simm.s32 $0x1B8B  }
0xa3: {  	_ =	swait.ge [sflag:s23], $0x1  }
0xa4: {  	[sflag:s23] =	ssyncset.done $0x0  }
0xa5: {  	s25 =	simm.s32 $0x1B8E;
	s24 =	sld [smem:$0x3FFE];
	[sflag:s23] =	ssyncadd.s32 $0xFFFFFFFF  }
0xa6: {  	s26 =	simm.s32 $execute0_lowered;
	[smem:$0x3FD2] =	sst s25  }
0xa7: {  	s6 =	sshll.u32 s26, $0x1;
	_ =	strace $0x80000046;
	[dreg:$0x1] =	wrdreg $0xFFFFFFFF  }
0xa8: {  	s28 =	simm.s32 $_size_execute0_lowered;
	s4 =	sadd.s32 s4, s6;
	[dreg:$0x0] =	wrdreg $0x0  }
0xa9: {  	s6 =	sshll.u32 s28, $0x1;
	[dreg:$0x2] =	wrdreg s4  }
0xaa: {  	[dreg:$0x3] =	wrdreg s6  }
0xab: {  	[dreg:$0x4] =	wrdreg $0xC0  }
0xac: {  	_ =	task [dreg:s8], $0x5FFFF  }
0xad: {  	[dreg:$0x1] =	wrdreg $0xFFFFFFFF  }
0xae: {  	[dreg:$0x0] =	wrdreg $0x60  }
0xaf: {  	[dreg:$0x2] =	wrdreg s2  }
0xb0: {  	[dreg:$0x3] =	wrdreg s24  }
0xb1: {  	[dreg:$0x4] =	wrdreg s18  }
0xb2: {  	[dreg:$0x5] =	wrdreg $0x9  }
0xb3: {  	_ =	task.clear_ibuf [dreg:s8], $0x6FFFF;
	_ =	strace $0x90000046  }
0xb4: {  	s29 =	simm.s32 $0x9;
	_ =	strace $0x80000048  }
0xb5: {  	_ =	swait.ge [sflag:s29], $0x1  }
0xb6: {  	[sflag:s29] =	ssyncadd.s32 $0xFFFFFFFF  }
0xb7: {  	_ =	strace $0x90000048  }
0xb8: {  	_ =	sfence  }
0xb9: {  	s30 =	sld [smem:$0x0];
	_ =	sdelay $0x2  }
0xba: {  	s31 =	sshll.u32 s1, $0xD;
	s1 =	sshrl.u32 s1, $0x2  }
0xbb: {  	s3 =	sand.u32 $0x4000, s31;
	s1 =	sadd.s32 s1, s30  }
0xbc: {  	s0 =	sor.u32 s3, s0;
	s1 =	sshll.u32 s1, $0x11  }
0xbd: {  	s0 =	sor.u32 s1, s0  }
0xbe: {  	s0 =	sadd.s32 $0x8F2B, s0  }
0xbf: {  	[sflag:s0] =	ssyncadd.remote.s32 $0x1  }
0xc0: {  	_ =	sfence.sel $0xFFFF  }
0xc1: {  	[dreg:$0x0] =	wrdreg $0xFFFFFFFF;
	(pc) =	sbr.abs _section_cstart, $3  }
0xc2: {  	[dreg:$0x1] =	wrdreg $0xFFFFFFFF  }
0xc3: {  	_ =	task.clear_ibuf [dreg:s8], $0x2FFFF;
	_ =	strace $0x9FFFFFFF  }
0xc4: {  	(tm) =	ssettm $0x7FFFFFFF  }
0xc5: {  	_ =	shalt  }
tec
execute0_lowered:
.L_overlay_start_1:
0x0: {  	(tag) =	ssettag $0x1  }
0x1: {  	s0 =	rddreg [dreg:$0x0]  }
0x2: {  	s1 =	rddreg [dreg:$0x1]  }
0x3: {  	s2 =	rddreg [dreg:$0x2]  }
0x4: {  	s3 =	srdreg.scid;
	s4 =	stileid.u32  }
0x5: {  	s5 =	sand.u32 $0x1, s3;
	s3 =	simm.s32 $0x0;
	s4 =	sshll.u32 s4, $0xB  }
0x6: {  	s6 =	sshll.u32 s5, $0xA;
	[smem:$0x7FF] =	sst s3;
	s7 =	ssub.s32 $0x2, s5  }
0x7: {  	s5 =	sadd.s32 $0xC00, s1;
	s1 =	sadd.s32 $0x400, s1;
	s4 =	sor.u32 s6, s4  }
0x8: {  	_ =	strace $0x80000047;
	s9 =	sshrl.u32 s7, $0x1;
	s8 =	sshrl.u32 s4, $0x3  }
0x9: {  	[dreg:$0x4] =	wrdreg s1;
	s28 =	ssub.s32 s7, s9;
	s23 =	sadd.s32 s2, s8  }
0xa: {  	s6 =	sadd.s32 s0, s8;
	s25 =	smax.u32 s28, $0x1;
	[dreg:$0x14] =	wrdreg s23  }
0xb: {  	s29 =	sadd.s32 $0x1000, s6;
	[dreg:$0x16] =	wrdreg s25  }
0xc: {  	s9 =	sadd.s32 $0x2000, s6;
	[dreg:$0x5] =	wrdreg s29  }
0xd: {  	s10 =	sadd.s32 $0x3000, s6;
	[dreg:$0x6] =	wrdreg s9  }
0xe: {  	s11 =	sadd.s32 $0x4000, s6;
	[dreg:$0x7] =	wrdreg s10  }
0xf: {  	s12 =	sadd.s32 $0x5000, s6;
	[dreg:$0x8] =	wrdreg s11  }
0x10: {  	s13 =	sadd.s32 $0x6000, s6;
	[dreg:$0x9] =	wrdreg s12  }
0x11: {  	s14 =	sor.u32 $0x8000, s8;
	s15 =	sadd.s32 $0x7000, s6;
	[dreg:$0xa] =	wrdreg s13  }
0x12: {  	s0 =	sadd.s32 s0, s14;
	[dreg:$0xb] =	wrdreg s15  }
0x13: {  	s16 =	sadd.s32 $0x9000, s6;
	[dreg:$0xc] =	wrdreg s0  }
0x14: {  	s17 =	sadd.s32 $0xA000, s6;
	[dreg:$0xd] =	wrdreg s16  }
0x15: {  	s18 =	sadd.s32 $0xB000, s6;
	[dreg:$0xe] =	wrdreg s17  }
0x16: {  	s19 =	sadd.s32 $0xC000, s6;
	[dreg:$0xf] =	wrdreg s18  }
0x17: {  	s20 =	sadd.s32 $0xD000, s6;
	s21 =	sadd.s32 $0xE000, s6;
	[dreg:$0x10] =	wrdreg s19  }
0x18: {  	s22 =	sadd.s32 $0xF000, s6;
	s24 =	sadd.s32 s2, s14;
	[dreg:$0x11] =	wrdreg s20  }
0x19: {  	s26 =	sadd.s32 $0x10000, s6;
	s28 =	sadd.s32 $0x11000, s6;
	[dreg:$0x12] =	wrdreg s21  }
0x1a: {  	s30 =	sadd.s32 $0x13000, s6;
	s31 =	sadd.s32 $0x14000, s6;
	[dreg:$0x13] =	wrdreg s22  }
0x1b: {  	s1 =	sadd.s32 $0x16000, s6;
	s7 =	sadd.s32 $0x17000, s6;
	[dreg:$0x15] =	wrdreg s24  }
0x1c: {  	v0 =	vlaneseq.u32;
	s8 =	sadd.s32 $0x18000, s6;
	s14 =	simm.s32 $0x9600;
	[dreg:$0x17] =	wrdreg s26  }
0x1d: {  	v1 =	vmul.u32 $0x40, v0;
	v2 =	vshrl.u32 v0, $0x3;
	v3 =	vand.u32 $0x7, v0;
	s23 =	simm.s32 $0x0;
	[dreg:$0x18] =	wrdreg s28;
	s29 =	sadd.s32 $0x12000, s6  }
0x1e: {  	v5 =	vor.u32 $0x10, v0;
	v7 =	vor.u32 $0x20, v0;
	v9 =	vor.u32 $0x30, v0;
	s0 =	sadd.s32 $0x15000, s6;
	s9 =	simm.s32 $0x400;
	s10 =	simm.s32 $0x6400  }
0x1f: {  	v11 =	vor.u32 $0x40, v0;
	v13 =	vor.u32 $0x50, v0;
	v15 =	vor.u32 $0x60, v0;
	s11 =	simm.s32 $0x6;
	s12 =	simm.s32 $0x1;
	s13 =	simm.s32 $0x80  }
0x20: {  	v17 =	vor.u32 $0x70, v0;
	v2 =	vmul.u32 $0x8, v2;
	v4 =	vor.u32 $0x400, v1;
	s15 =	simm.s32 $0xB600;
	s16 =	simm.s32 $0x2;
	s17 =	simm.s32 $0xD600  }
0x21: {  	v6 =	vor.u32 $0x800, v1;
	v8 =	vor.u32 $0xC00, v1;
	v10 =	vor.u32 $0x1000, v1;
	s18 =	simm.s32 $0x8000;
	s19 =	simm.s32 $0x3;
	s20 =	simm.s32 $0xF600  }
0x22: {  	v12 =	vor.u32 $0x1400, v1;
	v14 =	vor.u32 $0x1800, v1;
	v16 =	vor.u32 $0x1C00, v1;
	s21 =	simm.s32 $0x4;
	s22 =	simm.s32 $0x5;
	[dreg:$0x19] =	wrdreg s29  }
.LBB2_1:
0x23: {  	[tilespmem:s3], [sflag:$0x1] =	stream.linear.gather [hbm4b:s6+s3], $0x400, $0x38;
	[tilespmem:$0x11600] =	vst v63  }
0x24: {  	s24 =	rddreg [dreg:$0x5]  }
0x25: {  	[tilespmem:s9], [sflag:$0x1] =	stream.linear.gather [hbm4b:s24+s3], $0x400, $0x38;
	[tilespmem:$0x11600] =	vst v63  }
0x26: {  	s29 =	rddreg [dreg:$0x6];
	s25 =	simm.s32 $0x800  }
0x27: {  	[tilespmem:s25], [sflag:$0x1] =	stream.linear.gather [hbm4b:s29+s3], $0x400, $0x38;
	[tilespmem:$0x11600] =	vst v63  }
0x28: {  	s26 =	simm.s32 $0xC00;
	s25 =	rddreg [dreg:$0x7]  }
0x29: {  	[tilespmem:s26], [sflag:$0x1] =	stream.linear.gather [hbm4b:s25+s3], $0x400, $0x38;
	[tilespmem:$0x11600] =	vst v63  }
0x2a: {  	s28 =	rddreg [dreg:$0x8];
	s29 =	simm.s32 $0x1000  }
0x2b: {  	[tilespmem:s29], [sflag:$0x1] =	stream.linear.gather [hbm4b:s28+s3], $0x400, $0x38;
	[tilespmem:$0x11600] =	vst v63  }
0x2c: {  	s25 =	rddreg [dreg:$0x9];
	s26 =	simm.s32 $0x1400  }
0x2d: {  	[tilespmem:s26], [sflag:$0x1] =	stream.linear.gather [hbm4b:s25+s3], $0x400, $0x38;
	[tilespmem:$0x11600] =	vst v63  }
0x2e: {  	s28 =	rddreg [dreg:$0xa];
	s29 =	simm.s32 $0x1800  }
0x2f: {  	[tilespmem:s29], [sflag:$0x1] =	stream.linear.gather [hbm4b:s28+s3], $0x400, $0x38;
	[tilespmem:$0x11600] =	vst v63  }
0x30: {  	s25 =	rddreg [dreg:$0xb];
	s26 =	simm.s32 $0x1C00  }
0x31: {  	[tilespmem:s26], [sflag:$0x1] =	stream.linear.gather [hbm4b:s25+s3], $0x400, $0x38;
	[tilespmem:$0x11600] =	vst v63  }
0x32: {  	s28 =	rddreg [dreg:$0xc];
	s29 =	simm.s32 $0x2000  }
0x33: {  	[tilespmem:s29], [sflag:$0x1] =	stream.linear.gather [hbm4b:s28+s3], $0x400, $0x38;
	[tilespmem:$0x11600] =	vst v63  }
0x34: {  	s25 =	rddreg [dreg:$0xd];
	s26 =	simm.s32 $0x2400  }
0x35: {  	[tilespmem:s26], [sflag:$0x1] =	stream.linear.gather [hbm4b:s25+s3], $0x400, $0x38;
	[tilespmem:$0x11600] =	vst v63  }
0x36: {  	s28 =	rddreg [dreg:$0xe];
	s29 =	simm.s32 $0x2800  }
0x37: {  	[tilespmem:s29], [sflag:$0x1] =	stream.linear.gather [hbm4b:s28+s3], $0x400, $0x38;
	[tilespmem:$0x11600] =	vst v63  }
0x38: {  	s25 =	rddreg [dreg:$0xf];
	s26 =	simm.s32 $0x2C00  }
0x39: {  	[tilespmem:s26], [sflag:$0x1] =	stream.linear.gather [hbm4b:s25+s3], $0x400, $0x38;
	[tilespmem:$0x11600] =	vst v63  }
0x3a: {  	s28 =	rddreg [dreg:$0x10];
	s29 =	simm.s32 $0x3000  }
0x3b: {  	[tilespmem:s29], [sflag:$0x1] =	stream.linear.gather [hbm4b:s28+s3], $0x400, $0x38;
	[tilespmem:$0x11600] =	vst v63  }
0x3c: {  	s25 =	rddreg [dreg:$0x11];
	s26 =	simm.s32 $0x3400  }
0x3d: {  	[tilespmem:s26], [sflag:$0x1] =	stream.linear.gather [hbm4b:s25+s3], $0x400, $0x38;
	[tilespmem:$0x11600] =	vst v63  }
0x3e: {  	s28 =	rddreg [dreg:$0x12];
	s29 =	simm.s32 $0x3800  }
0x3f: {  	[tilespmem:s29], [sflag:$0x1] =	stream.linear.gather [hbm4b:s28+s3], $0x400, $0x38;
	[tilespmem:$0x11600] =	vst v63  }
0x40: {  	s25 =	rddreg [dreg:$0x13];
	s26 =	simm.s32 $0x3C00  }
0x41: {  	[tilespmem:s26], [sflag:$0x1] =	stream.linear.gather [hbm4b:s25+s3], $0x400, $0x38;
	[tilespmem:$0x11600] =	vst v63  }
0x42: {  	s28 =	rddreg [dreg:$0x17];
	s29 =	simm.s32 $0x4000  }
0x43: {  	[tilespmem:s29], [sflag:$0x1] =	stream.linear.gather [hbm4b:s28+s3], $0x400, $0x38;
	[tilespmem:$0x11600] =	vst v63  }
0x44: {  	s25 =	rddreg [dreg:$0x18];
	s26 =	simm.s32 $0x4400  }
0x45: {  	[tilespmem:s26], [sflag:$0x1] =	stream.linear.gather [hbm4b:s25+s3], $0x400, $0x38;
	[tilespmem:$0x11600] =	vst v63  }
0x46: {  	s28 =	rddreg [dreg:$0x19];
	s29 =	simm.s32 $0x4800  }
0x47: {  	[tilespmem:s29], [sflag:$0x1] =	stream.linear.gather [hbm4b:s28+s3], $0x400, $0x38;
	[tilespmem:$0x11600] =	vst v63  }
0x48: {  	s26 =	simm.s32 $0x4C00  }
0x49: {  	[tilespmem:s26], [sflag:$0x1] =	stream.linear.gather [hbm4b:s30+s3], $0x400, $0x38;
	[tilespmem:$0x11600] =	vst v63  }
0x4a: {  	s28 =	simm.s32 $0x5000  }
0x4b: {  	[tilespmem:s28], [sflag:$0x1] =	stream.linear.gather [hbm4b:s31+s3], $0x400, $0x38;
	[tilespmem:$0x11600] =	vst v63  }
0x4c: {  	s29 =	simm.s32 $0x5400  }
0x4d: {  	[tilespmem:s29], [sflag:$0x1] =	stream.linear.gather [hbm4b:s0+s3], $0x400, $0x38;
	[tilespmem:$0x11600] =	vst v63  }
0x4e: {  	s25 =	simm.s32 $0x5800  }
0x4f: {  	[tilespmem:s25], [sflag:$0x1] =	stream.linear.gather [hbm4b:s1+s3], $0x400, $0x38;
	[tilespmem:$0x11600] =	vst v63  }
0x50: {  	s26 =	simm.s32 $0x5C00  }
0x51: {  	[tilespmem:s26], [sflag:$0x1] =	stream.linear.gather [hbm4b:s7+s3], $0x400, $0x38;
	[tilespmem:$0x11600] =	vst v63  }
0x52: {  	s28 =	simm.s32 $0x6000  }
0x53: {  	[tilespmem:s28], [sflag:$0x1] =	stream.linear.gather [hbm4b:s8+s3], $0x400, $0x38;
	[tilespmem:$0x11600] =	vst v63  }
0x54: {  	s29 =	rddreg [dreg:$0x4]  }
0x55: {  	[tilespmem:s10], [sflag:$0x6] =	stream.linear.gather [hbm4b:s29+s3], $0x3200, $0x38;
	[tilespmem:$0x11600] =	vst v63  }
0x56: {  	_ =	swait.ge [sflag:s11], $0x3200  }
0x57: {  	[sflag:s11] =	ssyncset.done $0x0  }
0x58: {  	[sflag:s11] =	ssyncadd.s32 $0xFFFFCE00  }
0x59: {  	_ =	swait.ge [sflag:s12], $0x400  }
0x5a: {  	[sflag:s12] =	ssyncset.done $0x0  }
0x5b: {  	[sflag:s12] =	ssyncadd.s32 $0xFFFFFC00  }
0x5c: {  	_ =	swait.ge [sflag:s12], $0x400  }
0x5d: {  	[sflag:s12] =	ssyncset.done $0x0  }
0x5e: {  	[sflag:s12] =	ssyncadd.s32 $0xFFFFFC00  }
0x5f: {  	_ =	swait.ge [sflag:s12], $0x400  }
0x60: {  	[sflag:s12] =	ssyncset.done $0x0  }
0x61: {  	[sflag:s12] =	ssyncadd.s32 $0xFFFFFC00  }
0x62: {  	_ =	swait.ge [sflag:s12], $0x400  }
0x63: {  	[sflag:s12] =	ssyncset.done $0x0  }
0x64: {  	[sflag:s12] =	ssyncadd.s32 $0xFFFFFC00  }
0x65: {  	_ =	swait.ge [sflag:s12], $0x400  }
0x66: {  	[sflag:s12] =	ssyncset.done $0x0  }
0x67: {  	[sflag:s12] =	ssyncadd.s32 $0xFFFFFC00  }
0x68: {  	_ =	swait.ge [sflag:s12], $0x400  }
0x69: {  	[sflag:s12] =	ssyncset.done $0x0  }
0x6a: {  	[sflag:s12] =	ssyncadd.s32 $0xFFFFFC00  }
0x6b: {  	_ =	swait.ge [sflag:s12], $0x400  }
0x6c: {  	[sflag:s12] =	ssyncset.done $0x0  }
0x6d: {  	[sflag:s12] =	ssyncadd.s32 $0xFFFFFC00  }
0x6e: {  	_ =	swait.ge [sflag:s12], $0x400  }
0x6f: {  	[sflag:s12] =	ssyncset.done $0x0  }
0x70: {  	[sflag:s12] =	ssyncadd.s32 $0xFFFFFC00  }
0x71: {  	_ =	swait.ge [sflag:s12], $0x400  }
0x72: {  	[sflag:s12] =	ssyncset.done $0x0  }
0x73: {  	[sflag:s12] =	ssyncadd.s32 $0xFFFFFC00  }
0x74: {  	_ =	swait.ge [sflag:s12], $0x400  }
0x75: {  	[sflag:s12] =	ssyncset.done $0x0  }
0x76: {  	[sflag:s12] =	ssyncadd.s32 $0xFFFFFC00  }
0x77: {  	_ =	swait.ge [sflag:s12], $0x400  }
0x78: {  	[sflag:s12] =	ssyncset.done $0x0  }
0x79: {  	[sflag:s12] =	ssyncadd.s32 $0xFFFFFC00  }
0x7a: {  	_ =	swait.ge [sflag:s12], $0x400  }
0x7b: {  	[sflag:s12] =	ssyncset.done $0x0  }
0x7c: {  	[sflag:s12] =	ssyncadd.s32 $0xFFFFFC00  }
0x7d: {  	_ =	swait.ge [sflag:s12], $0x400  }
0x7e: {  	[sflag:s12] =	ssyncset.done $0x0  }
0x7f: {  	[sflag:s12] =	ssyncadd.s32 $0xFFFFFC00  }
0x80: {  	_ =	swait.ge [sflag:s12], $0x400  }
0x81: {  	[sflag:s12] =	ssyncset.done $0x0  }
0x82: {  	[sflag:s12] =	ssyncadd.s32 $0xFFFFFC00  }
0x83: {  	_ =	swait.ge [sflag:s12], $0x400  }
0x84: {  	[sflag:s12] =	ssyncset.done $0x0  }
0x85: {  	[sflag:s12] =	ssyncadd.s32 $0xFFFFFC00  }
0x86: {  	_ =	swait.ge [sflag:s12], $0x400  }
0x87: {  	[sflag:s12] =	ssyncset.done $0x0  }
0x88: {  	[sflag:s12] =	ssyncadd.s32 $0xFFFFFC00  }
0x89: {  	_ =	swait.ge [sflag:s12], $0x400  }
0x8a: {  	[sflag:s12] =	ssyncset.done $0x0  }
0x8b: {  	[sflag:s12] =	ssyncadd.s32 $0xFFFFFC00  }
0x8c: {  	_ =	swait.ge [sflag:s12], $0x400  }
0x8d: {  	[sflag:s12] =	ssyncset.done $0x0  }
0x8e: {  	[sflag:s12] =	ssyncadd.s32 $0xFFFFFC00  }
0x8f: {  	_ =	swait.ge [sflag:s12], $0x400  }
0x90: {  	[sflag:s12] =	ssyncset.done $0x0  }
0x91: {  	[sflag:s12] =	ssyncadd.s32 $0xFFFFFC00  }
0x92: {  	_ =	swait.ge [sflag:s12], $0x400  }
0x93: {  	[sflag:s12] =	ssyncset.done $0x0  }
0x94: {  	[sflag:s12] =	ssyncadd.s32 $0xFFFFFC00  }
0x95: {  	_ =	swait.ge [sflag:s12], $0x400  }
0x96: {  	[sflag:s12] =	ssyncset.done $0x0  }
0x97: {  	[sflag:s12] =	ssyncadd.s32 $0xFFFFFC00  }
0x98: {  	_ =	swait.ge [sflag:s12], $0x400  }
0x99: {  	[sflag:s12] =	ssyncset.done $0x0  }
0x9a: {  	[sflag:s12] =	ssyncadd.s32 $0xFFFFFC00  }
0x9b: {  	_ =	swait.ge [sflag:s12], $0x400  }
0x9c: {  	[sflag:s12] =	ssyncset.done $0x0  }
0x9d: {  	[sflag:s12] =	ssyncadd.s32 $0xFFFFFC00  }
0x9e: {  	_ =	swait.ge [sflag:s12], $0x400  }
0x9f: {  	[sflag:s12] =	ssyncset.done $0x0  }
0xa0: {  	[sflag:s12] =	ssyncadd.s32 $0xFFFFFC00  }
0xa1: {  	_ =	swait.ge [sflag:s12], $0x400  }
0xa2: {  	[sflag:s12] =	ssyncset.done $0x0  }
0xa3: {  	s24 =	simm.s32 $0x0;
	[sflag:s12] =	ssyncadd.s32 $0xFFFFFC00  }
0xa4: {  	v20 =	vld [tilespmem:s24+$0x0]  }
0xa5: {  	v22 =	vld [tilespmem:s24+$0x10]  }
0xa6: {  	v21 =	vld [tilespmem:s24+$0x20]  }
0xa7: {  	v19 =	vld [tilespmem:s24+$0x30]  }
0xa8: {  	v18 =	vld [tilespmem:s24+$0x40]  }
0xa9: {  	v23 =	vshll.u32 v20, $0x1;
	v20 =	vld [tilespmem:s24+$0x50]  }
0xaa: {  	s25 =	simm.s32 $0x200;
	[tilespmem:s24+$0x0] =	vst v23;
	v23 =	vshll.u32 v22, $0x1;
	v22 =	vld [tilespmem:s24+$0x60]  }
.LBB2_2:
0xab: {  	s26 =	sshra.s32 s25, $0x2;
	p0 =	sne.s32 s25, $0x18E00;
	[tilespmem:s24+$0x10] =	vst v23;
	v21 =	vshll.u32 v21, $0x1;
	v23 =	vld [tilespmem:s24+$0x70]  }
0xac: {  	v24 =	vld [tilespmem:s26+$0x0];
	[tilespmem:s24+$0x20] =	vst v21;
	v19 =	vshll.u32 v19, $0x1  }
0xad: {  	v25 =	vld [tilespmem:s26+$0x10];
	[tilespmem:s24+$0x30] =	vst v19;
	v18 =	vshll.u32 v18, $0x1  }
.Ltmp0:
0xae: {  	v21 =	vld [tilespmem:s26+$0x20];
	[tilespmem:s24+$0x40] =	vst v18;
	v18 =	vshll.u32 v20, $0x1;
	(pc) =	sbr.rel @p0 .LBB2_2-.Ltmp0, $4  }
0xaf: {  	v19 =	vld [tilespmem:s26+$0x30];
	[tilespmem:s24+$0x50] =	vst v18;
	v20 =	vshll.u32 v22, $0x1  }
0xb0: {  	v18 =	vld [tilespmem:s26+$0x40];
	[tilespmem:s24+$0x60] =	vst v20;
	v22 =	vshll.u32 v23, $0x1  }
0xb1: {  	v23 =	vshll.u32 v24, $0x1;
	v20 =	vld [tilespmem:s26+$0x50];
	[tilespmem:s24+$0x70] =	vst v22;
	s24 =	smov.u32 s26  }
0xb2: {  	s25 =	sadd.s32 $0x200, s25;
	[tilespmem:s24+$0x0] =	vst v23;
	v23 =	vshll.u32 v25, $0x1;
	v22 =	vld [tilespmem:s24+$0x60]  }
0xb3: {  	[tilespmem:s24+$0x10] =	vst v23;
	v21 =	vshll.u32 v21, $0x1;
	v23 =	vld [tilespmem:s24+$0x70]  }
0xb4: {  	[tilespmem:s24+$0x20] =	vst v21;
	v19 =	vshll.u32 v19, $0x1  }
0xb5: {  	[tilespmem:s24+$0x30] =	vst v19;
	v18 =	vshll.u32 v18, $0x1  }
0xb6: {  	[tilespmem:s24+$0x40] =	vst v18;
	v18 =	vshll.u32 v20, $0x1  }
0xb7: {  	[tilespmem:s24+$0x50] =	vst v18;
	v18 =	vshll.u32 v22, $0x1  }
0xb8: {  	[tilespmem:s24+$0x60] =	vst v18;
	v18 =	vshll.u32 v23, $0x1  }
0xb9: {  	s28 =	simm.s32 $0x0;
	[tilespmem:s24+$0x70] =	vst v18  }
0xba: {  	v18 =	vadd.s32 s28, v0;
	[tilespmem:s14], [sflag:$0x2] =	stream.indirect.gather [hbm4b:s5+s13], $0x40, s28, s13, $0xb8;
	[tilespmem:$0x11600] =	vst v63  }
0xbb: {  	v27 =	vand.u32 $0xF, v18  }
0xbc: {  	v19 =	vor.u32 v1, v27;
	[tilespmem:s15], [sflag:$0x3] =	stream.indirect.gather [hbm4b:s5+s13], $0x40, s13, s13, $0xb8;
	[tilespmem:$0x11600] =	vst v63  }
0xbd: {  	_ =	swait.ge [sflag:s16], $0x2000  }
0xbe: {  	[sflag:s16] =	ssyncset.done $0x0  }
0xbf: {  	[sflag:s16] =	ssyncadd.s32 $0xFFFFE000  }
0xc0: {  	v25 =	vshll.u32 v18, $0x7;
	v28 =	vld.idx.msk [tilespmem:v27+s10+$0x0], $0xffff  }
0xc1: {  	v21 =	vand.u32 $0x400, v25;
	v20 =	vld.idx.msk [tilespmem:v19+s14+$0x0], $0xffff;
	v19 =	vand.u32 $0x380, v25  }
0xc2: {  	v29 =	vor.u32 v3, v21;
	v19 =	vor.u32 v2, v19  }
0xc3: {  	v21 =	vor.u32 v19, v29  }
0xc4: {  	v22 =	vor.u32 v4, v27;
	_ =	sdelay $0x1  }
0xc5: {  	v20 =	vadd.f32 v20, v28;
	_ =	sdelay $0x1  }
0xc6: {  	[tilespmem:v21+s17+$0x0] =	vst.idx.msk $0xffff, v20  }
0xc7: {  	v20 =	vor.u32 v5, v25;
	v21 =	vld.idx.msk [tilespmem:v22+s14+$0x0], $0xffff  }
0xc8: {  	v20 =	vand.u32 $0x398, v20  }
0xc9: {  	v22 =	vor.u32 v20, v29  }
0xca: {  	v23 =	vor.u32 v6, v27;
	_ =	sdelay $0x1  }
0xcb: {  	v21 =	vadd.f32 v21, v28;
	_ =	sdelay $0x1  }
0xcc: {  	[tilespmem:v22+s17+$0x0] =	vst.idx.msk $0xffff, v21  }
0xcd: {  	v21 =	vor.u32 v7, v25;
	v22 =	vld.idx.msk [tilespmem:v23+s14+$0x0], $0xffff  }
0xce: {  	v21 =	vand.u32 $0x3A8, v21  }
0xcf: {  	v23 =	vor.u32 v21, v29  }
0xd0: {  	v24 =	vor.u32 v8, v27;
	_ =	sdelay $0x1  }
0xd1: {  	v22 =	vadd.f32 v22, v28;
	_ =	sdelay $0x1  }
0xd2: {  	[tilespmem:v23+s17+$0x0] =	vst.idx.msk $0xffff, v22  }
0xd3: {  	v22 =	vor.u32 v9, v25;
	v23 =	vld.idx.msk [tilespmem:v24+s14+$0x0], $0xffff  }
0xd4: {  	v22 =	vand.u32 $0x3B8, v22  }
0xd5: {  	v24 =	vor.u32 v22, v29  }
0xd6: {  	v26 =	vor.u32 v10, v27;
	_ =	sdelay $0x1  }
0xd7: {  	v23 =	vadd.f32 v23, v28;
	_ =	sdelay $0x1  }
0xd8: {  	[tilespmem:v24+s17+$0x0] =	vst.idx.msk $0xffff, v23  }
0xd9: {  	v23 =	vor.u32 v11, v25;
	v24 =	vld.idx.msk [tilespmem:v26+s14+$0x0], $0xffff  }
0xda: {  	v23 =	vand.u32 $0x3C8, v23  }
0xdb: {  	v26 =	vor.u32 v23, v29  }
0xdc: {  	v30 =	vor.u32 v12, v27;
	_ =	sdelay $0x1  }
0xdd: {  	v24 =	vadd.f32 v24, v28;
	_ =	sdelay $0x1  }
0xde: {  	[tilespmem:v26+s17+$0x0] =	vst.idx.msk $0xffff, v24  }
0xdf: {  	v24 =	vor.u32 v13, v25;
	v26 =	vld.idx.msk [tilespmem:v30+s14+$0x0], $0xffff  }
0xe0: {  	v24 =	vand.u32 $0x3D8, v24  }
0xe1: {  	v30 =	vor.u32 v24, v29  }
0xe2: {  	v31 =	vor.u32 v14, v27;
	_ =	sdelay $0x1  }
0xe3: {  	v26 =	vadd.f32 v26, v28;
	_ =	sdelay $0x1  }
0xe4: {  	[tilespmem:v30+s17+$0x0] =	vst.idx.msk $0xffff, v26  }
0xe5: {  	v26 =	vor.u32 v15, v25;
	v30 =	vld.idx.msk [tilespmem:v31+s14+$0x0], $0xffff  }
0xe6: {  	v26 =	vand.u32 $0x3E8, v26  }
0xe7: {  	v31 =	vor.u32 v26, v29  }
0xe8: {  	v32 =	vor.u32 v16, v27;
	_ =	sdelay $0x1  }
0xe9: {  	v30 =	vadd.f32 v30, v28;
	_ =	sdelay $0x1  }
0xea: {  	[tilespmem:v31+s17+$0x0] =	vst.idx.msk $0xffff, v30  }
0xeb: {  	v25 =	vor.u32 v17, v25;
	v30 =	vld.idx.msk [tilespmem:v32+s14+$0x0], $0xffff  }
0xec: {  	v25 =	vand.u32 $0x3F8, v25  }
0xed: {  	v29 =	vor.u32 v25, v29;
	v31 =	vor.u32 $0x10, v18  }
0xee: {  	v50 =	vand.u32 $0x1F, v31  }
0xef: {  	v33 =	vor.u32 v1, v50  }
0xf0: {  	v28 =	vadd.f32 v30, v28;
	_ =	sdelay $0x1  }
0xf1: {  	[tilespmem:v29+s17+$0x0] =	vst.idx.msk $0xffff, v28  }
0xf2: {  	v28 =	vshll.u32 v31, $0x7;
	v29 =	vld.idx.msk [tilespmem:v31+s10+$0x0], $0xffff  }
0xf3: {  	v28 =	vand.u32 $0xC00, v28;
	v30 =	vld.idx.msk [tilespmem:v33+s14+$0x0], $0xffff  }
0xf4: {  	v28 =	vor.u32 v3, v28  }
0xf5: {  	v31 =	vor.u32 v19, v28  }
0xf6: {  	v51 =	vor.u32 v4, v50;
	_ =	sdelay $0x1  }
0xf7: {  	v30 =	vadd.f32 v30, v29;
	_ =	sdelay $0x1  }
0xf8: {  	[tilespmem:v31+s17+$0x0] =	vst.idx.msk $0xffff, v30  }
0xf9: {  	v30 =	vld.idx.msk [tilespmem:v51+s14+$0x0], $0xffff;
	_ =	sdelay $0x1  }
0xfa: {  	v31 =	vor.u32 v20, v28  }
0xfb: {  	v52 =	vor.u32 v6, v50;
	_ =	sdelay $0x1  }
0xfc: {  	v30 =	vadd.f32 v30, v29;
	_ =	sdelay $0x1  }
0xfd: {  	[tilespmem:v31+s17+$0x0] =	vst.idx.msk $0xffff, v30  }
0xfe: {  	v30 =	vld.idx.msk [tilespmem:v52+s14+$0x0], $0xffff;
	_ =	sdelay $0x1  }
0xff: {  	v31 =	vor.u32 v21, v28  }
0x100: {  	v53 =	vor.u32 v8, v50;
	_ =	sdelay $0x1  }
0x101: {  	v30 =	vadd.f32 v30, v29;
	_ =	sdelay $0x1  }
0x102: {  	[tilespmem:v31+s17+$0x0] =	vst.idx.msk $0xffff, v30  }
0x103: {  	v30 =	vld.idx.msk [tilespmem:v53+s14+$0x0], $0xffff;
	_ =	sdelay $0x1  }
0x104: {  	v31 =	vor.u32 v22, v28  }
0x105: {  	v54 =	vor.u32 v10, v50;
	_ =	sdelay $0x1  }
0x106: {  	v30 =	vadd.f32 v30, v29;
	_ =	sdelay $0x1  }
0x107: {  	[tilespmem:v31+s17+$0x0] =	vst.idx.msk $0xffff, v30  }
0x108: {  	v30 =	vld.idx.msk [tilespmem:v54+s14+$0x0], $0xffff;
	_ =	sdelay $0x1  }
0x109: {  	v31 =	vor.u32 v23, v28  }
0x10a: {  	v55 =	vor.u32 v12, v50;
	_ =	sdelay $0x1  }
0x10b: {  	v30 =	vadd.f32 v30, v29;
	_ =	sdelay $0x1  }
0x10c: {  	[tilespmem:v31+s17+$0x0] =	vst.idx.msk $0xffff, v30  }
0x10d: {  	v30 =	vld.idx.msk [tilespmem:v55+s14+$0x0], $0xffff;
	_ =	sdelay $0x1  }
0x10e: {  	v31 =	vor.u32 v24, v28  }
0x10f: {  	v56 =	vor.u32 v14, v50;
	_ =	sdelay $0x1  }
0x110: {  	v30 =	vadd.f32 v30, v29;
	_ =	sdelay $0x1  }
0x111: {  	[tilespmem:v31+s17+$0x0] =	vst.idx.msk $0xffff, v30  }
0x112: {  	v30 =	vld.idx.msk [tilespmem:v56+s14+$0x0], $0xffff;
	_ =	sdelay $0x1  }
0x113: {  	v31 =	vor.u32 v26, v28  }
0x114: {  	v32 =	vor.u32 v16, v50;
	_ =	sdelay $0x1  }
0x115: {  	v30 =	vadd.f32 v30, v29;
	_ =	sdelay $0x1  }
0x116: {  	[tilespmem:v31+s17+$0x0] =	vst.idx.msk $0xffff, v30  }
0x117: {  	v30 =	vld.idx.msk [tilespmem:v32+s14+$0x0], $0xffff  }
0x118: {  	v27 =	vor.u32 $0x20, v27  }
0x119: {  	v57 =	vand.u32 $0x28, v27;
	v28 =	vor.u32 v25, v28;
	v31 =	vand.u32 $0x7, v18  }
0x11a: {  	v31 =	vor.u32 v31, v57  }
0x11b: {  	v32 =	vor.u32 v1, v31  }
0x11c: {  	v29 =	vadd.f32 v30, v29;
	_ =	sdelay $0x1  }
0x11d: {  	[tilespmem:v28+s17+$0x0] =	vst.idx.msk $0xffff, v29  }
0x11e: {  	v27 =	vshll.u32 v27, $0x7;
	v28 =	vld.idx.msk [tilespmem:v31+s10+$0x0], $0xffff  }
0x11f: {  	v27 =	vand.u32 $0x1400, v27;
	v29 =	vld.idx.msk [tilespmem:v32+s14+$0x0], $0xffff  }
0x120: {  	v27 =	vor.u32 v3, v27  }
0x121: {  	v30 =	vor.u32 v19, v27  }
0x122: {  	v58 =	vor.u32 v4, v31;
	_ =	sdelay $0x1  }
0x123: {  	v29 =	vadd.f32 v29, v28;
	_ =	sdelay $0x1  }
0x124: {  	[tilespmem:v30+s17+$0x0] =	vst.idx.msk $0xffff, v29  }
0x125: {  	v29 =	vld.idx.msk [tilespmem:v58+s14+$0x0], $0xffff;
	_ =	sdelay $0x1  }
0x126: {  	v30 =	vor.u32 v20, v27  }
0x127: {  	v59 =	vor.u32 v6, v31;
	_ =	sdelay $0x1  }
0x128: {  	v29 =	vadd.f32 v29, v28;
	_ =	sdelay $0x1  }
0x129: {  	[tilespmem:v30+s17+$0x0] =	vst.idx.msk $0xffff, v29  }
0x12a: {  	v29 =	vld.idx.msk [tilespmem:v59+s14+$0x0], $0xffff;
	_ =	sdelay $0x1  }
0x12b: {  	v30 =	vor.u32 v21, v27  }
0x12c: {  	v60 =	vor.u32 v8, v31;
	_ =	sdelay $0x1  }
0x12d: {  	v29 =	vadd.f32 v29, v28;
	_ =	sdelay $0x1  }
0x12e: {  	[tilespmem:v30+s17+$0x0] =	vst.idx.msk $0xffff, v29  }
0x12f: {  	v29 =	vld.idx.msk [tilespmem:v60+s14+$0x0], $0xffff;
	_ =	sdelay $0x1  }
0x130: {  	v30 =	vor.u32 v22, v27  }
0x131: {  	v61 =	vor.u32 v10, v31;
	_ =	sdelay $0x1  }
0x132: {  	v29 =	vadd.f32 v29, v28;
	_ =	sdelay $0x1  }
0x133: {  	[tilespmem:v30+s17+$0x0] =	vst.idx.msk $0xffff, v29  }
0x134: {  	v29 =	vld.idx.msk [tilespmem:v61+s14+$0x0], $0xffff;
	_ =	sdelay $0x1  }
0x135: {  	v30 =	vor.u32 v23, v27  }
0x136: {  	v62 =	vor.u32 v12, v31;
	_ =	sdelay $0x1  }
0x137: {  	v29 =	vadd.f32 v29, v28;
	_ =	sdelay $0x1  }
0x138: {  	[tilespmem:v30+s17+$0x0] =	vst.idx.msk $0xffff, v29  }
0x139: {  	v29 =	vld.idx.msk [tilespmem:v62+s14+$0x0], $0xffff;
	_ =	sdelay $0x1  }
0x13a: {  	v30 =	vor.u32 v24, v27  }
0x13b: {  	v63 =	vor.u32 v14, v31;
	_ =	sdelay $0x1  }
0x13c: {  	v29 =	vadd.f32 v29, v28;
	_ =	sdelay $0x1  }
0x13d: {  	[tilespmem:v30+s17+$0x0] =	vst.idx.msk $0xffff, v29  }
0x13e: {  	v29 =	vld.idx.msk [tilespmem:v63+s14+$0x0], $0xffff;
	_ =	sdelay $0x1  }
0x13f: {  	v30 =	vor.u32 v26, v27  }
0x140: {  	v31 =	vor.u32 v16, v31;
	_ =	sdelay $0x1  }
0x141: {  	v29 =	vadd.f32 v29, v28;
	_ =	sdelay $0x1  }
0x142: {  	[tilespmem:v30+s17+$0x0] =	vst.idx.msk $0xffff, v29  }
0x143: {  	v29 =	vld.idx.msk [tilespmem:v31+s14+$0x0], $0xffff;
	_ =	sdelay $0x1  }
0x144: {  	v18 =	vor.u32 $0x30, v18;
	v27 =	vor.u32 v25, v27  }
0x145: {  	v30 =	vand.u32 $0x3F, v18  }
0x146: {  	v31 =	vor.u32 v1, v30  }
0x147: {  	v28 =	vadd.f32 v29, v28;
	_ =	sdelay $0x1  }
0x148: {  	[tilespmem:v27+s17+$0x0] =	vst.idx.msk $0xffff, v28  }
0x149: {  	v27 =	vshll.u32 v18, $0x7;
	v28 =	vld.idx.msk [tilespmem:v18+s10+$0x0], $0xffff  }
0x14a: {  	v18 =	vand.u32 $0x1C00, v27;
	v27 =	vld.idx.msk [tilespmem:v31+s14+$0x0], $0xffff  }
0x14b: {  	v29 =	vor.u32 v3, v18  }
0x14c: {  	v18 =	vor.u32 v19, v29  }
0x14d: {  	v19 =	vor.u32 v4, v30;
	_ =	sdelay $0x1  }
0x14e: {  	v27 =	vadd.f32 v27, v28;
	_ =	sdelay $0x1  }
0x14f: {  	[tilespmem:v18+s17+$0x0] =	vst.idx.msk $0xffff, v27  }
0x150: {  	v18 =	vld.idx.msk [tilespmem:v19+s14+$0x0], $0xffff;
	_ =	sdelay $0x1  }
0x151: {  	v19 =	vor.u32 v20, v29  }
0x152: {  	v20 =	vor.u32 v6, v30;
	_ =	sdelay $0x1  }
0x153: {  	v18 =	vadd.f32 v18, v28;
	_ =	sdelay $0x1  }
0x154: {  	[tilespmem:v19+s17+$0x0] =	vst.idx.msk $0xffff, v18  }
0x155: {  	v18 =	vld.idx.msk [tilespmem:v20+s14+$0x0], $0xffff;
	_ =	sdelay $0x1  }
0x156: {  	v19 =	vor.u32 v21, v29  }
0x157: {  	v20 =	vor.u32 v8, v30;
	_ =	sdelay $0x1  }
0x158: {  	v18 =	vadd.f32 v18, v28;
	_ =	sdelay $0x1  }
0x159: {  	[tilespmem:v19+s17+$0x0] =	vst.idx.msk $0xffff, v18  }
0x15a: {  	v18 =	vld.idx.msk [tilespmem:v20+s14+$0x0], $0xffff;
	_ =	sdelay $0x1  }
0x15b: {  	v19 =	vor.u32 v22, v29  }
0x15c: {  	v20 =	vor.u32 v10, v30;
	_ =	sdelay $0x1  }
0x15d: {  	v18 =	vadd.f32 v18, v28;
	_ =	sdelay $0x1  }
0x15e: {  	[tilespmem:v19+s17+$0x0] =	vst.idx.msk $0xffff, v18  }
0x15f: {  	v18 =	vld.idx.msk [tilespmem:v20+s14+$0x0], $0xffff;
	_ =	sdelay $0x1  }
0x160: {  	v19 =	vor.u32 v23, v29  }
0x161: {  	v20 =	vor.u32 v12, v30;
	_ =	sdelay $0x1  }
0x162: {  	v18 =	vadd.f32 v18, v28;
	_ =	sdelay $0x1  }
0x163: {  	[tilespmem:v19+s17+$0x0] =	vst.idx.msk $0xffff, v18  }
0x164: {  	v18 =	vld.idx.msk [tilespmem:v20+s14+$0x0], $0xffff;
	_ =	sdelay $0x1  }
0x165: {  	v19 =	vor.u32 v24, v29  }
0x166: {  	v20 =	vor.u32 v14, v30;
	_ =	sdelay $0x1  }
0x167: {  	v18 =	vadd.f32 v18, v28;
	_ =	sdelay $0x1  }
0x168: {  	[tilespmem:v19+s17+$0x0] =	vst.idx.msk $0xffff, v18  }
0x169: {  	v18 =	vld.idx.msk [tilespmem:v20+s14+$0x0], $0xffff;
	_ =	sdelay $0x1  }
0x16a: {  	v19 =	vor.u32 v26, v29  }
0x16b: {  	v20 =	vor.u32 v16, v30;
	_ =	sdelay $0x1  }
0x16c: {  	v18 =	vadd.f32 v18, v28;
	_ =	sdelay $0x1  }
0x16d: {  	[tilespmem:v19+s17+$0x0] =	vst.idx.msk $0xffff, v18  }
0x16e: {  	v20 =	vld.idx.msk [tilespmem:v20+s14+$0x0], $0xffff  }
0x16f: {  	s29 =	simm.s32 $0x1  }
0x170: {  	v18 =	vadd.s32 s29, v0;
	v19 =	vor.u32 v25, v29  }
0x171: {  	s24 =	simm.s32 $0x2;
	v24 =	vand.u32 $0xF, v18;
	v27 =	vshll.u32 v18, $0x7  }
.LBB2_4:
0x172: {  	p0 =	sne.s32 s24, $0xF;
	v21 =	vor.u32 v1, v24;
	s25 =	smov.u32 s24;
	s24 =	sadd.s32 $0x1, s24  }
0x173: {  	v20 =	vadd.f32 v20, v28;
	_ =	sdelay $0x1  }
0x174: {  	[tilespmem:v19+s17+$0x0] =	vst.idx.msk $0xffff, v20  }
0x175: {  	v28 =	vld.idx.msk [tilespmem:v24+s10+$0x0], $0xffff  }
0x176: {  	v20 =	vld.idx.msk [tilespmem:v21+s14+$0x0], $0xffff  }
0x177: {  	v19 =	vand.u32 $0x380, v27;
	v21 =	vand.u32 $0x400, v27  }
0x178: {  	v19 =	vor.u32 v2, v19;
	v29 =	vor.u32 v3, v21  }
0x179: {  	v21 =	vor.u32 v19, v29  }
0x17a: {  	v22 =	vor.u32 v4, v24;
	_ =	sdelay $0x1  }
0x17b: {  	v20 =	vadd.f32 v20, v28;
	_ =	sdelay $0x1  }
0x17c: {  	[tilespmem:v21+s17+$0x0] =	vst.idx.msk $0xffff, v20  }
0x17d: {  	v21 =	vld.idx.msk [tilespmem:v22+s14+$0x0], $0xffff  }
0x17e: {  	v20 =	vor.u32 v5, v27  }
0x17f: {  	v20 =	vand.u32 $0x398, v20  }
0x180: {  	v22 =	vor.u32 v20, v29  }
0x181: {  	v23 =	vor.u32 v6, v24;
	_ =	sdelay $0x1  }
0x182: {  	v21 =	vadd.f32 v21, v28;
	_ =	sdelay $0x1  }
0x183: {  	[tilespmem:v22+s17+$0x0] =	vst.idx.msk $0xffff, v21  }
0x184: {  	v22 =	vld.idx.msk [tilespmem:v23+s14+$0x0], $0xffff  }
0x185: {  	v21 =	vor.u32 v7, v27  }
0x186: {  	v21 =	vand.u32 $0x3A8, v21  }
0x187: {  	v23 =	vor.u32 v21, v29  }
0x188: {  	v25 =	vor.u32 v8, v24;
	_ =	sdelay $0x1  }
0x189: {  	v22 =	vadd.f32 v22, v28;
	_ =	sdelay $0x1  }
0x18a: {  	[tilespmem:v23+s17+$0x0] =	vst.idx.msk $0xffff, v22  }
0x18b: {  	v23 =	vld.idx.msk [tilespmem:v25+s14+$0x0], $0xffff  }
0x18c: {  	v22 =	vor.u32 v9, v27  }
0x18d: {  	v22 =	vand.u32 $0x3B8, v22  }
0x18e: {  	v25 =	vor.u32 v22, v29  }
0x18f: {  	v26 =	vor.u32 v10, v24;
	_ =	sdelay $0x1  }
0x190: {  	v23 =	vadd.f32 v23, v28;
	_ =	sdelay $0x1  }
0x191: {  	[tilespmem:v25+s17+$0x0] =	vst.idx.msk $0xffff, v23  }
0x192: {  	v25 =	vld.idx.msk [tilespmem:v26+s14+$0x0], $0xffff  }
0x193: {  	v23 =	vor.u32 v11, v27  }
0x194: {  	v23 =	vand.u32 $0x3C8, v23  }
0x195: {  	v26 =	vor.u32 v23, v29  }
0x196: {  	v30 =	vor.u32 v12, v24;
	_ =	sdelay $0x1  }
0x197: {  	v25 =	vadd.f32 v25, v28;
	_ =	sdelay $0x1  }
0x198: {  	[tilespmem:v26+s17+$0x0] =	vst.idx.msk $0xffff, v25  }
0x199: {  	v26 =	vld.idx.msk [tilespmem:v30+s14+$0x0], $0xffff  }
0x19a: {  	v25 =	vor.u32 v13, v27  }
0x19b: {  	v25 =	vand.u32 $0x3D8, v25  }
0x19c: {  	v30 =	vor.u32 v25, v29  }
0x19d: {  	v31 =	vor.u32 v14, v24;
	_ =	sdelay $0x1  }
0x19e: {  	v26 =	vadd.f32 v26, v28;
	_ =	sdelay $0x1  }
0x19f: {  	[tilespmem:v30+s17+$0x0] =	vst.idx.msk $0xffff, v26  }
0x1a0: {  	v30 =	vld.idx.msk [tilespmem:v31+s14+$0x0], $0xffff  }
0x1a1: {  	v26 =	vor.u32 v15, v27  }
0x1a2: {  	v26 =	vand.u32 $0x3E8, v26  }
0x1a3: {  	v31 =	vor.u32 v26, v29  }
0x1a4: {  	v32 =	vor.u32 v16, v24;
	_ =	sdelay $0x1  }
0x1a5: {  	v30 =	vadd.f32 v30, v28;
	_ =	sdelay $0x1  }
0x1a6: {  	[tilespmem:v31+s17+$0x0] =	vst.idx.msk $0xffff, v30  }
0x1a7: {  	v30 =	vld.idx.msk [tilespmem:v32+s14+$0x0], $0xffff  }
0x1a8: {  	v27 =	vor.u32 v17, v27  }
0x1a9: {  	v27 =	vand.u32 $0x3F8, v27;
	v31 =	vor.u32 $0x10, v18  }
0x1aa: {  	v29 =	vor.u32 v27, v29;
	v32 =	vand.u32 $0x1F, v31;
	v33 =	vshll.u32 v31, $0x7  }
0x1ab: {  	v34 =	vor.u32 v1, v32;
	v33 =	vand.u32 $0xC00, v33;
	_ =	sdelay $0x1  }
0x1ac: {  	v28 =	vadd.f32 v30, v28;
	_ =	sdelay $0x1  }
0x1ad: {  	[tilespmem:v29+s17+$0x0] =	vst.idx.msk $0xffff, v28  }
0x1ae: {  	v28 =	vld.idx.msk [tilespmem:v31+s10+$0x0], $0xffff  }
0x1af: {  	v29 =	vld.idx.msk [tilespmem:v34+s14+$0x0], $0xffff  }
0x1b0: {  	v30 =	vor.u32 v3, v33  }
0x1b1: {  	v33 =	vor.u32 v20, v30;
	v31 =	vor.u32 v19, v30;
	v34 =	vor.u32 v21, v30  }
0x1b2: {  	v35 =	vor.u32 v4, v32;
	v36 =	vor.u32 v22, v30;
	v37 =	vor.u32 v23, v30  }
0x1b3: {  	v38 =	vor.u32 v25, v30;
	v39 =	vor.u32 v26, v30;
	v30 =	vor.u32 v27, v30;
	_ =	sdelay $0x1  }
0x1b4: {  	v29 =	vadd.f32 v29, v28;
	_ =	sdelay $0x1  }
0x1b5: {  	[tilespmem:v31+s17+$0x0] =	vst.idx.msk $0xffff, v29  }
0x1b6: {  	v29 =	vld.idx.msk [tilespmem:v35+s14+$0x0], $0xffff;
	_ =	sdelay $0x2  }
0x1b7: {  	v31 =	vor.u32 v6, v32;
	_ =	sdelay $0x2  }
0x1b8: {  	v29 =	vadd.f32 v29, v28;
	_ =	sdelay $0x1  }
0x1b9: {  	[tilespmem:v33+s17+$0x0] =	vst.idx.msk $0xffff, v29  }
0x1ba: {  	v29 =	vld.idx.msk [tilespmem:v31+s14+$0x0], $0xffff;
	_ =	sdelay $0x2  }
0x1bb: {  	v31 =	vor.u32 v8, v32;
	_ =	sdelay $0x2  }
0x1bc: {  	v29 =	vadd.f32 v29, v28;
	_ =	sdelay $0x1  }
0x1bd: {  	[tilespmem:v34+s17+$0x0] =	vst.idx.msk $0xffff, v29  }
0x1be: {  	v29 =	vld.idx.msk [tilespmem:v31+s14+$0x0], $0xffff;
	_ =	sdelay $0x2  }
0x1bf: {  	v31 =	vor.u32 v10, v32;
	_ =	sdelay $0x2  }
0x1c0: {  	v29 =	vadd.f32 v29, v28;
	_ =	sdelay $0x1  }
0x1c1: {  	[tilespmem:v36+s17+$0x0] =	vst.idx.msk $0xffff, v29  }
0x1c2: {  	v29 =	vld.idx.msk [tilespmem:v31+s14+$0x0], $0xffff;
	_ =	sdelay $0x2  }
0x1c3: {  	v31 =	vor.u32 v12, v32;
	_ =	sdelay $0x2  }
0x1c4: {  	v29 =	vadd.f32 v29, v28;
	_ =	sdelay $0x1  }
0x1c5: {  	[tilespmem:v37+s17+$0x0] =	vst.idx.msk $0xffff, v29  }
0x1c6: {  	v29 =	vld.idx.msk [tilespmem:v31+s14+$0x0], $0xffff;
	_ =	sdelay $0x2  }
0x1c7: {  	v31 =	vor.u32 v14, v32;
	_ =	sdelay $0x2  }
0x1c8: {  	v29 =	vadd.f32 v29, v28;
	_ =	sdelay $0x1  }
0x1c9: {  	[tilespmem:v38+s17+$0x0] =	vst.idx.msk $0xffff, v29  }
0x1ca: {  	v29 =	vld.idx.msk [tilespmem:v31+s14+$0x0], $0xffff;
	_ =	sdelay $0x2  }
0x1cb: {  	v31 =	vor.u32 v16, v32;
	_ =	sdelay $0x2  }
0x1cc: {  	v29 =	vadd.f32 v29, v28;
	_ =	sdelay $0x1  }
0x1cd: {  	[tilespmem:v39+s17+$0x0] =	vst.idx.msk $0xffff, v29  }
0x1ce: {  	v29 =	vld.idx.msk [tilespmem:v31+s14+$0x0], $0xffff  }
0x1cf: {  	v24 =	vor.u32 $0x20, v24  }
0x1d0: {  	v32 =	vand.u32 $0x28, v24;
	v24 =	vshll.u32 v24, $0x7;
	v31 =	vand.u32 $0x7, v18  }
0x1d1: {  	v24 =	vand.u32 $0x1400, v24;
	v31 =	vor.u32 v31, v32  }
0x1d2: {  	v32 =	vor.u32 v1, v31;
	_ =	sdelay $0x1  }
0x1d3: {  	v28 =	vadd.f32 v29, v28;
	_ =	sdelay $0x1  }
0x1d4: {  	[tilespmem:v30+s17+$0x0] =	vst.idx.msk $0xffff, v28  }
0x1d5: {  	v28 =	vld.idx.msk [tilespmem:v31+s10+$0x0], $0xffff  }
0x1d6: {  	v24 =	vor.u32 v3, v24;
	v29 =	vld.idx.msk [tilespmem:v32+s14+$0x0], $0xffff  }
0x1d7: {  	v30 =	vor.u32 v19, v24;
	v32 =	vor.u32 v22, v24  }
0x1d8: {  	v33 =	vor.u32 v4, v31;
	_ =	sdelay $0x3  }
0x1d9: {  	v29 =	vadd.f32 v29, v28;
	_ =	sdelay $0x1  }
0x1da: {  	[tilespmem:v30+s17+$0x0] =	vst.idx.msk $0xffff, v29  }
0x1db: {  	v29 =	vld.idx.msk [tilespmem:v33+s14+$0x0], $0xffff  }
0x1dc: {  	v30 =	vor.u32 v20, v24  }
0x1dd: {  	v33 =	vor.u32 v6, v31;
	_ =	sdelay $0x3  }
0x1de: {  	v29 =	vadd.f32 v29, v28;
	_ =	sdelay $0x1  }
0x1df: {  	[tilespmem:v30+s17+$0x0] =	vst.idx.msk $0xffff, v29  }
0x1e0: {  	v29 =	vld.idx.msk [tilespmem:v33+s14+$0x0], $0xffff  }
0x1e1: {  	v30 =	vor.u32 v21, v24  }
0x1e2: {  	v33 =	vor.u32 v8, v31;
	_ =	sdelay $0x3  }
0x1e3: {  	v29 =	vadd.f32 v29, v28;
	_ =	sdelay $0x1  }
0x1e4: {  	[tilespmem:v30+s17+$0x0] =	vst.idx.msk $0xffff, v29  }
0x1e5: {  	v29 =	vld.idx.msk [tilespmem:v33+s14+$0x0], $0xffff;
	_ =	sdelay $0x1  }
0x1e6: {  	v30 =	vor.u32 v10, v31;
	_ =	sdelay $0x3  }
0x1e7: {  	v29 =	vadd.f32 v29, v28;
	_ =	sdelay $0x1  }
0x1e8: {  	[tilespmem:v32+s17+$0x0] =	vst.idx.msk $0xffff, v29  }
0x1e9: {  	v29 =	vld.idx.msk [tilespmem:v30+s14+$0x0], $0xffff  }
0x1ea: {  	v30 =	vor.u32 v23, v24  }
0x1eb: {  	v32 =	vor.u32 v12, v31;
	_ =	sdelay $0x3  }
0x1ec: {  	v29 =	vadd.f32 v29, v28;
	_ =	sdelay $0x1  }
0x1ed: {  	[tilespmem:v30+s17+$0x0] =	vst.idx.msk $0xffff, v29  }
0x1ee: {  	v29 =	vld.idx.msk [tilespmem:v32+s14+$0x0], $0xffff  }
0x1ef: {  	v30 =	vor.u32 v25, v24  }
0x1f0: {  	v32 =	vor.u32 v14, v31;
	_ =	sdelay $0x3  }
0x1f1: {  	v29 =	vadd.f32 v29, v28;
	_ =	sdelay $0x1  }
0x1f2: {  	[tilespmem:v30+s17+$0x0] =	vst.idx.msk $0xffff, v29  }
0x1f3: {  	v29 =	vld.idx.msk [tilespmem:v32+s14+$0x0], $0xffff  }
0x1f4: {  	v30 =	vor.u32 v26, v24  }
0x1f5: {  	v31 =	vor.u32 v16, v31;
	_ =	sdelay $0x3  }
0x1f6: {  	v29 =	vadd.f32 v29, v28;
	_ =	sdelay $0x1  }
0x1f7: {  	[tilespmem:v30+s17+$0x0] =	vst.idx.msk $0xffff, v29  }
0x1f8: {  	v29 =	vld.idx.msk [tilespmem:v31+s14+$0x0], $0xffff  }
0x1f9: {  	v24 =	vor.u32 v27, v24  }
0x1fa: {  	v18 =	vor.u32 $0x30, v18  }
0x1fb: {  	v30 =	vand.u32 $0x3F, v18;
	v31 =	vshll.u32 v18, $0x7  }
0x1fc: {  	v32 =	vor.u32 v1, v30;
	v31 =	vand.u32 $0x1C00, v31;
	_ =	sdelay $0x1  }
0x1fd: {  	v28 =	vadd.f32 v29, v28;
	_ =	sdelay $0x1  }
0x1fe: {  	[tilespmem:v24+s17+$0x0] =	vst.idx.msk $0xffff, v28  }
0x1ff: {  	v28 =	vld.idx.msk [tilespmem:v18+s10+$0x0], $0xffff;
	v18 =	vor.u32 v3, v31  }
0x200: {  	v24 =	vld.idx.msk [tilespmem:v32+s14+$0x0], $0xffff;
	v19 =	vor.u32 v19, v18  }
0x201: {  	v29 =	vor.u32 v4, v30;
	_ =	sdelay $0x4  }
0x202: {  	v24 =	vadd.f32 v24, v28;
	_ =	sdelay $0x1  }
0x203: {  	[tilespmem:v19+s17+$0x0] =	vst.idx.msk $0xffff, v24  }
0x204: {  	v20 =	vor.u32 v20, v18;
	v19 =	vld.idx.msk [tilespmem:v29+s14+$0x0], $0xffff  }
0x205: {  	v24 =	vor.u32 v6, v30;
	_ =	sdelay $0x4  }
0x206: {  	v19 =	vadd.f32 v19, v28;
	_ =	sdelay $0x1  }
0x207: {  	[tilespmem:v20+s17+$0x0] =	vst.idx.msk $0xffff, v19  }
0x208: {  	v20 =	vor.u32 v21, v18;
	v19 =	vld.idx.msk [tilespmem:v24+s14+$0x0], $0xffff  }
0x209: {  	v21 =	vor.u32 v8, v30;
	_ =	sdelay $0x4  }
0x20a: {  	v19 =	vadd.f32 v19, v28;
	_ =	sdelay $0x1  }
0x20b: {  	[tilespmem:v20+s17+$0x0] =	vst.idx.msk $0xffff, v19  }
0x20c: {  	v20 =	vor.u32 v22, v18;
	v19 =	vld.idx.msk [tilespmem:v21+s14+$0x0], $0xffff  }
0x20d: {  	v21 =	vor.u32 v10, v30;
	_ =	sdelay $0x4  }
0x20e: {  	v19 =	vadd.f32 v19, v28;
	_ =	sdelay $0x1  }
0x20f: {  	[tilespmem:v20+s17+$0x0] =	vst.idx.msk $0xffff, v19  }
0x210: {  	v20 =	vor.u32 v23, v18;
	v19 =	vld.idx.msk [tilespmem:v21+s14+$0x0], $0xffff  }
0x211: {  	v21 =	vor.u32 v12, v30;
	_ =	sdelay $0x4  }
0x212: {  	v19 =	vadd.f32 v19, v28;
	_ =	sdelay $0x1  }
0x213: {  	[tilespmem:v20+s17+$0x0] =	vst.idx.msk $0xffff, v19  }
0x214: {  	v20 =	vor.u32 v25, v18;
	v19 =	vld.idx.msk [tilespmem:v21+s14+$0x0], $0xffff  }
0x215: {  	v21 =	vor.u32 v14, v30;
	_ =	sdelay $0x4  }
0x216: {  	v19 =	vadd.f32 v19, v28;
	_ =	sdelay $0x1  }
0x217: {  	[tilespmem:v20+s17+$0x0] =	vst.idx.msk $0xffff, v19  }
0x218: {  	v20 =	vor.u32 v26, v18;
	v19 =	vld.idx.msk [tilespmem:v21+s14+$0x0], $0xffff  }
0x219: {  	v21 =	vor.u32 v16, v30;
	_ =	sdelay $0x4  }
0x21a: {  	v19 =	vadd.f32 v19, v28;
	_ =	sdelay $0x1  }
0x21b: {  	[tilespmem:v20+s17+$0x0] =	vst.idx.msk $0xffff, v19  }
.Ltmp1:
0x21c: {  	v19 =	vor.u32 v27, v18;
	v20 =	vld.idx.msk [tilespmem:v21+s14+$0x0], $0xffff;
	(pc) =	sbr.rel @p0 .LBB2_4-.Ltmp1, $3  }
0x21d: {  	_ =	sdelay $0x1  }
0x21e: {  	v18 =	vadd.s32 s25, v0  }
0x21f: {  	v24 =	vand.u32 $0xF, v18;
	v27 =	vshll.u32 v18, $0x7  }
0x220: {  	_ = 	snop  }
0x221: {  	v21 =	vor.u32 v1, v24  }
0x222: {  	v20 =	vadd.f32 v20, v28;
	_ =	sdelay $0x1  }
0x223: {  	[tilespmem:v19+s17+$0x0] =	vst.idx.msk $0xffff, v20  }
0x224: {  	v28 =	vld.idx.msk [tilespmem:v24+s10+$0x0], $0xffff  }
0x225: {  	v19 =	vand.u32 $0x380, v27;
	v20 =	vld.idx.msk [tilespmem:v21+s14+$0x0], $0xffff;
	v21 =	vand.u32 $0x400, v27  }
0x226: {  	v19 =	vor.u32 v2, v19;
	v29 =	vor.u32 v3, v21  }
0x227: {  	v21 =	vor.u32 v19, v29  }
0x228: {  	v22 =	vor.u32 v4, v24;
	_ =	sdelay $0x1  }
0x229: {  	v20 =	vadd.f32 v20, v28;
	_ =	sdelay $0x1  }
0x22a: {  	[tilespmem:v21+s17+$0x0] =	vst.idx.msk $0xffff, v20  }
0x22b: {  	v20 =	vor.u32 v5, v27;
	v21 =	vld.idx.msk [tilespmem:v22+s14+$0x0], $0xffff  }
0x22c: {  	v20 =	vand.u32 $0x398, v20  }
0x22d: {  	v22 =	vor.u32 v20, v29  }
0x22e: {  	v23 =	vor.u32 v6, v24;
	_ =	sdelay $0x1  }
0x22f: {  	v21 =	vadd.f32 v21, v28;
	_ =	sdelay $0x1  }
0x230: {  	[tilespmem:v22+s17+$0x0] =	vst.idx.msk $0xffff, v21  }
0x231: {  	v21 =	vor.u32 v7, v27;
	v22 =	vld.idx.msk [tilespmem:v23+s14+$0x0], $0xffff  }
0x232: {  	v21 =	vand.u32 $0x3A8, v21  }
0x233: {  	v23 =	vor.u32 v21, v29  }
0x234: {  	v25 =	vor.u32 v8, v24;
	_ =	sdelay $0x1  }
0x235: {  	v22 =	vadd.f32 v22, v28;
	_ =	sdelay $0x1  }
0x236: {  	[tilespmem:v23+s17+$0x0] =	vst.idx.msk $0xffff, v22  }
0x237: {  	v22 =	vor.u32 v9, v27;
	v23 =	vld.idx.msk [tilespmem:v25+s14+$0x0], $0xffff  }
0x238: {  	v22 =	vand.u32 $0x3B8, v22  }
0x239: {  	v47 =	vor.u32 v22, v29  }
0x23a: {  	v26 =	vor.u32 v10, v24;
	_ =	sdelay $0x1  }
0x23b: {  	v23 =	vadd.f32 v23, v28;
	_ =	sdelay $0x1  }
0x23c: {  	[tilespmem:v47+s17+$0x0] =	vst.idx.msk $0xffff, v23  }
0x23d: {  	v23 =	vor.u32 v11, v27;
	v25 =	vld.idx.msk [tilespmem:v26+s14+$0x0], $0xffff  }
0x23e: {  	v23 =	vand.u32 $0x3C8, v23  }
0x23f: {  	v48 =	vor.u32 v23, v29  }
0x240: {  	v30 =	vor.u32 v12, v24;
	_ =	sdelay $0x1  }
0x241: {  	v25 =	vadd.f32 v25, v28;
	_ =	sdelay $0x1  }
0x242: {  	[tilespmem:v48+s17+$0x0] =	vst.idx.msk $0xffff, v25  }
0x243: {  	v49 =	vor.u32 v13, v27;
	v26 =	vld.idx.msk [tilespmem:v30+s14+$0x0], $0xffff  }
0x244: {  	v25 =	vand.u32 $0x3D8, v49  }
0x245: {  	v30 =	vor.u32 v25, v29  }
0x246: {  	v31 =	vor.u32 v14, v24;
	_ =	sdelay $0x1  }
0x247: {  	v26 =	vadd.f32 v26, v28;
	_ =	sdelay $0x1  }
0x248: {  	[tilespmem:v30+s17+$0x0] =	vst.idx.msk $0xffff, v26  }
0x249: {  	v50 =	vor.u32 v15, v27;
	v30 =	vld.idx.msk [tilespmem:v31+s14+$0x0], $0xffff  }
0x24a: {  	v26 =	vand.u32 $0x3E8, v50  }
0x24b: {  	v31 =	vor.u32 v26, v29  }
0x24c: {  	v32 =	vor.u32 v16, v24;
	_ =	sdelay $0x1  }
0x24d: {  	v30 =	vadd.f32 v30, v28;
	_ =	sdelay $0x1  }
0x24e: {  	[tilespmem:v31+s17+$0x0] =	vst.idx.msk $0xffff, v30  }
0x24f: {  	v27 =	vor.u32 v17, v27;
	v30 =	vld.idx.msk [tilespmem:v32+s14+$0x0], $0xffff  }
0x250: {  	v27 =	vand.u32 $0x3F8, v27  }
0x251: {  	v29 =	vor.u32 v27, v29;
	v31 =	vor.u32 $0x10, v18  }
0x252: {  	v51 =	vand.u32 $0x1F, v31  }
0x253: {  	v33 =	vor.u32 v1, v51  }
0x254: {  	v28 =	vadd.f32 v30, v28;
	_ =	sdelay $0x1  }
0x255: {  	[tilespmem:v29+s17+$0x0] =	vst.idx.msk $0xffff, v28  }
0x256: {  	v28 =	vshll.u32 v31, $0x7;
	v29 =	vld.idx.msk [tilespmem:v31+s10+$0x0], $0xffff  }
0x257: {  	v28 =	vand.u32 $0xC00, v28;
	v30 =	vld.idx.msk [tilespmem:v33+s14+$0x0], $0xffff  }
0x258: {  	v28 =	vor.u32 v3, v28  }
0x259: {  	v31 =	vor.u32 v19, v28  }
0x25a: {  	v52 =	vor.u32 v4, v51;
	_ =	sdelay $0x1  }
0x25b: {  	v30 =	vadd.f32 v30, v29;
	_ =	sdelay $0x1  }
0x25c: {  	[tilespmem:v31+s17+$0x0] =	vst.idx.msk $0xffff, v30  }
0x25d: {  	v30 =	vld.idx.msk [tilespmem:v52+s14+$0x0], $0xffff;
	_ =	sdelay $0x1  }
0x25e: {  	v31 =	vor.u32 v20, v28  }
0x25f: {  	v53 =	vor.u32 v6, v51;
	_ =	sdelay $0x1  }
0x260: {  	v30 =	vadd.f32 v30, v29;
	_ =	sdelay $0x1  }
0x261: {  	[tilespmem:v31+s17+$0x0] =	vst.idx.msk $0xffff, v30  }
0x262: {  	v30 =	vld.idx.msk [tilespmem:v53+s14+$0x0], $0xffff;
	_ =	sdelay $0x1  }
0x263: {  	v31 =	vor.u32 v21, v28  }
0x264: {  	v54 =	vor.u32 v8, v51;
	_ =	sdelay $0x1  }
0x265: {  	v30 =	vadd.f32 v30, v29;
	_ =	sdelay $0x1  }
0x266: {  	[tilespmem:v31+s17+$0x0] =	vst.idx.msk $0xffff, v30  }
0x267: {  	v30 =	vld.idx.msk [tilespmem:v54+s14+$0x0], $0xffff;
	_ =	sdelay $0x1  }
0x268: {  	v31 =	vor.u32 v22, v28  }
0x269: {  	v55 =	vor.u32 v10, v51;
	_ =	sdelay $0x1  }
0x26a: {  	v30 =	vadd.f32 v30, v29;
	_ =	sdelay $0x1  }
0x26b: {  	[tilespmem:v31+s17+$0x0] =	vst.idx.msk $0xffff, v30  }
0x26c: {  	v30 =	vld.idx.msk [tilespmem:v55+s14+$0x0], $0xffff;
	_ =	sdelay $0x1  }
0x26d: {  	v31 =	vor.u32 v23, v28  }
0x26e: {  	v56 =	vor.u32 v12, v51;
	_ =	sdelay $0x1  }
0x26f: {  	v30 =	vadd.f32 v30, v29;
	_ =	sdelay $0x1  }
0x270: {  	[tilespmem:v31+s17+$0x0] =	vst.idx.msk $0xffff, v30  }
0x271: {  	v30 =	vld.idx.msk [tilespmem:v56+s14+$0x0], $0xffff;
	_ =	sdelay $0x1  }
0x272: {  	v31 =	vor.u32 v25, v28  }
0x273: {  	v57 =	vor.u32 v14, v51;
	_ =	sdelay $0x1  }
0x274: {  	v30 =	vadd.f32 v30, v29;
	_ =	sdelay $0x1  }
0x275: {  	[tilespmem:v31+s17+$0x0] =	vst.idx.msk $0xffff, v30  }
0x276: {  	v30 =	vld.idx.msk [tilespmem:v57+s14+$0x0], $0xffff;
	_ =	sdelay $0x1  }
0x277: {  	v31 =	vor.u32 v26, v28  }
0x278: {  	v32 =	vor.u32 v16, v51;
	_ =	sdelay $0x1  }
0x279: {  	v30 =	vadd.f32 v30, v29;
	_ =	sdelay $0x1  }
0x27a: {  	[tilespmem:v31+s17+$0x0] =	vst.idx.msk $0xffff, v30  }
0x27b: {  	v30 =	vld.idx.msk [tilespmem:v32+s14+$0x0], $0xffff  }
0x27c: {  	v58 =	vor.u32 $0x20, v24  }
0x27d: {  	v59 =	vand.u32 $0x28, v58;
	v28 =	vor.u32 v27, v28;
	v31 =	vand.u32 $0x7, v18  }
0x27e: {  	v31 =	vor.u32 v31, v59  }
0x27f: {  	v32 =	vor.u32 v1, v31  }
0x280: {  	v29 =	vadd.f32 v30, v29;
	_ =	sdelay $0x1  }
0x281: {  	[tilespmem:v28+s17+$0x0] =	vst.idx.msk $0xffff, v29  }
0x282: {  	v24 =	vshll.u32 v58, $0x7;
	v28 =	vld.idx.msk [tilespmem:v31+s10+$0x0], $0xffff  }
0x283: {  	v24 =	vand.u32 $0x1400, v24;
	v29 =	vld.idx.msk [tilespmem:v32+s14+$0x0], $0xffff  }
0x284: {  	v24 =	vor.u32 v3, v24  }
0x285: {  	v30 =	vor.u32 v19, v24  }
0x286: {  	v60 =	vor.u32 v4, v31;
	_ =	sdelay $0x1  }
0x287: {  	v29 =	vadd.f32 v29, v28;
	_ =	sdelay $0x1  }
0x288: {  	[tilespmem:v30+s17+$0x0] =	vst.idx.msk $0xffff, v29  }
0x289: {  	v29 =	vld.idx.msk [tilespmem:v60+s14+$0x0], $0xffff;
	_ =	sdelay $0x1  }
0x28a: {  	v30 =	vor.u32 v20, v24  }
0x28b: {  	v61 =	vor.u32 v6, v31;
	_ =	sdelay $0x1  }
0x28c: {  	v29 =	vadd.f32 v29, v28;
	_ =	sdelay $0x1  }
0x28d: {  	[tilespmem:v30+s17+$0x0] =	vst.idx.msk $0xffff, v29  }
0x28e: {  	v29 =	vld.idx.msk [tilespmem:v61+s14+$0x0], $0xffff;
	_ =	sdelay $0x1  }
0x28f: {  	v30 =	vor.u32 v21, v24  }
0x290: {  	v62 =	vor.u32 v8, v31;
	_ =	sdelay $0x1  }
0x291: {  	v29 =	vadd.f32 v29, v28;
	_ =	sdelay $0x1  }
0x292: {  	[tilespmem:v30+s17+$0x0] =	vst.idx.msk $0xffff, v29  }
0x293: {  	v29 =	vld.idx.msk [tilespmem:v62+s14+$0x0], $0xffff;
	_ =	sdelay $0x1  }
0x294: {  	v30 =	vor.u32 v22, v24  }
0x295: {  	v63 =	vor.u32 v10, v31;
	_ =	sdelay $0x1  }
0x296: {  	v29 =	vadd.f32 v29, v28;
	_ =	sdelay $0x1  }
0x297: {  	[tilespmem:v30+s17+$0x0] =	vst.idx.msk $0xffff, v29  }
0x298: {  	v29 =	vld.idx.msk [tilespmem:v63+s14+$0x0], $0xffff;
	_ =	sdelay $0x1  }
0x299: {  	v30 =	vor.u32 v23, v24  }
0x29a: {  	v36 =	vor.u32 v12, v31;
	_ =	sdelay $0x1  }
0x29b: {  	v29 =	vadd.f32 v29, v28;
	_ =	sdelay $0x1  }
0x29c: {  	[tilespmem:v30+s17+$0x0] =	vst.idx.msk $0xffff, v29  }
0x29d: {  	v29 =	vld.idx.msk [tilespmem:v36+s14+$0x0], $0xffff;
	_ =	sdelay $0x1  }
0x29e: {  	v30 =	vor.u32 v25, v24  }
0x29f: {  	v37 =	vor.u32 v14, v31;
	_ =	sdelay $0x1  }
0x2a0: {  	v29 =	vadd.f32 v29, v28;
	_ =	sdelay $0x1  }
0x2a1: {  	[tilespmem:v30+s17+$0x0] =	vst.idx.msk $0xffff, v29  }
0x2a2: {  	v29 =	vld.idx.msk [tilespmem:v37+s14+$0x0], $0xffff;
	_ =	sdelay $0x1  }
0x2a3: {  	v30 =	vor.u32 v26, v24  }
0x2a4: {  	v31 =	vor.u32 v16, v31;
	_ =	sdelay $0x1  }
0x2a5: {  	v29 =	vadd.f32 v29, v28;
	_ =	sdelay $0x1  }
0x2a6: {  	[tilespmem:v30+s17+$0x0] =	vst.idx.msk $0xffff, v29  }
0x2a7: {  	v29 =	vld.idx.msk [tilespmem:v31+s14+$0x0], $0xffff;
	_ =	sdelay $0x1  }
0x2a8: {  	v18 =	vor.u32 $0x30, v18;
	v24 =	vor.u32 v27, v24  }
0x2a9: {  	v30 =	vand.u32 $0x3F, v18  }
0x2aa: {  	v31 =	vor.u32 v1, v30  }
0x2ab: {  	v28 =	vadd.f32 v29, v28;
	_ =	sdelay $0x1  }
0x2ac: {  	[tilespmem:v24+s17+$0x0] =	vst.idx.msk $0xffff, v28  }
0x2ad: {  	v38 =	vshll.u32 v18, $0x7;
	v18 =	vld.idx.msk [tilespmem:v18+s10+$0x0], $0xffff  }
0x2ae: {  	v24 =	vand.u32 $0x1C00, v38;
	v28 =	vld.idx.msk [tilespmem:v31+s14+$0x0], $0xffff  }
0x2af: {  	v24 =	vor.u32 v3, v24  }
0x2b0: {  	v19 =	vor.u32 v19, v24  }
0x2b1: {  	v29 =	vor.u32 v4, v30;
	_ =	sdelay $0x1  }
0x2b2: {  	v28 =	vadd.f32 v28, v18;
	_ =	sdelay $0x1  }
0x2b3: {  	[tilespmem:v19+s17+$0x0] =	vst.idx.msk $0xffff, v28  }
0x2b4: {  	v19 =	vld.idx.msk [tilespmem:v29+s14+$0x0], $0xffff;
	_ =	sdelay $0x1  }
0x2b5: {  	v20 =	vor.u32 v20, v24  }
0x2b6: {  	v28 =	vor.u32 v6, v30;
	_ =	sdelay $0x1  }
0x2b7: {  	v19 =	vadd.f32 v19, v18;
	_ =	sdelay $0x1  }
0x2b8: {  	[tilespmem:v20+s17+$0x0] =	vst.idx.msk $0xffff, v19  }
0x2b9: {  	v19 =	vld.idx.msk [tilespmem:v28+s14+$0x0], $0xffff;
	_ =	sdelay $0x1  }
0x2ba: {  	v20 =	vor.u32 v21, v24  }
0x2bb: {  	v21 =	vor.u32 v8, v30;
	_ =	sdelay $0x1  }
0x2bc: {  	v19 =	vadd.f32 v19, v18;
	_ =	sdelay $0x1  }
0x2bd: {  	[tilespmem:v20+s17+$0x0] =	vst.idx.msk $0xffff, v19  }
0x2be: {  	v19 =	vld.idx.msk [tilespmem:v21+s14+$0x0], $0xffff;
	_ =	sdelay $0x1  }
0x2bf: {  	v20 =	vor.u32 v22, v24  }
0x2c0: {  	v21 =	vor.u32 v10, v30;
	_ =	sdelay $0x1  }
0x2c1: {  	v19 =	vadd.f32 v19, v18;
	_ =	sdelay $0x1  }
0x2c2: {  	[tilespmem:v20+s17+$0x0] =	vst.idx.msk $0xffff, v19  }
0x2c3: {  	v19 =	vld.idx.msk [tilespmem:v21+s14+$0x0], $0xffff;
	_ =	sdelay $0x1  }
0x2c4: {  	v20 =	vor.u32 v23, v24  }
0x2c5: {  	v21 =	vor.u32 v12, v30;
	_ =	sdelay $0x1  }
0x2c6: {  	v19 =	vadd.f32 v19, v18;
	_ =	sdelay $0x1  }
0x2c7: {  	[tilespmem:v20+s17+$0x0] =	vst.idx.msk $0xffff, v19  }
0x2c8: {  	v19 =	vld.idx.msk [tilespmem:v21+s14+$0x0], $0xffff;
	_ =	sdelay $0x1  }
0x2c9: {  	v20 =	vor.u32 v25, v24  }
0x2ca: {  	v21 =	vor.u32 v14, v30;
	_ =	sdelay $0x1  }
0x2cb: {  	v19 =	vadd.f32 v19, v18;
	_ =	sdelay $0x1  }
0x2cc: {  	[tilespmem:v20+s17+$0x0] =	vst.idx.msk $0xffff, v19  }
0x2cd: {  	v19 =	vld.idx.msk [tilespmem:v21+s14+$0x0], $0xffff;
	_ =	sdelay $0x1  }
0x2ce: {  	v20 =	vor.u32 v26, v24  }
0x2cf: {  	v21 =	vor.u32 v16, v30;
	_ =	sdelay $0x1  }
0x2d0: {  	v19 =	vadd.f32 v19, v18;
	_ =	sdelay $0x1  }
0x2d1: {  	[tilespmem:v20+s17+$0x0] =	vst.idx.msk $0xffff, v19  }
0x2d2: {  	v19 =	vld.idx.msk [tilespmem:v21+s14+$0x0], $0xffff;
	_ =	sdelay $0x1  }
0x2d3: {  	v20 =	vor.u32 v27, v24;
	_ =	sdelay $0x2  }
0x2d4: {  	v18 =	vadd.f32 v19, v18  }
0x2d5: {  	s24 =	simm.s32 $0x0  }
0x2d6: {  	s26 =	rddreg [dreg:$0x14];
	[tilespmem:v20+s17+$0x0] =	vst.idx.msk $0xffff, v18;
	v18 =	vadd.s32 s24, v0  }
0x2d7: {  	[hbm4b:s26+s9] =	stream.strided.scatter [tilespmem:s17], [sflag:$0x4], $0x2000, s18, s9, $0x38;
	v27 =	vand.u32 $0xF, v18;
	[tilespmem:$0x11600] =	vst v63  }
0x2d8: {  	s28 =	simm.s32 $0x100;
	v19 =	vor.u32 $0x40, v27  }
0x2d9: {  	v20 =	vor.u32 v1, v27;
	[tilespmem:s14], [sflag:$0x2] =	stream.indirect.gather [hbm4b:s5+s13], $0x40, s28, s13, $0xb8;
	[tilespmem:$0x11600] =	vst v63  }
0x2da: {  	_ =	swait.ge [sflag:s19], $0x2000  }
0x2db: {  	[sflag:s19] =	ssyncset.done $0x0  }
0x2dc: {  	[sflag:s19] =	ssyncadd.s32 $0xFFFFE000  }
0x2dd: {  	v39 =	vshll.u32 v18, $0x7;
	v28 =	vld.idx.msk [tilespmem:v19+s10+$0x0], $0xffff  }
0x2de: {  	v21 =	vand.u32 $0x400, v39;
	v19 =	vand.u32 $0x380, v39;
	v20 =	vld.idx.msk [tilespmem:v20+s15+$0x0], $0xffff  }
0x2df: {  	v29 =	vor.u32 v3, v21;
	v19 =	vor.u32 v2, v19  }
0x2e0: {  	v21 =	vor.u32 v19, v29  }
0x2e1: {  	v22 =	vor.u32 v4, v27;
	_ =	sdelay $0x1  }
0x2e2: {  	v20 =	vadd.f32 v20, v28;
	_ =	sdelay $0x1  }
0x2e3: {  	[tilespmem:v21+s20+$0x0] =	vst.idx.msk $0xffff, v20  }
0x2e4: {  	v20 =	vor.u32 v5, v39;
	v21 =	vld.idx.msk [tilespmem:v22+s15+$0x0], $0xffff  }
0x2e5: {  	v20 =	vand.u32 $0x398, v20  }
0x2e6: {  	v22 =	vor.u32 v20, v29  }
0x2e7: {  	v23 =	vor.u32 v6, v27;
	_ =	sdelay $0x1  }
0x2e8: {  	v21 =	vadd.f32 v21, v28;
	_ =	sdelay $0x1  }
0x2e9: {  	[tilespmem:v22+s20+$0x0] =	vst.idx.msk $0xffff, v21  }
0x2ea: {  	v21 =	vor.u32 v7, v39;
	v22 =	vld.idx.msk [tilespmem:v23+s15+$0x0], $0xffff  }
0x2eb: {  	v21 =	vand.u32 $0x3A8, v21  }
0x2ec: {  	v23 =	vor.u32 v21, v29  }
0x2ed: {  	v40 =	vor.u32 v8, v27;
	_ =	sdelay $0x1  }
0x2ee: {  	v22 =	vadd.f32 v22, v28;
	_ =	sdelay $0x1  }
0x2ef: {  	[tilespmem:v23+s20+$0x0] =	vst.idx.msk $0xffff, v22  }
0x2f0: {  	v22 =	vor.u32 v9, v39;
	v23 =	vld.idx.msk [tilespmem:v40+s15+$0x0], $0xffff  }
0x2f1: {  	v22 =	vand.u32 $0x3B8, v22  }
0x2f2: {  	v41 =	vor.u32 v22, v29  }
0x2f3: {  	v42 =	vor.u32 v10, v27;
	_ =	sdelay $0x1  }
0x2f4: {  	v23 =	vadd.f32 v23, v28;
	_ =	sdelay $0x1  }
0x2f5: {  	[tilespmem:v41+s20+$0x0] =	vst.idx.msk $0xffff, v23  }
0x2f6: {  	v23 =	vor.u32 v11, v39;
	v24 =	vld.idx.msk [tilespmem:v42+s15+$0x0], $0xffff  }
0x2f7: {  	v23 =	vand.u32 $0x3C8, v23  }
0x2f8: {  	v43 =	vor.u32 v23, v29  }
0x2f9: {  	v30 =	vor.u32 v12, v27;
	_ =	sdelay $0x1  }
0x2fa: {  	v24 =	vadd.f32 v24, v28;
	_ =	sdelay $0x1  }
0x2fb: {  	[tilespmem:v43+s20+$0x0] =	vst.idx.msk $0xffff, v24  }
0x2fc: {  	v44 =	vor.u32 v13, v39;
	v25 =	vld.idx.msk [tilespmem:v30+s15+$0x0], $0xffff  }
0x2fd: {  	v24 =	vand.u32 $0x3D8, v44  }
0x2fe: {  	v30 =	vor.u32 v24, v29  }
0x2ff: {  	v31 =	vor.u32 v14, v27;
	_ =	sdelay $0x1  }
0x300: {  	v25 =	vadd.f32 v25, v28;
	_ =	sdelay $0x1  }
0x301: {  	[tilespmem:v30+s20+$0x0] =	vst.idx.msk $0xffff, v25  }
0x302: {  	v45 =	vor.u32 v15, v39;
	v30 =	vld.idx.msk [tilespmem:v31+s15+$0x0], $0xffff  }
0x303: {  	v25 =	vand.u32 $0x3E8, v45  }
0x304: {  	v31 =	vor.u32 v25, v29  }
0x305: {  	v46 =	vor.u32 v16, v27;
	_ =	sdelay $0x1  }
0x306: {  	v30 =	vadd.f32 v30, v28;
	_ =	sdelay $0x1  }
0x307: {  	[tilespmem:v31+s20+$0x0] =	vst.idx.msk $0xffff, v30  }
0x308: {  	v26 =	vor.u32 v17, v39;
	v30 =	vld.idx.msk [tilespmem:v46+s15+$0x0], $0xffff  }
0x309: {  	v26 =	vand.u32 $0x3F8, v26;
	v31 =	vor.u32 $0x10, v18  }
0x30a: {  	v29 =	vor.u32 v26, v29;
	v47 =	vand.u32 $0x1F, v31  }
0x30b: {  	v48 =	vor.u32 $0x40, v47  }
0x30c: {  	v34 =	vor.u32 v1, v47  }
0x30d: {  	v28 =	vadd.f32 v30, v28;
	_ =	sdelay $0x1  }
0x30e: {  	[tilespmem:v29+s20+$0x0] =	vst.idx.msk $0xffff, v28  }
0x30f: {  	v28 =	vshll.u32 v31, $0x7;
	v29 =	vld.idx.msk [tilespmem:v48+s10+$0x0], $0xffff  }
0x310: {  	v28 =	vand.u32 $0xC00, v28;
	v30 =	vld.idx.msk [tilespmem:v34+s15+$0x0], $0xffff  }
0x311: {  	v28 =	vor.u32 v3, v28  }
0x312: {  	v31 =	vor.u32 v19, v28  }
0x313: {  	v49 =	vor.u32 v4, v47;
	_ =	sdelay $0x1  }
0x314: {  	v30 =	vadd.f32 v30, v29;
	_ =	sdelay $0x1  }
0x315: {  	[tilespmem:v31+s20+$0x0] =	vst.idx.msk $0xffff, v30  }
0x316: {  	v30 =	vld.idx.msk [tilespmem:v49+s15+$0x0], $0xffff;
	_ =	sdelay $0x1  }
0x317: {  	v31 =	vor.u32 v20, v28  }
0x318: {  	v50 =	vor.u32 v6, v47;
	_ =	sdelay $0x1  }
0x319: {  	v30 =	vadd.f32 v30, v29;
	_ =	sdelay $0x1  }
0x31a: {  	[tilespmem:v31+s20+$0x0] =	vst.idx.msk $0xffff, v30  }
0x31b: {  	v30 =	vld.idx.msk [tilespmem:v50+s15+$0x0], $0xffff;
	_ =	sdelay $0x1  }
0x31c: {  	v31 =	vor.u32 v21, v28  }
0x31d: {  	v51 =	vor.u32 v8, v47;
	_ =	sdelay $0x1  }
0x31e: {  	v30 =	vadd.f32 v30, v29;
	_ =	sdelay $0x1  }
0x31f: {  	[tilespmem:v31+s20+$0x0] =	vst.idx.msk $0xffff, v30  }
0x320: {  	v30 =	vld.idx.msk [tilespmem:v51+s15+$0x0], $0xffff;
	_ =	sdelay $0x1  }
0x321: {  	v31 =	vor.u32 v22, v28  }
0x322: {  	v52 =	vor.u32 v10, v47;
	_ =	sdelay $0x1  }
0x323: {  	v30 =	vadd.f32 v30, v29;
	_ =	sdelay $0x1  }
0x324: {  	[tilespmem:v31+s20+$0x0] =	vst.idx.msk $0xffff, v30  }
0x325: {  	v30 =	vld.idx.msk [tilespmem:v52+s15+$0x0], $0xffff;
	_ =	sdelay $0x1  }
0x326: {  	v31 =	vor.u32 v23, v28  }
0x327: {  	v53 =	vor.u32 v12, v47;
	_ =	sdelay $0x1  }
0x328: {  	v30 =	vadd.f32 v30, v29;
	_ =	sdelay $0x1  }
0x329: {  	[tilespmem:v31+s20+$0x0] =	vst.idx.msk $0xffff, v30  }
0x32a: {  	v30 =	vld.idx.msk [tilespmem:v53+s15+$0x0], $0xffff;
	_ =	sdelay $0x1  }
0x32b: {  	v31 =	vor.u32 v24, v28  }
0x32c: {  	v54 =	vor.u32 v14, v47;
	_ =	sdelay $0x1  }
0x32d: {  	v30 =	vadd.f32 v30, v29;
	_ =	sdelay $0x1  }
0x32e: {  	[tilespmem:v31+s20+$0x0] =	vst.idx.msk $0xffff, v30  }
0x32f: {  	v30 =	vld.idx.msk [tilespmem:v54+s15+$0x0], $0xffff;
	_ =	sdelay $0x1  }
0x330: {  	v31 =	vor.u32 v25, v28  }
0x331: {  	v32 =	vor.u32 v16, v47;
	_ =	sdelay $0x1  }
0x332: {  	v30 =	vadd.f32 v30, v29;
	_ =	sdelay $0x1  }
0x333: {  	[tilespmem:v31+s20+$0x0] =	vst.idx.msk $0xffff, v30  }
0x334: {  	v27 =	vor.u32 $0x20, v27;
	v30 =	vld.idx.msk [tilespmem:v32+s15+$0x0], $0xffff  }
0x335: {  	v55 =	vand.u32 $0x28, v27;
	v31 =	vand.u32 $0x7, v18  }
0x336: {  	v28 =	vor.u32 v26, v28;
	v31 =	vor.u32 v31, v55  }
0x337: {  	v32 =	vor.u32 $0x40, v31  }
0x338: {  	v56 =	vor.u32 v1, v31  }
0x339: {  	v29 =	vadd.f32 v30, v29;
	_ =	sdelay $0x1  }
0x33a: {  	[tilespmem:v28+s20+$0x0] =	vst.idx.msk $0xffff, v29  }
0x33b: {  	v27 =	vshll.u32 v27, $0x7;
	v28 =	vld.idx.msk [tilespmem:v32+s10+$0x0], $0xffff  }
0x33c: {  	v27 =	vand.u32 $0x1400, v27;
	v29 =	vld.idx.msk [tilespmem:v56+s15+$0x0], $0xffff  }
0x33d: {  	v27 =	vor.u32 v3, v27  }
0x33e: {  	v30 =	vor.u32 v19, v27  }
0x33f: {  	v57 =	vor.u32 v4, v31;
	_ =	sdelay $0x1  }
0x340: {  	v29 =	vadd.f32 v29, v28;
	_ =	sdelay $0x1  }
0x341: {  	[tilespmem:v30+s20+$0x0] =	vst.idx.msk $0xffff, v29  }
0x342: {  	v29 =	vld.idx.msk [tilespmem:v57+s15+$0x0], $0xffff;
	_ =	sdelay $0x1  }
0x343: {  	v30 =	vor.u32 v20, v27  }
0x344: {  	v58 =	vor.u32 v6, v31;
	_ =	sdelay $0x1  }
0x345: {  	v29 =	vadd.f32 v29, v28;
	_ =	sdelay $0x1  }
0x346: {  	[tilespmem:v30+s20+$0x0] =	vst.idx.msk $0xffff, v29  }
0x347: {  	v29 =	vld.idx.msk [tilespmem:v58+s15+$0x0], $0xffff;
	_ =	sdelay $0x1  }
0x348: {  	v30 =	vor.u32 v21, v27  }
0x349: {  	v59 =	vor.u32 v8, v31;
	_ =	sdelay $0x1  }
0x34a: {  	v29 =	vadd.f32 v29, v28;
	_ =	sdelay $0x1  }
0x34b: {  	[tilespmem:v30+s20+$0x0] =	vst.idx.msk $0xffff, v29  }
0x34c: {  	v29 =	vld.idx.msk [tilespmem:v59+s15+$0x0], $0xffff;
	_ =	sdelay $0x1  }
0x34d: {  	v30 =	vor.u32 v22, v27  }
0x34e: {  	v60 =	vor.u32 v10, v31;
	_ =	sdelay $0x1  }
0x34f: {  	v29 =	vadd.f32 v29, v28;
	_ =	sdelay $0x1  }
0x350: {  	[tilespmem:v30+s20+$0x0] =	vst.idx.msk $0xffff, v29  }
0x351: {  	v29 =	vld.idx.msk [tilespmem:v60+s15+$0x0], $0xffff;
	_ =	sdelay $0x1  }
0x352: {  	v30 =	vor.u32 v23, v27  }
0x353: {  	v61 =	vor.u32 v12, v31;
	_ =	sdelay $0x1  }
0x354: {  	v29 =	vadd.f32 v29, v28;
	_ =	sdelay $0x1  }
0x355: {  	[tilespmem:v30+s20+$0x0] =	vst.idx.msk $0xffff, v29  }
0x356: {  	v29 =	vld.idx.msk [tilespmem:v61+s15+$0x0], $0xffff;
	_ =	sdelay $0x1  }
0x357: {  	v30 =	vor.u32 v24, v27  }
0x358: {  	v62 =	vor.u32 v14, v31;
	_ =	sdelay $0x1  }
0x359: {  	v29 =	vadd.f32 v29, v28;
	_ =	sdelay $0x1  }
0x35a: {  	[tilespmem:v30+s20+$0x0] =	vst.idx.msk $0xffff, v29  }
0x35b: {  	v29 =	vld.idx.msk [tilespmem:v62+s15+$0x0], $0xffff;
	_ =	sdelay $0x1  }
0x35c: {  	v30 =	vor.u32 v25, v27  }
0x35d: {  	v31 =	vor.u32 v16, v31;
	_ =	sdelay $0x1  }
0x35e: {  	v29 =	vadd.f32 v29, v28;
	_ =	sdelay $0x1  }
0x35f: {  	[tilespmem:v30+s20+$0x0] =	vst.idx.msk $0xffff, v29  }
0x360: {  	v29 =	vld.idx.msk [tilespmem:v31+s15+$0x0], $0xffff  }
0x361: {  	v18 =	vor.u32 $0x30, v18  }
0x362: {  	v27 =	vor.u32 v26, v27;
	v30 =	vand.u32 $0x3F, v18  }
0x363: {  	v31 =	vor.u32 $0x40, v30  }
0x364: {  	v63 =	vor.u32 v1, v30  }
0x365: {  	v28 =	vadd.f32 v29, v28;
	_ =	sdelay $0x1  }
0x366: {  	[tilespmem:v27+s20+$0x0] =	vst.idx.msk $0xffff, v28  }
0x367: {  	v18 =	vshll.u32 v18, $0x7;
	v31 =	vld.idx.msk [tilespmem:v31+s10+$0x0], $0xffff  }
0x368: {  	v18 =	vand.u32 $0x1C00, v18;
	v27 =	vld.idx.msk [tilespmem:v63+s15+$0x0], $0xffff  }
0x369: {  	v18 =	vor.u32 v3, v18  }
0x36a: {  	v19 =	vor.u32 v19, v18  }
0x36b: {  	v28 =	vor.u32 v4, v30;
	_ =	sdelay $0x1  }
0x36c: {  	v27 =	vadd.f32 v27, v31;
	_ =	sdelay $0x1  }
0x36d: {  	[tilespmem:v19+s20+$0x0] =	vst.idx.msk $0xffff, v27  }
0x36e: {  	v19 =	vld.idx.msk [tilespmem:v28+s15+$0x0], $0xffff;
	_ =	sdelay $0x1  }
0x36f: {  	v20 =	vor.u32 v20, v18  }
0x370: {  	v27 =	vor.u32 v6, v30;
	_ =	sdelay $0x1  }
0x371: {  	v19 =	vadd.f32 v19, v31;
	_ =	sdelay $0x1  }
0x372: {  	[tilespmem:v20+s20+$0x0] =	vst.idx.msk $0xffff, v19  }
0x373: {  	v19 =	vld.idx.msk [tilespmem:v27+s15+$0x0], $0xffff;
	_ =	sdelay $0x1  }
0x374: {  	v20 =	vor.u32 v21, v18  }
0x375: {  	v21 =	vor.u32 v8, v30;
	_ =	sdelay $0x1  }
0x376: {  	v19 =	vadd.f32 v19, v31;
	_ =	sdelay $0x1  }
0x377: {  	[tilespmem:v20+s20+$0x0] =	vst.idx.msk $0xffff, v19  }
0x378: {  	v19 =	vld.idx.msk [tilespmem:v21+s15+$0x0], $0xffff;
	_ =	sdelay $0x1  }
0x379: {  	v20 =	vor.u32 v22, v18  }
0x37a: {  	v21 =	vor.u32 v10, v30;
	_ =	sdelay $0x1  }
0x37b: {  	v19 =	vadd.f32 v19, v31;
	_ =	sdelay $0x1  }
0x37c: {  	[tilespmem:v20+s20+$0x0] =	vst.idx.msk $0xffff, v19  }
0x37d: {  	v19 =	vld.idx.msk [tilespmem:v21+s15+$0x0], $0xffff;
	_ =	sdelay $0x1  }
0x37e: {  	v20 =	vor.u32 v23, v18  }
0x37f: {  	v21 =	vor.u32 v12, v30;
	_ =	sdelay $0x1  }
0x380: {  	v19 =	vadd.f32 v19, v31;
	_ =	sdelay $0x1  }
0x381: {  	[tilespmem:v20+s20+$0x0] =	vst.idx.msk $0xffff, v19  }
0x382: {  	v19 =	vld.idx.msk [tilespmem:v21+s15+$0x0], $0xffff;
	_ =	sdelay $0x1  }
0x383: {  	v20 =	vor.u32 v24, v18  }
0x384: {  	v21 =	vor.u32 v14, v30;
	_ =	sdelay $0x1  }
0x385: {  	v19 =	vadd.f32 v19, v31;
	_ =	sdelay $0x1  }
0x386: {  	[tilespmem:v20+s20+$0x0] =	vst.idx.msk $0xffff, v19  }
0x387: {  	v19 =	vld.idx.msk [tilespmem:v21+s15+$0x0], $0xffff;
	_ =	sdelay $0x1  }
0x388: {  	v20 =	vor.u32 v25, v18  }
0x389: {  	v21 =	vor.u32 v16, v30;
	_ =	sdelay $0x1  }
0x38a: {  	v19 =	vadd.f32 v19, v31;
	_ =	sdelay $0x1  }
0x38b: {  	[tilespmem:v20+s20+$0x0] =	vst.idx.msk $0xffff, v19  }
0x38c: {  	s29 =	simm.s32 $0x1;
	v23 =	vld.idx.msk [tilespmem:v21+s15+$0x0], $0xffff  }
0x38d: {  	v22 =	vor.u32 v26, v18;
	v19 =	vadd.s32 s29, v0  }
0x38e: {  	s24 =	simm.s32 $0x2;
	v21 =	vand.u32 $0xF, v19;
	v29 =	vshll.u32 v19, $0x7;
	v30 =	vor.u32 $0x10, v19  }
.LBB2_6:
0x38f: {  	p0 =	sne.s32 s24, $0xF;
	v24 =	vor.u32 $0x40, v21;
	v25 =	vor.u32 v1, v21;
	v20 =	vor.u32 $0x30, v19;
	s25 =	smov.u32 s24;
	s24 =	sadd.s32 $0x1, s24  }
0x390: {  	v18 =	vand.u32 $0x3F, v20;
	v20 =	vshll.u32 v20, $0x7  }
0x391: {  	v23 =	vadd.f32 v23, v31;
	v20 =	vand.u32 $0x1C00, v20;
	_ =	sdelay $0x1  }
0x392: {  	[tilespmem:v22+s20+$0x0] =	vst.idx.msk $0xffff, v23  }
0x393: {  	v31 =	vld.idx.msk [tilespmem:v24+s10+$0x0], $0xffff  }
0x394: {  	v22 =	vand.u32 $0x380, v29;
	v24 =	vand.u32 $0x400, v29;
	v23 =	vld.idx.msk [tilespmem:v25+s15+$0x0], $0xffff  }
0x395: {  	v22 =	vor.u32 v2, v22;
	v32 =	vor.u32 v3, v24  }
0x396: {  	v24 =	vor.u32 v22, v32  }
0x397: {  	v25 =	vor.u32 v4, v21;
	_ =	sdelay $0x2  }
0x398: {  	v23 =	vadd.f32 v23, v31;
	_ =	sdelay $0x1  }
0x399: {  	[tilespmem:v24+s20+$0x0] =	vst.idx.msk $0xffff, v23  }
0x39a: {  	v23 =	vor.u32 v5, v29;
	v24 =	vld.idx.msk [tilespmem:v25+s15+$0x0], $0xffff  }
0x39b: {  	v23 =	vand.u32 $0x398, v23  }
0x39c: {  	v25 =	vor.u32 v23, v32  }
0x39d: {  	v26 =	vor.u32 v6, v21;
	_ =	sdelay $0x2  }
0x39e: {  	v24 =	vadd.f32 v24, v31;
	_ =	sdelay $0x1  }
0x39f: {  	[tilespmem:v25+s20+$0x0] =	vst.idx.msk $0xffff, v24  }
0x3a0: {  	v24 =	vor.u32 v7, v29;
	v25 =	vld.idx.msk [tilespmem:v26+s15+$0x0], $0xffff  }
0x3a1: {  	v24 =	vand.u32 $0x3A8, v24  }
0x3a2: {  	v26 =	vor.u32 v24, v32  }
0x3a3: {  	v27 =	vor.u32 v8, v21;
	_ =	sdelay $0x2  }
0x3a4: {  	v25 =	vadd.f32 v25, v31;
	_ =	sdelay $0x1  }
0x3a5: {  	[tilespmem:v26+s20+$0x0] =	vst.idx.msk $0xffff, v25  }
0x3a6: {  	v25 =	vor.u32 v9, v29;
	v26 =	vld.idx.msk [tilespmem:v27+s15+$0x0], $0xffff  }
0x3a7: {  	v25 =	vand.u32 $0x3B8, v25  }
0x3a8: {  	v27 =	vor.u32 v25, v32  }
0x3a9: {  	v28 =	vor.u32 v10, v21;
	_ =	sdelay $0x2  }
0x3aa: {  	v26 =	vadd.f32 v26, v31;
	_ =	sdelay $0x1  }
0x3ab: {  	[tilespmem:v27+s20+$0x0] =	vst.idx.msk $0xffff, v26  }
0x3ac: {  	v26 =	vor.u32 v11, v29;
	v27 =	vld.idx.msk [tilespmem:v28+s15+$0x0], $0xffff  }
0x3ad: {  	v26 =	vand.u32 $0x3C8, v26  }
0x3ae: {  	v28 =	vor.u32 v26, v32  }
0x3af: {  	v33 =	vor.u32 v12, v21;
	_ =	sdelay $0x2  }
0x3b0: {  	v27 =	vadd.f32 v27, v31;
	_ =	sdelay $0x1  }
0x3b1: {  	[tilespmem:v28+s20+$0x0] =	vst.idx.msk $0xffff, v27  }
0x3b2: {  	v27 =	vor.u32 v13, v29;
	v28 =	vld.idx.msk [tilespmem:v33+s15+$0x0], $0xffff  }
0x3b3: {  	v27 =	vand.u32 $0x3D8, v27  }
0x3b4: {  	v33 =	vor.u32 v27, v32  }
0x3b5: {  	v34 =	vor.u32 v14, v21;
	_ =	sdelay $0x2  }
0x3b6: {  	v28 =	vadd.f32 v28, v31;
	_ =	sdelay $0x1  }
0x3b7: {  	[tilespmem:v33+s20+$0x0] =	vst.idx.msk $0xffff, v28  }
0x3b8: {  	v28 =	vor.u32 v15, v29;
	v33 =	vld.idx.msk [tilespmem:v34+s15+$0x0], $0xffff  }
0x3b9: {  	v28 =	vand.u32 $0x3E8, v28  }
0x3ba: {  	v34 =	vor.u32 v28, v32  }
0x3bb: {  	v35 =	vor.u32 v16, v21;
	_ =	sdelay $0x2  }
0x3bc: {  	v33 =	vadd.f32 v33, v31;
	_ =	sdelay $0x1  }
0x3bd: {  	[tilespmem:v34+s20+$0x0] =	vst.idx.msk $0xffff, v33  }
0x3be: {  	v29 =	vor.u32 v17, v29;
	v33 =	vld.idx.msk [tilespmem:v35+s15+$0x0], $0xffff  }
0x3bf: {  	v29 =	vand.u32 $0x3F8, v29  }
0x3c0: {  	v32 =	vor.u32 v29, v32  }
0x3c1: {  	v34 =	vand.u32 $0x1F, v30  }
0x3c2: {  	v35 =	vor.u32 $0x40, v34;
	v36 =	vor.u32 v1, v34;
	_ =	sdelay $0x1  }
0x3c3: {  	v31 =	vadd.f32 v33, v31;
	_ =	sdelay $0x1  }
0x3c4: {  	v30 =	vshll.u32 v30, $0x7;
	[tilespmem:v32+s20+$0x0] =	vst.idx.msk $0xffff, v31  }
0x3c5: {  	v30 =	vand.u32 $0xC00, v30;
	v31 =	vld.idx.msk [tilespmem:v35+s10+$0x0], $0xffff  }
0x3c6: {  	v30 =	vor.u32 v3, v30;
	v32 =	vld.idx.msk [tilespmem:v36+s15+$0x0], $0xffff  }
0x3c7: {  	v33 =	vor.u32 v22, v30  }
0x3c8: {  	v35 =	vor.u32 v4, v34;
	_ =	sdelay $0x3  }
0x3c9: {  	v32 =	vadd.f32 v32, v31;
	_ =	sdelay $0x1  }
0x3ca: {  	[tilespmem:v33+s20+$0x0] =	vst.idx.msk $0xffff, v32  }
0x3cb: {  	v32 =	vld.idx.msk [tilespmem:v35+s15+$0x0], $0xffff  }
0x3cc: {  	v33 =	vor.u32 v23, v30  }
0x3cd: {  	v35 =	vor.u32 v6, v34;
	_ =	sdelay $0x3  }
0x3ce: {  	v32 =	vadd.f32 v32, v31;
	_ =	sdelay $0x1  }
0x3cf: {  	[tilespmem:v33+s20+$0x0] =	vst.idx.msk $0xffff, v32  }
0x3d0: {  	v32 =	vld.idx.msk [tilespmem:v35+s15+$0x0], $0xffff  }
0x3d1: {  	v33 =	vor.u32 v24, v30  }
0x3d2: {  	v35 =	vor.u32 v8, v34;
	_ =	sdelay $0x3  }
0x3d3: {  	v32 =	vadd.f32 v32, v31;
	_ =	sdelay $0x1  }
0x3d4: {  	[tilespmem:v33+s20+$0x0] =	vst.idx.msk $0xffff, v32  }
0x3d5: {  	v32 =	vld.idx.msk [tilespmem:v35+s15+$0x0], $0xffff  }
0x3d6: {  	v33 =	vor.u32 v25, v30  }
0x3d7: {  	v35 =	vor.u32 v10, v34;
	_ =	sdelay $0x3  }
0x3d8: {  	v32 =	vadd.f32 v32, v31;
	_ =	sdelay $0x1  }
0x3d9: {  	[tilespmem:v33+s20+$0x0] =	vst.idx.msk $0xffff, v32  }
0x3da: {  	v32 =	vld.idx.msk [tilespmem:v35+s15+$0x0], $0xffff  }
0x3db: {  	v33 =	vor.u32 v26, v30  }
0x3dc: {  	v35 =	vor.u32 v12, v34;
	_ =	sdelay $0x3  }
0x3dd: {  	v32 =	vadd.f32 v32, v31;
	_ =	sdelay $0x1  }
0x3de: {  	[tilespmem:v33+s20+$0x0] =	vst.idx.msk $0xffff, v32  }
0x3df: {  	v32 =	vld.idx.msk [tilespmem:v35+s15+$0x0], $0xffff  }
0x3e0: {  	v33 =	vor.u32 v27, v30  }
0x3e1: {  	v35 =	vor.u32 v14, v34;
	_ =	sdelay $0x3  }
0x3e2: {  	v32 =	vadd.f32 v32, v31;
	_ =	sdelay $0x1  }
0x3e3: {  	[tilespmem:v33+s20+$0x0] =	vst.idx.msk $0xffff, v32  }
0x3e4: {  	v32 =	vld.idx.msk [tilespmem:v35+s15+$0x0], $0xffff  }
0x3e5: {  	v33 =	vor.u32 v28, v30  }
0x3e6: {  	v34 =	vor.u32 v16, v34;
	_ =	sdelay $0x3  }
0x3e7: {  	v32 =	vadd.f32 v32, v31;
	_ =	sdelay $0x1  }
0x3e8: {  	[tilespmem:v33+s20+$0x0] =	vst.idx.msk $0xffff, v32  }
0x3e9: {  	v32 =	vld.idx.msk [tilespmem:v34+s15+$0x0], $0xffff  }
0x3ea: {  	v21 =	vor.u32 $0x20, v21;
	v30 =	vor.u32 v29, v30  }
0x3eb: {  	v19 =	vand.u32 $0x7, v19;
	v33 =	vand.u32 $0x28, v21;
	v21 =	vshll.u32 v21, $0x7  }
0x3ec: {  	v19 =	vor.u32 v19, v33;
	v21 =	vand.u32 $0x1400, v21  }
0x3ed: {  	v33 =	vor.u32 $0x40, v19;
	v34 =	vor.u32 v1, v19;
	v21 =	vor.u32 v3, v21  }
0x3ee: {  	v35 =	vor.u32 v22, v21;
	v36 =	vor.u32 v23, v21;
	v37 =	vor.u32 v24, v21  }
0x3ef: {  	v38 =	vor.u32 v26, v21;
	v31 =	vadd.f32 v32, v31;
	v32 =	vor.u32 v25, v21  }
0x3f0: {  	v39 =	vor.u32 v27, v21;
	v40 =	vor.u32 v28, v21;
	v21 =	vor.u32 v29, v21  }
0x3f1: {  	[tilespmem:v30+s20+$0x0] =	vst.idx.msk $0xffff, v31  }
0x3f2: {  	v30 =	vld.idx.msk [tilespmem:v33+s10+$0x0], $0xffff  }
0x3f3: {  	v31 =	vld.idx.msk [tilespmem:v34+s15+$0x0], $0xffff  }
0x3f4: {  	v33 =	vor.u32 v4, v19;
	_ =	sdelay $0x4  }
0x3f5: {  	v31 =	vadd.f32 v31, v30;
	_ =	sdelay $0x1  }
0x3f6: {  	[tilespmem:v35+s20+$0x0] =	vst.idx.msk $0xffff, v31  }
0x3f7: {  	v31 =	vld.idx.msk [tilespmem:v33+s15+$0x0], $0xffff  }
0x3f8: {  	v33 =	vor.u32 v6, v19;
	_ =	sdelay $0x4  }
0x3f9: {  	v31 =	vadd.f32 v31, v30;
	_ =	sdelay $0x1  }
0x3fa: {  	[tilespmem:v36+s20+$0x0] =	vst.idx.msk $0xffff, v31  }
0x3fb: {  	v31 =	vld.idx.msk [tilespmem:v33+s15+$0x0], $0xffff  }
0x3fc: {  	v33 =	vor.u32 v8, v19;
	_ =	sdelay $0x4  }
0x3fd: {  	v31 =	vadd.f32 v31, v30;
	_ =	sdelay $0x1  }
0x3fe: {  	[tilespmem:v37+s20+$0x0] =	vst.idx.msk $0xffff, v31  }
0x3ff: {  	v31 =	vld.idx.msk [tilespmem:v33+s15+$0x0], $0xffff  }
0x400: {  	v33 =	vor.u32 v10, v19;
	_ =	sdelay $0x4  }
0x401: {  	v31 =	vadd.f32 v31, v30;
	_ =	sdelay $0x1  }
0x402: {  	[tilespmem:v32+s20+$0x0] =	vst.idx.msk $0xffff, v31  }
0x403: {  	v31 =	vld.idx.msk [tilespmem:v33+s15+$0x0], $0xffff  }
0x404: {  	v32 =	vor.u32 v12, v19;
	_ =	sdelay $0x4  }
0x405: {  	v31 =	vadd.f32 v31, v30;
	_ =	sdelay $0x1  }
0x406: {  	[tilespmem:v38+s20+$0x0] =	vst.idx.msk $0xffff, v31  }
0x407: {  	v31 =	vld.idx.msk [tilespmem:v32+s15+$0x0], $0xffff  }
0x408: {  	v32 =	vor.u32 v14, v19;
	_ =	sdelay $0x4  }
0x409: {  	v31 =	vadd.f32 v31, v30;
	_ =	sdelay $0x1  }
0x40a: {  	[tilespmem:v39+s20+$0x0] =	vst.idx.msk $0xffff, v31  }
0x40b: {  	v31 =	vld.idx.msk [tilespmem:v32+s15+$0x0], $0xffff  }
0x40c: {  	v19 =	vor.u32 v16, v19;
	_ =	sdelay $0x4  }
0x40d: {  	v31 =	vadd.f32 v31, v30;
	_ =	sdelay $0x1  }
0x40e: {  	[tilespmem:v40+s20+$0x0] =	vst.idx.msk $0xffff, v31  }
0x40f: {  	v19 =	vld.idx.msk [tilespmem:v19+s15+$0x0], $0xffff;
	_ =	sdelay $0x3  }
0x410: {  	v32 =	vor.u32 v1, v18;
	v31 =	vor.u32 $0x40, v18;
	_ =	sdelay $0x1  }
0x411: {  	v19 =	vadd.f32 v19, v30;
	_ =	sdelay $0x1  }
0x412: {  	[tilespmem:v21+s20+$0x0] =	vst.idx.msk $0xffff, v19;
	v19 =	vor.u32 v3, v20  }
0x413: {  	v31 =	vld.idx.msk [tilespmem:v31+s10+$0x0], $0xffff;
	v20 =	vor.u32 v22, v19  }
0x414: {  	v22 =	vor.u32 v4, v18;
	v21 =	vld.idx.msk [tilespmem:v32+s15+$0x0], $0xffff;
	_ =	sdelay $0x5  }
0x415: {  	v21 =	vadd.f32 v21, v31;
	_ =	sdelay $0x1  }
0x416: {  	[tilespmem:v20+s20+$0x0] =	vst.idx.msk $0xffff, v21;
	v20 =	vor.u32 v23, v19  }
0x417: {  	v21 =	vld.idx.msk [tilespmem:v22+s15+$0x0], $0xffff;
	v22 =	vor.u32 v6, v18;
	_ =	sdelay $0x5  }
0x418: {  	v21 =	vadd.f32 v21, v31;
	_ =	sdelay $0x1  }
0x419: {  	[tilespmem:v20+s20+$0x0] =	vst.idx.msk $0xffff, v21;
	v20 =	vor.u32 v24, v19  }
0x41a: {  	v21 =	vld.idx.msk [tilespmem:v22+s15+$0x0], $0xffff;
	v22 =	vor.u32 v8, v18;
	_ =	sdelay $0x5  }
0x41b: {  	v21 =	vadd.f32 v21, v31;
	_ =	sdelay $0x1  }
0x41c: {  	[tilespmem:v20+s20+$0x0] =	vst.idx.msk $0xffff, v21;
	v20 =	vor.u32 v25, v19  }
0x41d: {  	v21 =	vld.idx.msk [tilespmem:v22+s15+$0x0], $0xffff;
	v22 =	vor.u32 v10, v18;
	_ =	sdelay $0x5  }
0x41e: {  	v21 =	vadd.f32 v21, v31;
	_ =	sdelay $0x1  }
0x41f: {  	[tilespmem:v20+s20+$0x0] =	vst.idx.msk $0xffff, v21;
	v20 =	vor.u32 v26, v19  }
0x420: {  	v21 =	vld.idx.msk [tilespmem:v22+s15+$0x0], $0xffff;
	v22 =	vor.u32 v12, v18;
	_ =	sdelay $0x5  }
0x421: {  	v21 =	vadd.f32 v21, v31;
	_ =	sdelay $0x1  }
0x422: {  	[tilespmem:v20+s20+$0x0] =	vst.idx.msk $0xffff, v21;
	v20 =	vor.u32 v27, v19  }
0x423: {  	v21 =	vld.idx.msk [tilespmem:v22+s15+$0x0], $0xffff;
	v22 =	vor.u32 v14, v18;
	_ =	sdelay $0x5  }
0x424: {  	v21 =	vadd.f32 v21, v31;
	_ =	sdelay $0x1  }
0x425: {  	[tilespmem:v20+s20+$0x0] =	vst.idx.msk $0xffff, v21;
	v20 =	vor.u32 v28, v19  }
0x426: {  	v18 =	vor.u32 v16, v18;
	v21 =	vld.idx.msk [tilespmem:v22+s15+$0x0], $0xffff;
	_ =	sdelay $0x5  }
0x427: {  	v21 =	vadd.f32 v21, v31;
	_ =	sdelay $0x1  }
.Ltmp2:
0x428: {  	v22 =	vor.u32 v29, v19;
	[tilespmem:v20+s20+$0x0] =	vst.idx.msk $0xffff, v21;
	(pc) =	sbr.rel @p0 .LBB2_6-.Ltmp2, $3  }
0x429: {  	v23 =	vld.idx.msk [tilespmem:v18+s15+$0x0], $0xffff;
	_ =	sdelay $0x1  }
0x42a: {  	v19 =	vadd.s32 s25, v0  }
0x42b: {  	v29 =	vshll.u32 v19, $0x7;
	v30 =	vor.u32 $0x10, v19;
	v21 =	vand.u32 $0xF, v19  }
0x42c: {  	v18 =	vor.u32 $0x40, v21  }
0x42d: {  	v20 =	vor.u32 v1, v21  }
0x42e: {  	v23 =	vadd.f32 v23, v31;
	_ =	sdelay $0x1  }
0x42f: {  	[tilespmem:v22+s20+$0x0] =	vst.idx.msk $0xffff, v23  }
0x430: {  	v28 =	vld.idx.msk [tilespmem:v18+s10+$0x0], $0xffff  }
0x431: {  	v59 =	vand.u32 $0x400, v29;
	v18 =	vand.u32 $0x380, v29;
	v20 =	vld.idx.msk [tilespmem:v20+s15+$0x0], $0xffff  }
0x432: {  	v60 =	vor.u32 v3, v59;
	v18 =	vor.u32 v2, v18  }
0x433: {  	v22 =	vor.u32 v18, v60  }
0x434: {  	v61 =	vor.u32 v4, v21;
	_ =	sdelay $0x1  }
0x435: {  	v20 =	vadd.f32 v20, v28;
	_ =	sdelay $0x1  }
0x436: {  	[tilespmem:v22+s20+$0x0] =	vst.idx.msk $0xffff, v20  }
0x437: {  	v62 =	vor.u32 v5, v29;
	v22 =	vld.idx.msk [tilespmem:v61+s15+$0x0], $0xffff  }
0x438: {  	v20 =	vand.u32 $0x398, v62  }
0x439: {  	v63 =	vor.u32 v20, v60  }
0x43a: {  	v24 =	vor.u32 v6, v21;
	_ =	sdelay $0x1  }
0x43b: {  	v22 =	vadd.f32 v22, v28;
	_ =	sdelay $0x1  }
0x43c: {  	[tilespmem:v63+s20+$0x0] =	vst.idx.msk $0xffff, v22  }
0x43d: {  	v27 =	vor.u32 v7, v29;
	v23 =	vld.idx.msk [tilespmem:v24+s15+$0x0], $0xffff  }
0x43e: {  	v22 =	vand.u32 $0x3A8, v27  }
0x43f: {  	v32 =	vor.u32 v22, v60  }
0x440: {  	v25 =	vor.u32 v8, v21;
	_ =	sdelay $0x1  }
0x441: {  	v23 =	vadd.f32 v23, v28;
	_ =	sdelay $0x1  }
0x442: {  	[tilespmem:v32+s20+$0x0] =	vst.idx.msk $0xffff, v23  }
0x443: {  	v33 =	vor.u32 v9, v29;
	v24 =	vld.idx.msk [tilespmem:v25+s15+$0x0], $0xffff  }
0x444: {  	v23 =	vand.u32 $0x3B8, v33  }
0x445: {  	v34 =	vor.u32 v23, v60  }
0x446: {  	v26 =	vor.u32 v10, v21;
	_ =	sdelay $0x1  }
0x447: {  	v24 =	vadd.f32 v24, v28;
	_ =	sdelay $0x1  }
0x448: {  	[tilespmem:v34+s20+$0x0] =	vst.idx.msk $0xffff, v24  }
0x449: {  	v35 =	vor.u32 v11, v29;
	v25 =	vld.idx.msk [tilespmem:v26+s15+$0x0], $0xffff  }
0x44a: {  	v24 =	vand.u32 $0x3C8, v35  }
0x44b: {  	v36 =	vor.u32 v24, v60  }
0x44c: {  	v27 =	vor.u32 v12, v21;
	_ =	sdelay $0x1  }
0x44d: {  	v25 =	vadd.f32 v25, v28;
	_ =	sdelay $0x1  }
0x44e: {  	[tilespmem:v36+s20+$0x0] =	vst.idx.msk $0xffff, v25  }
0x44f: {  	v37 =	vor.u32 v13, v29;
	v26 =	vld.idx.msk [tilespmem:v27+s15+$0x0], $0xffff  }
0x450: {  	v25 =	vand.u32 $0x3D8, v37  }
0x451: {  	v38 =	vor.u32 v25, v60  }
0x452: {  	v32 =	vor.u32 v14, v21;
	_ =	sdelay $0x1  }
0x453: {  	v26 =	vadd.f32 v26, v28;
	_ =	sdelay $0x1  }
0x454: {  	[tilespmem:v38+s20+$0x0] =	vst.idx.msk $0xffff, v26  }
0x455: {  	v39 =	vor.u32 v15, v29;
	v27 =	vld.idx.msk [tilespmem:v32+s15+$0x0], $0xffff  }
0x456: {  	v26 =	vand.u32 $0x3E8, v39  }
0x457: {  	v40 =	vor.u32 v26, v60  }
0x458: {  	v33 =	vor.u32 v16, v21;
	_ =	sdelay $0x1  }
0x459: {  	v27 =	vadd.f32 v27, v28;
	_ =	sdelay $0x1  }
0x45a: {  	[tilespmem:v40+s20+$0x0] =	vst.idx.msk $0xffff, v27  }
0x45b: {  	v41 =	vor.u32 v17, v29;
	v32 =	vld.idx.msk [tilespmem:v33+s15+$0x0], $0xffff  }
0x45c: {  	v27 =	vand.u32 $0x3F8, v41  }
0x45d: {  	v43 =	vand.u32 $0x1F, v30;
	v42 =	vor.u32 v27, v60  }
0x45e: {  	v44 =	vor.u32 $0x40, v43  }
0x45f: {  	v34 =	vor.u32 v1, v43  }
0x460: {  	v28 =	vadd.f32 v32, v28;
	_ =	sdelay $0x1  }
0x461: {  	[tilespmem:v42+s20+$0x0] =	vst.idx.msk $0xffff, v28  }
0x462: {  	v45 =	vshll.u32 v30, $0x7;
	v29 =	vld.idx.msk [tilespmem:v44+s10+$0x0], $0xffff  }
0x463: {  	v28 =	vand.u32 $0xC00, v45;
	v46 =	vld.idx.msk [tilespmem:v34+s15+$0x0], $0xffff  }
0x464: {  	v28 =	vor.u32 v3, v28  }
0x465: {  	v47 =	vor.u32 v18, v28  }
0x466: {  	v48 =	vor.u32 v4, v43;
	_ =	sdelay $0x1  }
0x467: {  	v30 =	vadd.f32 v46, v29;
	_ =	sdelay $0x1  }
0x468: {  	[tilespmem:v47+s20+$0x0] =	vst.idx.msk $0xffff, v30  }
0x469: {  	v30 =	vld.idx.msk [tilespmem:v48+s15+$0x0], $0xffff;
	_ =	sdelay $0x1  }
0x46a: {  	v49 =	vor.u32 v20, v28  }
0x46b: {  	v50 =	vor.u32 v6, v43;
	_ =	sdelay $0x1  }
0x46c: {  	v30 =	vadd.f32 v30, v29;
	_ =	sdelay $0x1  }
0x46d: {  	[tilespmem:v49+s20+$0x0] =	vst.idx.msk $0xffff, v30  }
0x46e: {  	v30 =	vld.idx.msk [tilespmem:v50+s15+$0x0], $0xffff;
	_ =	sdelay $0x1  }
0x46f: {  	v51 =	vor.u32 v22, v28  }
0x470: {  	v52 =	vor.u32 v8, v43;
	_ =	sdelay $0x1  }
0x471: {  	v30 =	vadd.f32 v30, v29;
	_ =	sdelay $0x1  }
0x472: {  	[tilespmem:v51+s20+$0x0] =	vst.idx.msk $0xffff, v30  }
0x473: {  	v30 =	vld.idx.msk [tilespmem:v52+s15+$0x0], $0xffff;
	_ =	sdelay $0x1  }
0x474: {  	v53 =	vor.u32 v23, v28  }
0x475: {  	v54 =	vor.u32 v10, v43;
	_ =	sdelay $0x1  }
0x476: {  	v30 =	vadd.f32 v30, v29;
	_ =	sdelay $0x1  }
0x477: {  	[tilespmem:v53+s20+$0x0] =	vst.idx.msk $0xffff, v30  }
0x478: {  	v30 =	vld.idx.msk [tilespmem:v54+s15+$0x0], $0xffff;
	_ =	sdelay $0x1  }
0x479: {  	v55 =	vor.u32 v24, v28  }
0x47a: {  	v56 =	vor.u32 v12, v43;
	_ =	sdelay $0x1  }
0x47b: {  	v30 =	vadd.f32 v30, v29;
	_ =	sdelay $0x1  }
0x47c: {  	[tilespmem:v55+s20+$0x0] =	vst.idx.msk $0xffff, v30  }
0x47d: {  	v30 =	vld.idx.msk [tilespmem:v56+s15+$0x0], $0xffff;
	_ =	sdelay $0x1  }
0x47e: {  	v57 =	vor.u32 v25, v28  }
0x47f: {  	v58 =	vor.u32 v14, v43;
	_ =	sdelay $0x1  }
0x480: {  	v30 =	vadd.f32 v30, v29;
	_ =	sdelay $0x1  }
0x481: {  	[tilespmem:v57+s20+$0x0] =	vst.idx.msk $0xffff, v30  }
0x482: {  	v30 =	vld.idx.msk [tilespmem:v58+s15+$0x0], $0xffff;
	_ =	sdelay $0x1  }
0x483: {  	v59 =	vor.u32 v26, v28  }
0x484: {  	v31 =	vor.u32 v16, v43;
	_ =	sdelay $0x1  }
0x485: {  	v30 =	vadd.f32 v30, v29;
	_ =	sdelay $0x1  }
0x486: {  	[tilespmem:v59+s20+$0x0] =	vst.idx.msk $0xffff, v30  }
0x487: {  	v60 =	vor.u32 $0x20, v21;
	v30 =	vld.idx.msk [tilespmem:v31+s15+$0x0], $0xffff  }
0x488: {  	v61 =	vand.u32 $0x7, v19;
	v62 =	vand.u32 $0x28, v60  }
0x489: {  	v28 =	vor.u32 v27, v28;
	v31 =	vor.u32 v61, v62  }
0x48a: {  	v32 =	vor.u32 $0x40, v31  }
0x48b: {  	v63 =	vor.u32 v1, v31  }
0x48c: {  	v29 =	vadd.f32 v30, v29;
	_ =	sdelay $0x1  }
0x48d: {  	[tilespmem:v28+s20+$0x0] =	vst.idx.msk $0xffff, v29  }
0x48e: {  	v21 =	vshll.u32 v60, $0x7;
	v28 =	vld.idx.msk [tilespmem:v32+s10+$0x0], $0xffff  }
0x48f: {  	v21 =	vand.u32 $0x1400, v21;
	v29 =	vld.idx.msk [tilespmem:v63+s15+$0x0], $0xffff  }
0x490: {  	v21 =	vor.u32 v3, v21  }
0x491: {  	v36 =	vor.u32 v18, v21  }
0x492: {  	v37 =	vor.u32 v4, v31;
	_ =	sdelay $0x1  }
0x493: {  	v29 =	vadd.f32 v29, v28;
	_ =	sdelay $0x1  }
0x494: {  	[tilespmem:v36+s20+$0x0] =	vst.idx.msk $0xffff, v29  }
0x495: {  	v29 =	vld.idx.msk [tilespmem:v37+s15+$0x0], $0xffff;
	_ =	sdelay $0x1  }
0x496: {  	v38 =	vor.u32 v20, v21  }
0x497: {  	v39 =	vor.u32 v6, v31;
	_ =	sdelay $0x1  }
0x498: {  	v29 =	vadd.f32 v29, v28;
	_ =	sdelay $0x1  }
0x499: {  	[tilespmem:v38+s20+$0x0] =	vst.idx.msk $0xffff, v29  }
0x49a: {  	v29 =	vld.idx.msk [tilespmem:v39+s15+$0x0], $0xffff;
	_ =	sdelay $0x1  }
0x49b: {  	v40 =	vor.u32 v22, v21  }
0x49c: {  	v41 =	vor.u32 v8, v31;
	_ =	sdelay $0x1  }
0x49d: {  	v29 =	vadd.f32 v29, v28;
	_ =	sdelay $0x1  }
0x49e: {  	[tilespmem:v40+s20+$0x0] =	vst.idx.msk $0xffff, v29  }
0x49f: {  	v29 =	vld.idx.msk [tilespmem:v41+s15+$0x0], $0xffff;
	_ =	sdelay $0x1  }
0x4a0: {  	v42 =	vor.u32 v23, v21  }
0x4a1: {  	v43 =	vor.u32 v10, v31;
	_ =	sdelay $0x1  }
0x4a2: {  	v29 =	vadd.f32 v29, v28;
	_ =	sdelay $0x1  }
0x4a3: {  	[tilespmem:v42+s20+$0x0] =	vst.idx.msk $0xffff, v29  }
0x4a4: {  	v29 =	vld.idx.msk [tilespmem:v43+s15+$0x0], $0xffff;
	_ =	sdelay $0x1  }
0x4a5: {  	v44 =	vor.u32 v24, v21  }
0x4a6: {  	v45 =	vor.u32 v12, v31;
	_ =	sdelay $0x1  }
0x4a7: {  	v29 =	vadd.f32 v29, v28;
	_ =	sdelay $0x1  }
0x4a8: {  	[tilespmem:v44+s20+$0x0] =	vst.idx.msk $0xffff, v29  }
0x4a9: {  	v29 =	vld.idx.msk [tilespmem:v45+s15+$0x0], $0xffff;
	_ =	sdelay $0x1  }
0x4aa: {  	v46 =	vor.u32 v25, v21  }
0x4ab: {  	v47 =	vor.u32 v14, v31;
	_ =	sdelay $0x1  }
0x4ac: {  	v29 =	vadd.f32 v29, v28;
	_ =	sdelay $0x1  }
0x4ad: {  	[tilespmem:v46+s20+$0x0] =	vst.idx.msk $0xffff, v29  }
0x4ae: {  	v29 =	vld.idx.msk [tilespmem:v47+s15+$0x0], $0xffff;
	_ =	sdelay $0x1  }
0x4af: {  	v48 =	vor.u32 v26, v21  }
0x4b0: {  	v31 =	vor.u32 v16, v31;
	_ =	sdelay $0x1  }
0x4b1: {  	v29 =	vadd.f32 v29, v28;
	_ =	sdelay $0x1  }
0x4b2: {  	[tilespmem:v48+s20+$0x0] =	vst.idx.msk $0xffff, v29  }
0x4b3: {  	v29 =	vld.idx.msk [tilespmem:v31+s15+$0x0], $0xffff  }
0x4b4: {  	v19 =	vor.u32 $0x30, v19  }
0x4b5: {  	v21 =	vor.u32 v27, v21;
	v49 =	vand.u32 $0x3F, v19  }
0x4b6: {  	v50 =	vor.u32 $0x40, v49  }
0x4b7: {  	v51 =	vor.u32 v1, v49  }
0x4b8: {  	v28 =	vadd.f32 v29, v28;
	_ =	sdelay $0x1  }
0x4b9: {  	[tilespmem:v21+s20+$0x0] =	vst.idx.msk $0xffff, v28  }
0x4ba: {  	v19 =	vshll.u32 v19, $0x7;
	v21 =	vld.idx.msk [tilespmem:v50+s10+$0x0], $0xffff  }
0x4bb: {  	v19 =	vand.u32 $0x1C00, v19;
	v28 =	vld.idx.msk [tilespmem:v51+s15+$0x0], $0xffff  }
0x4bc: {  	v19 =	vor.u32 v3, v19  }
0x4bd: {  	v18 =	vor.u32 v18, v19  }
0x4be: {  	v52 =	vor.u32 v4, v49;
	_ =	sdelay $0x1  }
0x4bf: {  	v28 =	vadd.f32 v28, v21;
	_ =	sdelay $0x1  }
0x4c0: {  	[tilespmem:v18+s20+$0x0] =	vst.idx.msk $0xffff, v28  }
0x4c1: {  	v18 =	vld.idx.msk [tilespmem:v52+s15+$0x0], $0xffff;
	_ =	sdelay $0x1  }
0x4c2: {  	v20 =	vor.u32 v20, v19  }
0x4c3: {  	v53 =	vor.u32 v6, v49;
	_ =	sdelay $0x1  }
0x4c4: {  	v18 =	vadd.f32 v18, v21;
	_ =	sdelay $0x1  }
0x4c5: {  	[tilespmem:v20+s20+$0x0] =	vst.idx.msk $0xffff, v18  }
0x4c6: {  	v18 =	vld.idx.msk [tilespmem:v53+s15+$0x0], $0xffff;
	_ =	sdelay $0x1  }
0x4c7: {  	v54 =	vor.u32 v22, v19  }
0x4c8: {  	v55 =	vor.u32 v8, v49;
	_ =	sdelay $0x1  }
0x4c9: {  	v18 =	vadd.f32 v18, v21;
	_ =	sdelay $0x1  }
0x4ca: {  	[tilespmem:v54+s20+$0x0] =	vst.idx.msk $0xffff, v18  }
0x4cb: {  	v18 =	vld.idx.msk [tilespmem:v55+s15+$0x0], $0xffff;
	_ =	sdelay $0x1  }
0x4cc: {  	v56 =	vor.u32 v23, v19  }
0x4cd: {  	v57 =	vor.u32 v10, v49;
	_ =	sdelay $0x1  }
0x4ce: {  	v18 =	vadd.f32 v18, v21;
	_ =	sdelay $0x1  }
0x4cf: {  	[tilespmem:v56+s20+$0x0] =	vst.idx.msk $0xffff, v18  }
0x4d0: {  	v18 =	vld.idx.msk [tilespmem:v57+s15+$0x0], $0xffff;
	_ =	sdelay $0x1  }
0x4d1: {  	v58 =	vor.u32 v24, v19  }
0x4d2: {  	v59 =	vor.u32 v12, v49;
	_ =	sdelay $0x1  }
0x4d3: {  	v18 =	vadd.f32 v18, v21;
	_ =	sdelay $0x1  }
0x4d4: {  	[tilespmem:v58+s20+$0x0] =	vst.idx.msk $0xffff, v18  }
0x4d5: {  	v18 =	vld.idx.msk [tilespmem:v59+s15+$0x0], $0xffff;
	_ =	sdelay $0x1  }
0x4d6: {  	v60 =	vor.u32 v25, v19  }
0x4d7: {  	v61 =	vor.u32 v14, v49;
	_ =	sdelay $0x1  }
0x4d8: {  	v18 =	vadd.f32 v18, v21;
	_ =	sdelay $0x1  }
0x4d9: {  	[tilespmem:v60+s20+$0x0] =	vst.idx.msk $0xffff, v18  }
0x4da: {  	v18 =	vld.idx.msk [tilespmem:v61+s15+$0x0], $0xffff;
	_ =	sdelay $0x1  }
0x4db: {  	v62 =	vor.u32 v26, v19  }
0x4dc: {  	v63 =	vor.u32 v16, v49;
	_ =	sdelay $0x1  }
0x4dd: {  	v18 =	vadd.f32 v18, v21;
	_ =	sdelay $0x1  }
0x4de: {  	[tilespmem:v62+s20+$0x0] =	vst.idx.msk $0xffff, v18  }
0x4df: {  	v18 =	vld.idx.msk [tilespmem:v63+s15+$0x0], $0xffff;
	_ =	sdelay $0x1  }
0x4e0: {  	v19 =	vor.u32 v27, v19;
	_ =	sdelay $0x2  }
0x4e1: {  	v18 =	vadd.f32 v18, v21;
	_ =	sdelay $0x1  }
0x4e2: {  	s24 =	rddreg [dreg:$0x15];
	[tilespmem:v19+s20+$0x0] =	vst.idx.msk $0xffff, v18  }
0x4e3: {  	[hbm4b:s24+s9] =	stream.strided.scatter [tilespmem:s20], [sflag:$0x5], $0x2000, s18, s9, $0x38;
	[tilespmem:$0x11600] =	vst v63  }
0x4e4: {  	s24 =	simm.s32 $0x1  }
.LBB2_8:
0x4e5: {  	s25 =	sshllo.u32 s24, $0x1  }
0x4e6: {  	s26 =	sshll.u32 s25, $0x7  }
0x4e7: {  	s29 =	simm.s32 $0x0;
	s28 =	sshll.u32 s24, $0x7;
	s26 =	sand.u32 $0x3FFFFF80, s26  }
0x4e8: {  	v19 =	vadd.s32 s29, v0;
	[tilespmem:s15], [sflag:$0x3] =	stream.indirect.gather [hbm4b:s5+s13], $0x40, s26, s13, $0xb8;
	[tilespmem:$0x11600] =	vst v63  }
0x4e9: {  	v18 =	vmov s28;
	v28 =	vand.u32 $0xF, v19;
	_ =	swait.ge [sflag:s16], $0x2000  }
0x4ea: {  	v20 =	vor.u32 v18, v28;
	[sflag:s16] =	ssyncset.done $0x0  }
0x4eb: {  	v21 =	vor.u32 v1, v28;
	[sflag:s16] =	ssyncadd.s32 $0xFFFFE000  }
0x4ec: {  	_ =	swait.ge [sflag:s21], $0x2000  }
0x4ed: {  	[sflag:s21] =	ssyncset.done $0x0  }
0x4ee: {  	[sflag:s21] =	ssyncadd.s32 $0xFFFFE000  }
0x4ef: {  	v27 =	vshll.u32 v19, $0x7;
	v29 =	vld.idx.msk [tilespmem:v20+s10+$0x0], $0xffff  }
0x4f0: {  	v22 =	vand.u32 $0x400, v27;
	v20 =	vand.u32 $0x380, v27;
	v21 =	vld.idx.msk [tilespmem:v21+s14+$0x0], $0xffff  }
0x4f1: {  	v30 =	vor.u32 v3, v22;
	v20 =	vor.u32 v2, v20  }
0x4f2: {  	v22 =	vor.u32 v20, v30  }
0x4f3: {  	v23 =	vor.u32 v4, v28;
	_ =	sdelay $0x1  }
0x4f4: {  	v21 =	vadd.f32 v21, v29;
	_ =	sdelay $0x1  }
0x4f5: {  	[tilespmem:v22+s17+$0x0] =	vst.idx.msk $0xffff, v21  }
0x4f6: {  	v21 =	vor.u32 v5, v27;
	v22 =	vld.idx.msk [tilespmem:v23+s14+$0x0], $0xffff  }
0x4f7: {  	v21 =	vand.u32 $0x398, v21  }
0x4f8: {  	v23 =	vor.u32 v21, v30  }
0x4f9: {  	v24 =	vor.u32 v6, v28;
	_ =	sdelay $0x1  }
0x4fa: {  	v22 =	vadd.f32 v22, v29;
	_ =	sdelay $0x1  }
0x4fb: {  	[tilespmem:v23+s17+$0x0] =	vst.idx.msk $0xffff, v22  }
0x4fc: {  	v22 =	vor.u32 v7, v27;
	v23 =	vld.idx.msk [tilespmem:v24+s14+$0x0], $0xffff  }
0x4fd: {  	v22 =	vand.u32 $0x3A8, v22  }
0x4fe: {  	v24 =	vor.u32 v22, v30  }
0x4ff: {  	v25 =	vor.u32 v8, v28;
	_ =	sdelay $0x1  }
0x500: {  	v23 =	vadd.f32 v23, v29;
	_ =	sdelay $0x1  }
0x501: {  	[tilespmem:v24+s17+$0x0] =	vst.idx.msk $0xffff, v23  }
0x502: {  	v23 =	vor.u32 v9, v27;
	v24 =	vld.idx.msk [tilespmem:v25+s14+$0x0], $0xffff  }
0x503: {  	v23 =	vand.u32 $0x3B8, v23  }
0x504: {  	v25 =	vor.u32 v23, v30  }
0x505: {  	v26 =	vor.u32 v10, v28;
	_ =	sdelay $0x1  }
0x506: {  	v24 =	vadd.f32 v24, v29;
	_ =	sdelay $0x1  }
0x507: {  	[tilespmem:v25+s17+$0x0] =	vst.idx.msk $0xffff, v24  }
0x508: {  	v24 =	vor.u32 v11, v27;
	v25 =	vld.idx.msk [tilespmem:v26+s14+$0x0], $0xffff  }
0x509: {  	v24 =	vand.u32 $0x3C8, v24  }
0x50a: {  	v26 =	vor.u32 v24, v30  }
0x50b: {  	v31 =	vor.u32 v12, v28;
	_ =	sdelay $0x1  }
0x50c: {  	v25 =	vadd.f32 v25, v29;
	_ =	sdelay $0x1  }
0x50d: {  	[tilespmem:v26+s17+$0x0] =	vst.idx.msk $0xffff, v25  }
0x50e: {  	v25 =	vor.u32 v13, v27;
	v26 =	vld.idx.msk [tilespmem:v31+s14+$0x0], $0xffff  }
0x50f: {  	v25 =	vand.u32 $0x3D8, v25  }
0x510: {  	v31 =	vor.u32 v25, v30  }
0x511: {  	v32 =	vor.u32 v14, v28;
	_ =	sdelay $0x1  }
0x512: {  	v26 =	vadd.f32 v26, v29;
	_ =	sdelay $0x1  }
0x513: {  	[tilespmem:v31+s17+$0x0] =	vst.idx.msk $0xffff, v26  }
0x514: {  	v26 =	vor.u32 v15, v27;
	v31 =	vld.idx.msk [tilespmem:v32+s14+$0x0], $0xffff  }
0x515: {  	v26 =	vand.u32 $0x3E8, v26  }
0x516: {  	v37 =	vor.u32 v26, v30  }
0x517: {  	v33 =	vor.u32 v16, v28;
	_ =	sdelay $0x1  }
0x518: {  	v31 =	vadd.f32 v31, v29;
	_ =	sdelay $0x1  }
0x519: {  	[tilespmem:v37+s17+$0x0] =	vst.idx.msk $0xffff, v31  }
0x51a: {  	v27 =	vor.u32 v17, v27;
	v31 =	vld.idx.msk [tilespmem:v33+s14+$0x0], $0xffff  }
0x51b: {  	v38 =	vor.u32 $0x10, v19;
	v27 =	vand.u32 $0x3F8, v27  }
0x51c: {  	v39 =	vand.u32 $0x1F, v38;
	v30 =	vor.u32 v27, v30  }
0x51d: {  	v34 =	vor.u32 v18, v39  }
0x51e: {  	v35 =	vor.u32 v1, v39  }
0x51f: {  	v29 =	vadd.f32 v31, v29;
	_ =	sdelay $0x1  }
0x520: {  	[tilespmem:v30+s17+$0x0] =	vst.idx.msk $0xffff, v29  }
0x521: {  	v29 =	vshll.u32 v38, $0x7;
	v30 =	vld.idx.msk [tilespmem:v34+s10+$0x0], $0xffff  }
0x522: {  	v29 =	vand.u32 $0xC00, v29;
	v31 =	vld.idx.msk [tilespmem:v35+s14+$0x0], $0xffff  }
0x523: {  	v29 =	vor.u32 v3, v29  }
0x524: {  	v40 =	vor.u32 v20, v29  }
0x525: {  	v41 =	vor.u32 v4, v39;
	_ =	sdelay $0x1  }
0x526: {  	v31 =	vadd.f32 v31, v30;
	_ =	sdelay $0x1  }
0x527: {  	[tilespmem:v40+s17+$0x0] =	vst.idx.msk $0xffff, v31  }
0x528: {  	v31 =	vld.idx.msk [tilespmem:v41+s14+$0x0], $0xffff;
	_ =	sdelay $0x1  }
0x529: {  	v42 =	vor.u32 v21, v29  }
0x52a: {  	v43 =	vor.u32 v6, v39;
	_ =	sdelay $0x1  }
0x52b: {  	v31 =	vadd.f32 v31, v30;
	_ =	sdelay $0x1  }
0x52c: {  	[tilespmem:v42+s17+$0x0] =	vst.idx.msk $0xffff, v31  }
0x52d: {  	v31 =	vld.idx.msk [tilespmem:v43+s14+$0x0], $0xffff;
	_ =	sdelay $0x1  }
0x52e: {  	v44 =	vor.u32 v22, v29  }
0x52f: {  	v45 =	vor.u32 v8, v39;
	_ =	sdelay $0x1  }
0x530: {  	v31 =	vadd.f32 v31, v30;
	_ =	sdelay $0x1  }
0x531: {  	[tilespmem:v44+s17+$0x0] =	vst.idx.msk $0xffff, v31  }
0x532: {  	v31 =	vld.idx.msk [tilespmem:v45+s14+$0x0], $0xffff;
	_ =	sdelay $0x1  }
0x533: {  	v46 =	vor.u32 v23, v29  }
0x534: {  	v47 =	vor.u32 v10, v39;
	_ =	sdelay $0x1  }
0x535: {  	v31 =	vadd.f32 v31, v30;
	_ =	sdelay $0x1  }
0x536: {  	[tilespmem:v46+s17+$0x0] =	vst.idx.msk $0xffff, v31  }
0x537: {  	v31 =	vld.idx.msk [tilespmem:v47+s14+$0x0], $0xffff;
	_ =	sdelay $0x1  }
0x538: {  	v48 =	vor.u32 v24, v29  }
0x539: {  	v49 =	vor.u32 v12, v39;
	_ =	sdelay $0x1  }
0x53a: {  	v31 =	vadd.f32 v31, v30;
	_ =	sdelay $0x1  }
0x53b: {  	[tilespmem:v48+s17+$0x0] =	vst.idx.msk $0xffff, v31  }
0x53c: {  	v31 =	vld.idx.msk [tilespmem:v49+s14+$0x0], $0xffff;
	_ =	sdelay $0x1  }
0x53d: {  	v50 =	vor.u32 v25, v29  }
0x53e: {  	v51 =	vor.u32 v14, v39;
	_ =	sdelay $0x1  }
0x53f: {  	v31 =	vadd.f32 v31, v30;
	_ =	sdelay $0x1  }
0x540: {  	[tilespmem:v50+s17+$0x0] =	vst.idx.msk $0xffff, v31  }
0x541: {  	v31 =	vld.idx.msk [tilespmem:v51+s14+$0x0], $0xffff;
	_ =	sdelay $0x1  }
0x542: {  	v52 =	vor.u32 v26, v29  }
0x543: {  	v33 =	vor.u32 v16, v39;
	_ =	sdelay $0x1  }
0x544: {  	v31 =	vadd.f32 v31, v30;
	_ =	sdelay $0x1  }
0x545: {  	[tilespmem:v52+s17+$0x0] =	vst.idx.msk $0xffff, v31  }
0x546: {  	v28 =	vor.u32 $0x20, v28;
	v31 =	vld.idx.msk [tilespmem:v33+s14+$0x0], $0xffff  }
0x547: {  	v53 =	vand.u32 $0x7, v19;
	v54 =	vand.u32 $0x28, v28  }
0x548: {  	v32 =	vor.u32 v53, v54;
	v29 =	vor.u32 v27, v29  }
0x549: {  	v33 =	vor.u32 v18, v32  }
0x54a: {  	v55 =	vor.u32 v1, v32  }
0x54b: {  	v30 =	vadd.f32 v31, v30;
	_ =	sdelay $0x1  }
0x54c: {  	[tilespmem:v29+s17+$0x0] =	vst.idx.msk $0xffff, v30  }
0x54d: {  	v28 =	vshll.u32 v28, $0x7;
	v29 =	vld.idx.msk [tilespmem:v33+s10+$0x0], $0xffff  }
0x54e: {  	v28 =	vand.u32 $0x1400, v28;
	v30 =	vld.idx.msk [tilespmem:v55+s14+$0x0], $0xffff  }
0x54f: {  	v28 =	vor.u32 v3, v28  }
0x550: {  	v31 =	vor.u32 v20, v28  }
0x551: {  	v56 =	vor.u32 v4, v32;
	_ =	sdelay $0x1  }
0x552: {  	v30 =	vadd.f32 v30, v29;
	_ =	sdelay $0x1  }
0x553: {  	[tilespmem:v31+s17+$0x0] =	vst.idx.msk $0xffff, v30  }
0x554: {  	v30 =	vld.idx.msk [tilespmem:v56+s14+$0x0], $0xffff;
	_ =	sdelay $0x1  }
0x555: {  	v31 =	vor.u32 v21, v28  }
0x556: {  	v57 =	vor.u32 v6, v32;
	_ =	sdelay $0x1  }
0x557: {  	v30 =	vadd.f32 v30, v29;
	_ =	sdelay $0x1  }
0x558: {  	[tilespmem:v31+s17+$0x0] =	vst.idx.msk $0xffff, v30  }
0x559: {  	v30 =	vld.idx.msk [tilespmem:v57+s14+$0x0], $0xffff;
	_ =	sdelay $0x1  }
0x55a: {  	v31 =	vor.u32 v22, v28  }
0x55b: {  	v58 =	vor.u32 v8, v32;
	_ =	sdelay $0x1  }
0x55c: {  	v30 =	vadd.f32 v30, v29;
	_ =	sdelay $0x1  }
0x55d: {  	[tilespmem:v31+s17+$0x0] =	vst.idx.msk $0xffff, v30  }
0x55e: {  	v30 =	vld.idx.msk [tilespmem:v58+s14+$0x0], $0xffff;
	_ =	sdelay $0x1  }
0x55f: {  	v31 =	vor.u32 v23, v28  }
0x560: {  	v59 =	vor.u32 v10, v32;
	_ =	sdelay $0x1  }
0x561: {  	v30 =	vadd.f32 v30, v29;
	_ =	sdelay $0x1  }
0x562: {  	[tilespmem:v31+s17+$0x0] =	vst.idx.msk $0xffff, v30  }
0x563: {  	v30 =	vld.idx.msk [tilespmem:v59+s14+$0x0], $0xffff;
	_ =	sdelay $0x1  }
0x564: {  	v31 =	vor.u32 v24, v28  }
0x565: {  	v60 =	vor.u32 v12, v32;
	_ =	sdelay $0x1  }
0x566: {  	v30 =	vadd.f32 v30, v29;
	_ =	sdelay $0x1  }
0x567: {  	[tilespmem:v31+s17+$0x0] =	vst.idx.msk $0xffff, v30  }
0x568: {  	v30 =	vld.idx.msk [tilespmem:v60+s14+$0x0], $0xffff;
	_ =	sdelay $0x1  }
0x569: {  	v31 =	vor.u32 v25, v28  }
0x56a: {  	v61 =	vor.u32 v14, v32;
	_ =	sdelay $0x1  }
0x56b: {  	v30 =	vadd.f32 v30, v29;
	_ =	sdelay $0x1  }
0x56c: {  	[tilespmem:v31+s17+$0x0] =	vst.idx.msk $0xffff, v30  }
0x56d: {  	v30 =	vld.idx.msk [tilespmem:v61+s14+$0x0], $0xffff;
	_ =	sdelay $0x1  }
0x56e: {  	v31 =	vor.u32 v26, v28  }
0x56f: {  	v32 =	vor.u32 v16, v32;
	_ =	sdelay $0x1  }
0x570: {  	v30 =	vadd.f32 v30, v29;
	_ =	sdelay $0x1  }
0x571: {  	[tilespmem:v31+s17+$0x0] =	vst.idx.msk $0xffff, v30  }
0x572: {  	v30 =	vld.idx.msk [tilespmem:v32+s14+$0x0], $0xffff  }
0x573: {  	v19 =	vor.u32 $0x30, v19  }
0x574: {  	v28 =	vor.u32 v27, v28;
	v31 =	vand.u32 $0x3F, v19  }
0x575: {  	v62 =	vor.u32 v18, v31  }
0x576: {  	v63 =	vor.u32 v1, v31  }
0x577: {  	v29 =	vadd.f32 v30, v29;
	_ =	sdelay $0x1  }
0x578: {  	[tilespmem:v28+s17+$0x0] =	vst.idx.msk $0xffff, v29  }
0x579: {  	v19 =	vshll.u32 v19, $0x7;
	v32 =	vld.idx.msk [tilespmem:v62+s10+$0x0], $0xffff  }
0x57a: {  	v19 =	vand.u32 $0x1C00, v19;
	v28 =	vld.idx.msk [tilespmem:v63+s14+$0x0], $0xffff  }
0x57b: {  	v19 =	vor.u32 v3, v19  }
0x57c: {  	v20 =	vor.u32 v20, v19  }
0x57d: {  	v29 =	vor.u32 v4, v31;
	_ =	sdelay $0x1  }
0x57e: {  	v28 =	vadd.f32 v28, v32;
	_ =	sdelay $0x1  }
0x57f: {  	[tilespmem:v20+s17+$0x0] =	vst.idx.msk $0xffff, v28  }
0x580: {  	v20 =	vld.idx.msk [tilespmem:v29+s14+$0x0], $0xffff;
	_ =	sdelay $0x1  }
0x581: {  	v21 =	vor.u32 v21, v19  }
0x582: {  	v28 =	vor.u32 v6, v31;
	_ =	sdelay $0x1  }
0x583: {  	v20 =	vadd.f32 v20, v32;
	_ =	sdelay $0x1  }
0x584: {  	[tilespmem:v21+s17+$0x0] =	vst.idx.msk $0xffff, v20  }
0x585: {  	v20 =	vld.idx.msk [tilespmem:v28+s14+$0x0], $0xffff;
	_ =	sdelay $0x1  }
0x586: {  	v21 =	vor.u32 v22, v19  }
0x587: {  	v22 =	vor.u32 v8, v31;
	_ =	sdelay $0x1  }
0x588: {  	v20 =	vadd.f32 v20, v32;
	_ =	sdelay $0x1  }
0x589: {  	[tilespmem:v21+s17+$0x0] =	vst.idx.msk $0xffff, v20  }
0x58a: {  	v20 =	vld.idx.msk [tilespmem:v22+s14+$0x0], $0xffff;
	_ =	sdelay $0x1  }
0x58b: {  	v21 =	vor.u32 v23, v19  }
0x58c: {  	v22 =	vor.u32 v10, v31;
	_ =	sdelay $0x1  }
0x58d: {  	v20 =	vadd.f32 v20, v32;
	_ =	sdelay $0x1  }
0x58e: {  	[tilespmem:v21+s17+$0x0] =	vst.idx.msk $0xffff, v20  }
0x58f: {  	v20 =	vld.idx.msk [tilespmem:v22+s14+$0x0], $0xffff;
	_ =	sdelay $0x1  }
0x590: {  	v21 =	vor.u32 v24, v19  }
0x591: {  	v22 =	vor.u32 v12, v31;
	_ =	sdelay $0x1  }
0x592: {  	v20 =	vadd.f32 v20, v32;
	_ =	sdelay $0x1  }
0x593: {  	[tilespmem:v21+s17+$0x0] =	vst.idx.msk $0xffff, v20  }
0x594: {  	v20 =	vld.idx.msk [tilespmem:v22+s14+$0x0], $0xffff;
	_ =	sdelay $0x1  }
0x595: {  	v21 =	vor.u32 v25, v19  }
0x596: {  	v22 =	vor.u32 v14, v31;
	_ =	sdelay $0x1  }
0x597: {  	v20 =	vadd.f32 v20, v32;
	_ =	sdelay $0x1  }
0x598: {  	[tilespmem:v21+s17+$0x0] =	vst.idx.msk $0xffff, v20  }
0x599: {  	v20 =	vld.idx.msk [tilespmem:v22+s14+$0x0], $0xffff;
	_ =	sdelay $0x1  }
0x59a: {  	v21 =	vor.u32 v26, v19  }
0x59b: {  	v22 =	vor.u32 v16, v31;
	_ =	sdelay $0x1  }
0x59c: {  	v20 =	vadd.f32 v20, v32;
	_ =	sdelay $0x1  }
0x59d: {  	s29 =	sshll.u32 s24, $0x13;
	[tilespmem:v21+s17+$0x0] =	vst.idx.msk $0xffff, v20  }
0x59e: {  	s28 =	simm.s32 $0x1;
	s26 =	sor.u32 s4, s29;
	v24 =	vld.idx.msk [tilespmem:v22+s14+$0x0], $0xffff  }
0x59f: {  	s26 =	sshrl.u32 s26, $0x3;
	v23 =	vor.u32 v27, v19;
	v20 =	vadd.s32 s28, v0  }
0x5a0: {  	s26 =	sadd.s32 s2, s26;
	s28 =	simm.s32 $0x2;
	v22 =	vand.u32 $0xF, v20;
	v30 =	vshll.u32 v20, $0x7;
	v31 =	vor.u32 $0x10, v20  }
.LBB2_9:
0x5a1: {  	p0 =	sne.s32 s28, $0xF;
	v25 =	vor.u32 v18, v22;
	v26 =	vor.u32 v1, v22;
	v21 =	vor.u32 $0x30, v20;
	s29 =	smov.u32 s28;
	s28 =	sadd.s32 $0x1, s28  }
0x5a2: {  	v19 =	vand.u32 $0x3F, v21;
	v21 =	vshll.u32 v21, $0x7  }
0x5a3: {  	v24 =	vadd.f32 v24, v32;
	v21 =	vand.u32 $0x1C00, v21;
	_ =	sdelay $0x1  }
0x5a4: {  	[tilespmem:v23+s17+$0x0] =	vst.idx.msk $0xffff, v24  }
0x5a5: {  	v32 =	vld.idx.msk [tilespmem:v25+s10+$0x0], $0xffff  }
0x5a6: {  	v23 =	vand.u32 $0x380, v30;
	v25 =	vand.u32 $0x400, v30;
	v24 =	vld.idx.msk [tilespmem:v26+s14+$0x0], $0xffff  }
0x5a7: {  	v23 =	vor.u32 v2, v23;
	v33 =	vor.u32 v3, v25  }
0x5a8: {  	v25 =	vor.u32 v23, v33  }
0x5a9: {  	v26 =	vor.u32 v4, v22;
	_ =	sdelay $0x2  }
0x5aa: {  	v24 =	vadd.f32 v24, v32;
	_ =	sdelay $0x1  }
0x5ab: {  	[tilespmem:v25+s17+$0x0] =	vst.idx.msk $0xffff, v24  }
0x5ac: {  	v24 =	vor.u32 v5, v30;
	v25 =	vld.idx.msk [tilespmem:v26+s14+$0x0], $0xffff  }
0x5ad: {  	v24 =	vand.u32 $0x398, v24  }
0x5ae: {  	v26 =	vor.u32 v24, v33  }
0x5af: {  	v27 =	vor.u32 v6, v22;
	_ =	sdelay $0x2  }
0x5b0: {  	v25 =	vadd.f32 v25, v32;
	_ =	sdelay $0x1  }
0x5b1: {  	[tilespmem:v26+s17+$0x0] =	vst.idx.msk $0xffff, v25  }
0x5b2: {  	v25 =	vor.u32 v7, v30;
	v26 =	vld.idx.msk [tilespmem:v27+s14+$0x0], $0xffff  }
0x5b3: {  	v25 =	vand.u32 $0x3A8, v25  }
0x5b4: {  	v27 =	vor.u32 v25, v33  }
0x5b5: {  	v28 =	vor.u32 v8, v22;
	_ =	sdelay $0x2  }
0x5b6: {  	v26 =	vadd.f32 v26, v32;
	_ =	sdelay $0x1  }
0x5b7: {  	[tilespmem:v27+s17+$0x0] =	vst.idx.msk $0xffff, v26  }
0x5b8: {  	v26 =	vor.u32 v9, v30;
	v27 =	vld.idx.msk [tilespmem:v28+s14+$0x0], $0xffff  }
0x5b9: {  	v26 =	vand.u32 $0x3B8, v26  }
0x5ba: {  	v28 =	vor.u32 v26, v33  }
0x5bb: {  	v29 =	vor.u32 v10, v22;
	_ =	sdelay $0x2  }
0x5bc: {  	v27 =	vadd.f32 v27, v32;
	_ =	sdelay $0x1  }
0x5bd: {  	[tilespmem:v28+s17+$0x0] =	vst.idx.msk $0xffff, v27  }
0x5be: {  	v27 =	vor.u32 v11, v30;
	v28 =	vld.idx.msk [tilespmem:v29+s14+$0x0], $0xffff  }
0x5bf: {  	v27 =	vand.u32 $0x3C8, v27  }
0x5c0: {  	v29 =	vor.u32 v27, v33  }
0x5c1: {  	v34 =	vor.u32 v12, v22;
	_ =	sdelay $0x2  }
0x5c2: {  	v28 =	vadd.f32 v28, v32;
	_ =	sdelay $0x1  }
0x5c3: {  	[tilespmem:v29+s17+$0x0] =	vst.idx.msk $0xffff, v28  }
0x5c4: {  	v28 =	vor.u32 v13, v30;
	v29 =	vld.idx.msk [tilespmem:v34+s14+$0x0], $0xffff  }
0x5c5: {  	v28 =	vand.u32 $0x3D8, v28  }
0x5c6: {  	v34 =	vor.u32 v28, v33  }
0x5c7: {  	v35 =	vor.u32 v14, v22;
	_ =	sdelay $0x2  }
0x5c8: {  	v29 =	vadd.f32 v29, v32;
	_ =	sdelay $0x1  }
0x5c9: {  	[tilespmem:v34+s17+$0x0] =	vst.idx.msk $0xffff, v29  }
0x5ca: {  	v29 =	vor.u32 v15, v30;
	v34 =	vld.idx.msk [tilespmem:v35+s14+$0x0], $0xffff  }
0x5cb: {  	v29 =	vand.u32 $0x3E8, v29  }
0x5cc: {  	v35 =	vor.u32 v29, v33  }
0x5cd: {  	v36 =	vor.u32 v16, v22;
	_ =	sdelay $0x2  }
0x5ce: {  	v34 =	vadd.f32 v34, v32;
	_ =	sdelay $0x1  }
0x5cf: {  	[tilespmem:v35+s17+$0x0] =	vst.idx.msk $0xffff, v34  }
0x5d0: {  	v30 =	vor.u32 v17, v30;
	v34 =	vld.idx.msk [tilespmem:v36+s14+$0x0], $0xffff  }
0x5d1: {  	v30 =	vand.u32 $0x3F8, v30  }
0x5d2: {  	v33 =	vor.u32 v30, v33  }
0x5d3: {  	v35 =	vand.u32 $0x1F, v31  }
0x5d4: {  	v36 =	vor.u32 v18, v35;
	v37 =	vor.u32 v1, v35;
	_ =	sdelay $0x1  }
0x5d5: {  	v32 =	vadd.f32 v34, v32;
	_ =	sdelay $0x1  }
0x5d6: {  	v31 =	vshll.u32 v31, $0x7;
	[tilespmem:v33+s17+$0x0] =	vst.idx.msk $0xffff, v32  }
0x5d7: {  	v31 =	vand.u32 $0xC00, v31;
	v32 =	vld.idx.msk [tilespmem:v36+s10+$0x0], $0xffff  }
0x5d8: {  	v31 =	vor.u32 v3, v31;
	v33 =	vld.idx.msk [tilespmem:v37+s14+$0x0], $0xffff  }
0x5d9: {  	v34 =	vor.u32 v23, v31  }
0x5da: {  	v36 =	vor.u32 v4, v35;
	_ =	sdelay $0x3  }
0x5db: {  	v33 =	vadd.f32 v33, v32;
	_ =	sdelay $0x1  }
0x5dc: {  	[tilespmem:v34+s17+$0x0] =	vst.idx.msk $0xffff, v33  }
0x5dd: {  	v33 =	vld.idx.msk [tilespmem:v36+s14+$0x0], $0xffff  }
0x5de: {  	v34 =	vor.u32 v24, v31  }
0x5df: {  	v36 =	vor.u32 v6, v35;
	_ =	sdelay $0x3  }
0x5e0: {  	v33 =	vadd.f32 v33, v32;
	_ =	sdelay $0x1  }
0x5e1: {  	[tilespmem:v34+s17+$0x0] =	vst.idx.msk $0xffff, v33  }
0x5e2: {  	v33 =	vld.idx.msk [tilespmem:v36+s14+$0x0], $0xffff  }
0x5e3: {  	v34 =	vor.u32 v25, v31  }
0x5e4: {  	v36 =	vor.u32 v8, v35;
	_ =	sdelay $0x3  }
0x5e5: {  	v33 =	vadd.f32 v33, v32;
	_ =	sdelay $0x1  }
0x5e6: {  	[tilespmem:v34+s17+$0x0] =	vst.idx.msk $0xffff, v33  }
0x5e7: {  	v33 =	vld.idx.msk [tilespmem:v36+s14+$0x0], $0xffff  }
0x5e8: {  	v34 =	vor.u32 v26, v31  }
0x5e9: {  	v36 =	vor.u32 v10, v35;
	_ =	sdelay $0x3  }
0x5ea: {  	v33 =	vadd.f32 v33, v32;
	_ =	sdelay $0x1  }
0x5eb: {  	[tilespmem:v34+s17+$0x0] =	vst.idx.msk $0xffff, v33  }
0x5ec: {  	v33 =	vld.idx.msk [tilespmem:v36+s14+$0x0], $0xffff  }
0x5ed: {  	v34 =	vor.u32 v27, v31  }
0x5ee: {  	v36 =	vor.u32 v12, v35;
	_ =	sdelay $0x3  }
0x5ef: {  	v33 =	vadd.f32 v33, v32;
	_ =	sdelay $0x1  }
0x5f0: {  	[tilespmem:v34+s17+$0x0] =	vst.idx.msk $0xffff, v33  }
0x5f1: {  	v33 =	vld.idx.msk [tilespmem:v36+s14+$0x0], $0xffff  }
0x5f2: {  	v34 =	vor.u32 v28, v31  }
0x5f3: {  	v36 =	vor.u32 v14, v35;
	_ =	sdelay $0x3  }
0x5f4: {  	v33 =	vadd.f32 v33, v32;
	_ =	sdelay $0x1  }
0x5f5: {  	[tilespmem:v34+s17+$0x0] =	vst.idx.msk $0xffff, v33  }
0x5f6: {  	v33 =	vld.idx.msk [tilespmem:v36+s14+$0x0], $0xffff  }
0x5f7: {  	v34 =	vor.u32 v29, v31  }
0x5f8: {  	v35 =	vor.u32 v16, v35;
	_ =	sdelay $0x3  }
0x5f9: {  	v33 =	vadd.f32 v33, v32;
	_ =	sdelay $0x1  }
0x5fa: {  	[tilespmem:v34+s17+$0x0] =	vst.idx.msk $0xffff, v33  }
0x5fb: {  	v33 =	vld.idx.msk [tilespmem:v35+s14+$0x0], $0xffff  }
0x5fc: {  	v22 =	vor.u32 $0x20, v22;
	v31 =	vor.u32 v30, v31  }
0x5fd: {  	v20 =	vand.u32 $0x7, v20;
	v34 =	vand.u32 $0x28, v22;
	v22 =	vshll.u32 v22, $0x7  }
0x5fe: {  	v20 =	vor.u32 v20, v34;
	v22 =	vand.u32 $0x1400, v22  }
0x5ff: {  	v34 =	vor.u32 v18, v20;
	v35 =	vor.u32 v1, v20;
	v22 =	vor.u32 v3, v22  }
0x600: {  	v36 =	vor.u32 v23, v22;
	v37 =	vor.u32 v24, v22;
	v38 =	vor.u32 v25, v22  }
0x601: {  	v39 =	vor.u32 v27, v22;
	v32 =	vadd.f32 v33, v32;
	v33 =	vor.u32 v26, v22  }
0x602: {  	v40 =	vor.u32 v28, v22;
	v41 =	vor.u32 v29, v22;
	v22 =	vor.u32 v30, v22  }
0x603: {  	[tilespmem:v31+s17+$0x0] =	vst.idx.msk $0xffff, v32  }
0x604: {  	v31 =	vld.idx.msk [tilespmem:v34+s10+$0x0], $0xffff  }
0x605: {  	v32 =	vld.idx.msk [tilespmem:v35+s14+$0x0], $0xffff  }
0x606: {  	v34 =	vor.u32 v4, v20;
	_ =	sdelay $0x4  }
0x607: {  	v32 =	vadd.f32 v32, v31;
	_ =	sdelay $0x1  }
0x608: {  	[tilespmem:v36+s17+$0x0] =	vst.idx.msk $0xffff, v32  }
0x609: {  	v32 =	vld.idx.msk [tilespmem:v34+s14+$0x0], $0xffff  }
0x60a: {  	v34 =	vor.u32 v6, v20;
	_ =	sdelay $0x4  }
0x60b: {  	v32 =	vadd.f32 v32, v31;
	_ =	sdelay $0x1  }
0x60c: {  	[tilespmem:v37+s17+$0x0] =	vst.idx.msk $0xffff, v32  }
0x60d: {  	v32 =	vld.idx.msk [tilespmem:v34+s14+$0x0], $0xffff  }
0x60e: {  	v34 =	vor.u32 v8, v20;
	_ =	sdelay $0x4  }
0x60f: {  	v32 =	vadd.f32 v32, v31;
	_ =	sdelay $0x1  }
0x610: {  	[tilespmem:v38+s17+$0x0] =	vst.idx.msk $0xffff, v32  }
0x611: {  	v32 =	vld.idx.msk [tilespmem:v34+s14+$0x0], $0xffff  }
0x612: {  	v34 =	vor.u32 v10, v20;
	_ =	sdelay $0x4  }
0x613: {  	v32 =	vadd.f32 v32, v31;
	_ =	sdelay $0x1  }
0x614: {  	[tilespmem:v33+s17+$0x0] =	vst.idx.msk $0xffff, v32  }
0x615: {  	v32 =	vld.idx.msk [tilespmem:v34+s14+$0x0], $0xffff  }
0x616: {  	v33 =	vor.u32 v12, v20;
	_ =	sdelay $0x4  }
0x617: {  	v32 =	vadd.f32 v32, v31;
	_ =	sdelay $0x1  }
0x618: {  	[tilespmem:v39+s17+$0x0] =	vst.idx.msk $0xffff, v32  }
0x619: {  	v32 =	vld.idx.msk [tilespmem:v33+s14+$0x0], $0xffff  }
0x61a: {  	v33 =	vor.u32 v14, v20;
	_ =	sdelay $0x4  }
0x61b: {  	v32 =	vadd.f32 v32, v31;
	_ =	sdelay $0x1  }
0x61c: {  	[tilespmem:v40+s17+$0x0] =	vst.idx.msk $0xffff, v32  }
0x61d: {  	v32 =	vld.idx.msk [tilespmem:v33+s14+$0x0], $0xffff  }
0x61e: {  	v20 =	vor.u32 v16, v20;
	_ =	sdelay $0x4  }
0x61f: {  	v32 =	vadd.f32 v32, v31;
	_ =	sdelay $0x1  }
0x620: {  	[tilespmem:v41+s17+$0x0] =	vst.idx.msk $0xffff, v32  }
0x621: {  	v20 =	vld.idx.msk [tilespmem:v20+s14+$0x0], $0xffff;
	_ =	sdelay $0x3  }
0x622: {  	v33 =	vor.u32 v1, v19;
	v32 =	vor.u32 v18, v19;
	_ =	sdelay $0x1  }
0x623: {  	v20 =	vadd.f32 v20, v31;
	_ =	sdelay $0x1  }
0x624: {  	[tilespmem:v22+s17+$0x0] =	vst.idx.msk $0xffff, v20;
	v20 =	vor.u32 v3, v21  }
0x625: {  	v32 =	vld.idx.msk [tilespmem:v32+s10+$0x0], $0xffff;
	v21 =	vor.u32 v23, v20  }
0x626: {  	v23 =	vor.u32 v4, v19;
	v22 =	vld.idx.msk [tilespmem:v33+s14+$0x0], $0xffff;
	_ =	sdelay $0x5  }
0x627: {  	v22 =	vadd.f32 v22, v32;
	_ =	sdelay $0x1  }
0x628: {  	[tilespmem:v21+s17+$0x0] =	vst.idx.msk $0xffff, v22;
	v21 =	vor.u32 v24, v20  }
0x629: {  	v22 =	vld.idx.msk [tilespmem:v23+s14+$0x0], $0xffff;
	v23 =	vor.u32 v6, v19;
	_ =	sdelay $0x5  }
0x62a: {  	v22 =	vadd.f32 v22, v32;
	_ =	sdelay $0x1  }
0x62b: {  	[tilespmem:v21+s17+$0x0] =	vst.idx.msk $0xffff, v22;
	v21 =	vor.u32 v25, v20  }
0x62c: {  	v22 =	vld.idx.msk [tilespmem:v23+s14+$0x0], $0xffff;
	v23 =	vor.u32 v8, v19;
	_ =	sdelay $0x5  }
0x62d: {  	v22 =	vadd.f32 v22, v32;
	_ =	sdelay $0x1  }
0x62e: {  	[tilespmem:v21+s17+$0x0] =	vst.idx.msk $0xffff, v22;
	v21 =	vor.u32 v26, v20  }
0x62f: {  	v22 =	vld.idx.msk [tilespmem:v23+s14+$0x0], $0xffff;
	v23 =	vor.u32 v10, v19;
	_ =	sdelay $0x5  }
0x630: {  	v22 =	vadd.f32 v22, v32;
	_ =	sdelay $0x1  }
0x631: {  	[tilespmem:v21+s17+$0x0] =	vst.idx.msk $0xffff, v22;
	v21 =	vor.u32 v27, v20  }
0x632: {  	v22 =	vld.idx.msk [tilespmem:v23+s14+$0x0], $0xffff;
	v23 =	vor.u32 v12, v19;
	_ =	sdelay $0x5  }
0x633: {  	v22 =	vadd.f32 v22, v32;
	_ =	sdelay $0x1  }
0x634: {  	[tilespmem:v21+s17+$0x0] =	vst.idx.msk $0xffff, v22;
	v21 =	vor.u32 v28, v20  }
0x635: {  	v22 =	vld.idx.msk [tilespmem:v23+s14+$0x0], $0xffff;
	v23 =	vor.u32 v14, v19;
	_ =	sdelay $0x5  }
0x636: {  	v22 =	vadd.f32 v22, v32;
	_ =	sdelay $0x1  }
0x637: {  	[tilespmem:v21+s17+$0x0] =	vst.idx.msk $0xffff, v22;
	v21 =	vor.u32 v29, v20  }
0x638: {  	v19 =	vor.u32 v16, v19;
	v22 =	vld.idx.msk [tilespmem:v23+s14+$0x0], $0xffff;
	_ =	sdelay $0x5  }
0x639: {  	v22 =	vadd.f32 v22, v32;
	_ =	sdelay $0x1  }
.Ltmp3:
0x63a: {  	v23 =	vor.u32 v30, v20;
	[tilespmem:v21+s17+$0x0] =	vst.idx.msk $0xffff, v22;
	(pc) =	sbr.rel @p0 .LBB2_9-.Ltmp3, $3  }
0x63b: {  	v24 =	vld.idx.msk [tilespmem:v19+s14+$0x0], $0xffff;
	_ =	sdelay $0x1  }
0x63c: {  	v20 =	vadd.s32 s29, v0  }
0x63d: {  	v30 =	vshll.u32 v20, $0x7;
	v31 =	vor.u32 $0x10, v20;
	v22 =	vand.u32 $0xF, v20  }
0x63e: {  	v19 =	vor.u32 v18, v22  }
0x63f: {  	v21 =	vor.u32 v1, v22  }
0x640: {  	v24 =	vadd.f32 v24, v32;
	_ =	sdelay $0x1  }
0x641: {  	[tilespmem:v23+s17+$0x0] =	vst.idx.msk $0xffff, v24  }
0x642: {  	v29 =	vld.idx.msk [tilespmem:v19+s10+$0x0], $0xffff  }
0x643: {  	v23 =	vand.u32 $0x400, v30;
	v19 =	vand.u32 $0x380, v30;
	v21 =	vld.idx.msk [tilespmem:v21+s14+$0x0], $0xffff  }
0x644: {  	v62 =	vor.u32 v3, v23;
	v19 =	vor.u32 v2, v19  }
0x645: {  	v23 =	vor.u32 v19, v62  }
0x646: {  	v24 =	vor.u32 v4, v22;
	_ =	sdelay $0x1  }
0x647: {  	v21 =	vadd.f32 v21, v29;
	_ =	sdelay $0x1  }
0x648: {  	[tilespmem:v23+s17+$0x0] =	vst.idx.msk $0xffff, v21  }
0x649: {  	v21 =	vor.u32 v5, v30;
	v23 =	vld.idx.msk [tilespmem:v24+s14+$0x0], $0xffff  }
0x64a: {  	v21 =	vand.u32 $0x398, v21  }
0x64b: {  	v24 =	vor.u32 v21, v62  }
0x64c: {  	v25 =	vor.u32 v6, v22;
	_ =	sdelay $0x1  }
0x64d: {  	v23 =	vadd.f32 v23, v29;
	_ =	sdelay $0x1  }
0x64e: {  	[tilespmem:v24+s17+$0x0] =	vst.idx.msk $0xffff, v23  }
0x64f: {  	v23 =	vor.u32 v7, v30;
	v24 =	vld.idx.msk [tilespmem:v25+s14+$0x0], $0xffff  }
0x650: {  	v23 =	vand.u32 $0x3A8, v23  }
0x651: {  	v25 =	vor.u32 v23, v62  }
0x652: {  	v26 =	vor.u32 v8, v22;
	_ =	sdelay $0x1  }
0x653: {  	v24 =	vadd.f32 v24, v29;
	_ =	sdelay $0x1  }
0x654: {  	[tilespmem:v25+s17+$0x0] =	vst.idx.msk $0xffff, v24  }
0x655: {  	v24 =	vor.u32 v9, v30;
	v25 =	vld.idx.msk [tilespmem:v26+s14+$0x0], $0xffff  }
0x656: {  	v24 =	vand.u32 $0x3B8, v24  }
0x657: {  	v26 =	vor.u32 v24, v62  }
0x658: {  	v27 =	vor.u32 v10, v22;
	_ =	sdelay $0x1  }
0x659: {  	v25 =	vadd.f32 v25, v29;
	_ =	sdelay $0x1  }
0x65a: {  	[tilespmem:v26+s17+$0x0] =	vst.idx.msk $0xffff, v25  }
0x65b: {  	v25 =	vor.u32 v11, v30;
	v26 =	vld.idx.msk [tilespmem:v27+s14+$0x0], $0xffff  }
0x65c: {  	v25 =	vand.u32 $0x3C8, v25  }
0x65d: {  	v27 =	vor.u32 v25, v62  }
0x65e: {  	v28 =	vor.u32 v12, v22;
	_ =	sdelay $0x1  }
0x65f: {  	v26 =	vadd.f32 v26, v29;
	_ =	sdelay $0x1  }
0x660: {  	[tilespmem:v27+s17+$0x0] =	vst.idx.msk $0xffff, v26  }
0x661: {  	v26 =	vor.u32 v13, v30;
	v27 =	vld.idx.msk [tilespmem:v28+s14+$0x0], $0xffff  }
0x662: {  	v26 =	vand.u32 $0x3D8, v26  }
0x663: {  	v28 =	vor.u32 v26, v62  }
0x664: {  	v33 =	vor.u32 v14, v22;
	_ =	sdelay $0x1  }
0x665: {  	v27 =	vadd.f32 v27, v29;
	_ =	sdelay $0x1  }
0x666: {  	[tilespmem:v28+s17+$0x0] =	vst.idx.msk $0xffff, v27  }
0x667: {  	v27 =	vor.u32 v15, v30;
	v28 =	vld.idx.msk [tilespmem:v33+s14+$0x0], $0xffff  }
0x668: {  	v27 =	vand.u32 $0x3E8, v27  }
0x669: {  	v63 =	vor.u32 v27, v62  }
0x66a: {  	v34 =	vor.u32 v16, v22;
	_ =	sdelay $0x1  }
0x66b: {  	v28 =	vadd.f32 v28, v29;
	_ =	sdelay $0x1  }
0x66c: {  	[tilespmem:v63+s17+$0x0] =	vst.idx.msk $0xffff, v28  }
0x66d: {  	v28 =	vor.u32 v17, v30;
	v33 =	vld.idx.msk [tilespmem:v34+s14+$0x0], $0xffff  }
0x66e: {  	v28 =	vand.u32 $0x3F8, v28  }
0x66f: {  	v36 =	vand.u32 $0x1F, v31;
	v30 =	vor.u32 v28, v62  }
0x670: {  	v37 =	vor.u32 v18, v36  }
0x671: {  	v35 =	vor.u32 v1, v36  }
0x672: {  	v29 =	vadd.f32 v33, v29;
	_ =	sdelay $0x1  }
0x673: {  	[tilespmem:v30+s17+$0x0] =	vst.idx.msk $0xffff, v29  }
0x674: {  	v29 =	vshll.u32 v31, $0x7;
	v30 =	vld.idx.msk [tilespmem:v37+s10+$0x0], $0xffff  }
0x675: {  	v29 =	vand.u32 $0xC00, v29;
	v31 =	vld.idx.msk [tilespmem:v35+s14+$0x0], $0xffff  }
0x676: {  	v29 =	vor.u32 v3, v29  }
0x677: {  	v38 =	vor.u32 v19, v29  }
0x678: {  	v39 =	vor.u32 v4, v36;
	_ =	sdelay $0x1  }
0x679: {  	v31 =	vadd.f32 v31, v30;
	_ =	sdelay $0x1  }
0x67a: {  	[tilespmem:v38+s17+$0x0] =	vst.idx.msk $0xffff, v31  }
0x67b: {  	v31 =	vld.idx.msk [tilespmem:v39+s14+$0x0], $0xffff;
	_ =	sdelay $0x1  }
0x67c: {  	v40 =	vor.u32 v21, v29  }
0x67d: {  	v41 =	vor.u32 v6, v36;
	_ =	sdelay $0x1  }
0x67e: {  	v31 =	vadd.f32 v31, v30;
	_ =	sdelay $0x1  }
0x67f: {  	[tilespmem:v40+s17+$0x0] =	vst.idx.msk $0xffff, v31  }
0x680: {  	v31 =	vld.idx.msk [tilespmem:v41+s14+$0x0], $0xffff;
	_ =	sdelay $0x1  }
0x681: {  	v42 =	vor.u32 v23, v29  }
0x682: {  	v43 =	vor.u32 v8, v36;
	_ =	sdelay $0x1  }
0x683: {  	v31 =	vadd.f32 v31, v30;
	_ =	sdelay $0x1  }
0x684: {  	[tilespmem:v42+s17+$0x0] =	vst.idx.msk $0xffff, v31  }
0x685: {  	v31 =	vld.idx.msk [tilespmem:v43+s14+$0x0], $0xffff;
	_ =	sdelay $0x1  }
0x686: {  	v44 =	vor.u32 v24, v29  }
0x687: {  	v45 =	vor.u32 v10, v36;
	_ =	sdelay $0x1  }
0x688: {  	v31 =	vadd.f32 v31, v30;
	_ =	sdelay $0x1  }
0x689: {  	[tilespmem:v44+s17+$0x0] =	vst.idx.msk $0xffff, v31  }
0x68a: {  	v31 =	vld.idx.msk [tilespmem:v45+s14+$0x0], $0xffff;
	_ =	sdelay $0x1  }
0x68b: {  	v46 =	vor.u32 v25, v29  }
0x68c: {  	v47 =	vor.u32 v12, v36;
	_ =	sdelay $0x1  }
0x68d: {  	v31 =	vadd.f32 v31, v30;
	_ =	sdelay $0x1  }
0x68e: {  	[tilespmem:v46+s17+$0x0] =	vst.idx.msk $0xffff, v31  }
0x68f: {  	v31 =	vld.idx.msk [tilespmem:v47+s14+$0x0], $0xffff;
	_ =	sdelay $0x1  }
0x690: {  	v48 =	vor.u32 v26, v29  }
0x691: {  	v49 =	vor.u32 v14, v36;
	_ =	sdelay $0x1  }
0x692: {  	v31 =	vadd.f32 v31, v30;
	_ =	sdelay $0x1  }
0x693: {  	[tilespmem:v48+s17+$0x0] =	vst.idx.msk $0xffff, v31  }
0x694: {  	v31 =	vld.idx.msk [tilespmem:v49+s14+$0x0], $0xffff;
	_ =	sdelay $0x1  }
0x695: {  	v50 =	vor.u32 v27, v29  }
0x696: {  	v32 =	vor.u32 v16, v36;
	_ =	sdelay $0x1  }
0x697: {  	v31 =	vadd.f32 v31, v30;
	_ =	sdelay $0x1  }
0x698: {  	[tilespmem:v50+s17+$0x0] =	vst.idx.msk $0xffff, v31  }
0x699: {  	v22 =	vor.u32 $0x20, v22;
	v31 =	vld.idx.msk [tilespmem:v32+s14+$0x0], $0xffff  }
0x69a: {  	v51 =	vand.u32 $0x7, v20;
	v52 =	vand.u32 $0x28, v22  }
0x69b: {  	v29 =	vor.u32 v28, v29;
	v32 =	vor.u32 v51, v52  }
0x69c: {  	v33 =	vor.u32 v18, v32  }
0x69d: {  	v53 =	vor.u32 v1, v32  }
0x69e: {  	v30 =	vadd.f32 v31, v30;
	_ =	sdelay $0x1  }
0x69f: {  	[tilespmem:v29+s17+$0x0] =	vst.idx.msk $0xffff, v30  }
0x6a0: {  	v22 =	vshll.u32 v22, $0x7;
	v29 =	vld.idx.msk [tilespmem:v33+s10+$0x0], $0xffff  }
0x6a1: {  	v22 =	vand.u32 $0x1400, v22;
	v30 =	vld.idx.msk [tilespmem:v53+s14+$0x0], $0xffff  }
0x6a2: {  	v22 =	vor.u32 v3, v22  }
0x6a3: {  	v31 =	vor.u32 v19, v22  }
0x6a4: {  	v54 =	vor.u32 v4, v32;
	_ =	sdelay $0x1  }
0x6a5: {  	v30 =	vadd.f32 v30, v29;
	_ =	sdelay $0x1  }
0x6a6: {  	[tilespmem:v31+s17+$0x0] =	vst.idx.msk $0xffff, v30  }
0x6a7: {  	v30 =	vld.idx.msk [tilespmem:v54+s14+$0x0], $0xffff;
	_ =	sdelay $0x1  }
0x6a8: {  	v31 =	vor.u32 v21, v22  }
0x6a9: {  	v55 =	vor.u32 v6, v32;
	_ =	sdelay $0x1  }
0x6aa: {  	v30 =	vadd.f32 v30, v29;
	_ =	sdelay $0x1  }
0x6ab: {  	[tilespmem:v31+s17+$0x0] =	vst.idx.msk $0xffff, v30  }
0x6ac: {  	v30 =	vld.idx.msk [tilespmem:v55+s14+$0x0], $0xffff;
	_ =	sdelay $0x1  }
0x6ad: {  	v31 =	vor.u32 v23, v22  }
0x6ae: {  	v56 =	vor.u32 v8, v32;
	_ =	sdelay $0x1  }
0x6af: {  	v30 =	vadd.f32 v30, v29;
	_ =	sdelay $0x1  }
0x6b0: {  	[tilespmem:v31+s17+$0x0] =	vst.idx.msk $0xffff, v30  }
0x6b1: {  	v30 =	vld.idx.msk [tilespmem:v56+s14+$0x0], $0xffff;
	_ =	sdelay $0x1  }
0x6b2: {  	v31 =	vor.u32 v24, v22  }
0x6b3: {  	v57 =	vor.u32 v10, v32;
	_ =	sdelay $0x1  }
0x6b4: {  	v30 =	vadd.f32 v30, v29;
	_ =	sdelay $0x1  }
0x6b5: {  	[tilespmem:v31+s17+$0x0] =	vst.idx.msk $0xffff, v30  }
0x6b6: {  	v30 =	vld.idx.msk [tilespmem:v57+s14+$0x0], $0xffff;
	_ =	sdelay $0x1  }
0x6b7: {  	v31 =	vor.u32 v25, v22  }
0x6b8: {  	v58 =	vor.u32 v12, v32;
	_ =	sdelay $0x1  }
0x6b9: {  	v30 =	vadd.f32 v30, v29;
	_ =	sdelay $0x1  }
0x6ba: {  	[tilespmem:v31+s17+$0x0] =	vst.idx.msk $0xffff, v30  }
0x6bb: {  	v30 =	vld.idx.msk [tilespmem:v58+s14+$0x0], $0xffff;
	_ =	sdelay $0x1  }
0x6bc: {  	v31 =	vor.u32 v26, v22  }
0x6bd: {  	v59 =	vor.u32 v14, v32;
	_ =	sdelay $0x1  }
0x6be: {  	v30 =	vadd.f32 v30, v29;
	_ =	sdelay $0x1  }
0x6bf: {  	[tilespmem:v31+s17+$0x0] =	vst.idx.msk $0xffff, v30  }
0x6c0: {  	v30 =	vld.idx.msk [tilespmem:v59+s14+$0x0], $0xffff;
	_ =	sdelay $0x1  }
0x6c1: {  	v31 =	vor.u32 v27, v22  }
0x6c2: {  	v32 =	vor.u32 v16, v32;
	_ =	sdelay $0x1  }
0x6c3: {  	v30 =	vadd.f32 v30, v29;
	_ =	sdelay $0x1  }
0x6c4: {  	[tilespmem:v31+s17+$0x0] =	vst.idx.msk $0xffff, v30  }
0x6c5: {  	v30 =	vld.idx.msk [tilespmem:v32+s14+$0x0], $0xffff  }
0x6c6: {  	v20 =	vor.u32 $0x30, v20  }
0x6c7: {  	v22 =	vor.u32 v28, v22;
	v31 =	vand.u32 $0x3F, v20  }
0x6c8: {  	v18 =	vor.u32 v18, v31  }
0x6c9: {  	v60 =	vor.u32 v1, v31  }
0x6ca: {  	v29 =	vadd.f32 v30, v29;
	_ =	sdelay $0x1  }
0x6cb: {  	[tilespmem:v22+s17+$0x0] =	vst.idx.msk $0xffff, v29  }
0x6cc: {  	v20 =	vshll.u32 v20, $0x7;
	v18 =	vld.idx.msk [tilespmem:v18+s10+$0x0], $0xffff  }
0x6cd: {  	v20 =	vand.u32 $0x1C00, v20;
	v22 =	vld.idx.msk [tilespmem:v60+s14+$0x0], $0xffff  }
0x6ce: {  	v20 =	vor.u32 v3, v20  }
0x6cf: {  	v19 =	vor.u32 v19, v20  }
0x6d0: {  	v29 =	vor.u32 v4, v31;
	_ =	sdelay $0x1  }
0x6d1: {  	v22 =	vadd.f32 v22, v18;
	_ =	sdelay $0x1  }
0x6d2: {  	[tilespmem:v19+s17+$0x0] =	vst.idx.msk $0xffff, v22  }
0x6d3: {  	v19 =	vld.idx.msk [tilespmem:v29+s14+$0x0], $0xffff;
	_ =	sdelay $0x1  }
0x6d4: {  	v21 =	vor.u32 v21, v20  }
0x6d5: {  	v22 =	vor.u32 v6, v31;
	_ =	sdelay $0x1  }
0x6d6: {  	v19 =	vadd.f32 v19, v18;
	_ =	sdelay $0x1  }
0x6d7: {  	[tilespmem:v21+s17+$0x0] =	vst.idx.msk $0xffff, v19  }
0x6d8: {  	v19 =	vld.idx.msk [tilespmem:v22+s14+$0x0], $0xffff;
	_ =	sdelay $0x1  }
0x6d9: {  	v21 =	vor.u32 v23, v20  }
0x6da: {  	v22 =	vor.u32 v8, v31;
	_ =	sdelay $0x1  }
0x6db: {  	v19 =	vadd.f32 v19, v18;
	_ =	sdelay $0x1  }
0x6dc: {  	[tilespmem:v21+s17+$0x0] =	vst.idx.msk $0xffff, v19  }
0x6dd: {  	v19 =	vld.idx.msk [tilespmem:v22+s14+$0x0], $0xffff;
	_ =	sdelay $0x1  }
0x6de: {  	v21 =	vor.u32 v24, v20  }
0x6df: {  	v22 =	vor.u32 v10, v31;
	_ =	sdelay $0x1  }
0x6e0: {  	v19 =	vadd.f32 v19, v18;
	_ =	sdelay $0x1  }
0x6e1: {  	[tilespmem:v21+s17+$0x0] =	vst.idx.msk $0xffff, v19  }
0x6e2: {  	v19 =	vld.idx.msk [tilespmem:v22+s14+$0x0], $0xffff;
	_ =	sdelay $0x1  }
0x6e3: {  	v21 =	vor.u32 v25, v20  }
0x6e4: {  	v22 =	vor.u32 v12, v31;
	_ =	sdelay $0x1  }
0x6e5: {  	v19 =	vadd.f32 v19, v18;
	_ =	sdelay $0x1  }
0x6e6: {  	[tilespmem:v21+s17+$0x0] =	vst.idx.msk $0xffff, v19  }
0x6e7: {  	v19 =	vld.idx.msk [tilespmem:v22+s14+$0x0], $0xffff;
	_ =	sdelay $0x1  }
0x6e8: {  	v21 =	vor.u32 v26, v20  }
0x6e9: {  	v22 =	vor.u32 v14, v31;
	_ =	sdelay $0x1  }
0x6ea: {  	v19 =	vadd.f32 v19, v18;
	_ =	sdelay $0x1  }
0x6eb: {  	[tilespmem:v21+s17+$0x0] =	vst.idx.msk $0xffff, v19  }
0x6ec: {  	v19 =	vld.idx.msk [tilespmem:v22+s14+$0x0], $0xffff;
	_ =	sdelay $0x1  }
0x6ed: {  	v21 =	vor.u32 v27, v20  }
0x6ee: {  	v22 =	vor.u32 v16, v31;
	_ =	sdelay $0x1  }
0x6ef: {  	v19 =	vadd.f32 v19, v18;
	_ =	sdelay $0x1  }
0x6f0: {  	[tilespmem:v21+s17+$0x0] =	vst.idx.msk $0xffff, v19  }
0x6f1: {  	v19 =	vld.idx.msk [tilespmem:v22+s14+$0x0], $0xffff;
	_ =	sdelay $0x1  }
0x6f2: {  	v20 =	vor.u32 v28, v20;
	_ =	sdelay $0x2  }
0x6f3: {  	v18 =	vadd.f32 v19, v18;
	_ =	sdelay $0x1  }
0x6f4: {  	p0 =	seq.s32 s24, $0x63;
	[tilespmem:v20+s17+$0x0] =	vst.idx.msk $0xffff, v18  }
0x6f5: {  	[hbm4b:s26+s9] =	stream.strided.scatter [tilespmem:s17], [sflag:$0x4], $0x2000, s18, s9, $0x38;
	[tilespmem:$0x11600] =	vst v63  }
0x6f6: {  	s26 =	sshll.u32 @!p0 s24, $0x8  }
0x6f7: {  	s26 =	sand.u32 @!p0 $0x3FFFFF00, s26  }
0x6f8: {  	s28 =	simm.s32 @!p0 $0x80;
	s29 =	simm.s32 @!p0 $0x9600;
	s26 =	sadd.s32 @!p0 $0x100, s26  }
0x6f9: {  	[tilespmem:s29], [sflag:$0x2] =	stream.indirect.gather @!p0 [hbm4b:s5+s28], $0x40, s26, s28, $0xb8;
	[tilespmem:$0x11600] =	vst v63  }
0x6fa: {  	s26 =	simm.s32 $0x0  }
0x6fb: {  	s29 =	sshll.u32 s25, $0x6;
	v19 =	vadd.s32 s26, v0  }
0x6fc: {  	_ =	swait.ge [sflag:s19], $0x2000;
	v18 =	vmov s29;
	v28 =	vand.u32 $0xF, v19  }
0x6fd: {  	[sflag:s19] =	ssyncset.done $0x0;
	v20 =	vor.u32 v18, v28  }
0x6fe: {  	[sflag:s19] =	ssyncadd.s32 $0xFFFFE000;
	v21 =	vor.u32 v1, v28  }
0x6ff: {  	_ =	swait.ge [sflag:s22], $0x2000  }
0x700: {  	[sflag:s22] =	ssyncset.done $0x0  }
0x701: {  	[sflag:s22] =	ssyncadd.s32 $0xFFFFE000  }
0x702: {  	v27 =	vshll.u32 v19, $0x7;
	v29 =	vld.idx.msk [tilespmem:v20+s10+$0x0], $0xffff  }
0x703: {  	v22 =	vand.u32 $0x400, v27;
	v20 =	vand.u32 $0x380, v27;
	v21 =	vld.idx.msk [tilespmem:v21+s15+$0x0], $0xffff  }
0x704: {  	v30 =	vor.u32 v3, v22;
	v20 =	vor.u32 v2, v20  }
0x705: {  	v22 =	vor.u32 v20, v30  }
0x706: {  	v23 =	vor.u32 v4, v28;
	_ =	sdelay $0x1  }
0x707: {  	v21 =	vadd.f32 v21, v29;
	_ =	sdelay $0x1  }
0x708: {  	[tilespmem:v22+s20+$0x0] =	vst.idx.msk $0xffff, v21  }
0x709: {  	v21 =	vor.u32 v5, v27;
	v22 =	vld.idx.msk [tilespmem:v23+s15+$0x0], $0xffff  }
0x70a: {  	v21 =	vand.u32 $0x398, v21  }
0x70b: {  	v23 =	vor.u32 v21, v30  }
0x70c: {  	v24 =	vor.u32 v6, v28;
	_ =	sdelay $0x1  }
0x70d: {  	v22 =	vadd.f32 v22, v29;
	_ =	sdelay $0x1  }
0x70e: {  	[tilespmem:v23+s20+$0x0] =	vst.idx.msk $0xffff, v22  }
0x70f: {  	v22 =	vor.u32 v7, v27;
	v23 =	vld.idx.msk [tilespmem:v24+s15+$0x0], $0xffff  }
0x710: {  	v22 =	vand.u32 $0x3A8, v22  }
0x711: {  	v24 =	vor.u32 v22, v30  }
0x712: {  	v25 =	vor.u32 v8, v28;
	_ =	sdelay $0x1  }
0x713: {  	v23 =	vadd.f32 v23, v29;
	_ =	sdelay $0x1  }
0x714: {  	[tilespmem:v24+s20+$0x0] =	vst.idx.msk $0xffff, v23  }
0x715: {  	v23 =	vor.u32 v9, v27;
	v24 =	vld.idx.msk [tilespmem:v25+s15+$0x0], $0xffff  }
0x716: {  	v23 =	vand.u32 $0x3B8, v23  }
0x717: {  	v25 =	vor.u32 v23, v30  }
0x718: {  	v26 =	vor.u32 v10, v28;
	_ =	sdelay $0x1  }
0x719: {  	v24 =	vadd.f32 v24, v29;
	_ =	sdelay $0x1  }
0x71a: {  	[tilespmem:v25+s20+$0x0] =	vst.idx.msk $0xffff, v24  }
0x71b: {  	v24 =	vor.u32 v11, v27;
	v25 =	vld.idx.msk [tilespmem:v26+s15+$0x0], $0xffff  }
0x71c: {  	v24 =	vand.u32 $0x3C8, v24  }
0x71d: {  	v26 =	vor.u32 v24, v30  }
0x71e: {  	v31 =	vor.u32 v12, v28;
	_ =	sdelay $0x1  }
0x71f: {  	v25 =	vadd.f32 v25, v29;
	_ =	sdelay $0x1  }
0x720: {  	[tilespmem:v26+s20+$0x0] =	vst.idx.msk $0xffff, v25  }
0x721: {  	v25 =	vor.u32 v13, v27;
	v26 =	vld.idx.msk [tilespmem:v31+s15+$0x0], $0xffff  }
0x722: {  	v25 =	vand.u32 $0x3D8, v25  }
0x723: {  	v31 =	vor.u32 v25, v30  }
0x724: {  	v61 =	vor.u32 v14, v28;
	_ =	sdelay $0x1  }
0x725: {  	v26 =	vadd.f32 v26, v29;
	_ =	sdelay $0x1  }
0x726: {  	[tilespmem:v31+s20+$0x0] =	vst.idx.msk $0xffff, v26  }
0x727: {  	v26 =	vor.u32 v15, v27;
	v31 =	vld.idx.msk [tilespmem:v61+s15+$0x0], $0xffff  }
0x728: {  	v26 =	vand.u32 $0x3E8, v26  }
0x729: {  	v62 =	vor.u32 v26, v30  }
0x72a: {  	v63 =	vor.u32 v16, v28;
	_ =	sdelay $0x1  }
0x72b: {  	v31 =	vadd.f32 v31, v29;
	_ =	sdelay $0x1  }
0x72c: {  	[tilespmem:v62+s20+$0x0] =	vst.idx.msk $0xffff, v31  }
0x72d: {  	v27 =	vor.u32 v17, v27;
	v31 =	vld.idx.msk [tilespmem:v63+s15+$0x0], $0xffff  }
0x72e: {  	v36 =	vor.u32 $0x10, v19;
	v27 =	vand.u32 $0x3F8, v27  }
0x72f: {  	v37 =	vand.u32 $0x1F, v36;
	v30 =	vor.u32 v27, v30  }
0x730: {  	v38 =	vor.u32 v18, v37  }
0x731: {  	v39 =	vor.u32 v1, v37  }
0x732: {  	v29 =	vadd.f32 v31, v29;
	_ =	sdelay $0x1  }
0x733: {  	[tilespmem:v30+s20+$0x0] =	vst.idx.msk $0xffff, v29  }
0x734: {  	v29 =	vshll.u32 v36, $0x7;
	v30 =	vld.idx.msk [tilespmem:v38+s10+$0x0], $0xffff  }
0x735: {  	v29 =	vand.u32 $0xC00, v29;
	v31 =	vld.idx.msk [tilespmem:v39+s15+$0x0], $0xffff  }
0x736: {  	v29 =	vor.u32 v3, v29  }
0x737: {  	v40 =	vor.u32 v20, v29  }
0x738: {  	v41 =	vor.u32 v4, v37;
	_ =	sdelay $0x1  }
0x739: {  	v31 =	vadd.f32 v31, v30;
	_ =	sdelay $0x1  }
0x73a: {  	[tilespmem:v40+s20+$0x0] =	vst.idx.msk $0xffff, v31  }
0x73b: {  	v31 =	vld.idx.msk [tilespmem:v41+s15+$0x0], $0xffff;
	_ =	sdelay $0x1  }
0x73c: {  	v42 =	vor.u32 v21, v29  }
0x73d: {  	v43 =	vor.u32 v6, v37;
	_ =	sdelay $0x1  }
0x73e: {  	v31 =	vadd.f32 v31, v30;
	_ =	sdelay $0x1  }
0x73f: {  	[tilespmem:v42+s20+$0x0] =	vst.idx.msk $0xffff, v31  }
0x740: {  	v31 =	vld.idx.msk [tilespmem:v43+s15+$0x0], $0xffff;
	_ =	sdelay $0x1  }
0x741: {  	v44 =	vor.u32 v22, v29  }
0x742: {  	v45 =	vor.u32 v8, v37;
	_ =	sdelay $0x1  }
0x743: {  	v31 =	vadd.f32 v31, v30;
	_ =	sdelay $0x1  }
0x744: {  	[tilespmem:v44+s20+$0x0] =	vst.idx.msk $0xffff, v31  }
0x745: {  	v31 =	vld.idx.msk [tilespmem:v45+s15+$0x0], $0xffff;
	_ =	sdelay $0x1  }
0x746: {  	v46 =	vor.u32 v23, v29  }
0x747: {  	v47 =	vor.u32 v10, v37;
	_ =	sdelay $0x1  }
0x748: {  	v31 =	vadd.f32 v31, v30;
	_ =	sdelay $0x1  }
0x749: {  	[tilespmem:v46+s20+$0x0] =	vst.idx.msk $0xffff, v31  }
0x74a: {  	v31 =	vld.idx.msk [tilespmem:v47+s15+$0x0], $0xffff;
	_ =	sdelay $0x1  }
0x74b: {  	v48 =	vor.u32 v24, v29  }
0x74c: {  	v49 =	vor.u32 v12, v37;
	_ =	sdelay $0x1  }
0x74d: {  	v31 =	vadd.f32 v31, v30;
	_ =	sdelay $0x1  }
0x74e: {  	[tilespmem:v48+s20+$0x0] =	vst.idx.msk $0xffff, v31  }
0x74f: {  	v31 =	vld.idx.msk [tilespmem:v49+s15+$0x0], $0xffff;
	_ =	sdelay $0x1  }
0x750: {  	v50 =	vor.u32 v25, v29  }
0x751: {  	v51 =	vor.u32 v14, v37;
	_ =	sdelay $0x1  }
0x752: {  	v31 =	vadd.f32 v31, v30;
	_ =	sdelay $0x1  }
0x753: {  	[tilespmem:v50+s20+$0x0] =	vst.idx.msk $0xffff, v31  }
0x754: {  	v31 =	vld.idx.msk [tilespmem:v51+s15+$0x0], $0xffff;
	_ =	sdelay $0x1  }
0x755: {  	v52 =	vor.u32 v26, v29  }
0x756: {  	v33 =	vor.u32 v16, v37;
	_ =	sdelay $0x1  }
0x757: {  	v31 =	vadd.f32 v31, v30;
	_ =	sdelay $0x1  }
0x758: {  	[tilespmem:v52+s20+$0x0] =	vst.idx.msk $0xffff, v31  }
0x759: {  	v28 =	vor.u32 $0x20, v28;
	v31 =	vld.idx.msk [tilespmem:v33+s15+$0x0], $0xffff  }
0x75a: {  	v53 =	vand.u32 $0x7, v19;
	v54 =	vand.u32 $0x28, v28  }
0x75b: {  	v32 =	vor.u32 v53, v54;
	v29 =	vor.u32 v27, v29  }
0x75c: {  	v33 =	vor.u32 v18, v32  }
0x75d: {  	v55 =	vor.u32 v1, v32  }
0x75e: {  	v30 =	vadd.f32 v31, v30;
	_ =	sdelay $0x1  }
0x75f: {  	[tilespmem:v29+s20+$0x0] =	vst.idx.msk $0xffff, v30  }
0x760: {  	v28 =	vshll.u32 v28, $0x7;
	v29 =	vld.idx.msk [tilespmem:v33+s10+$0x0], $0xffff  }
0x761: {  	v28 =	vand.u32 $0x1400, v28;
	v30 =	vld.idx.msk [tilespmem:v55+s15+$0x0], $0xffff  }
0x762: {  	v28 =	vor.u32 v3, v28  }
0x763: {  	v31 =	vor.u32 v20, v28  }
0x764: {  	v56 =	vor.u32 v4, v32;
	_ =	sdelay $0x1  }
0x765: {  	v30 =	vadd.f32 v30, v29;
	_ =	sdelay $0x1  }
0x766: {  	[tilespmem:v31+s20+$0x0] =	vst.idx.msk $0xffff, v30  }
0x767: {  	v30 =	vld.idx.msk [tilespmem:v56+s15+$0x0], $0xffff;
	_ =	sdelay $0x1  }
0x768: {  	v31 =	vor.u32 v21, v28  }
0x769: {  	v57 =	vor.u32 v6, v32;
	_ =	sdelay $0x1  }
0x76a: {  	v30 =	vadd.f32 v30, v29;
	_ =	sdelay $0x1  }
0x76b: {  	[tilespmem:v31+s20+$0x0] =	vst.idx.msk $0xffff, v30  }
0x76c: {  	v30 =	vld.idx.msk [tilespmem:v57+s15+$0x0], $0xffff;
	_ =	sdelay $0x1  }
0x76d: {  	v31 =	vor.u32 v22, v28  }
0x76e: {  	v58 =	vor.u32 v8, v32;
	_ =	sdelay $0x1  }
0x76f: {  	v30 =	vadd.f32 v30, v29;
	_ =	sdelay $0x1  }
0x770: {  	[tilespmem:v31+s20+$0x0] =	vst.idx.msk $0xffff, v30  }
0x771: {  	v30 =	vld.idx.msk [tilespmem:v58+s15+$0x0], $0xffff;
	_ =	sdelay $0x1  }
0x772: {  	v31 =	vor.u32 v23, v28  }
0x773: {  	v59 =	vor.u32 v10, v32;
	_ =	sdelay $0x1  }
0x774: {  	v30 =	vadd.f32 v30, v29;
	_ =	sdelay $0x1  }
0x775: {  	[tilespmem:v31+s20+$0x0] =	vst.idx.msk $0xffff, v30  }
0x776: {  	v30 =	vld.idx.msk [tilespmem:v59+s15+$0x0], $0xffff;
	_ =	sdelay $0x1  }
0x777: {  	v31 =	vor.u32 v24, v28  }
0x778: {  	v60 =	vor.u32 v12, v32;
	_ =	sdelay $0x1  }
0x779: {  	v30 =	vadd.f32 v30, v29;
	_ =	sdelay $0x1  }
0x77a: {  	[tilespmem:v31+s20+$0x0] =	vst.idx.msk $0xffff, v30  }
0x77b: {  	v30 =	vld.idx.msk [tilespmem:v60+s15+$0x0], $0xffff;
	_ =	sdelay $0x1  }
0x77c: {  	v31 =	vor.u32 v25, v28  }
0x77d: {  	v61 =	vor.u32 v14, v32;
	_ =	sdelay $0x1  }
0x77e: {  	v30 =	vadd.f32 v30, v29;
	_ =	sdelay $0x1  }
0x77f: {  	[tilespmem:v31+s20+$0x0] =	vst.idx.msk $0xffff, v30  }
0x780: {  	v30 =	vld.idx.msk [tilespmem:v61+s15+$0x0], $0xffff;
	_ =	sdelay $0x1  }
0x781: {  	v31 =	vor.u32 v26, v28  }
0x782: {  	v32 =	vor.u32 v16, v32;
	_ =	sdelay $0x1  }
0x783: {  	v30 =	vadd.f32 v30, v29;
	_ =	sdelay $0x1  }
0x784: {  	[tilespmem:v31+s20+$0x0] =	vst.idx.msk $0xffff, v30  }
0x785: {  	v30 =	vld.idx.msk [tilespmem:v32+s15+$0x0], $0xffff  }
0x786: {  	v19 =	vor.u32 $0x30, v19  }
0x787: {  	v28 =	vor.u32 v27, v28;
	v31 =	vand.u32 $0x3F, v19  }
0x788: {  	v62 =	vor.u32 v18, v31  }
0x789: {  	v63 =	vor.u32 v1, v31  }
0x78a: {  	v29 =	vadd.f32 v30, v29;
	_ =	sdelay $0x1  }
0x78b: {  	[tilespmem:v28+s20+$0x0] =	vst.idx.msk $0xffff, v29  }
0x78c: {  	v19 =	vshll.u32 v19, $0x7;
	v32 =	vld.idx.msk [tilespmem:v62+s10+$0x0], $0xffff  }
0x78d: {  	v19 =	vand.u32 $0x1C00, v19;
	v28 =	vld.idx.msk [tilespmem:v63+s15+$0x0], $0xffff  }
0x78e: {  	v19 =	vor.u32 v3, v19  }
0x78f: {  	v20 =	vor.u32 v20, v19  }
0x790: {  	v29 =	vor.u32 v4, v31;
	_ =	sdelay $0x1  }
0x791: {  	v28 =	vadd.f32 v28, v32;
	_ =	sdelay $0x1  }
0x792: {  	[tilespmem:v20+s20+$0x0] =	vst.idx.msk $0xffff, v28  }
0x793: {  	v20 =	vld.idx.msk [tilespmem:v29+s15+$0x0], $0xffff;
	_ =	sdelay $0x1  }
0x794: {  	v21 =	vor.u32 v21, v19  }
0x795: {  	v28 =	vor.u32 v6, v31;
	_ =	sdelay $0x1  }
0x796: {  	v20 =	vadd.f32 v20, v32;
	_ =	sdelay $0x1  }
0x797: {  	[tilespmem:v21+s20+$0x0] =	vst.idx.msk $0xffff, v20  }
0x798: {  	v20 =	vld.idx.msk [tilespmem:v28+s15+$0x0], $0xffff;
	_ =	sdelay $0x1  }
0x799: {  	v21 =	vor.u32 v22, v19  }
0x79a: {  	v22 =	vor.u32 v8, v31;
	_ =	sdelay $0x1  }
0x79b: {  	v20 =	vadd.f32 v20, v32;
	_ =	sdelay $0x1  }
0x79c: {  	[tilespmem:v21+s20+$0x0] =	vst.idx.msk $0xffff, v20  }
0x79d: {  	v20 =	vld.idx.msk [tilespmem:v22+s15+$0x0], $0xffff;
	_ =	sdelay $0x1  }
0x79e: {  	v21 =	vor.u32 v23, v19  }
0x79f: {  	v22 =	vor.u32 v10, v31;
	_ =	sdelay $0x1  }
0x7a0: {  	v20 =	vadd.f32 v20, v32;
	_ =	sdelay $0x1  }
0x7a1: {  	[tilespmem:v21+s20+$0x0] =	vst.idx.msk $0xffff, v20  }
0x7a2: {  	v20 =	vld.idx.msk [tilespmem:v22+s15+$0x0], $0xffff;
	_ =	sdelay $0x1  }
0x7a3: {  	v21 =	vor.u32 v24, v19  }
0x7a4: {  	v22 =	vor.u32 v12, v31;
	_ =	sdelay $0x1  }
0x7a5: {  	v20 =	vadd.f32 v20, v32;
	_ =	sdelay $0x1  }
0x7a6: {  	[tilespmem:v21+s20+$0x0] =	vst.idx.msk $0xffff, v20  }
0x7a7: {  	v20 =	vld.idx.msk [tilespmem:v22+s15+$0x0], $0xffff;
	_ =	sdelay $0x1  }
0x7a8: {  	v21 =	vor.u32 v25, v19  }
0x7a9: {  	v22 =	vor.u32 v14, v31;
	_ =	sdelay $0x1  }
0x7aa: {  	v20 =	vadd.f32 v20, v32;
	_ =	sdelay $0x1  }
0x7ab: {  	[tilespmem:v21+s20+$0x0] =	vst.idx.msk $0xffff, v20  }
0x7ac: {  	v20 =	vld.idx.msk [tilespmem:v22+s15+$0x0], $0xffff;
	_ =	sdelay $0x1  }
0x7ad: {  	v21 =	vor.u32 v26, v19  }
0x7ae: {  	v22 =	vor.u32 v16, v31;
	_ =	sdelay $0x1  }
0x7af: {  	v20 =	vadd.f32 v20, v32;
	_ =	sdelay $0x1  }
0x7b0: {  	s28 =	sshll.u32 s25, $0x12;
	[tilespmem:v21+s20+$0x0] =	vst.idx.msk $0xffff, v20  }
0x7b1: {  	s25 =	sor.u32 s4, s28;
	s29 =	simm.s32 $0x1;
	v24 =	vld.idx.msk [tilespmem:v22+s15+$0x0], $0xffff  }
0x7b2: {  	s25 =	sshrl.u32 s25, $0x3;
	v23 =	vor.u32 v27, v19;
	v20 =	vadd.s32 s29, v0  }
0x7b3: {  	s26 =	simm.s32 $0x2;
	s25 =	sadd.s32 s2, s25;
	v22 =	vand.u32 $0xF, v20;
	v30 =	vshll.u32 v20, $0x7;
	v31 =	vor.u32 $0x10, v20  }
.LBB2_11:
0x7b4: {  	p0 =	sne.s32 s26, $0xF;
	v25 =	vor.u32 v18, v22;
	v26 =	vor.u32 v1, v22;
	v21 =	vor.u32 $0x30, v20;
	s28 =	smov.u32 s26;
	s26 =	sadd.s32 $0x1, s26  }
0x7b5: {  	v19 =	vand.u32 $0x3F, v21;
	v21 =	vshll.u32 v21, $0x7  }
0x7b6: {  	v24 =	vadd.f32 v24, v32;
	v21 =	vand.u32 $0x1C00, v21;
	_ =	sdelay $0x1  }
0x7b7: {  	[tilespmem:v23+s20+$0x0] =	vst.idx.msk $0xffff, v24  }
0x7b8: {  	v32 =	vld.idx.msk [tilespmem:v25+s10+$0x0], $0xffff  }
0x7b9: {  	v23 =	vand.u32 $0x380, v30;
	v25 =	vand.u32 $0x400, v30;
	v24 =	vld.idx.msk [tilespmem:v26+s15+$0x0], $0xffff  }
0x7ba: {  	v23 =	vor.u32 v2, v23;
	v33 =	vor.u32 v3, v25  }
0x7bb: {  	v25 =	vor.u32 v23, v33  }
0x7bc: {  	v26 =	vor.u32 v4, v22;
	_ =	sdelay $0x2  }
0x7bd: {  	v24 =	vadd.f32 v24, v32;
	_ =	sdelay $0x1  }
0x7be: {  	[tilespmem:v25+s20+$0x0] =	vst.idx.msk $0xffff, v24  }
0x7bf: {  	v24 =	vor.u32 v5, v30;
	v25 =	vld.idx.msk [tilespmem:v26+s15+$0x0], $0xffff  }
0x7c0: {  	v24 =	vand.u32 $0x398, v24  }
0x7c1: {  	v26 =	vor.u32 v24, v33  }
0x7c2: {  	v27 =	vor.u32 v6, v22;
	_ =	sdelay $0x2  }
0x7c3: {  	v25 =	vadd.f32 v25, v32;
	_ =	sdelay $0x1  }
0x7c4: {  	[tilespmem:v26+s20+$0x0] =	vst.idx.msk $0xffff, v25  }
0x7c5: {  	v25 =	vor.u32 v7, v30;
	v26 =	vld.idx.msk [tilespmem:v27+s15+$0x0], $0xffff  }
0x7c6: {  	v25 =	vand.u32 $0x3A8, v25  }
0x7c7: {  	v27 =	vor.u32 v25, v33  }
0x7c8: {  	v28 =	vor.u32 v8, v22;
	_ =	sdelay $0x2  }
0x7c9: {  	v26 =	vadd.f32 v26, v32;
	_ =	sdelay $0x1  }
0x7ca: {  	[tilespmem:v27+s20+$0x0] =	vst.idx.msk $0xffff, v26  }
0x7cb: {  	v26 =	vor.u32 v9, v30;
	v27 =	vld.idx.msk [tilespmem:v28+s15+$0x0], $0xffff  }
0x7cc: {  	v26 =	vand.u32 $0x3B8, v26  }
0x7cd: {  	v28 =	vor.u32 v26, v33  }
0x7ce: {  	v29 =	vor.u32 v10, v22;
	_ =	sdelay $0x2  }
0x7cf: {  	v27 =	vadd.f32 v27, v32;
	_ =	sdelay $0x1  }
0x7d0: {  	[tilespmem:v28+s20+$0x0] =	vst.idx.msk $0xffff, v27  }
0x7d1: {  	v27 =	vor.u32 v11, v30;
	v28 =	vld.idx.msk [tilespmem:v29+s15+$0x0], $0xffff  }
0x7d2: {  	v27 =	vand.u32 $0x3C8, v27  }
0x7d3: {  	v29 =	vor.u32 v27, v33  }
0x7d4: {  	v34 =	vor.u32 v12, v22;
	_ =	sdelay $0x2  }
0x7d5: {  	v28 =	vadd.f32 v28, v32;
	_ =	sdelay $0x1  }
0x7d6: {  	[tilespmem:v29+s20+$0x0] =	vst.idx.msk $0xffff, v28  }
0x7d7: {  	v28 =	vor.u32 v13, v30;
	v29 =	vld.idx.msk [tilespmem:v34+s15+$0x0], $0xffff  }
0x7d8: {  	v28 =	vand.u32 $0x3D8, v28  }
0x7d9: {  	v34 =	vor.u32 v28, v33  }
0x7da: {  	v35 =	vor.u32 v14, v22;
	_ =	sdelay $0x2  }
0x7db: {  	v29 =	vadd.f32 v29, v32;
	_ =	sdelay $0x1  }
0x7dc: {  	[tilespmem:v34+s20+$0x0] =	vst.idx.msk $0xffff, v29  }
0x7dd: {  	v29 =	vor.u32 v15, v30;
	v34 =	vld.idx.msk [tilespmem:v35+s15+$0x0], $0xffff  }
0x7de: {  	v29 =	vand.u32 $0x3E8, v29  }
0x7df: {  	v35 =	vor.u32 v29, v33  }
0x7e0: {  	v36 =	vor.u32 v16, v22;
	_ =	sdelay $0x2  }
0x7e1: {  	v34 =	vadd.f32 v34, v32;
	_ =	sdelay $0x1  }
0x7e2: {  	[tilespmem:v35+s20+$0x0] =	vst.idx.msk $0xffff, v34  }
0x7e3: {  	v30 =	vor.u32 v17, v30;
	v34 =	vld.idx.msk [tilespmem:v36+s15+$0x0], $0xffff  }
0x7e4: {  	v30 =	vand.u32 $0x3F8, v30  }
0x7e5: {  	v33 =	vor.u32 v30, v33  }
0x7e6: {  	v35 =	vand.u32 $0x1F, v31  }
0x7e7: {  	v36 =	vor.u32 v18, v35;
	v37 =	vor.u32 v1, v35;
	_ =	sdelay $0x1  }
0x7e8: {  	v32 =	vadd.f32 v34, v32;
	_ =	sdelay $0x1  }
0x7e9: {  	v31 =	vshll.u32 v31, $0x7;
	[tilespmem:v33+s20+$0x0] =	vst.idx.msk $0xffff, v32  }
0x7ea: {  	v31 =	vand.u32 $0xC00, v31;
	v32 =	vld.idx.msk [tilespmem:v36+s10+$0x0], $0xffff  }
0x7eb: {  	v31 =	vor.u32 v3, v31;
	v33 =	vld.idx.msk [tilespmem:v37+s15+$0x0], $0xffff  }
0x7ec: {  	v34 =	vor.u32 v23, v31  }
0x7ed: {  	v36 =	vor.u32 v4, v35;
	_ =	sdelay $0x3  }
0x7ee: {  	v33 =	vadd.f32 v33, v32;
	_ =	sdelay $0x1  }
0x7ef: {  	[tilespmem:v34+s20+$0x0] =	vst.idx.msk $0xffff, v33  }
0x7f0: {  	v33 =	vld.idx.msk [tilespmem:v36+s15+$0x0], $0xffff  }
0x7f1: {  	v34 =	vor.u32 v24, v31  }
0x7f2: {  	v36 =	vor.u32 v6, v35;
	_ =	sdelay $0x3  }
0x7f3: {  	v33 =	vadd.f32 v33, v32;
	_ =	sdelay $0x1  }
0x7f4: {  	[tilespmem:v34+s20+$0x0] =	vst.idx.msk $0xffff, v33  }
0x7f5: {  	v33 =	vld.idx.msk [tilespmem:v36+s15+$0x0], $0xffff  }
0x7f6: {  	v34 =	vor.u32 v25, v31  }
0x7f7: {  	v36 =	vor.u32 v8, v35;
	_ =	sdelay $0x3  }
0x7f8: {  	v33 =	vadd.f32 v33, v32;
	_ =	sdelay $0x1  }
0x7f9: {  	[tilespmem:v34+s20+$0x0] =	vst.idx.msk $0xffff, v33  }
0x7fa: {  	v33 =	vld.idx.msk [tilespmem:v36+s15+$0x0], $0xffff  }
0x7fb: {  	v34 =	vor.u32 v26, v31  }
0x7fc: {  	v36 =	vor.u32 v10, v35;
	_ =	sdelay $0x3  }
0x7fd: {  	v33 =	vadd.f32 v33, v32;
	_ =	sdelay $0x1  }
0x7fe: {  	[tilespmem:v34+s20+$0x0] =	vst.idx.msk $0xffff, v33  }
0x7ff: {  	v33 =	vld.idx.msk [tilespmem:v36+s15+$0x0], $0xffff  }
0x800: {  	v34 =	vor.u32 v27, v31  }
0x801: {  	v36 =	vor.u32 v12, v35;
	_ =	sdelay $0x3  }
0x802: {  	v33 =	vadd.f32 v33, v32;
	_ =	sdelay $0x1  }
0x803: {  	[tilespmem:v34+s20+$0x0] =	vst.idx.msk $0xffff, v33  }
0x804: {  	v33 =	vld.idx.msk [tilespmem:v36+s15+$0x0], $0xffff  }
0x805: {  	v34 =	vor.u32 v28, v31  }
0x806: {  	v36 =	vor.u32 v14, v35;
	_ =	sdelay $0x3  }
0x807: {  	v33 =	vadd.f32 v33, v32;
	_ =	sdelay $0x1  }
0x808: {  	[tilespmem:v34+s20+$0x0] =	vst.idx.msk $0xffff, v33  }
0x809: {  	v33 =	vld.idx.msk [tilespmem:v36+s15+$0x0], $0xffff  }
0x80a: {  	v34 =	vor.u32 v29, v31  }
0x80b: {  	v35 =	vor.u32 v16, v35;
	_ =	sdelay $0x3  }
0x80c: {  	v33 =	vadd.f32 v33, v32;
	_ =	sdelay $0x1  }
0x80d: {  	[tilespmem:v34+s20+$0x0] =	vst.idx.msk $0xffff, v33  }
0x80e: {  	v33 =	vld.idx.msk [tilespmem:v35+s15+$0x0], $0xffff  }
0x80f: {  	v22 =	vor.u32 $0x20, v22;
	v31 =	vor.u32 v30, v31  }
0x810: {  	v20 =	vand.u32 $0x7, v20;
	v34 =	vand.u32 $0x28, v22;
	v22 =	vshll.u32 v22, $0x7  }
0x811: {  	v20 =	vor.u32 v20, v34;
	v22 =	vand.u32 $0x1400, v22  }
0x812: {  	v34 =	vor.u32 v18, v20;
	v35 =	vor.u32 v1, v20;
	v22 =	vor.u32 v3, v22  }
0x813: {  	v36 =	vor.u32 v23, v22;
	v37 =	vor.u32 v24, v22;
	v38 =	vor.u32 v25, v22  }
0x814: {  	v39 =	vor.u32 v27, v22;
	v32 =	vadd.f32 v33, v32;
	v33 =	vor.u32 v26, v22  }
0x815: {  	v40 =	vor.u32 v28, v22;
	v41 =	vor.u32 v29, v22;
	v22 =	vor.u32 v30, v22  }
0x816: {  	[tilespmem:v31+s20+$0x0] =	vst.idx.msk $0xffff, v32  }
0x817: {  	v31 =	vld.idx.msk [tilespmem:v34+s10+$0x0], $0xffff  }
0x818: {  	v32 =	vld.idx.msk [tilespmem:v35+s15+$0x0], $0xffff  }
0x819: {  	v34 =	vor.u32 v4, v20;
	_ =	sdelay $0x4  }
0x81a: {  	v32 =	vadd.f32 v32, v31;
	_ =	sdelay $0x1  }
0x81b: {  	[tilespmem:v36+s20+$0x0] =	vst.idx.msk $0xffff, v32  }
0x81c: {  	v32 =	vld.idx.msk [tilespmem:v34+s15+$0x0], $0xffff  }
0x81d: {  	v34 =	vor.u32 v6, v20;
	_ =	sdelay $0x4  }
0x81e: {  	v32 =	vadd.f32 v32, v31;
	_ =	sdelay $0x1  }
0x81f: {  	[tilespmem:v37+s20+$0x0] =	vst.idx.msk $0xffff, v32  }
0x820: {  	v32 =	vld.idx.msk [tilespmem:v34+s15+$0x0], $0xffff  }
0x821: {  	v34 =	vor.u32 v8, v20;
	_ =	sdelay $0x4  }
0x822: {  	v32 =	vadd.f32 v32, v31;
	_ =	sdelay $0x1  }
0x823: {  	[tilespmem:v38+s20+$0x0] =	vst.idx.msk $0xffff, v32  }
0x824: {  	v32 =	vld.idx.msk [tilespmem:v34+s15+$0x0], $0xffff  }
0x825: {  	v34 =	vor.u32 v10, v20;
	_ =	sdelay $0x4  }
0x826: {  	v32 =	vadd.f32 v32, v31;
	_ =	sdelay $0x1  }
0x827: {  	[tilespmem:v33+s20+$0x0] =	vst.idx.msk $0xffff, v32  }
0x828: {  	v32 =	vld.idx.msk [tilespmem:v34+s15+$0x0], $0xffff  }
0x829: {  	v33 =	vor.u32 v12, v20;
	_ =	sdelay $0x4  }
0x82a: {  	v32 =	vadd.f32 v32, v31;
	_ =	sdelay $0x1  }
0x82b: {  	[tilespmem:v39+s20+$0x0] =	vst.idx.msk $0xffff, v32  }
0x82c: {  	v32 =	vld.idx.msk [tilespmem:v33+s15+$0x0], $0xffff  }
0x82d: {  	v33 =	vor.u32 v14, v20;
	_ =	sdelay $0x4  }
0x82e: {  	v32 =	vadd.f32 v32, v31;
	_ =	sdelay $0x1  }
0x82f: {  	[tilespmem:v40+s20+$0x0] =	vst.idx.msk $0xffff, v32  }
0x830: {  	v32 =	vld.idx.msk [tilespmem:v33+s15+$0x0], $0xffff  }
0x831: {  	v20 =	vor.u32 v16, v20;
	_ =	sdelay $0x4  }
0x832: {  	v32 =	vadd.f32 v32, v31;
	_ =	sdelay $0x1  }
0x833: {  	[tilespmem:v41+s20+$0x0] =	vst.idx.msk $0xffff, v32  }
0x834: {  	v20 =	vld.idx.msk [tilespmem:v20+s15+$0x0], $0xffff;
	_ =	sdelay $0x3  }
0x835: {  	v33 =	vor.u32 v1, v19;
	v32 =	vor.u32 v18, v19;
	_ =	sdelay $0x1  }
0x836: {  	v20 =	vadd.f32 v20, v31;
	_ =	sdelay $0x1  }
0x837: {  	[tilespmem:v22+s20+$0x0] =	vst.idx.msk $0xffff, v20;
	v20 =	vor.u32 v3, v21  }
0x838: {  	v32 =	vld.idx.msk [tilespmem:v32+s10+$0x0], $0xffff;
	v21 =	vor.u32 v23, v20  }
0x839: {  	v23 =	vor.u32 v4, v19;
	v22 =	vld.idx.msk [tilespmem:v33+s15+$0x0], $0xffff;
	_ =	sdelay $0x5  }
0x83a: {  	v22 =	vadd.f32 v22, v32;
	_ =	sdelay $0x1  }
0x83b: {  	[tilespmem:v21+s20+$0x0] =	vst.idx.msk $0xffff, v22;
	v21 =	vor.u32 v24, v20  }
0x83c: {  	v22 =	vld.idx.msk [tilespmem:v23+s15+$0x0], $0xffff;
	v23 =	vor.u32 v6, v19;
	_ =	sdelay $0x5  }
0x83d: {  	v22 =	vadd.f32 v22, v32;
	_ =	sdelay $0x1  }
0x83e: {  	[tilespmem:v21+s20+$0x0] =	vst.idx.msk $0xffff, v22;
	v21 =	vor.u32 v25, v20  }
0x83f: {  	v22 =	vld.idx.msk [tilespmem:v23+s15+$0x0], $0xffff;
	v23 =	vor.u32 v8, v19;
	_ =	sdelay $0x5  }
0x840: {  	v22 =	vadd.f32 v22, v32;
	_ =	sdelay $0x1  }
0x841: {  	[tilespmem:v21+s20+$0x0] =	vst.idx.msk $0xffff, v22;
	v21 =	vor.u32 v26, v20  }
0x842: {  	v22 =	vld.idx.msk [tilespmem:v23+s15+$0x0], $0xffff;
	v23 =	vor.u32 v10, v19;
	_ =	sdelay $0x5  }
0x843: {  	v22 =	vadd.f32 v22, v32;
	_ =	sdelay $0x1  }
0x844: {  	[tilespmem:v21+s20+$0x0] =	vst.idx.msk $0xffff, v22;
	v21 =	vor.u32 v27, v20  }
0x845: {  	v22 =	vld.idx.msk [tilespmem:v23+s15+$0x0], $0xffff;
	v23 =	vor.u32 v12, v19;
	_ =	sdelay $0x5  }
0x846: {  	v22 =	vadd.f32 v22, v32;
	_ =	sdelay $0x1  }
0x847: {  	[tilespmem:v21+s20+$0x0] =	vst.idx.msk $0xffff, v22;
	v21 =	vor.u32 v28, v20  }
0x848: {  	v22 =	vld.idx.msk [tilespmem:v23+s15+$0x0], $0xffff;
	v23 =	vor.u32 v14, v19;
	_ =	sdelay $0x5  }
0x849: {  	v22 =	vadd.f32 v22, v32;
	_ =	sdelay $0x1  }
0x84a: {  	[tilespmem:v21+s20+$0x0] =	vst.idx.msk $0xffff, v22;
	v21 =	vor.u32 v29, v20  }
0x84b: {  	v19 =	vor.u32 v16, v19;
	v22 =	vld.idx.msk [tilespmem:v23+s15+$0x0], $0xffff;
	_ =	sdelay $0x5  }
0x84c: {  	v22 =	vadd.f32 v22, v32;
	_ =	sdelay $0x1  }
.Ltmp4:
0x84d: {  	v23 =	vor.u32 v30, v20;
	[tilespmem:v21+s20+$0x0] =	vst.idx.msk $0xffff, v22;
	(pc) =	sbr.rel @p0 .LBB2_11-.Ltmp4, $3  }
0x84e: {  	v24 =	vld.idx.msk [tilespmem:v19+s15+$0x0], $0xffff;
	_ =	sdelay $0x1  }
0x84f: {  	v20 =	vadd.s32 s28, v0  }
0x850: {  	v30 =	vshll.u32 v20, $0x7;
	v31 =	vor.u32 $0x10, v20;
	v22 =	vand.u32 $0xF, v20  }
0x851: {  	v19 =	vor.u32 v18, v22  }
0x852: {  	v21 =	vor.u32 v1, v22  }
0x853: {  	v24 =	vadd.f32 v24, v32;
	_ =	sdelay $0x1  }
0x854: {  	[tilespmem:v23+s20+$0x0] =	vst.idx.msk $0xffff, v24  }
0x855: {  	v29 =	vld.idx.msk [tilespmem:v19+s10+$0x0], $0xffff  }
0x856: {  	v59 =	vand.u32 $0x400, v30;
	v19 =	vand.u32 $0x380, v30;
	v21 =	vld.idx.msk [tilespmem:v21+s15+$0x0], $0xffff  }
0x857: {  	v60 =	vor.u32 v3, v59;
	v19 =	vor.u32 v2, v19  }
0x858: {  	v23 =	vor.u32 v19, v60  }
0x859: {  	v61 =	vor.u32 v4, v22;
	_ =	sdelay $0x1  }
0x85a: {  	v21 =	vadd.f32 v21, v29;
	_ =	sdelay $0x1  }
0x85b: {  	[tilespmem:v23+s20+$0x0] =	vst.idx.msk $0xffff, v21  }
0x85c: {  	v62 =	vor.u32 v5, v30;
	v23 =	vld.idx.msk [tilespmem:v61+s15+$0x0], $0xffff  }
0x85d: {  	v21 =	vand.u32 $0x398, v62  }
0x85e: {  	v63 =	vor.u32 v21, v60  }
0x85f: {  	v25 =	vor.u32 v6, v22;
	_ =	sdelay $0x1  }
0x860: {  	v23 =	vadd.f32 v23, v29;
	_ =	sdelay $0x1  }
0x861: {  	[tilespmem:v63+s20+$0x0] =	vst.idx.msk $0xffff, v23  }
0x862: {  	v27 =	vor.u32 v7, v30;
	v24 =	vld.idx.msk [tilespmem:v25+s15+$0x0], $0xffff  }
0x863: {  	v23 =	vand.u32 $0x3A8, v27  }
0x864: {  	v28 =	vor.u32 v23, v60  }
0x865: {  	v26 =	vor.u32 v8, v22;
	_ =	sdelay $0x1  }
0x866: {  	v24 =	vadd.f32 v24, v29;
	_ =	sdelay $0x1  }
0x867: {  	[tilespmem:v28+s20+$0x0] =	vst.idx.msk $0xffff, v24  }
0x868: {  	v33 =	vor.u32 v9, v30;
	v25 =	vld.idx.msk [tilespmem:v26+s15+$0x0], $0xffff  }
0x869: {  	v24 =	vand.u32 $0x3B8, v33  }
0x86a: {  	v34 =	vor.u32 v24, v60  }
0x86b: {  	v27 =	vor.u32 v10, v22;
	_ =	sdelay $0x1  }
0x86c: {  	v25 =	vadd.f32 v25, v29;
	_ =	sdelay $0x1  }
0x86d: {  	[tilespmem:v34+s20+$0x0] =	vst.idx.msk $0xffff, v25  }
0x86e: {  	v35 =	vor.u32 v11, v30;
	v26 =	vld.idx.msk [tilespmem:v27+s15+$0x0], $0xffff  }
0x86f: {  	v25 =	vand.u32 $0x3C8, v35  }
0x870: {  	v36 =	vor.u32 v25, v60  }
0x871: {  	v28 =	vor.u32 v12, v22;
	_ =	sdelay $0x1  }
0x872: {  	v26 =	vadd.f32 v26, v29;
	_ =	sdelay $0x1  }
0x873: {  	[tilespmem:v36+s20+$0x0] =	vst.idx.msk $0xffff, v26  }
0x874: {  	v37 =	vor.u32 v13, v30;
	v27 =	vld.idx.msk [tilespmem:v28+s15+$0x0], $0xffff  }
0x875: {  	v26 =	vand.u32 $0x3D8, v37  }
0x876: {  	v38 =	vor.u32 v26, v60  }
0x877: {  	v33 =	vor.u32 v14, v22;
	_ =	sdelay $0x1  }
0x878: {  	v27 =	vadd.f32 v27, v29;
	_ =	sdelay $0x1  }
0x879: {  	[tilespmem:v38+s20+$0x0] =	vst.idx.msk $0xffff, v27  }
0x87a: {  	v39 =	vor.u32 v15, v30;
	v28 =	vld.idx.msk [tilespmem:v33+s15+$0x0], $0xffff  }
0x87b: {  	v27 =	vand.u32 $0x3E8, v39  }
0x87c: {  	v40 =	vor.u32 v27, v60  }
0x87d: {  	v34 =	vor.u32 v16, v22;
	_ =	sdelay $0x1  }
0x87e: {  	v28 =	vadd.f32 v28, v29;
	_ =	sdelay $0x1  }
0x87f: {  	[tilespmem:v40+s20+$0x0] =	vst.idx.msk $0xffff, v28  }
0x880: {  	v41 =	vor.u32 v17, v30;
	v33 =	vld.idx.msk [tilespmem:v34+s15+$0x0], $0xffff  }
0x881: {  	v28 =	vand.u32 $0x3F8, v41  }
0x882: {  	v43 =	vand.u32 $0x1F, v31;
	v42 =	vor.u32 v28, v60  }
0x883: {  	v44 =	vor.u32 v18, v43  }
0x884: {  	v35 =	vor.u32 v1, v43  }
0x885: {  	v29 =	vadd.f32 v33, v29;
	_ =	sdelay $0x1  }
0x886: {  	[tilespmem:v42+s20+$0x0] =	vst.idx.msk $0xffff, v29  }
0x887: {  	v45 =	vshll.u32 v31, $0x7;
	v30 =	vld.idx.msk [tilespmem:v44+s10+$0x0], $0xffff  }
0x888: {  	v29 =	vand.u32 $0xC00, v45;
	v46 =	vld.idx.msk [tilespmem:v35+s15+$0x0], $0xffff  }
0x889: {  	v29 =	vor.u32 v3, v29  }
0x88a: {  	v47 =	vor.u32 v19, v29  }
0x88b: {  	v48 =	vor.u32 v4, v43;
	_ =	sdelay $0x1  }
0x88c: {  	v31 =	vadd.f32 v46, v30;
	_ =	sdelay $0x1  }
0x88d: {  	[tilespmem:v47+s20+$0x0] =	vst.idx.msk $0xffff, v31  }
0x88e: {  	v31 =	vld.idx.msk [tilespmem:v48+s15+$0x0], $0xffff;
	_ =	sdelay $0x1  }
0x88f: {  	v49 =	vor.u32 v21, v29  }
0x890: {  	v50 =	vor.u32 v6, v43;
	_ =	sdelay $0x1  }
0x891: {  	v31 =	vadd.f32 v31, v30;
	_ =	sdelay $0x1  }
0x892: {  	[tilespmem:v49+s20+$0x0] =	vst.idx.msk $0xffff, v31  }
0x893: {  	v31 =	vld.idx.msk [tilespmem:v50+s15+$0x0], $0xffff;
	_ =	sdelay $0x1  }
0x894: {  	v51 =	vor.u32 v23, v29  }
0x895: {  	v52 =	vor.u32 v8, v43;
	_ =	sdelay $0x1  }
0x896: {  	v31 =	vadd.f32 v31, v30;
	_ =	sdelay $0x1  }
0x897: {  	[tilespmem:v51+s20+$0x0] =	vst.idx.msk $0xffff, v31  }
0x898: {  	v31 =	vld.idx.msk [tilespmem:v52+s15+$0x0], $0xffff;
	_ =	sdelay $0x1  }
0x899: {  	v53 =	vor.u32 v24, v29  }
0x89a: {  	v54 =	vor.u32 v10, v43;
	_ =	sdelay $0x1  }
0x89b: {  	v31 =	vadd.f32 v31, v30;
	_ =	sdelay $0x1  }
0x89c: {  	[tilespmem:v53+s20+$0x0] =	vst.idx.msk $0xffff, v31  }
0x89d: {  	v31 =	vld.idx.msk [tilespmem:v54+s15+$0x0], $0xffff;
	_ =	sdelay $0x1  }
0x89e: {  	v55 =	vor.u32 v25, v29  }
0x89f: {  	v56 =	vor.u32 v12, v43;
	_ =	sdelay $0x1  }
0x8a0: {  	v31 =	vadd.f32 v31, v30;
	_ =	sdelay $0x1  }
0x8a1: {  	[tilespmem:v55+s20+$0x0] =	vst.idx.msk $0xffff, v31  }
0x8a2: {  	v31 =	vld.idx.msk [tilespmem:v56+s15+$0x0], $0xffff;
	_ =	sdelay $0x1  }
0x8a3: {  	v57 =	vor.u32 v26, v29  }
0x8a4: {  	v58 =	vor.u32 v14, v43;
	_ =	sdelay $0x1  }
0x8a5: {  	v31 =	vadd.f32 v31, v30;
	_ =	sdelay $0x1  }
0x8a6: {  	[tilespmem:v57+s20+$0x0] =	vst.idx.msk $0xffff, v31  }
0x8a7: {  	v31 =	vld.idx.msk [tilespmem:v58+s15+$0x0], $0xffff;
	_ =	sdelay $0x1  }
0x8a8: {  	v59 =	vor.u32 v27, v29  }
0x8a9: {  	v32 =	vor.u32 v16, v43;
	_ =	sdelay $0x1  }
0x8aa: {  	v31 =	vadd.f32 v31, v30;
	_ =	sdelay $0x1  }
0x8ab: {  	[tilespmem:v59+s20+$0x0] =	vst.idx.msk $0xffff, v31  }
0x8ac: {  	v60 =	vor.u32 $0x20, v22;
	v31 =	vld.idx.msk [tilespmem:v32+s15+$0x0], $0xffff  }
0x8ad: {  	v61 =	vand.u32 $0x7, v20;
	v62 =	vand.u32 $0x28, v60  }
0x8ae: {  	v29 =	vor.u32 v28, v29;
	v32 =	vor.u32 v61, v62  }
0x8af: {  	v33 =	vor.u32 v18, v32  }
0x8b0: {  	v63 =	vor.u32 v1, v32  }
0x8b1: {  	v30 =	vadd.f32 v31, v30;
	_ =	sdelay $0x1  }
0x8b2: {  	[tilespmem:v29+s20+$0x0] =	vst.idx.msk $0xffff, v30  }
0x8b3: {  	v22 =	vshll.u32 v60, $0x7;
	v29 =	vld.idx.msk [tilespmem:v33+s10+$0x0], $0xffff  }
0x8b4: {  	v22 =	vand.u32 $0x1400, v22;
	v30 =	vld.idx.msk [tilespmem:v63+s15+$0x0], $0xffff  }
0x8b5: {  	v22 =	vor.u32 v3, v22  }
0x8b6: {  	v36 =	vor.u32 v19, v22  }
0x8b7: {  	v37 =	vor.u32 v4, v32;
	_ =	sdelay $0x1  }
0x8b8: {  	v30 =	vadd.f32 v30, v29;
	_ =	sdelay $0x1  }
0x8b9: {  	[tilespmem:v36+s20+$0x0] =	vst.idx.msk $0xffff, v30  }
0x8ba: {  	v30 =	vld.idx.msk [tilespmem:v37+s15+$0x0], $0xffff;
	_ =	sdelay $0x1  }
0x8bb: {  	v38 =	vor.u32 v21, v22  }
0x8bc: {  	v39 =	vor.u32 v6, v32;
	_ =	sdelay $0x1  }
0x8bd: {  	v30 =	vadd.f32 v30, v29;
	_ =	sdelay $0x1  }
0x8be: {  	[tilespmem:v38+s20+$0x0] =	vst.idx.msk $0xffff, v30  }
0x8bf: {  	v30 =	vld.idx.msk [tilespmem:v39+s15+$0x0], $0xffff;
	_ =	sdelay $0x1  }
0x8c0: {  	v40 =	vor.u32 v23, v22  }
0x8c1: {  	v41 =	vor.u32 v8, v32;
	_ =	sdelay $0x1  }
0x8c2: {  	v30 =	vadd.f32 v30, v29;
	_ =	sdelay $0x1  }
0x8c3: {  	[tilespmem:v40+s20+$0x0] =	vst.idx.msk $0xffff, v30  }
0x8c4: {  	v30 =	vld.idx.msk [tilespmem:v41+s15+$0x0], $0xffff;
	_ =	sdelay $0x1  }
0x8c5: {  	v42 =	vor.u32 v24, v22  }
0x8c6: {  	v43 =	vor.u32 v10, v32;
	_ =	sdelay $0x1  }
0x8c7: {  	v30 =	vadd.f32 v30, v29;
	_ =	sdelay $0x1  }
0x8c8: {  	[tilespmem:v42+s20+$0x0] =	vst.idx.msk $0xffff, v30  }
0x8c9: {  	v30 =	vld.idx.msk [tilespmem:v43+s15+$0x0], $0xffff;
	_ =	sdelay $0x1  }
0x8ca: {  	v44 =	vor.u32 v25, v22  }
0x8cb: {  	v45 =	vor.u32 v12, v32;
	_ =	sdelay $0x1  }
0x8cc: {  	v30 =	vadd.f32 v30, v29;
	_ =	sdelay $0x1  }
0x8cd: {  	[tilespmem:v44+s20+$0x0] =	vst.idx.msk $0xffff, v30  }
0x8ce: {  	v30 =	vld.idx.msk [tilespmem:v45+s15+$0x0], $0xffff;
	_ =	sdelay $0x1  }
0x8cf: {  	v46 =	vor.u32 v26, v22  }
0x8d0: {  	v47 =	vor.u32 v14, v32;
	_ =	sdelay $0x1  }
0x8d1: {  	v30 =	vadd.f32 v30, v29;
	_ =	sdelay $0x1  }
0x8d2: {  	[tilespmem:v46+s20+$0x0] =	vst.idx.msk $0xffff, v30  }
0x8d3: {  	v30 =	vld.idx.msk [tilespmem:v47+s15+$0x0], $0xffff;
	_ =	sdelay $0x1  }
0x8d4: {  	v48 =	vor.u32 v27, v22  }
0x8d5: {  	v32 =	vor.u32 v16, v32;
	_ =	sdelay $0x1  }
0x8d6: {  	v30 =	vadd.f32 v30, v29;
	_ =	sdelay $0x1  }
0x8d7: {  	[tilespmem:v48+s20+$0x0] =	vst.idx.msk $0xffff, v30  }
0x8d8: {  	v30 =	vld.idx.msk [tilespmem:v32+s15+$0x0], $0xffff  }
0x8d9: {  	v49 =	vor.u32 $0x30, v20  }
0x8da: {  	v22 =	vor.u32 v28, v22;
	v50 =	vand.u32 $0x3F, v49  }
0x8db: {  	v18 =	vor.u32 v18, v50  }
0x8dc: {  	v51 =	vor.u32 v1, v50  }
0x8dd: {  	v29 =	vadd.f32 v30, v29;
	_ =	sdelay $0x1  }
0x8de: {  	[tilespmem:v22+s20+$0x0] =	vst.idx.msk $0xffff, v29  }
0x8df: {  	v20 =	vshll.u32 v49, $0x7;
	v18 =	vld.idx.msk [tilespmem:v18+s10+$0x0], $0xffff  }
0x8e0: {  	v20 =	vand.u32 $0x1C00, v20;
	v22 =	vld.idx.msk [tilespmem:v51+s15+$0x0], $0xffff  }
0x8e1: {  	v20 =	vor.u32 v3, v20  }
0x8e2: {  	v19 =	vor.u32 v19, v20  }
0x8e3: {  	v52 =	vor.u32 v4, v50;
	_ =	sdelay $0x1  }
0x8e4: {  	v22 =	vadd.f32 v22, v18;
	_ =	sdelay $0x1  }
0x8e5: {  	[tilespmem:v19+s20+$0x0] =	vst.idx.msk $0xffff, v22  }
0x8e6: {  	v19 =	vld.idx.msk [tilespmem:v52+s15+$0x0], $0xffff;
	_ =	sdelay $0x1  }
0x8e7: {  	v21 =	vor.u32 v21, v20  }
0x8e8: {  	v53 =	vor.u32 v6, v50;
	_ =	sdelay $0x1  }
0x8e9: {  	v19 =	vadd.f32 v19, v18;
	_ =	sdelay $0x1  }
0x8ea: {  	[tilespmem:v21+s20+$0x0] =	vst.idx.msk $0xffff, v19  }
0x8eb: {  	v19 =	vld.idx.msk [tilespmem:v53+s15+$0x0], $0xffff;
	_ =	sdelay $0x1  }
0x8ec: {  	v54 =	vor.u32 v23, v20  }
0x8ed: {  	v55 =	vor.u32 v8, v50;
	_ =	sdelay $0x1  }
0x8ee: {  	v19 =	vadd.f32 v19, v18;
	_ =	sdelay $0x1  }
0x8ef: {  	[tilespmem:v54+s20+$0x0] =	vst.idx.msk $0xffff, v19  }
0x8f0: {  	v19 =	vld.idx.msk [tilespmem:v55+s15+$0x0], $0xffff;
	_ =	sdelay $0x1  }
0x8f1: {  	v56 =	vor.u32 v24, v20  }
0x8f2: {  	v57 =	vor.u32 v10, v50;
	_ =	sdelay $0x1  }
0x8f3: {  	v19 =	vadd.f32 v19, v18;
	_ =	sdelay $0x1  }
0x8f4: {  	[tilespmem:v56+s20+$0x0] =	vst.idx.msk $0xffff, v19  }
0x8f5: {  	v19 =	vld.idx.msk [tilespmem:v57+s15+$0x0], $0xffff;
	_ =	sdelay $0x1  }
0x8f6: {  	v58 =	vor.u32 v25, v20  }
0x8f7: {  	v59 =	vor.u32 v12, v50;
	_ =	sdelay $0x1  }
0x8f8: {  	v19 =	vadd.f32 v19, v18;
	_ =	sdelay $0x1  }
0x8f9: {  	[tilespmem:v58+s20+$0x0] =	vst.idx.msk $0xffff, v19  }
0x8fa: {  	v19 =	vld.idx.msk [tilespmem:v59+s15+$0x0], $0xffff;
	_ =	sdelay $0x1  }
0x8fb: {  	v60 =	vor.u32 v26, v20  }
0x8fc: {  	v61 =	vor.u32 v14, v50;
	_ =	sdelay $0x1  }
0x8fd: {  	v19 =	vadd.f32 v19, v18;
	_ =	sdelay $0x1  }
0x8fe: {  	[tilespmem:v60+s20+$0x0] =	vst.idx.msk $0xffff, v19  }
0x8ff: {  	v19 =	vld.idx.msk [tilespmem:v61+s15+$0x0], $0xffff;
	_ =	sdelay $0x1  }
0x900: {  	v62 =	vor.u32 v27, v20  }
0x901: {  	v63 =	vor.u32 v16, v50;
	_ =	sdelay $0x1  }
0x902: {  	v19 =	vadd.f32 v19, v18;
	_ =	sdelay $0x1  }
0x903: {  	[tilespmem:v62+s20+$0x0] =	vst.idx.msk $0xffff, v19  }
0x904: {  	v19 =	vld.idx.msk [tilespmem:v63+s15+$0x0], $0xffff;
	_ =	sdelay $0x1  }
0x905: {  	s24 =	sadd.s32 $0x1, s24;
	v20 =	vor.u32 v28, v20  }
0x906: {  	p0 =	sne.s32 s24, $0x64  }
.Ltmp5:
0x907: {  	_ = 	snop;
	(pc) =	sbr.rel @p0 .LBB2_8-.Ltmp5, $3  }
0x908: {  	v18 =	vadd.f32 v19, v18;
	_ =	sdelay $0x1  }
0x909: {  	[tilespmem:v20+s20+$0x0] =	vst.idx.msk $0xffff, v18  }
0x90a: {  	[hbm4b:s25+s9] =	stream.strided.scatter [tilespmem:s20], [sflag:$0x5], $0x2000, s18, s9, $0x38;
	[tilespmem:$0x11600] =	vst v63  }
0x90b: {  	_ =	swait.ge [sflag:s21], $0x2000  }
0x90c: {  	[sflag:s21] =	ssyncset.done $0x0  }
0x90d: {  	[sflag:s21] =	ssyncadd.s32 $0xFFFFE000  }
0x90e: {  	_ =	swait.ge [sflag:s22], $0x2000  }
0x90f: {  	s23 =	sadd.s32 $0x1, s23;
	s24 =	rddreg [dreg:$0x16]  }
0x910: {  	p0 =	sne.s32 s23, s24  }
.Ltmp6:
0x911: {  	_ = 	snop;
	(pc) =	sbr.rel @p0 .LBB2_1-.Ltmp6, $3  }
0x912: {  	_ =	sdelay $0x1  }
0x913: {  	[sflag:s22] =	ssyncset.done $0x0  }
0x914: {  	[sflag:s22] =	ssyncadd.s32 $0xFFFFE000  }
0x915: {  	_ =	sfence.sel $0x180000  }
0x916: {  	[bflag:$0x0] =	sbarrier.arrive $0xFFFF  }
0x917: {  	_ =	strace $0x90000047  }
0x918: {  	s0 =	stileid.u32;
	[bflag:$0x2] =	sbarrier.arrive $0xFFFF  }
0x919: {  	p0 =	sne.s32 s0, $0x0;
	s0 =	rddreg [dreg:$0x3]  }
0x91a: {  	s0 =	sadd.s32 @!p0 $0x100000, s0  }
0x91b: {  	[sflag:s0] =	ssyncadd.tile.s32 @!p0 $0x1;
	_ =	shalt  }
.Lfunc_end2:
_tile_overlayer_lowered:
.L_overlay_start_2:
0x91c: {  	(tag) =	ssettag $0x2  }
0x91d: {  	s0 =	rddreg [dreg:$0x0];
	s2 =	stileid.u32  }
0x91e: {  	s1 =	rddreg [dreg:$0x1];
	p0 =	sne.s32 s2, $0x0  }
0x91f: {  	s3 =	rddreg [dreg:$0x2];
	[bflag:$0x3] =	sbarrier.arrive $0xFFFF;
	s2 =	simm.s32 @!p0 $0x1C06  }
0x920: {  	[timem:s3], [sflag:s2] =	dma.local @!p0 [hbm:s0], s1  }
0x921: {  	s0 =	simm.s32 @!p0 $0x6  }
0x922: {  	_ =	swait.ge @!p0 [sflag:s0], s1  }
0x923: {  	s1 =	ssub.s32 @!p0 $0x0, s1;
	[sflag:s0] =	ssyncset.done @!p0 $0x0  }
0x924: {  	[sflag:s0] =	ssyncadd.s32 @!p0 s1  }
0x925: {  	[bflag:$0x3] =	sbarrier.arrive $0xFFFF  }
0x926: {  	_ =	shalt  }

</sc_bundles>
